<compile_context>
chip_gen: v7x
topology: tpu7x:2x2x1
jax: 0.10.2.dev20260603
libtpu: 0.0.44.dev20260713+nightly
codegen_flags: <defaults>
</compile_context>

<pallas_src>
import functools

import jax
import jax.numpy as jnp
from jax import lax
from jax.experimental import pallas as pl
from jax.experimental.pallas import tpu as pltpu
from jax.experimental.pallas import tpu_sc as plsc

N = 10000
E = 320000
D = 128
G = 256
L = 5

NC = 2
NS = 16
CHUNK = 128
NW = NC * NS
CPW = 80
HCPW = CPW // 2
NPH = 2
E2 = NW * CPW * CHUNK
NCH = E2 // CHUNK
NPAD = N + 16
RPS = 624
TAIL = N - NS * RPS
ZTAIL = NPAD - NS * RPS
TAIL_OFF = NS * RPS
ZR = 208
ZRE = 104

BLK = 2000
_PREC = lax.Precision.HIGHEST


def _dotT(a, w):
    return lax.dot_general(a, w, (((1,), (1,)), ((), ())), precision=_PREC)


def _extract_row(blk, j, out1d):
    for t in range(CHUNK // 16):
        out1d[pl.ds(16 * t, 16)] = blk[j, pl.ds(16 * t, 16)]


def _sc_mesh():
    return plsc.VectorSubcoreMesh(core_axis_name="c", subcore_axis_name="s")



def _deg_sc(dst2d):

    @functools.partial(
        pl.kernel,
        out_type=jax.ShapeDtypeStruct((NC, N, 16), jnp.float32),
        mesh=_sc_mesh(),
        scratch_types=[
            pltpu.VMEM((CHUNK,), jnp.int32),
            pltpu.VMEM((CHUNK, 16), jnp.float32),
            pltpu.VMEM((ZR, 16), jnp.float32),
            pltpu.VMEM_SHARED((NPAD, 16), jnp.float32),
        ],
    )
    def k(dst_hbm, out_hbm, didx_v, ones_v, zero_v, acc_sh):
        c = lax.axis_index("c")
        s = lax.axis_index("s")
        w = c * NS + s

        @pl.loop(0, CHUNK)
        def _(i):
            ones_v[i, :] = jnp.ones((16,), jnp.float32)

        @pl.loop(0, ZR)
        def _(i):
            zero_v[i, :] = jnp.zeros((16,), jnp.float32)

        base = s * RPS
        for t in range(RPS // ZR):
            pltpu.sync_copy(zero_v, acc_sh.at[pl.ds(base + t * ZR, ZR)])

        @pl.when(s == 0)
        def _():
            pltpu.sync_copy(zero_v.at[pl.ds(0, ZTAIL)],
                            acc_sh.at[pl.ds(TAIL_OFF, ZTAIL)])

        plsc.subcore_barrier()

        @pl.loop(0, CPW)
        def _(j):
            pltpu.sync_copy(dst_hbm.at[w * CPW + j], didx_v)
            pltpu.sync_copy(ones_v, acc_sh.at[didx_v], add=True)

        plsc.subcore_barrier()
        pltpu.sync_copy(acc_sh.at[pl.ds(base, RPS)],
                        out_hbm.at[c, pl.ds(base, RPS)])

        @pl.when(s == 0)
        def _():
            pltpu.sync_copy(acc_sh.at[pl.ds(TAIL_OFF, TAIL)],
                            out_hbm.at[c, pl.ds(TAIL_OFF, TAIL)])

    return k(dst2d)


def _edge_sc(hp, src2d, dst2d):

    @functools.partial(
        pl.kernel,
        out_type=jax.ShapeDtypeStruct((NC, N, D), jnp.float32),
        mesh=_sc_mesh(),
        scratch_types=[
            pltpu.VMEM((CHUNK,), jnp.int32),
            pltpu.VMEM((CHUNK,), jnp.int32),
            pltpu.VMEM((CHUNK,), jnp.int32),
            pltpu.VMEM((CHUNK,), jnp.int32),
            pltpu.VMEM((CHUNK, D), jnp.float32),
            pltpu.VMEM((CHUNK, D), jnp.float32),
            pltpu.VMEM((ZRE, D), jnp.float32),
            pltpu.VMEM_SHARED((NPAD, D), jnp.float32),
            pltpu.SemaphoreType.DMA,
            pltpu.SemaphoreType.DMA,
            pltpu.SemaphoreType.DMA,
            pltpu.SemaphoreType.DMA,
        ],
    )
    def k(hp_hbm, src_hbm, dst_hbm, out_hbm,
          sidx_a, sidx_b, didx_a, didx_b,
          rows_a, rows_b, zero_v, acc_sh, sem_a, sem_b, sem_ia, sem_ib):
        c = lax.axis_index("c")
        s = lax.axis_index("s")
        w = c * NS + s
        base = s * RPS

        @pl.loop(0, ZRE)
        def _(i):
            @pl.loop(0, D, step=16)
            def _(j):
                zero_v[i, pl.ds(j, 16)] = jnp.zeros((16,), jnp.float32)

        for t in range(RPS // ZRE):
            pltpu.sync_copy(zero_v, acc_sh.at[pl.ds(base + t * ZRE, ZRE)])

        @pl.when(s == 0)
        def _():
            pltpu.sync_copy(zero_v.at[pl.ds(0, ZTAIL)],
                            acc_sh.at[pl.ds(TAIL_OFF, ZTAIL)])

        plsc.subcore_barrier()

        @pl.loop(0, CPW)
        def _(p):
            ch0 = w * CPW + p
            i0 = pltpu.async_copy(src_hbm.at[ch0], sidx_a, sem_ia)
            i1 = pltpu.async_copy(dst_hbm.at[ch0], didx_a, sem_ib)
            i0.wait()
            i1.wait()
            pltpu.async_copy(hp_hbm.at[sidx_a], rows_a, sem_a).wait()
            pltpu.sync_copy(rows_a, acc_sh.at[didx_a], add=True)

        plsc.subcore_barrier()
        pltpu.sync_copy(acc_sh.at[pl.ds(base, RPS)],
                        out_hbm.at[c, pl.ds(base, RPS)])

        @pl.when(s == 0)
        def _():
            pltpu.sync_copy(acc_sh.at[pl.ds(TAIL_OFF, TAIL)],
                            out_hbm.at[c, pl.ds(TAIL_OFF, TAIL)])

    return k(hp, src2d, dst2d)



def _prep_tc(xp, wep, be2, w0, dega, degb):
    def body(xp_ref, we_ref, be_ref, w0_ref, dga_ref, dgb_ref,
             atoms_ref, hp_ref, dis_ref):
        a = jnp.log(xp_ref[...] + 1.0)
        a = _dotT(a, we_ref[...]) + be_ref[...]
        deg = dga_ref[:, 0:1] + dgb_ref[:, 0:1] + 2.0
        dis = jnp.broadcast_to(lax.rsqrt(deg), (BLK, D))
        atoms_ref[...] = a
        hp_ref[...] = _dotT(a, w0_ref[...]) * dis
        dis_ref[...] = dis

    fdd = jax.ShapeDtypeStruct((N, D), jnp.float32)
    return pl.pallas_call(
        body,
        grid=(N // BLK,),
        in_specs=[
            pl.BlockSpec((BLK, 16), lambda i: (i, 0)),
            pl.BlockSpec((D, 16), lambda i: (0, 0)),
            pl.BlockSpec((1, D), lambda i: (0, 0)),
            pl.BlockSpec((D, D), lambda i: (0, 0)),
            pl.BlockSpec((BLK, 16), lambda i: (i, 0)),
            pl.BlockSpec((BLK, 16), lambda i: (i, 0)),
        ],
        out_specs=[
            pl.BlockSpec((BLK, D), lambda i: (i, 0)),
            pl.BlockSpec((BLK, D), lambda i: (i, 0)),
            pl.BlockSpec((BLK, D), lambda i: (i, 0)),
        ],
        out_shape=[fdd, fdd, fdd],
    )(xp, wep, be2, w0, dega, degb)


def _layer_tc(atoms, hp, acca, accb, dis, b2, wnext):
    def body(at_ref, hp_ref, aa_ref, ab_ref, dis_ref, b_ref, wn_ref,
             ao_ref, ho_ref):
        dis = dis_ref[...]
        out = dis * (aa_ref[...] + ab_ref[...] + 2.0 * hp_ref[...]) + b_ref[...]
        a = at_ref[...] + jnp.maximum(out, 0.0)
        ao_ref[...] = a
        ho_ref[...] = _dotT(a, wn_ref[...]) * dis

    fdd = jax.ShapeDtypeStruct((N, D), jnp.float32)
    return pl.pallas_call(
        body,
        grid=(N // BLK,),
        in_specs=[
            pl.BlockSpec((BLK, D), lambda i: (i, 0)),
            pl.BlockSpec((BLK, D), lambda i: (i, 0)),
            pl.BlockSpec((BLK, D), lambda i: (i, 0)),
            pl.BlockSpec((BLK, D), lambda i: (i, 0)),
            pl.BlockSpec((BLK, D), lambda i: (i, 0)),
            pl.BlockSpec((1, D), lambda i: (0, 0)),
            pl.BlockSpec((D, D), lambda i: (0, 0)),
        ],
        out_specs=[
            pl.BlockSpec((BLK, D), lambda i: (i, 0)),
            pl.BlockSpec((BLK, D), lambda i: (i, 0)),
        ],
        out_shape=[fdd, fdd],
    )(atoms, hp, acca, accb, dis, b2, wnext)


def _final_tc(atoms, hp, acca, accb, dis, b2, batch3d):
    def body(at_ref, hp_ref, aa_ref, ab_ref, dis_ref, b_ref, bt_ref,
             pool_ref):
        dis = dis_ref[...]
        out = dis * (aa_ref[...] + ab_ref[...] + 2.0 * hp_ref[...]) + b_ref[...]
        a = at_ref[...] + jnp.maximum(out, 0.0)
        bvec = bt_ref[0, 0, :]
        oh = (lax.broadcasted_iota(jnp.int32, (G, BLK), 0)
              == bvec[None, :]).astype(jnp.float32)
        p = jnp.dot(oh, a, precision=_PREC)

        @pl.when(pl.program_id(0) == 0)
        def _():
            pool_ref[...] = p

        @pl.when(pl.program_id(0) > 0)
        def _():
            pool_ref[...] += p

    return pl.pallas_call(
        body,
        grid=(N // BLK,),
        in_specs=[
            pl.BlockSpec((BLK, D), lambda i: (i, 0)),
            pl.BlockSpec((BLK, D), lambda i: (i, 0)),
            pl.BlockSpec((BLK, D), lambda i: (i, 0)),
            pl.BlockSpec((BLK, D), lambda i: (i, 0)),
            pl.BlockSpec((BLK, D), lambda i: (i, 0)),
            pl.BlockSpec((1, D), lambda i: (0, 0)),
            pl.BlockSpec((1, 1, BLK), lambda i: (i, 0, 0)),
        ],
        out_specs=pl.BlockSpec((G, D), lambda i: (0, 0)),
        out_shape=jax.ShapeDtypeStruct((G, D), jnp.float32),
    )(atoms, hp, acca, accb, dis, b2, batch3d)



def kernel(x, edge_index, batch, W_exp, b_exp, Wc, bc):
    epw = E // NW
    padw = CPW * CHUNK - epw
    src_w = edge_index[0].astype(jnp.int32).reshape(NW, epw)
    dst_w = edge_index[1].astype(jnp.int32).reshape(NW, epw)
    pad_src = jnp.zeros((NW, padw), jnp.int32)
    pad_dst = jnp.broadcast_to(
        N + (jnp.arange(padw, dtype=jnp.int32) % (NPAD - N)), (NW, padw))
    src2d = jnp.concatenate([src_w, pad_src], axis=1).reshape(NCH, CHUNK)
    dst2d = jnp.concatenate([dst_w, pad_dst], axis=1).reshape(NCH, CHUNK)
    xp = jnp.pad(x.astype(jnp.float32), ((0, 0), (0, 5)))
    wep = jnp.pad(W_exp, ((0, 0), (0, 5)))
    batch3d = batch.astype(jnp.int32).reshape(N // BLK, 1, BLK)

    deg = _deg_sc(dst2d)
    atoms, hp, dis = _prep_tc(xp, wep, b_exp.reshape(1, D), Wc[0],
                              deg[0], deg[1])
    for i in range(L):
        acc = _edge_sc(hp, src2d, dst2d)
        if i < L - 1:
            atoms, hp = _layer_tc(atoms, hp, acc[0], acc[1], dis,
                                  bc[i].reshape(1, D), Wc[i + 1])
        else:
            pool = _final_tc(atoms, hp, acc[0], acc[1], dis,
                             bc[i].reshape(1, D), batch3d)
    return pool

# --- scband reference (transcript-rebuilt; emitter-appended) ---
"""Pipeline reference for scband-graph-embedding-4226247819265 (READ-ONLY COPY).

The authoritative reference and input builder live on the scoring server;
editing this copy changes nothing except your own understanding.
"""

import jax, jax.numpy as jnp
import numpy as np

N = 10000
E = 320000
D = 128
G = 256
L = 5


def setup_inputs(seed: int = 0) -> dict:
    key = jax.random.key(seed)
    ks = jax.random.split(key, 8)
    x = jax.random.uniform(ks[0], (N, 11), dtype=jnp.float32)
    edge_index = jax.random.randint(ks[1], (2, E), 0, N)
    batch = jnp.sort(jax.random.randint(ks[2], (N,), 0, G))
    W_exp = jax.random.normal(ks[3], (D, 11), dtype=jnp.float32) * 0.05
    b_exp = jax.random.normal(ks[4], (D,), dtype=jnp.float32) * 0.05
    Wc = jax.random.normal(ks[5], (L, D, D), dtype=jnp.float32) * 0.05
    bc = jax.random.normal(ks[6], (L, D), dtype=jnp.float32) * 0.05
    return {"x": x, "edge_index": edge_index, "batch": batch, "W_exp": W_exp, "b_exp": b_exp, "Wc": Wc, "bc": bc}


def _gcn_conv(h_in, W, b, src, dst, norm_edge, norm_self):
    # PyG GCNConv with improved=True: A_hat = A + 2I, symmetric normalization.
    h = h_in @ W.T
    out = jnp.zeros_like(h).at[dst].add(h[src] * norm_edge[:, None])
    out = out + h * norm_self[:, None]
    return out + b


def reference(x, edge_index, batch, W_exp, b_exp, Wc, bc):
    src = edge_index[0]
    dst = edge_index[1]
    n = x.shape[0]
    # degree with improved self-loop fill value 2.0
    deg = jnp.zeros((n,), dtype=jnp.float32).at[dst].add(jnp.ones((src.shape[0],), dtype=jnp.float32)) + 2.0
    dis = 1.0 / jnp.sqrt(deg)
    norm_edge = dis[src] * dis[dst]
    norm_self = 2.0 * dis * dis
    atoms = jnp.log(x.astype(jnp.float32) + 1.0)
    atoms = atoms @ W_exp.T + b_exp
    for i in range(Wc.shape[0]):
        conv = _gcn_conv(atoms, Wc[i], bc[i], src, dst, norm_edge, norm_self)
        # dropout p=0.0 -> identity
        atoms = atoms + jax.nn.relu(conv)
    # global_add_pool
    return jax.ops.segment_sum(atoms, batch, num_segments=G)

if __name__ == "__main__":
    import jax
    _d = setup_inputs()
    print(jax.jit(kernel)(*tuple(_d.values())))

</pallas_src>

<mosaic_0001>
#map = affine_map<(d0, d1) -> (0, 0)>
#map1 = affine_map<(d0, d1) -> (0, 0, 0)>
module attributes {stable_mosaic.version = 14 : i64} {
  func.func @k(%arg0: i32, %arg1: i32, %arg2: memref<2560x128xi32, #tpu.memory_space<hbm>>, %arg3: memref<2x10000x16xf32, #tpu.memory_space<hbm>>, %arg4: memref<128xi32, #tpu.memory_space<vmem>>, %arg5: memref<128x16xf32, #tpu.memory_space<vmem>>, %arg6: memref<208x16xf32, #tpu.memory_space<vmem>>, %arg7: memref<10016x16xf32, #tpu.memory_space<vmem_shared>>) attributes {dimension_semantics = [#tpu.dimension_semantics<core_parallel>, #tpu.dimension_semantics<subcore_parallel>], iteration_bounds = array<i64: 2, 16>, scalar_prefetch = 0 : i64, scratch_operands = 4 : i64, tpu.core_type = #tpu.core_type<sc_vector_subcore>, window_params = [{transform_indices = #map}, {transform_indices = #map1}]} {
    %mul3A = arith.constant 16 : i32
    %mul3A_0 = arith.muli %arg0, %mul3A : i32
    %add3A = arith.addi %mul3A_0, %arg1 : i32
    %scan3A = arith.constant 0 : i32
    %scan3A_1 = arith.constant 128 : i32
    %scan3A_2 = arith.addi %scan3A, %scan3A_1 : i32
    %scan3A_3 = arith.constant 1 : i32
    scf.for %scan3A_31 = %scan3A to %scan3A_2 step %scan3A_3  : i32 {
      %mul3A_32 = arith.constant 1 : i32
      %mul3A_33 = arith.muli %scan3A_31, %mul3A_32 : i32
      %add3A_34 = arith.constant 0 : i32
      %add3A_35 = arith.addi %add3A_34, %mul3A_33 : i32
      %broadcast_in_dim3A = arith.constant 1.000000e+00 : f32
      %broadcast_in_dim3A_36 = vector.broadcast %broadcast_in_dim3A : f32 to vector<16xf32>
      %swap3A = arith.index_cast %add3A_35 : i32 to index
      %swap3A_37 = arith.constant 0 : index
      %swap3A_38 = tpu.vector_load %arg5[%swap3A, %swap3A_37] {strides = array<i32>} : memref<128x16xf32, #tpu.memory_space<vmem>>, vector<1x16xf32>,
      %swap3A_39 = vector.shape_cast %swap3A_38 : vector<1x16xf32> to vector<16xf32>
      %swap3A_40 = vector.shape_cast %broadcast_in_dim3A_36 : vector<16xf32> to vector<1x16xf32>
      tpu.vector_store %arg5[%swap3A, %swap3A_37], %swap3A_40 {strides = array<i32>} : memref<128x16xf32, #tpu.memory_space<vmem>>, vector<1x16xf32>,
    }
    %scan3A_4 = arith.constant 128 : i32
    %scan3A_5 = arith.constant 0 : i32
    %scan3A_6 = arith.constant 208 : i32
    %scan3A_7 = arith.addi %scan3A_5, %scan3A_6 : i32
    %scan3A_8 = arith.constant 1 : i32
    scf.for %scan3A_31 = %scan3A_5 to %scan3A_7 step %scan3A_8  : i32 {
      %mul3A_32 = arith.constant 1 : i32
      %mul3A_33 = arith.muli %scan3A_31, %mul3A_32 : i32
      %add3A_34 = arith.constant 0 : i32
      %add3A_35 = arith.addi %add3A_34, %mul3A_33 : i32
      %broadcast_in_dim3A = arith.constant 0.000000e+00 : f32
      %broadcast_in_dim3A_36 = vector.broadcast %broadcast_in_dim3A : f32 to vector<16xf32>
      %swap3A = arith.index_cast %add3A_35 : i32 to index
      %swap3A_37 = arith.constant 0 : index
      %swap3A_38 = tpu.vector_load %arg6[%swap3A, %swap3A_37] {strides = array<i32>} : memref<208x16xf32, #tpu.memory_space<vmem>>, vector<1x16xf32>,
      %swap3A_39 = vector.shape_cast %swap3A_38 : vector<1x16xf32> to vector<16xf32>
      %swap3A_40 = vector.shape_cast %broadcast_in_dim3A_36 : vector<16xf32> to vector<1x16xf32>
      tpu.vector_store %arg6[%swap3A, %swap3A_37], %swap3A_40 {strides = array<i32>} : memref<208x16xf32, #tpu.memory_space<vmem>>, vector<1x16xf32>,
    }
    %scan3A_9 = arith.constant 208 : i32
    %mul3A_10 = arith.constant 624 : i32
    %mul3A_11 = arith.muli %arg1, %mul3A_10 : i32
    %add3A_12 = arith.constant 0 : i32
    %add3A_13 = arith.addi %mul3A_11, %add3A_12 : i32
    "tpu.region"() ({
      %run_scoped3A = tpu.sem_alloc : memref<!tpu.dma_semaphore, #tpu.memory_space<semaphore_mem>>
      %dma_start3A = arith.constant 0 : i32
      %dma_start3A_31 = tpu.memref_slice %arg7[%add3A_13, %dma_start3A] : memref<10016x16xf32, #tpu.memory_space<vmem_shared>> -> memref<208x16xf32, #tpu.memory_space<vmem_shared>>
      %dma_start3A_32 = arith.constant 0 : i32
      %dma_start3A_33 = tpu.memref_slice %arg7[%add3A_13, %dma_start3A_32] : memref<10016x16xf32, #tpu.memory_space<vmem_shared>> -> memref<208x16xf32, #tpu.memory_space<vmem_shared>>
      tpu.enqueue_dma source(%arg6 : memref<208x16xf32, #tpu.memory_space<vmem>>) target(%dma_start3A_33 : memref<208x16xf32, #tpu.memory_space<vmem_shared>>) target_semaphore(%run_scoped3A : memref<!tpu.dma_semaphore, #tpu.memory_space<semaphore_mem>>)
      %dma_wait3A = arith.constant 0 : i32
      %dma_wait3A_34 = tpu.memref_slice %arg7[%add3A_13, %dma_wait3A] : memref<10016x16xf32, #tpu.memory_space<vmem_shared>> -> memref<208x16xf32, #tpu.memory_space<vmem_shared>>
      %dma_wait3A_35 = arith.constant 0 : i32
      %dma_wait3A_36 = tpu.memref_slice %arg7[%add3A_13, %dma_wait3A_35] : memref<10016x16xf32, #tpu.memory_space<vmem_shared>> -> memref<208x16xf32, #tpu.memory_space<vmem_shared>>
      tpu.wait_dma2 semaphore(%run_scoped3A : memref<!tpu.dma_semaphore, #tpu.memory_space<semaphore_mem>>) src(%arg6 : memref<208x16xf32, #tpu.memory_space<vmem>>) dst(%dma_wait3A_36 : memref<208x16xf32, #tpu.memory_space<vmem_shared>>)
      tpu.yield
    }) : () -> ()
    %add3A_14 = arith.constant 208 : i32
    %add3A_15 = arith.addi %mul3A_11, %add3A_14 : i32
    "tpu.region"() ({
      %run_scoped3A = tpu.sem_alloc : memref<!tpu.dma_semaphore, #tpu.memory_space<semaphore_mem>>
      %dma_start3A = arith.constant 0 : i32
      %dma_start3A_31 = tpu.memref_slice %arg7[%add3A_15, %dma_start3A] : memref<10016x16xf32, #tpu.memory_space<vmem_shared>> -> memref<208x16xf32, #tpu.memory_space<vmem_shared>>
      %dma_start3A_32 = arith.constant 0 : i32
      %dma_start3A_33 = tpu.memref_slice %arg7[%add3A_15, %dma_start3A_32] : memref<10016x16xf32, #tpu.memory_space<vmem_shared>> -> memref<208x16xf32, #tpu.memory_space<vmem_shared>>
      tpu.enqueue_dma source(%arg6 : memref<208x16xf32, #tpu.memory_space<vmem>>) target(%dma_start3A_33 : memref<208x16xf32, #tpu.memory_space<vmem_shared>>) target_semaphore(%run_scoped3A : memref<!tpu.dma_semaphore, #tpu.memory_space<semaphore_mem>>)
      %dma_wait3A = arith.constant 0 : i32
      %dma_wait3A_34 = tpu.memref_slice %arg7[%add3A_15, %dma_wait3A] : memref<10016x16xf32, #tpu.memory_space<vmem_shared>> -> memref<208x16xf32, #tpu.memory_space<vmem_shared>>
      %dma_wait3A_35 = arith.constant 0 : i32
      %dma_wait3A_36 = tpu.memref_slice %arg7[%add3A_15, %dma_wait3A_35] : memref<10016x16xf32, #tpu.memory_space<vmem_shared>> -> memref<208x16xf32, #tpu.memory_space<vmem_shared>>
      tpu.wait_dma2 semaphore(%run_scoped3A : memref<!tpu.dma_semaphore, #tpu.memory_space<semaphore_mem>>) src(%arg6 : memref<208x16xf32, #tpu.memory_space<vmem>>) dst(%dma_wait3A_36 : memref<208x16xf32, #tpu.memory_space<vmem_shared>>)
      tpu.yield
    }) : () -> ()
    %add3A_16 = arith.constant 416 : i32
    %add3A_17 = arith.addi %mul3A_11, %add3A_16 : i32
    "tpu.region"() ({
      %run_scoped3A = tpu.sem_alloc : memref<!tpu.dma_semaphore, #tpu.memory_space<semaphore_mem>>
      %dma_start3A = arith.constant 0 : i32
      %dma_start3A_31 = tpu.memref_slice %arg7[%add3A_17, %dma_start3A] : memref<10016x16xf32, #tpu.memory_space<vmem_shared>> -> memref<208x16xf32, #tpu.memory_space<vmem_shared>>
      %dma_start3A_32 = arith.constant 0 : i32
      %dma_start3A_33 = tpu.memref_slice %arg7[%add3A_17, %dma_start3A_32] : memref<10016x16xf32, #tpu.memory_space<vmem_shared>> -> memref<208x16xf32, #tpu.memory_space<vmem_shared>>
      tpu.enqueue_dma source(%arg6 : memref<208x16xf32, #tpu.memory_space<vmem>>) target(%dma_start3A_33 : memref<208x16xf32, #tpu.memory_space<vmem_shared>>) target_semaphore(%run_scoped3A : memref<!tpu.dma_semaphore, #tpu.memory_space<semaphore_mem>>)
      %dma_wait3A = arith.constant 0 : i32
      %dma_wait3A_34 = tpu.memref_slice %arg7[%add3A_17, %dma_wait3A] : memref<10016x16xf32, #tpu.memory_space<vmem_shared>> -> memref<208x16xf32, #tpu.memory_space<vmem_shared>>
      %dma_wait3A_35 = arith.constant 0 : i32
      %dma_wait3A_36 = tpu.memref_slice %arg7[%add3A_17, %dma_wait3A_35] : memref<10016x16xf32, #tpu.memory_space<vmem_shared>> -> memref<208x16xf32, #tpu.memory_space<vmem_shared>>
      tpu.wait_dma2 semaphore(%run_scoped3A : memref<!tpu.dma_semaphore, #tpu.memory_space<semaphore_mem>>) src(%arg6 : memref<208x16xf32, #tpu.memory_space<vmem>>) dst(%dma_wait3A_36 : memref<208x16xf32, #tpu.memory_space<vmem_shared>>)
      tpu.yield
    }) : () -> ()
    %eq3A = arith.constant 0 : i32
    %eq3A_18 = arith.cmpi eq, %arg1, %eq3A : i32
    %convert_element_type3A = arith.extui %eq3A_18 : i1 to i32
    %cond3A = arith.constant 0 : i32
    %cond3A_19 = arith.cmpi ne, %convert_element_type3A, %cond3A : i32
    scf.if %cond3A_19 {
      "tpu.region"() ({
        %run_scoped3A = tpu.sem_alloc : memref<!tpu.dma_semaphore, #tpu.memory_space<semaphore_mem>>
        %dma_start3A = arith.constant 0 : i32
        %dma_start3A_31 = arith.constant 0 : i32
        %dma_start3A_32 = tpu.memref_slice %arg6[%dma_start3A, %dma_start3A_31] : memref<208x16xf32, #tpu.memory_space<vmem>> -> memref<32x16xf32, #tpu.memory_space<vmem>>
        %dma_start3A_33 = arith.constant 9984 : i32
        %dma_start3A_34 = arith.constant 0 : i32
        %dma_start3A_35 = tpu.memref_slice %arg7[%dma_start3A_33, %dma_start3A_34] : memref<10016x16xf32, #tpu.memory_space<vmem_shared>> -> memref<32x16xf32, #tpu.memory_space<vmem_shared>>
        %dma_start3A_36 = arith.constant 9984 : i32
        %dma_start3A_37 = arith.constant 0 : i32
        %dma_start3A_38 = tpu.memref_slice %arg7[%dma_start3A_36, %dma_start3A_37] : memref<10016x16xf32, #tpu.memory_space<vmem_shared>> -> memref<32x16xf32, #tpu.memory_space<vmem_shared>>
        %dma_start3A_39 = arith.constant 0 : i32
        %dma_start3A_40 = arith.constant 0 : i32
        %dma_start3A_41 = tpu.memref_slice %arg6[%dma_start3A_39, %dma_start3A_40] : memref<208x16xf32, #tpu.memory_space<vmem>> -> memref<32x16xf32, #tpu.memory_space<vmem>>
        tpu.enqueue_dma source(%dma_start3A_41 : memref<32x16xf32, #tpu.memory_space<vmem>>) target(%dma_start3A_38 : memref<32x16xf32, #tpu.memory_space<vmem_shared>>) target_semaphore(%run_scoped3A : memref<!tpu.dma_semaphore, #tpu.memory_space<semaphore_mem>>)
        %dma_wait3A = arith.constant 0 : i32
        %dma_wait3A_42 = arith.constant 0 : i32
        %dma_wait3A_43 = tpu.memref_slice %arg6[%dma_wait3A, %dma_wait3A_42] : memref<208x16xf32, #tpu.memory_space<vmem>> -> memref<32x16xf32, #tpu.memory_space<vmem>>
        %dma_wait3A_44 = arith.constant 9984 : i32
        %dma_wait3A_45 = arith.constant 0 : i32
        %dma_wait3A_46 = tpu.memref_slice %arg7[%dma_wait3A_44, %dma_wait3A_45] : memref<10016x16xf32, #tpu.memory_space<vmem_shared>> -> memref<32x16xf32, #tpu.memory_space<vmem_shared>>
        %dma_wait3A_47 = arith.constant 9984 : i32
        %dma_wait3A_48 = arith.constant 0 : i32
        %dma_wait3A_49 = tpu.memref_slice %arg7[%dma_wait3A_47, %dma_wait3A_48] : memref<10016x16xf32, #tpu.memory_space<vmem_shared>> -> memref<32x16xf32, #tpu.memory_space<vmem_shared>>
        %dma_wait3A_50 = arith.constant 0 : i32
        %dma_wait3A_51 = arith.constant 0 : i32
        %dma_wait3A_52 = tpu.memref_slice %arg6[%dma_wait3A_50, %dma_wait3A_51] : memref<208x16xf32, #tpu.memory_space<vmem>> -> memref<32x16xf32, #tpu.memory_space<vmem>>
        tpu.wait_dma2 semaphore(%run_scoped3A : memref<!tpu.dma_semaphore, #tpu.memory_space<semaphore_mem>>) src(%dma_wait3A_52 : memref<32x16xf32, #tpu.memory_space<vmem>>) dst(%dma_wait3A_49 : memref<32x16xf32, #tpu.memory_space<vmem_shared>>)
        tpu.yield
      }) : () -> ()
    } else {
    }
    %barrier3A = arith.constant 0 : index
    tpu.barrier barrier_id(%barrier3A)
    %scan3A_20 = arith.constant 0 : i32
    %scan3A_21 = arith.constant 80 : i32
    %scan3A_22 = arith.addi %scan3A_20, %scan3A_21 : i32
    %scan3A_23 = arith.constant 1 : i32
    scf.for %scan3A_31 = %scan3A_20 to %scan3A_22 step %scan3A_23  : i32 {
      %mul3A_32 = arith.constant 1 : i32
      %mul3A_33 = arith.muli %scan3A_31, %mul3A_32 : i32
      %add3A_34 = arith.constant 0 : i32
      %add3A_35 = arith.addi %add3A_34, %mul3A_33 : i32
      %mul3A_36 = arith.constant 80 : i32
      %mul3A_37 = arith.muli %add3A, %mul3A_36 : i32
      %add3A_38 = arith.addi %mul3A_37, %add3A_35 : i32
      "tpu.region"() ({
        %run_scoped3A = tpu.sem_alloc : memref<!tpu.dma_semaphore, #tpu.memory_space<semaphore_mem>>
        %dma_start3A = arith.constant 0 : i32
        %dma_start3A_39 = tpu.memref_slice %arg2[%add3A_38, %dma_start3A] : memref<2560x128xi32, #tpu.memory_space<hbm>> -> memref<1x128xi32, #tpu.memory_space<hbm>>
        %dma_start3A_40 = tpu.memref_squeeze %dma_start3A_39 : memref<1x128xi32, #tpu.memory_space<hbm>> -> memref<128xi32, #tpu.memory_space<hbm>>
        %dma_start3A_41 = arith.constant 0 : i32
        %dma_start3A_42 = tpu.memref_slice %arg2[%add3A_38, %dma_start3A_41] : memref<2560x128xi32, #tpu.memory_space<hbm>> -> memref<1x128xi32, #tpu.memory_space<hbm>>
        %dma_start3A_43 = tpu.memref_squeeze %dma_start3A_42 : memref<1x128xi32, #tpu.memory_space<hbm>> -> memref<128xi32, #tpu.memory_space<hbm>>
        tpu.enqueue_dma source(%dma_start3A_43 : memref<128xi32, #tpu.memory_space<hbm>>) target(%arg4 : memref<128xi32, #tpu.memory_space<vmem>>) target_semaphore(%run_scoped3A : memref<!tpu.dma_semaphore, #tpu.memory_space<semaphore_mem>>)
        %dma_wait3A = arith.constant 0 : i32
        %dma_wait3A_44 = tpu.memref_slice %arg2[%add3A_38, %dma_wait3A] : memref<2560x128xi32, #tpu.memory_space<hbm>> -> memref<1x128xi32, #tpu.memory_space<hbm>>
        %dma_wait3A_45 = tpu.memref_squeeze %dma_wait3A_44 : memref<1x128xi32, #tpu.memory_space<hbm>> -> memref<128xi32, #tpu.memory_space<hbm>>
        %dma_wait3A_46 = arith.constant 0 : i32
        %dma_wait3A_47 = tpu.memref_slice %arg2[%add3A_38, %dma_wait3A_46] : memref<2560x128xi32, #tpu.memory_space<hbm>> -> memref<1x128xi32, #tpu.memory_space<hbm>>
        %dma_wait3A_48 = tpu.memref_squeeze %dma_wait3A_47 : memref<1x128xi32, #tpu.memory_space<hbm>> -> memref<128xi32, #tpu.memory_space<hbm>>
        tpu.wait_dma2 semaphore(%run_scoped3A : memref<!tpu.dma_semaphore, #tpu.memory_space<semaphore_mem>>) src(%dma_wait3A_48 : memref<128xi32, #tpu.memory_space<hbm>>) dst(%arg4 : memref<128xi32, #tpu.memory_space<vmem>>)
        tpu.yield
      }) : () -> ()
      "tpu.region"() ({
        %run_scoped3A = tpu.sem_alloc : memref<!tpu.dma_semaphore, #tpu.memory_space<semaphore_mem>>
        %dma_start3A = arith.constant 0 : i32
        %dma_start3A_39 = arith.constant 0 : i32
        %dma_start3A_40 = tpu.memref_slice %arg7[%dma_start3A, %dma_start3A_39] : memref<10016x16xf32, #tpu.memory_space<vmem_shared>> -> memref<10016x16xf32, #tpu.memory_space<vmem_shared>>
        tpu.enqueue_indirect_dma source(%arg5 : memref<128x16xf32, #tpu.memory_space<vmem>>) target(%dma_start3A_40 : memref<10016x16xf32, #tpu.memory_space<vmem_shared>>) offsets(%arg4 : memref<128xi32, #tpu.memory_space<vmem>>) semaphore(%run_scoped3A : memref<!tpu.dma_semaphore, #tpu.memory_space<semaphore_mem>>) {add = true}
        %dma_wait3A = arith.constant 0 : i32
        %dma_wait3A_41 = arith.constant 0 : i32
        %dma_wait3A_42 = tpu.memref_slice %arg7[%dma_wait3A, %dma_wait3A_41] : memref<10016x16xf32, #tpu.memory_space<vmem_shared>> -> memref<10016x16xf32, #tpu.memory_space<vmem_shared>>
        tpu.wait_indirect_dma semaphore(%run_scoped3A : memref<!tpu.dma_semaphore, #tpu.memory_space<semaphore_mem>>) src(%arg5 : memref<128x16xf32, #tpu.memory_space<vmem>>) dst(%dma_wait3A_42 : memref<10016x16xf32, #tpu.memory_space<vmem_shared>>)
        tpu.yield
      }) : () -> ()
    }
    %scan3A_24 = arith.constant 80 : i32
    %barrier3A_25 = arith.constant 0 : index
    tpu.barrier barrier_id(%barrier3A_25)
    "tpu.region"() ({
      %run_scoped3A = tpu.sem_alloc : memref<!tpu.dma_semaphore, #tpu.memory_space<semaphore_mem>>
      %dma_start3A = arith.constant 0 : i32
      %dma_start3A_31 = tpu.memref_slice %arg3[%arg0, %mul3A_11, %dma_start3A] : memref<2x10000x16xf32, #tpu.memory_space<hbm>> -> memref<1x624x16xf32, #tpu.memory_space<hbm>>
      %dma_start3A_32 = tpu.memref_squeeze %dma_start3A_31 : memref<1x624x16xf32, #tpu.memory_space<hbm>> -> memref<624x16xf32, #tpu.memory_space<hbm>>
      %dma_start3A_33 = arith.constant 0 : i32
      %dma_start3A_34 = tpu.memref_slice %arg7[%mul3A_11, %dma_start3A_33] : memref<10016x16xf32, #tpu.memory_space<vmem_shared>> -> memref<624x16xf32, #tpu.memory_space<vmem_shared>>
      tpu.enqueue_dma source(%dma_start3A_34 : memref<624x16xf32, #tpu.memory_space<vmem_shared>>) target(%dma_start3A_32 : memref<624x16xf32, #tpu.memory_space<hbm>>) target_semaphore(%run_scoped3A : memref<!tpu.dma_semaphore, #tpu.memory_space<semaphore_mem>>)
      %dma_wait3A = arith.constant 0 : i32
      %dma_wait3A_35 = tpu.memref_slice %arg3[%arg0, %mul3A_11, %dma_wait3A] : memref<2x10000x16xf32, #tpu.memory_space<hbm>> -> memref<1x624x16xf32, #tpu.memory_space<hbm>>
      %dma_wait3A_36 = tpu.memref_squeeze %dma_wait3A_35 : memref<1x624x16xf32, #tpu.memory_space<hbm>> -> memref<624x16xf32, #tpu.memory_space<hbm>>
      %dma_wait3A_37 = arith.constant 0 : i32
      %dma_wait3A_38 = tpu.memref_slice %arg7[%mul3A_11, %dma_wait3A_37] : memref<10016x16xf32, #tpu.memory_space<vmem_shared>> -> memref<624x16xf32, #tpu.memory_space<vmem_shared>>
      tpu.wait_dma2 semaphore(%run_scoped3A : memref<!tpu.dma_semaphore, #tpu.memory_space<semaphore_mem>>) src(%dma_wait3A_38 : memref<624x16xf32, #tpu.memory_space<vmem_shared>>) dst(%dma_wait3A_36 : memref<624x16xf32, #tpu.memory_space<hbm>>)
      tpu.yield
    }) : () -> ()
    %eq3A_26 = arith.constant 0 : i32
    %eq3A_27 = arith.cmpi eq, %arg1, %eq3A_26 : i32
    %convert_element_type3A_28 = arith.extui %eq3A_27 : i1 to i32
    %cond3A_29 = arith.constant 0 : i32
    %cond3A_30 = arith.cmpi ne, %convert_element_type3A_28, %cond3A_29 : i32
    scf.if %cond3A_30 {
      "tpu.region"() ({
        %run_scoped3A = tpu.sem_alloc : memref<!tpu.dma_semaphore, #tpu.memory_space<semaphore_mem>>
        %dma_start3A = arith.constant 9984 : i32
        %dma_start3A_31 = arith.constant 0 : i32
        %dma_start3A_32 = tpu.memref_slice %arg3[%arg0, %dma_start3A, %dma_start3A_31] : memref<2x10000x16xf32, #tpu.memory_space<hbm>> -> memref<1x16x16xf32, #tpu.memory_space<hbm>>
        %dma_start3A_33 = tpu.memref_squeeze %dma_start3A_32 : memref<1x16x16xf32, #tpu.memory_space<hbm>> -> memref<16x16xf32, #tpu.memory_space<hbm>>
        %dma_start3A_34 = arith.constant 9984 : i32
        %dma_start3A_35 = arith.constant 0 : i32
        %dma_start3A_36 = tpu.memref_slice %arg7[%dma_start3A_34, %dma_start3A_35] : memref<10016x16xf32, #tpu.memory_space<vmem_shared>> -> memref<16x16xf32, #tpu.memory_space<vmem_shared>>
        tpu.enqueue_dma source(%dma_start3A_36 : memref<16x16xf32, #tpu.memory_space<vmem_shared>>) target(%dma_start3A_33 : memref<16x16xf32, #tpu.memory_space<hbm>>) target_semaphore(%run_scoped3A : memref<!tpu.dma_semaphore, #tpu.memory_space<semaphore_mem>>)
        %dma_wait3A = arith.constant 9984 : i32
        %dma_wait3A_37 = arith.constant 0 : i32
        %dma_wait3A_38 = tpu.memref_slice %arg3[%arg0, %dma_wait3A, %dma_wait3A_37] : memref<2x10000x16xf32, #tpu.memory_space<hbm>> -> memref<1x16x16xf32, #tpu.memory_space<hbm>>
        %dma_wait3A_39 = tpu.memref_squeeze %dma_wait3A_38 : memref<1x16x16xf32, #tpu.memory_space<hbm>> -> memref<16x16xf32, #tpu.memory_space<hbm>>
        %dma_wait3A_40 = arith.constant 9984 : i32
        %dma_wait3A_41 = arith.constant 0 : i32
        %dma_wait3A_42 = tpu.memref_slice %arg7[%dma_wait3A_40, %dma_wait3A_41] : memref<10016x16xf32, #tpu.memory_space<vmem_shared>> -> memref<16x16xf32, #tpu.memory_space<vmem_shared>>
        tpu.wait_dma2 semaphore(%run_scoped3A : memref<!tpu.dma_semaphore, #tpu.memory_space<semaphore_mem>>) src(%dma_wait3A_42 : memref<16x16xf32, #tpu.memory_space<vmem_shared>>) dst(%dma_wait3A_39 : memref<16x16xf32, #tpu.memory_space<hbm>>)
        tpu.yield
      }) : () -> ()
    } else {
    }
    return
  }
}

#map = affine_map<(d0, d1) -> (0, 0)>
#map1 = affine_map<(d0, d1) -> (0, 0, 0)>
module attributes {stable_mosaic.version = 14 : i64} {
  func.func @k(%arg0: i32, %arg1: i32, %arg2: memref<10000x128xf32, #tpu.memory_space<hbm>>, %arg3: memref<2560x128xi32, #tpu.memory_space<hbm>>, %arg4: memref<2560x128xi32, #tpu.memory_space<hbm>>, %arg5: memref<2x10000x128xf32, #tpu.memory_space<hbm>>, %arg6: memref<128xi32, #tpu.memory_space<vmem>>, %arg7: memref<128xi32, #tpu.memory_space<vmem>>, %arg8: memref<128xi32, #tpu.memory_space<vmem>>, %arg9: memref<128xi32, #tpu.memory_space<vmem>>, %arg10: memref<128x128xf32, #tpu.memory_space<vmem>>, %arg11: memref<128x128xf32, #tpu.memory_space<vmem>>, %arg12: memref<104x128xf32, #tpu.memory_space<vmem>>, %arg13: memref<10016x128xf32, #tpu.memory_space<vmem_shared>>, %arg14: memref<!tpu.dma_semaphore, #tpu.memory_space<semaphore_mem>>, %arg15: memref<!tpu.dma_semaphore, #tpu.memory_space<semaphore_mem>>, %arg16: memref<!tpu.dma_semaphore, #tpu.memory_space<semaphore_mem>>, %arg17: memref<!tpu.dma_semaphore, #tpu.memory_space<semaphore_mem>>) attributes {dimension_semantics = [#tpu.dimension_semantics<core_parallel>, #tpu.dimension_semantics<subcore_parallel>], iteration_bounds = array<i64: 2, 16>, scalar_prefetch = 0 : i64, scratch_operands = 12 : i64, tpu.core_type = #tpu.core_type<sc_vector_subcore>, window_params = [{transform_indices = #map}, {transform_indices = #map}, {transform_indices = #map}, {transform_indices = #map1}]} {
    %mul3A = arith.constant 16 : i32
    %mul3A_0 = arith.muli %arg0, %mul3A : i32
    %add3A = arith.addi %mul3A_0, %arg1 : i32
    %mul3A_1 = arith.constant 624 : i32
    %mul3A_2 = arith.muli %arg1, %mul3A_1 : i32
    %scan3A = arith.constant 0 : i32
    %scan3A_3 = arith.constant 104 : i32
    %scan3A_4 = arith.addi %scan3A, %scan3A_3 : i32
    %scan3A_5 = arith.constant 1 : i32
    scf.for %scan3A_32 = %scan3A to %scan3A_4 step %scan3A_5  : i32 {
      %mul3A_33 = arith.constant 1 : i32
      %mul3A_34 = arith.muli %scan3A_32, %mul3A_33 : i32
      %add3A_35 = arith.constant 0 : i32
      %add3A_36 = arith.addi %add3A_35, %mul3A_34 : i32
      %scan3A_37 = arith.constant 0 : i32
      %scan3A_38 = arith.constant 8 : i32
      %scan3A_39 = arith.addi %scan3A_37, %scan3A_38 : i32
      %scan3A_40 = arith.constant 1 : i32
      scf.for %scan3A_42 = %scan3A_37 to %scan3A_39 step %scan3A_40  : i32 {
        %mul3A_43 = arith.constant 16 : i32
        %mul3A_44 = arith.muli %scan3A_42, %mul3A_43 : i32
        %add3A_45 = arith.constant 0 : i32
        %add3A_46 = arith.addi %add3A_45, %mul3A_44 : i32
        %broadcast_in_dim3A = arith.constant 0.000000e+00 : f32
        %broadcast_in_dim3A_47 = vector.broadcast %broadcast_in_dim3A : f32 to vector<16xf32>
        %swap3A = arith.index_cast %add3A_36 : i32 to index
        %swap3A_48 = arith.index_cast %add3A_46 : i32 to index
        %swap3A_49 = tpu.vector_load %arg12[%swap3A, %swap3A_48] {strides = array<i32>} : memref<104x128xf32, #tpu.memory_space<vmem>>, vector<1x16xf32>,
        %swap3A_50 = vector.shape_cast %swap3A_49 : vector<1x16xf32> to vector<16xf32>
        %swap3A_51 = vector.shape_cast %broadcast_in_dim3A_47 : vector<16xf32> to vector<1x16xf32>
        tpu.vector_store %arg12[%swap3A, %swap3A_48], %swap3A_51 {strides = array<i32>} : memref<104x128xf32, #tpu.memory_space<vmem>>, vector<1x16xf32>,
      }
      %scan3A_41 = arith.constant 8 : i32
    }
    %scan3A_6 = arith.constant 104 : i32
    %add3A_7 = arith.constant 0 : i32
    %add3A_8 = arith.addi %mul3A_2, %add3A_7 : i32
    "tpu.region"() ({
      %run_scoped3A = tpu.sem_alloc : memref<!tpu.dma_semaphore, #tpu.memory_space<semaphore_mem>>
      %dma_start3A = arith.constant 0 : i32
      %dma_start3A_32 = tpu.memref_slice %arg13[%add3A_8, %dma_start3A] : memref<10016x128xf32, #tpu.memory_space<vmem_shared>> -> memref<104x128xf32, #tpu.memory_space<vmem_shared>>
      %dma_start3A_33 = arith.constant 0 : i32
      %dma_start3A_34 = tpu.memref_slice %arg13[%add3A_8, %dma_start3A_33] : memref<10016x128xf32, #tpu.memory_space<vmem_shared>> -> memref<104x128xf32, #tpu.memory_space<vmem_shared>>
      tpu.enqueue_dma source(%arg12 : memref<104x128xf32, #tpu.memory_space<vmem>>) target(%dma_start3A_34 : memref<104x128xf32, #tpu.memory_space<vmem_shared>>) target_semaphore(%run_scoped3A : memref<!tpu.dma_semaphore, #tpu.memory_space<semaphore_mem>>)
      %dma_wait3A = arith.constant 0 : i32
      %dma_wait3A_35 = tpu.memref_slice %arg13[%add3A_8, %dma_wait3A] : memref<10016x128xf32, #tpu.memory_space<vmem_shared>> -> memref<104x128xf32, #tpu.memory_space<vmem_shared>>
      %dma_wait3A_36 = arith.constant 0 : i32
      %dma_wait3A_37 = tpu.memref_slice %arg13[%add3A_8, %dma_wait3A_36] : memref<10016x128xf32, #tpu.memory_space<vmem_shared>> -> memref<104x128xf32, #tpu.memory_space<vmem_shared>>
      tpu.wait_dma2 semaphore(%run_scoped3A : memref<!tpu.dma_semaphore, #tpu.memory_space<semaphore_mem>>) src(%arg12 : memref<104x128xf32, #tpu.memory_space<vmem>>) dst(%dma_wait3A_37 : memref<104x128xf32, #tpu.memory_space<vmem_shared>>)
      tpu.yield
    }) : () -> ()
    %add3A_9 = arith.constant 104 : i32
    %add3A_10 = arith.addi %mul3A_2, %add3A_9 : i32
    "tpu.region"() ({
      %run_scoped3A = tpu.sem_alloc : memref<!tpu.dma_semaphore, #tpu.memory_space<semaphore_mem>>
      %dma_start3A = arith.constant 0 : i32
      %dma_start3A_32 = tpu.memref_slice %arg13[%add3A_10, %dma_start3A] : memref<10016x128xf32, #tpu.memory_space<vmem_shared>> -> memref<104x128xf32, #tpu.memory_space<vmem_shared>>
      %dma_start3A_33 = arith.constant 0 : i32
      %dma_start3A_34 = tpu.memref_slice %arg13[%add3A_10, %dma_start3A_33] : memref<10016x128xf32, #tpu.memory_space<vmem_shared>> -> memref<104x128xf32, #tpu.memory_space<vmem_shared>>
      tpu.enqueue_dma source(%arg12 : memref<104x128xf32, #tpu.memory_space<vmem>>) target(%dma_start3A_34 : memref<104x128xf32, #tpu.memory_space<vmem_shared>>) target_semaphore(%run_scoped3A : memref<!tpu.dma_semaphore, #tpu.memory_space<semaphore_mem>>)
      %dma_wait3A = arith.constant 0 : i32
      %dma_wait3A_35 = tpu.memref_slice %arg13[%add3A_10, %dma_wait3A] : memref<10016x128xf32, #tpu.memory_space<vmem_shared>> -> memref<104x128xf32, #tpu.memory_space<vmem_shared>>
      %dma_wait3A_36 = arith.constant 0 : i32
      %dma_wait3A_37 = tpu.memref_slice %arg13[%add3A_10, %dma_wait3A_36] : memref<10016x128xf32, #tpu.memory_space<vmem_shared>> -> memref<104x128xf32, #tpu.memory_space<vmem_shared>>
      tpu.wait_dma2 semaphore(%run_scoped3A : memref<!tpu.dma_semaphore, #tpu.memory_space<semaphore_mem>>) src(%arg12 : memref<104x128xf32, #tpu.memory_space<vmem>>) dst(%dma_wait3A_37 : memref<104x128xf32, #tpu.memory_space<vmem_shared>>)
      tpu.yield
    }) : () -> ()
    %add3A_11 = arith.constant 208 : i32
    %add3A_12 = arith.addi %mul3A_2, %add3A_11 : i32
    "tpu.region"() ({
      %run_scoped3A = tpu.sem_alloc : memref<!tpu.dma_semaphore, #tpu.memory_space<semaphore_mem>>
      %dma_start3A = arith.constant 0 : i32
      %dma_start3A_32 = tpu.memref_slice %arg13[%add3A_12, %dma_start3A] : memref<10016x128xf32, #tpu.memory_space<vmem_shared>> -> memref<104x128xf32, #tpu.memory_space<vmem_shared>>
      %dma_start3A_33 = arith.constant 0 : i32
      %dma_start3A_34 = tpu.memref_slice %arg13[%add3A_12, %dma_start3A_33] : memref<10016x128xf32, #tpu.memory_space<vmem_shared>> -> memref<104x128xf32, #tpu.memory_space<vmem_shared>>
      tpu.enqueue_dma source(%arg12 : memref<104x128xf32, #tpu.memory_space<vmem>>) target(%dma_start3A_34 : memref<104x128xf32, #tpu.memory_space<vmem_shared>>) target_semaphore(%run_scoped3A : memref<!tpu.dma_semaphore, #tpu.memory_space<semaphore_mem>>)
      %dma_wait3A = arith.constant 0 : i32
      %dma_wait3A_35 = tpu.memref_slice %arg13[%add3A_12, %dma_wait3A] : memref<10016x128xf32, #tpu.memory_space<vmem_shared>> -> memref<104x128xf32, #tpu.memory_space<vmem_shared>>
      %dma_wait3A_36 = arith.constant 0 : i32
      %dma_wait3A_37 = tpu.memref_slice %arg13[%add3A_12, %dma_wait3A_36] : memref<10016x128xf32, #tpu.memory_space<vmem_shared>> -> memref<104x128xf32, #tpu.memory_space<vmem_shared>>
      tpu.wait_dma2 semaphore(%run_scoped3A : memref<!tpu.dma_semaphore, #tpu.memory_space<semaphore_mem>>) src(%arg12 : memref<104x128xf32, #tpu.memory_space<vmem>>) dst(%dma_wait3A_37 : memref<104x128xf32, #tpu.memory_space<vmem_shared>>)
      tpu.yield
    }) : () -> ()
    %add3A_13 = arith.constant 312 : i32
    %add3A_14 = arith.addi %mul3A_2, %add3A_13 : i32
    "tpu.region"() ({
      %run_scoped3A = tpu.sem_alloc : memref<!tpu.dma_semaphore, #tpu.memory_space<semaphore_mem>>
      %dma_start3A = arith.constant 0 : i32
      %dma_start3A_32 = tpu.memref_slice %arg13[%add3A_14, %dma_start3A] : memref<10016x128xf32, #tpu.memory_space<vmem_shared>> -> memref<104x128xf32, #tpu.memory_space<vmem_shared>>
      %dma_start3A_33 = arith.constant 0 : i32
      %dma_start3A_34 = tpu.memref_slice %arg13[%add3A_14, %dma_start3A_33] : memref<10016x128xf32, #tpu.memory_space<vmem_shared>> -> memref<104x128xf32, #tpu.memory_space<vmem_shared>>
      tpu.enqueue_dma source(%arg12 : memref<104x128xf32, #tpu.memory_space<vmem>>) target(%dma_start3A_34 : memref<104x128xf32, #tpu.memory_space<vmem_shared>>) target_semaphore(%run_scoped3A : memref<!tpu.dma_semaphore, #tpu.memory_space<semaphore_mem>>)
      %dma_wait3A = arith.constant 0 : i32
      %dma_wait3A_35 = tpu.memref_slice %arg13[%add3A_14, %dma_wait3A] : memref<10016x128xf32, #tpu.memory_space<vmem_shared>> -> memref<104x128xf32, #tpu.memory_space<vmem_shared>>
      %dma_wait3A_36 = arith.constant 0 : i32
      %dma_wait3A_37 = tpu.memref_slice %arg13[%add3A_14, %dma_wait3A_36] : memref<10016x128xf32, #tpu.memory_space<vmem_shared>> -> memref<104x128xf32, #tpu.memory_space<vmem_shared>>
      tpu.wait_dma2 semaphore(%run_scoped3A : memref<!tpu.dma_semaphore, #tpu.memory_space<semaphore_mem>>) src(%arg12 : memref<104x128xf32, #tpu.memory_space<vmem>>) dst(%dma_wait3A_37 : memref<104x128xf32, #tpu.memory_space<vmem_shared>>)
      tpu.yield
    }) : () -> ()
    %add3A_15 = arith.constant 416 : i32
    %add3A_16 = arith.addi %mul3A_2, %add3A_15 : i32
    "tpu.region"() ({
      %run_scoped3A = tpu.sem_alloc : memref<!tpu.dma_semaphore, #tpu.memory_space<semaphore_mem>>
      %dma_start3A = arith.constant 0 : i32
      %dma_start3A_32 = tpu.memref_slice %arg13[%add3A_16, %dma_start3A] : memref<10016x128xf32, #tpu.memory_space<vmem_shared>> -> memref<104x128xf32, #tpu.memory_space<vmem_shared>>
      %dma_start3A_33 = arith.constant 0 : i32
      %dma_start3A_34 = tpu.memref_slice %arg13[%add3A_16, %dma_start3A_33] : memref<10016x128xf32, #tpu.memory_space<vmem_shared>> -> memref<104x128xf32, #tpu.memory_space<vmem_shared>>
      tpu.enqueue_dma source(%arg12 : memref<104x128xf32, #tpu.memory_space<vmem>>) target(%dma_start3A_34 : memref<104x128xf32, #tpu.memory_space<vmem_shared>>) target_semaphore(%run_scoped3A : memref<!tpu.dma_semaphore, #tpu.memory_space<semaphore_mem>>)
      %dma_wait3A = arith.constant 0 : i32
      %dma_wait3A_35 = tpu.memref_slice %arg13[%add3A_16, %dma_wait3A] : memref<10016x128xf32, #tpu.memory_space<vmem_shared>> -> memref<104x128xf32, #tpu.memory_space<vmem_shared>>
      %dma_wait3A_36 = arith.constant 0 : i32
      %dma_wait3A_37 = tpu.memref_slice %arg13[%add3A_16, %dma_wait3A_36] : memref<10016x128xf32, #tpu.memory_space<vmem_shared>> -> memref<104x128xf32, #tpu.memory_space<vmem_shared>>
      tpu.wait_dma2 semaphore(%run_scoped3A : memref<!tpu.dma_semaphore, #tpu.memory_space<semaphore_mem>>) src(%arg12 : memref<104x128xf32, #tpu.memory_space<vmem>>) dst(%dma_wait3A_37 : memref<104x128xf32, #tpu.memory_space<vmem_shared>>)
      tpu.yield
    }) : () -> ()
    %add3A_17 = arith.constant 520 : i32
    %add3A_18 = arith.addi %mul3A_2, %add3A_17 : i32
    "tpu.region"() ({
      %run_scoped3A = tpu.sem_alloc : memref<!tpu.dma_semaphore, #tpu.memory_space<semaphore_mem>>
      %dma_start3A = arith.constant 0 : i32
      %dma_start3A_32 = tpu.memref_slice %arg13[%add3A_18, %dma_start3A] : memref<10016x128xf32, #tpu.memory_space<vmem_shared>> -> memref<104x128xf32, #tpu.memory_space<vmem_shared>>
      %dma_start3A_33 = arith.constant 0 : i32
      %dma_start3A_34 = tpu.memref_slice %arg13[%add3A_18, %dma_start3A_33] : memref<10016x128xf32, #tpu.memory_space<vmem_shared>> -> memref<104x128xf32, #tpu.memory_space<vmem_shared>>
      tpu.enqueue_dma source(%arg12 : memref<104x128xf32, #tpu.memory_space<vmem>>) target(%dma_start3A_34 : memref<104x128xf32, #tpu.memory_space<vmem_shared>>) target_semaphore(%run_scoped3A : memref<!tpu.dma_semaphore, #tpu.memory_space<semaphore_mem>>)
      %dma_wait3A = arith.constant 0 : i32
      %dma_wait3A_35 = tpu.memref_slice %arg13[%add3A_18, %dma_wait3A] : memref<10016x128xf32, #tpu.memory_space<vmem_shared>> -> memref<104x128xf32, #tpu.memory_space<vmem_shared>>
      %dma_wait3A_36 = arith.constant 0 : i32
      %dma_wait3A_37 = tpu.memref_slice %arg13[%add3A_18, %dma_wait3A_36] : memref<10016x128xf32, #tpu.memory_space<vmem_shared>> -> memref<104x128xf32, #tpu.memory_space<vmem_shared>>
      tpu.wait_dma2 semaphore(%run_scoped3A : memref<!tpu.dma_semaphore, #tpu.memory_space<semaphore_mem>>) src(%arg12 : memref<104x128xf32, #tpu.memory_space<vmem>>) dst(%dma_wait3A_37 : memref<104x128xf32, #tpu.memory_space<vmem_shared>>)
      tpu.yield
    }) : () -> ()
    %eq3A = arith.constant 0 : i32
    %eq3A_19 = arith.cmpi eq, %arg1, %eq3A : i32
    %convert_element_type3A = arith.extui %eq3A_19 : i1 to i32
    %cond3A = arith.constant 0 : i32
    %cond3A_20 = arith.cmpi ne, %convert_element_type3A, %cond3A : i32
    scf.if %cond3A_20 {
      "tpu.region"() ({
        %run_scoped3A = tpu.sem_alloc : memref<!tpu.dma_semaphore, #tpu.memory_space<semaphore_mem>>
        %dma_start3A = arith.constant 0 : i32
        %dma_start3A_32 = arith.constant 0 : i32
        %dma_start3A_33 = tpu.memref_slice %arg12[%dma_start3A, %dma_start3A_32] : memref<104x128xf32, #tpu.memory_space<vmem>> -> memref<32x128xf32, #tpu.memory_space<vmem>>
        %dma_start3A_34 = arith.constant 9984 : i32
        %dma_start3A_35 = arith.constant 0 : i32
        %dma_start3A_36 = tpu.memref_slice %arg13[%dma_start3A_34, %dma_start3A_35] : memref<10016x128xf32, #tpu.memory_space<vmem_shared>> -> memref<32x128xf32, #tpu.memory_space<vmem_shared>>
        %dma_start3A_37 = arith.constant 9984 : i32
        %dma_start3A_38 = arith.constant 0 : i32
        %dma_start3A_39 = tpu.memref_slice %arg13[%dma_start3A_37, %dma_start3A_38] : memref<10016x128xf32, #tpu.memory_space<vmem_shared>> -> memref<32x128xf32, #tpu.memory_space<vmem_shared>>
        %dma_start3A_40 = arith.constant 0 : i32
        %dma_start3A_41 = arith.constant 0 : i32
        %dma_start3A_42 = tpu.memref_slice %arg12[%dma_start3A_40, %dma_start3A_41] : memref<104x128xf32, #tpu.memory_space<vmem>> -> memref<32x128xf32, #tpu.memory_space<vmem>>
        tpu.enqueue_dma source(%dma_start3A_42 : memref<32x128xf32, #tpu.memory_space<vmem>>) target(%dma_start3A_39 : memref<32x128xf32, #tpu.memory_space<vmem_shared>>) target_semaphore(%run_scoped3A : memref<!tpu.dma_semaphore, #tpu.memory_space<semaphore_mem>>)
        %dma_wait3A = arith.constant 0 : i32
        %dma_wait3A_43 = arith.constant 0 : i32
        %dma_wait3A_44 = tpu.memref_slice %arg12[%dma_wait3A, %dma_wait3A_43] : memref<104x128xf32, #tpu.memory_space<vmem>> -> memref<32x128xf32, #tpu.memory_space<vmem>>
        %dma_wait3A_45 = arith.constant 9984 : i32
        %dma_wait3A_46 = arith.constant 0 : i32
        %dma_wait3A_47 = tpu.memref_slice %arg13[%dma_wait3A_45, %dma_wait3A_46] : memref<10016x128xf32, #tpu.memory_space<vmem_shared>> -> memref<32x128xf32, #tpu.memory_space<vmem_shared>>
        %dma_wait3A_48 = arith.constant 9984 : i32
        %dma_wait3A_49 = arith.constant 0 : i32
        %dma_wait3A_50 = tpu.memref_slice %arg13[%dma_wait3A_48, %dma_wait3A_49] : memref<10016x128xf32, #tpu.memory_space<vmem_shared>> -> memref<32x128xf32, #tpu.memory_space<vmem_shared>>
        %dma_wait3A_51 = arith.constant 0 : i32
        %dma_wait3A_52 = arith.constant 0 : i32
        %dma_wait3A_53 = tpu.memref_slice %arg12[%dma_wait3A_51, %dma_wait3A_52] : memref<104x128xf32, #tpu.memory_space<vmem>> -> memref<32x128xf32, #tpu.memory_space<vmem>>
        tpu.wait_dma2 semaphore(%run_scoped3A : memref<!tpu.dma_semaphore, #tpu.memory_space<semaphore_mem>>) src(%dma_wait3A_53 : memref<32x128xf32, #tpu.memory_space<vmem>>) dst(%dma_wait3A_50 : memref<32x128xf32, #tpu.memory_space<vmem_shared>>)
        tpu.yield
      }) : () -> ()
    } else {
    }
    %barrier3A = arith.constant 0 : index
    tpu.barrier barrier_id(%barrier3A)
    %scan3A_21 = arith.constant 0 : i32
    %scan3A_22 = arith.constant 80 : i32
    %scan3A_23 = arith.addi %scan3A_21, %scan3A_22 : i32
    %scan3A_24 = arith.constant 1 : i32
    scf.for %scan3A_32 = %scan3A_21 to %scan3A_23 step %scan3A_24  : i32 {
      %mul3A_33 = arith.constant 1 : i32
      %mul3A_34 = arith.muli %scan3A_32, %mul3A_33 : i32
      %add3A_35 = arith.constant 0 : i32
      %add3A_36 = arith.addi %add3A_35, %mul3A_34 : i32
      %mul3A_37 = arith.constant 80 : i32
      %mul3A_38 = arith.muli %add3A, %mul3A_37 : i32
      %add3A_39 = arith.addi %mul3A_38, %add3A_36 : i32
      %dma_start3A = arith.constant 0 : i32
      %dma_start3A_40 = tpu.memref_slice %arg3[%add3A_39, %dma_start3A] : memref<2560x128xi32, #tpu.memory_space<hbm>> -> memref<1x128xi32, #tpu.memory_space<hbm>>
      %dma_start3A_41 = tpu.memref_squeeze %dma_start3A_40 : memref<1x128xi32, #tpu.memory_space<hbm>> -> memref<128xi32, #tpu.memory_space<hbm>>
      %dma_start3A_42 = arith.constant 0 : i32
      %dma_start3A_43 = tpu.memref_slice %arg3[%add3A_39, %dma_start3A_42] : memref<2560x128xi32, #tpu.memory_space<hbm>> -> memref<1x128xi32, #tpu.memory_space<hbm>>
      %dma_start3A_44 = tpu.memref_squeeze %dma_start3A_43 : memref<1x128xi32, #tpu.memory_space<hbm>> -> memref<128xi32, #tpu.memory_space<hbm>>
      tpu.enqueue_dma source(%dma_start3A_44 : memref<128xi32, #tpu.memory_space<hbm>>) target(%arg6 : memref<128xi32, #tpu.memory_space<vmem>>) target_semaphore(%arg16 : memref<!tpu.dma_semaphore, #tpu.memory_space<semaphore_mem>>)
      %dma_start3A_45 = arith.constant 0 : i32
      %dma_start3A_46 = tpu.memref_slice %arg4[%add3A_39, %dma_start3A_45] : memref<2560x128xi32, #tpu.memory_space<hbm>> -> memref<1x128xi32, #tpu.memory_space<hbm>>
      %dma_start3A_47 = tpu.memref_squeeze %dma_start3A_46 : memref<1x128xi32, #tpu.memory_space<hbm>> -> memref<128xi32, #tpu.memory_space<hbm>>
      %dma_start3A_48 = arith.constant 0 : i32
      %dma_start3A_49 = tpu.memref_slice %arg4[%add3A_39, %dma_start3A_48] : memref<2560x128xi32, #tpu.memory_space<hbm>> -> memref<1x128xi32, #tpu.memory_space<hbm>>
      %dma_start3A_50 = tpu.memref_squeeze %dma_start3A_49 : memref<1x128xi32, #tpu.memory_space<hbm>> -> memref<128xi32, #tpu.memory_space<hbm>>
      tpu.enqueue_dma source(%dma_start3A_50 : memref<128xi32, #tpu.memory_space<hbm>>) target(%arg8 : memref<128xi32, #tpu.memory_space<vmem>>) target_semaphore(%arg17 : memref<!tpu.dma_semaphore, #tpu.memory_space<semaphore_mem>>)
      %dma_wait3A = arith.constant 0 : i32
      %dma_wait3A_51 = tpu.memref_slice %arg3[%add3A_39, %dma_wait3A] : memref<2560x128xi32, #tpu.memory_space<hbm>> -> memref<1x128xi32, #tpu.memory_space<hbm>>
      %dma_wait3A_52 = tpu.memref_squeeze %dma_wait3A_51 : memref<1x128xi32, #tpu.memory_space<hbm>> -> memref<128xi32, #tpu.memory_space<hbm>>
      %dma_wait3A_53 = arith.constant 0 : i32
      %dma_wait3A_54 = tpu.memref_slice %arg3[%add3A_39, %dma_wait3A_53] : memref<2560x128xi32, #tpu.memory_space<hbm>> -> memref<1x128xi32, #tpu.memory_space<hbm>>
      %dma_wait3A_55 = tpu.memref_squeeze %dma_wait3A_54 : memref<1x128xi32, #tpu.memory_space<hbm>> -> memref<128xi32, #tpu.memory_space<hbm>>
      tpu.wait_dma2 semaphore(%arg16 : memref<!tpu.dma_semaphore, #tpu.memory_space<semaphore_mem>>) src(%dma_wait3A_55 : memref<128xi32, #tpu.memory_space<hbm>>) dst(%arg6 : memref<128xi32, #tpu.memory_space<vmem>>)
      %dma_wait3A_56 = arith.constant 0 : i32
      %dma_wait3A_57 = tpu.memref_slice %arg4[%add3A_39, %dma_wait3A_56] : memref<2560x128xi32, #tpu.memory_space<hbm>> -> memref<1x128xi32, #tpu.memory_space<hbm>>
      %dma_wait3A_58 = tpu.memref_squeeze %dma_wait3A_57 : memref<1x128xi32, #tpu.memory_space<hbm>> -> memref<128xi32, #tpu.memory_space<hbm>>
      %dma_wait3A_59 = arith.constant 0 : i32
      %dma_wait3A_60 = tpu.memref_slice %arg4[%add3A_39, %dma_wait3A_59] : memref<2560x128xi32, #tpu.memory_space<hbm>> -> memref<1x128xi32, #tpu.memory_space<hbm>>
      %dma_wait3A_61 = tpu.memref_squeeze %dma_wait3A_60 : memref<1x128xi32, #tpu.memory_space<hbm>> -> memref<128xi32, #tpu.memory_space<hbm>>
      tpu.wait_dma2 semaphore(%arg17 : memref<!tpu.dma_semaphore, #tpu.memory_space<semaphore_mem>>) src(%dma_wait3A_61 : memref<128xi32, #tpu.memory_space<hbm>>) dst(%arg8 : memref<128xi32, #tpu.memory_space<vmem>>)
      %dma_start3A_62 = arith.constant 0 : i32
      %dma_start3A_63 = arith.constant 0 : i32
      %dma_start3A_64 = tpu.memref_slice %arg2[%dma_start3A_62, %dma_start3A_63] : memref<10000x128xf32, #tpu.memory_space<hbm>> -> memref<10000x128xf32, #tpu.memory_space<hbm>>
      tpu.enqueue_indirect_dma source(%dma_start3A_64 : memref<10000x128xf32, #tpu.memory_space<hbm>>) target(%arg10 : memref<128x128xf32, #tpu.memory_space<vmem>>) offsets(%arg6 : memref<128xi32, #tpu.memory_space<vmem>>) semaphore(%arg14 : memref<!tpu.dma_semaphore, #tpu.memory_space<semaphore_mem>>)
      %dma_wait3A_65 = arith.constant 0 : i32
      %dma_wait3A_66 = arith.constant 0 : i32
      %dma_wait3A_67 = tpu.memref_slice %arg2[%dma_wait3A_65, %dma_wait3A_66] : memref<10000x128xf32, #tpu.memory_space<hbm>> -> memref<10000x128xf32, #tpu.memory_space<hbm>>
      tpu.wait_indirect_dma semaphore(%arg14 : memref<!tpu.dma_semaphore, #tpu.memory_space<semaphore_mem>>) src(%dma_wait3A_67 : memref<10000x128xf32, #tpu.memory_space<hbm>>) dst(%arg10 : memref<128x128xf32, #tpu.memory_space<vmem>>)
      "tpu.region"() ({
        %run_scoped3A = tpu.sem_alloc : memref<!tpu.dma_semaphore, #tpu.memory_space<semaphore_mem>>
        %dma_start3A_68 = arith.constant 0 : i32
        %dma_start3A_69 = arith.constant 0 : i32
        %dma_start3A_70 = tpu.memref_slice %arg13[%dma_start3A_68, %dma_start3A_69] : memref<10016x128xf32, #tpu.memory_space<vmem_shared>> -> memref<10016x128xf32, #tpu.memory_space<vmem_shared>>
        tpu.enqueue_indirect_dma source(%arg10 : memref<128x128xf32, #tpu.memory_space<vmem>>) target(%dma_start3A_70 : memref<10016x128xf32, #tpu.memory_space<vmem_shared>>) offsets(%arg8 : memref<128xi32, #tpu.memory_space<vmem>>) semaphore(%run_scoped3A : memref<!tpu.dma_semaphore, #tpu.memory_space<semaphore_mem>>) {add = true}
        %dma_wait3A_71 = arith.constant 0 : i32
        %dma_wait3A_72 = arith.constant 0 : i32
        %dma_wait3A_73 = tpu.memref_slice %arg13[%dma_wait3A_71, %dma_wait3A_72] : memref<10016x128xf32, #tpu.memory_space<vmem_shared>> -> memref<10016x128xf32, #tpu.memory_space<vmem_shared>>
        tpu.wait_indirect_dma semaphore(%run_scoped3A : memref<!tpu.dma_semaphore, #tpu.memory_space<semaphore_mem>>) src(%arg10 : memref<128x128xf32, #tpu.memory_space<vmem>>) dst(%dma_wait3A_73 : memref<10016x128xf32, #tpu.memory_space<vmem_shared>>)
        tpu.yield
      }) : () -> ()
    }
    %scan3A_25 = arith.constant 80 : i32
    %barrier3A_26 = arith.constant 0 : index
    tpu.barrier barrier_id(%barrier3A_26)
    "tpu.region"() ({
      %run_scoped3A = tpu.sem_alloc : memref<!tpu.dma_semaphore, #tpu.memory_space<semaphore_mem>>
      %dma_start3A = arith.constant 0 : i32
      %dma_start3A_32 = tpu.memref_slice %arg5[%arg0, %mul3A_2, %dma_start3A] : memref<2x10000x128xf32, #tpu.memory_space<hbm>> -> memref<1x624x128xf32, #tpu.memory_space<hbm>>
      %dma_start3A_33 = tpu.memref_squeeze %dma_start3A_32 : memref<1x624x128xf32, #tpu.memory_space<hbm>> -> memref<624x128xf32, #tpu.memory_space<hbm>>
      %dma_start3A_34 = arith.constant 0 : i32
      %dma_start3A_35 = tpu.memref_slice %arg13[%mul3A_2, %dma_start3A_34] : memref<10016x128xf32, #tpu.memory_space<vmem_shared>> -> memref<624x128xf32, #tpu.memory_space<vmem_shared>>
      tpu.enqueue_dma source(%dma_start3A_35 : memref<624x128xf32, #tpu.memory_space<vmem_shared>>) target(%dma_start3A_33 : memref<624x128xf32, #tpu.memory_space<hbm>>) target_semaphore(%run_scoped3A : memref<!tpu.dma_semaphore, #tpu.memory_space<semaphore_mem>>)
      %dma_wait3A = arith.constant 0 : i32
      %dma_wait3A_36 = tpu.memref_slice %arg5[%arg0, %mul3A_2, %dma_wait3A] : memref<2x10000x128xf32, #tpu.memory_space<hbm>> -> memref<1x624x128xf32, #tpu.memory_space<hbm>>
      %dma_wait3A_37 = tpu.memref_squeeze %dma_wait3A_36 : memref<1x624x128xf32, #tpu.memory_space<hbm>> -> memref<624x128xf32, #tpu.memory_space<hbm>>
      %dma_wait3A_38 = arith.constant 0 : i32
      %dma_wait3A_39 = tpu.memref_slice %arg13[%mul3A_2, %dma_wait3A_38] : memref<10016x128xf32, #tpu.memory_space<vmem_shared>> -> memref<624x128xf32, #tpu.memory_space<vmem_shared>>
      tpu.wait_dma2 semaphore(%run_scoped3A : memref<!tpu.dma_semaphore, #tpu.memory_space<semaphore_mem>>) src(%dma_wait3A_39 : memref<624x128xf32, #tpu.memory_space<vmem_shared>>) dst(%dma_wait3A_37 : memref<624x128xf32, #tpu.memory_space<hbm>>)
      tpu.yield
    }) : () -> ()
    %eq3A_27 = arith.constant 0 : i32
    %eq3A_28 = arith.cmpi eq, %arg1, %eq3A_27 : i32
    %convert_element_type3A_29 = arith.extui %eq3A_28 : i1 to i32
    %cond3A_30 = arith.constant 0 : i32
    %cond3A_31 = arith.cmpi ne, %convert_element_type3A_29, %cond3A_30 : i32
    scf.if %cond3A_31 {
      "tpu.region"() ({
        %run_scoped3A = tpu.sem_alloc : memref<!tpu.dma_semaphore, #tpu.memory_space<semaphore_mem>>
        %dma_start3A = arith.constant 9984 : i32
        %dma_start3A_32 = arith.constant 0 : i32
        %dma_start3A_33 = tpu.memref_slice %arg5[%arg0, %dma_start3A, %dma_start3A_32] : memref<2x10000x128xf32, #tpu.memory_space<hbm>> -> memref<1x16x128xf32, #tpu.memory_space<hbm>>
        %dma_start3A_34 = tpu.memref_squeeze %dma_start3A_33 : memref<1x16x128xf32, #tpu.memory_space<hbm>> -> memref<16x128xf32, #tpu.memory_space<hbm>>
        %dma_start3A_35 = arith.constant 9984 : i32
        %dma_start3A_36 = arith.constant 0 : i32
        %dma_start3A_37 = tpu.memref_slice %arg13[%dma_start3A_35, %dma_start3A_36] : memref<10016x128xf32, #tpu.memory_space<vmem_shared>> -> memref<16x128xf32, #tpu.memory_space<vmem_shared>>
        tpu.enqueue_dma source(%dma_start3A_37 : memref<16x128xf32, #tpu.memory_space<vmem_shared>>) target(%dma_start3A_34 : memref<16x128xf32, #tpu.memory_space<hbm>>) target_semaphore(%run_scoped3A : memref<!tpu.dma_semaphore, #tpu.memory_space<semaphore_mem>>)
        %dma_wait3A = arith.constant 9984 : i32
        %dma_wait3A_38 = arith.constant 0 : i32
        %dma_wait3A_39 = tpu.memref_slice %arg5[%arg0, %dma_wait3A, %dma_wait3A_38] : memref<2x10000x128xf32, #tpu.memory_space<hbm>> -> memref<1x16x128xf32, #tpu.memory_space<hbm>>
        %dma_wait3A_40 = tpu.memref_squeeze %dma_wait3A_39 : memref<1x16x128xf32, #tpu.memory_space<hbm>> -> memref<16x128xf32, #tpu.memory_space<hbm>>
        %dma_wait3A_41 = arith.constant 9984 : i32
        %dma_wait3A_42 = arith.constant 0 : i32
        %dma_wait3A_43 = tpu.memref_slice %arg13[%dma_wait3A_41, %dma_wait3A_42] : memref<10016x128xf32, #tpu.memory_space<vmem_shared>> -> memref<16x128xf32, #tpu.memory_space<vmem_shared>>
        tpu.wait_dma2 semaphore(%run_scoped3A : memref<!tpu.dma_semaphore, #tpu.memory_space<semaphore_mem>>) src(%dma_wait3A_43 : memref<16x128xf32, #tpu.memory_space<vmem_shared>>) dst(%dma_wait3A_40 : memref<16x128xf32, #tpu.memory_space<hbm>>)
        tpu.yield
      }) : () -> ()
    } else {
    }
    return
  }
}

#map = affine_map<(d0, d1) -> (0, 0)>
#map1 = affine_map<(d0, d1) -> (0, 0, 0)>
module attributes {stable_mosaic.version = 14 : i64} {
  func.func @k(%arg0: i32, %arg1: i32, %arg2: memref<10000x128xf32, #tpu.memory_space<hbm>>, %arg3: memref<2560x128xi32, #tpu.memory_space<hbm>>, %arg4: memref<2560x128xi32, #tpu.memory_space<hbm>>, %arg5: memref<2x10000x128xf32, #tpu.memory_space<hbm>>, %arg6: memref<128xi32, #tpu.memory_space<vmem>>, %arg7: memref<128xi32, #tpu.memory_space<vmem>>, %arg8: memref<128xi32, #tpu.memory_space<vmem>>, %arg9: memref<128xi32, #tpu.memory_space<vmem>>, %arg10: memref<128x128xf32, #tpu.memory_space<vmem>>, %arg11: memref<128x128xf32, #tpu.memory_space<vmem>>, %arg12: memref<104x128xf32, #tpu.memory_space<vmem>>, %arg13: memref<10016x128xf32, #tpu.memory_space<vmem_shared>>, %arg14: memref<!tpu.dma_semaphore, #tpu.memory_space<semaphore_mem>>, %arg15: memref<!tpu.dma_semaphore, #tpu.memory_space<semaphore_mem>>, %arg16: memref<!tpu.dma_semaphore, #tpu.memory_space<semaphore_mem>>, %arg17: memref<!tpu.dma_semaphore, #tpu.memory_space<semaphore_mem>>) attributes {dimension_semantics = [#tpu.dimension_semantics<core_parallel>, #tpu.dimension_semantics<subcore_parallel>], iteration_bounds = array<i64: 2, 16>, scalar_prefetch = 0 : i64, scratch_operands = 12 : i64, tpu.core_type = #tpu.core_type<sc_vector_subcore>, window_params = [{transform_indices = #map}, {transform_indices = #map}, {transform_indices = #map}, {transform_indices = #map1}]} {
    %mul3A = arith.constant 16 : i32
    %mul3A_0 = arith.muli %arg0, %mul3A : i32
    %add3A = arith.addi %mul3A_0, %arg1 : i32
    %mul3A_1 = arith.constant 624 : i32
    %mul3A_2 = arith.muli %arg1, %mul3A_1 : i32
    %scan3A = arith.constant 0 : i32
    %scan3A_3 = arith.constant 104 : i32
    %scan3A_4 = arith.addi %scan3A, %scan3A_3 : i32
    %scan3A_5 = arith.constant 1 : i32
    scf.for %scan3A_32 = %scan3A to %scan3A_4 step %scan3A_5  : i32 {
      %mul3A_33 = arith.constant 1 : i32
      %mul3A_34 = arith.muli %scan3A_32, %mul3A_33 : i32
      %add3A_35 = arith.constant 0 : i32
      %add3A_36 = arith.addi %add3A_35, %mul3A_34 : i32
      %scan3A_37 = arith.constant 0 : i32
      %scan3A_38 = arith.constant 8 : i32
      %scan3A_39 = arith.addi %scan3A_37, %scan3A_38 : i32
      %scan3A_40 = arith.constant 1 : i32
      scf.for %scan3A_42 = %scan3A_37 to %scan3A_39 step %scan3A_40  : i32 {
        %mul3A_43 = arith.constant 16 : i32
        %mul3A_44 = arith.muli %scan3A_42, %mul3A_43 : i32
        %add3A_45 = arith.constant 0 : i32
        %add3A_46 = arith.addi %add3A_45, %mul3A_44 : i32
        %broadcast_in_dim3A = arith.constant 0.000000e+00 : f32
        %broadcast_in_dim3A_47 = vector.broadcast %broadcast_in_dim3A : f32 to vector<16xf32>
        %swap3A = arith.index_cast %add3A_36 : i32 to index
        %swap3A_48 = arith.index_cast %add3A_46 : i32 to index
        %swap3A_49 = tpu.vector_load %arg12[%swap3A, %swap3A_48] {strides = array<i32>} : memref<104x128xf32, #tpu.memory_space<vmem>>, vector<1x16xf32>,
        %swap3A_50 = vector.shape_cast %swap3A_49 : vector<1x16xf32> to vector<16xf32>
        %swap3A_51 = vector.shape_cast %broadcast_in_dim3A_47 : vector<16xf32> to vector<1x16xf32>
        tpu.vector_store %arg12[%swap3A, %swap3A_48], %swap3A_51 {strides = array<i32>} : memref<104x128xf32, #tpu.memory_space<vmem>>, vector<1x16xf32>,
      }
      %scan3A_41 = arith.constant 8 : i32
    }
    %scan3A_6 = arith.constant 104 : i32
    %add3A_7 = arith.constant 0 : i32
    %add3A_8 = arith.addi %mul3A_2, %add3A_7 : i32
    "tpu.region"() ({
      %run_scoped3A = tpu.sem_alloc : memref<!tpu.dma_semaphore, #tpu.memory_space<semaphore_mem>>
      %dma_start3A = arith.constant 0 : i32
      %dma_start3A_32 = tpu.memref_slice %arg13[%add3A_8, %dma_start3A] : memref<10016x128xf32, #tpu.memory_space<vmem_shared>> -> memref<104x128xf32, #tpu.memory_space<vmem_shared>>
      %dma_start3A_33 = arith.constant 0 : i32
      %dma_start3A_34 = tpu.memref_slice %arg13[%add3A_8, %dma_start3A_33] : memref<10016x128xf32, #tpu.memory_space<vmem_shared>> -> memref<104x128xf32, #tpu.memory_space<vmem_shared>>
      tpu.enqueue_dma source(%arg12 : memref<104x128xf32, #tpu.memory_space<vmem>>) target(%dma_start3A_34 : memref<104x128xf32, #tpu.memory_space<vmem_shared>>) target_semaphore(%run_scoped3A : memref<!tpu.dma_semaphore, #tpu.memory_space<semaphore_mem>>)
      %dma_wait3A = arith.constant 0 : i32
      %dma_wait3A_35 = tpu.memref_slice %arg13[%add3A_8, %dma_wait3A] : memref<10016x128xf32, #tpu.memory_space<vmem_shared>> -> memref<104x128xf32, #tpu.memory_space<vmem_shared>>
      %dma_wait3A_36 = arith.constant 0 : i32
      %dma_wait3A_37 = tpu.memref_slice %arg13[%add3A_8, %dma_wait3A_36] : memref<10016x128xf32, #tpu.memory_space<vmem_shared>> -> memref<104x128xf32, #tpu.memory_space<vmem_shared>>
      tpu.wait_dma2 semaphore(%run_scoped3A : memref<!tpu.dma_semaphore, #tpu.memory_space<semaphore_mem>>) src(%arg12 : memref<104x128xf32, #tpu.memory_space<vmem>>) dst(%dma_wait3A_37 : memref<104x128xf32, #tpu.memory_space<vmem_shared>>)
      tpu.yield
    }) : () -> ()
    %add3A_9 = arith.constant 104 : i32
    %add3A_10 = arith.addi %mul3A_2, %add3A_9 : i32
    "tpu.region"() ({
      %run_scoped3A = tpu.sem_alloc : memref<!tpu.dma_semaphore, #tpu.memory_space<semaphore_mem>>
      %dma_start3A = arith.constant 0 : i32
      %dma_start3A_32 = tpu.memref_slice %arg13[%add3A_10, %dma_start3A] : memref<10016x128xf32, #tpu.memory_space<vmem_shared>> -> memref<104x128xf32, #tpu.memory_space<vmem_shared>>
      %dma_start3A_33 = arith.constant 0 : i32
      %dma_start3A_34 = tpu.memref_slice %arg13[%add3A_10, %dma_start3A_33] : memref<10016x128xf32, #tpu.memory_space<vmem_shared>> -> memref<104x128xf32, #tpu.memory_space<vmem_shared>>
      tpu.enqueue_dma source(%arg12 : memref<104x128xf32, #tpu.memory_space<vmem>>) target(%dma_start3A_34 : memref<104x128xf32, #tpu.memory_space<vmem_shared>>) target_semaphore(%run_scoped3A : memref<!tpu.dma_semaphore, #tpu.memory_space<semaphore_mem>>)
      %dma_wait3A = arith.constant 0 : i32
      %dma_wait3A_35 = tpu.memref_slice %arg13[%add3A_10, %dma_wait3A] : memref<10016x128xf32, #tpu.memory_space<vmem_shared>> -> memref<104x128xf32, #tpu.memory_space<vmem_shared>>
      %dma_wait3A_36 = arith.constant 0 : i32
      %dma_wait3A_37 = tpu.memref_slice %arg13[%add3A_10, %dma_wait3A_36] : memref<10016x128xf32, #tpu.memory_space<vmem_shared>> -> memref<104x128xf32, #tpu.memory_space<vmem_shared>>
      tpu.wait_dma2 semaphore(%run_scoped3A : memref<!tpu.dma_semaphore, #tpu.memory_space<semaphore_mem>>) src(%arg12 : memref<104x128xf32, #tpu.memory_space<vmem>>) dst(%dma_wait3A_37 : memref<104x128xf32, #tpu.memory_space<vmem_shared>>)
      tpu.yield
    }) : () -> ()
    %add3A_11 = arith.constant 208 : i32
    %add3A_12 = arith.addi %mul3A_2, %add3A_11 : i32
    "tpu.region"() ({
      %run_scoped3A = tpu.sem_alloc : memref<!tpu.dma_semaphore, #tpu.memory_space<semaphore_mem>>
      %dma_start3A = arith.constant 0 : i32
      %dma_start3A_32 = tpu.memref_slice %arg13[%add3A_12, %dma_start3A] : memref<10016x128xf32, #tpu.memory_space<vmem_shared>> -> memref<104x128xf32, #tpu.memory_space<vmem_shared>>
      %dma_start3A_33 = arith.constant 0 : i32
      %dma_start3A_34 = tpu.memref_slice %arg13[%add3A_12, %dma_start3A_33] : memref<10016x128xf32, #tpu.memory_space<vmem_shared>> -> memref<104x128xf32, #tpu.memory_space<vmem_shared>>
      tpu.enqueue_dma source(%arg12 : memref<104x128xf32, #tpu.memory_space<vmem>>) target(%dma_start3A_34 : memref<104x128xf32, #tpu.memory_space<vmem_shared>>) target_semaphore(%run_scoped3A : memref<!tpu.dma_semaphore, #tpu.memory_space<semaphore_mem>>)
      %dma_wait3A = arith.constant 0 : i32
      %dma_wait3A_35 = tpu.memref_slice %arg13[%add3A_12, %dma_wait3A] : memref<10016x128xf32, #tpu.memory_space<vmem_shared>> -> memref<104x128xf32, #tpu.memory_space<vmem_shared>>
      %dma_wait3A_36 = arith.constant 0 : i32
      %dma_wait3A_37 = tpu.memref_slice %arg13[%add3A_12, %dma_wait3A_36] : memref<10016x128xf32, #tpu.memory_space<vmem_shared>> -> memref<104x128xf32, #tpu.memory_space<vmem_shared>>
      tpu.wait_dma2 semaphore(%run_scoped3A : memref<!tpu.dma_semaphore, #tpu.memory_space<semaphore_mem>>) src(%arg12 : memref<104x128xf32, #tpu.memory_space<vmem>>) dst(%dma_wait3A_37 : memref<104x128xf32, #tpu.memory_space<vmem_shared>>)
      tpu.yield
    }) : () -> ()
    %add3A_13 = arith.constant 312 : i32
    %add3A_14 = arith.addi %mul3A_2, %add3A_13 : i32
    "tpu.region"() ({
      %run_scoped3A = tpu.sem_alloc : memref<!tpu.dma_semaphore, #tpu.memory_space<semaphore_mem>>
      %dma_start3A = arith.constant 0 : i32
      %dma_start3A_32 = tpu.memref_slice %arg13[%add3A_14, %dma_start3A] : memref<10016x128xf32, #tpu.memory_space<vmem_shared>> -> memref<104x128xf32, #tpu.memory_space<vmem_shared>>
      %dma_start3A_33 = arith.constant 0 : i32
      %dma_start3A_34 = tpu.memref_slice %arg13[%add3A_14, %dma_start3A_33] : memref<10016x128xf32, #tpu.memory_space<vmem_shared>> -> memref<104x128xf32, #tpu.memory_space<vmem_shared>>
      tpu.enqueue_dma source(%arg12 : memref<104x128xf32, #tpu.memory_space<vmem>>) target(%dma_start3A_34 : memref<104x128xf32, #tpu.memory_space<vmem_shared>>) target_semaphore(%run_scoped3A : memref<!tpu.dma_semaphore, #tpu.memory_space<semaphore_mem>>)
      %dma_wait3A = arith.constant 0 : i32
      %dma_wait3A_35 = tpu.memref_slice %arg13[%add3A_14, %dma_wait3A] : memref<10016x128xf32, #tpu.memory_space<vmem_shared>> -> memref<104x128xf32, #tpu.memory_space<vmem_shared>>
      %dma_wait3A_36 = arith.constant 0 : i32
      %dma_wait3A_37 = tpu.memref_slice %arg13[%add3A_14, %dma_wait3A_36] : memref<10016x128xf32, #tpu.memory_space<vmem_shared>> -> memref<104x128xf32, #tpu.memory_space<vmem_shared>>
      tpu.wait_dma2 semaphore(%run_scoped3A : memref<!tpu.dma_semaphore, #tpu.memory_space<semaphore_mem>>) src(%arg12 : memref<104x128xf32, #tpu.memory_space<vmem>>) dst(%dma_wait3A_37 : memref<104x128xf32, #tpu.memory_space<vmem_shared>>)
      tpu.yield
    }) : () -> ()
    %add3A_15 = arith.constant 416 : i32
    %add3A_16 = arith.addi %mul3A_2, %add3A_15 : i32
    "tpu.region"() ({
      %run_scoped3A = tpu.sem_alloc : memref<!tpu.dma_semaphore, #tpu.memory_space<semaphore_mem>>
      %dma_start3A = arith.constant 0 : i32
      %dma_start3A_32 = tpu.memref_slice %arg13[%add3A_16, %dma_start3A] : memref<10016x128xf32, #tpu.memory_space<vmem_shared>> -> memref<104x128xf32, #tpu.memory_space<vmem_shared>>
      %dma_start3A_33 = arith.constant 0 : i32
      %dma_start3A_34 = tpu.memref_slice %arg13[%add3A_16, %dma_start3A_33] : memref<10016x128xf32, #tpu.memory_space<vmem_shared>> -> memref<104x128xf32, #tpu.memory_space<vmem_shared>>
      tpu.enqueue_dma source(%arg12 : memref<104x128xf32, #tpu.memory_space<vmem>>) target(%dma_start3A_34 : memref<104x128xf32, #tpu.memory_space<vmem_shared>>) target_semaphore(%run_scoped3A : memref<!tpu.dma_semaphore, #tpu.memory_space<semaphore_mem>>)
      %dma_wait3A = arith.constant 0 : i32
      %dma_wait3A_35 = tpu.memref_slice %arg13[%add3A_16, %dma_wait3A] : memref<10016x128xf32, #tpu.memory_space<vmem_shared>> -> memref<104x128xf32, #tpu.memory_space<vmem_shared>>
      %dma_wait3A_36 = arith.constant 0 : i32
      %dma_wait3A_37 = tpu.memref_slice %arg13[%add3A_16, %dma_wait3A_36] : memref<10016x128xf32, #tpu.memory_space<vmem_shared>> -> memref<104x128xf32, #tpu.memory_space<vmem_shared>>
      tpu.wait_dma2 semaphore(%run_scoped3A : memref<!tpu.dma_semaphore, #tpu.memory_space<semaphore_mem>>) src(%arg12 : memref<104x128xf32, #tpu.memory_space<vmem>>) dst(%dma_wait3A_37 : memref<104x128xf32, #tpu.memory_space<vmem_shared>>)
      tpu.yield
    }) : () -> ()
    %add3A_17 = arith.constant 520 : i32
    %add3A_18 = arith.addi %mul3A_2, %add3A_17 : i32
    "tpu.region"() ({
      %run_scoped3A = tpu.sem_alloc : memref<!tpu.dma_semaphore, #tpu.memory_space<semaphore_mem>>
      %dma_start3A = arith.constant 0 : i32
      %dma_start3A_32 = tpu.memref_slice %arg13[%add3A_18, %dma_start3A] : memref<10016x128xf32, #tpu.memory_space<vmem_shared>> -> memref<104x128xf32, #tpu.memory_space<vmem_shared>>
      %dma_start3A_33 = arith.constant 0 : i32
      %dma_start3A_34 = tpu.memref_slice %arg13[%add3A_18, %dma_start3A_33] : memref<10016x128xf32, #tpu.memory_space<vmem_shared>> -> memref<104x128xf32, #tpu.memory_space<vmem_shared>>
      tpu.enqueue_dma source(%arg12 : memref<104x128xf32, #tpu.memory_space<vmem>>) target(%dma_start3A_34 : memref<104x128xf32, #tpu.memory_space<vmem_shared>>) target_semaphore(%run_scoped3A : memref<!tpu.dma_semaphore, #tpu.memory_space<semaphore_mem>>)
      %dma_wait3A = arith.constant 0 : i32
      %dma_wait3A_35 = tpu.memref_slice %arg13[%add3A_18, %dma_wait3A] : memref<10016x128xf32, #tpu.memory_space<vmem_shared>> -> memref<104x128xf32, #tpu.memory_space<vmem_shared>>
      %dma_wait3A_36 = arith.constant 0 : i32
      %dma_wait3A_37 = tpu.memref_slice %arg13[%add3A_18, %dma_wait3A_36] : memref<10016x128xf32, #tpu.memory_space<vmem_shared>> -> memref<104x128xf32, #tpu.memory_space<vmem_shared>>
      tpu.wait_dma2 semaphore(%run_scoped3A : memref<!tpu.dma_semaphore, #tpu.memory_space<semaphore_mem>>) src(%arg12 : memref<104x128xf32, #tpu.memory_space<vmem>>) dst(%dma_wait3A_37 : memref<104x128xf32, #tpu.memory_space<vmem_shared>>)
      tpu.yield
    }) : () -> ()
    %eq3A = arith.constant 0 : i32
    %eq3A_19 = arith.cmpi eq, %arg1, %eq3A : i32
    %convert_element_type3A = arith.extui %eq3A_19 : i1 to i32
    %cond3A = arith.constant 0 : i32
    %cond3A_20 = arith.cmpi ne, %convert_element_type3A, %cond3A : i32
    scf.if %cond3A_20 {
      "tpu.region"() ({
        %run_scoped3A = tpu.sem_alloc : memref<!tpu.dma_semaphore, #tpu.memory_space<semaphore_mem>>
        %dma_start3A = arith.constant 0 : i32
        %dma_start3A_32 = arith.constant 0 : i32
        %dma_start3A_33 = tpu.memref_slice %arg12[%dma_start3A, %dma_start3A_32] : memref<104x128xf32, #tpu.memory_space<vmem>> -> memref<32x128xf32, #tpu.memory_space<vmem>>
        %dma_start3A_34 = arith.constant 9984 : i32
        %dma_start3A_35 = arith.constant 0 : i32
        %dma_start3A_36 = tpu.memref_slice %arg13[%dma_start3A_34, %dma_start3A_35] : memref<10016x128xf32, #tpu.memory_space<vmem_shared>> -> memref<32x128xf32, #tpu.memory_space<vmem_shared>>
        %dma_start3A_37 = arith.constant 9984 : i32
        %dma_start3A_38 = arith.constant 0 : i32
        %dma_start3A_39 = tpu.memref_slice %arg13[%dma_start3A_37, %dma_start3A_38] : memref<10016x128xf32, #tpu.memory_space<vmem_shared>> -> memref<32x128xf32, #tpu.memory_space<vmem_shared>>
        %dma_start3A_40 = arith.constant 0 : i32
        %dma_start3A_41 = arith.constant 0 : i32
        %dma_start3A_42 = tpu.memref_slice %arg12[%dma_start3A_40, %dma_start3A_41] : memref<104x128xf32, #tpu.memory_space<vmem>> -> memref<32x128xf32, #tpu.memory_space<vmem>>
        tpu.enqueue_dma source(%dma_start3A_42 : memref<32x128xf32, #tpu.memory_space<vmem>>) target(%dma_start3A_39 : memref<32x128xf32, #tpu.memory_space<vmem_shared>>) target_semaphore(%run_scoped3A : memref<!tpu.dma_semaphore, #tpu.memory_space<semaphore_mem>>)
        %dma_wait3A = arith.constant 0 : i32
        %dma_wait3A_43 = arith.constant 0 : i32
        %dma_wait3A_44 = tpu.memref_slice %arg12[%dma_wait3A, %dma_wait3A_43] : memref<104x128xf32, #tpu.memory_space<vmem>> -> memref<32x128xf32, #tpu.memory_space<vmem>>
        %dma_wait3A_45 = arith.constant 9984 : i32
        %dma_wait3A_46 = arith.constant 0 : i32
        %dma_wait3A_47 = tpu.memref_slice %arg13[%dma_wait3A_45, %dma_wait3A_46] : memref<10016x128xf32, #tpu.memory_space<vmem_shared>> -> memref<32x128xf32, #tpu.memory_space<vmem_shared>>
        %dma_wait3A_48 = arith.constant 9984 : i32
        %dma_wait3A_49 = arith.constant 0 : i32
        %dma_wait3A_50 = tpu.memref_slice %arg13[%dma_wait3A_48, %dma_wait3A_49] : memref<10016x128xf32, #tpu.memory_space<vmem_shared>> -> memref<32x128xf32, #tpu.memory_space<vmem_shared>>
        %dma_wait3A_51 = arith.constant 0 : i32
        %dma_wait3A_52 = arith.constant 0 : i32
        %dma_wait3A_53 = tpu.memref_slice %arg12[%dma_wait3A_51, %dma_wait3A_52] : memref<104x128xf32, #tpu.memory_space<vmem>> -> memref<32x128xf32, #tpu.memory_space<vmem>>
        tpu.wait_dma2 semaphore(%run_scoped3A : memref<!tpu.dma_semaphore, #tpu.memory_space<semaphore_mem>>) src(%dma_wait3A_53 : memref<32x128xf32, #tpu.memory_space<vmem>>) dst(%dma_wait3A_50 : memref<32x128xf32, #tpu.memory_space<vmem_shared>>)
        tpu.yield
      }) : () -> ()
    } else {
    }
    %barrier3A = arith.constant 0 : index
    tpu.barrier barrier_id(%barrier3A)
    %scan3A_21 = arith.constant 0 : i32
    %scan3A_22 = arith.constant 80 : i32
    %scan3A_23 = arith.addi %scan3A_21, %scan3A_22 : i32
    %scan3A_24 = arith.constant 1 : i32
    scf.for %scan3A_32 = %scan3A_21 to %scan3A_23 step %scan3A_24  : i32 {
      %mul3A_33 = arith.constant 1 : i32
      %mul3A_34 = arith.muli %scan3A_32, %mul3A_33 : i32
      %add3A_35 = arith.constant 0 : i32
      %add3A_36 = arith.addi %add3A_35, %mul3A_34 : i32
      %mul3A_37 = arith.constant 80 : i32
      %mul3A_38 = arith.muli %add3A, %mul3A_37 : i32
      %add3A_39 = arith.addi %mul3A_38, %add3A_36 : i32
      %dma_start3A = arith.constant 0 : i32
      %dma_start3A_40 = tpu.memref_slice %arg3[%add3A_39, %dma_start3A] : memref<2560x128xi32, #tpu.memory_space<hbm>> -> memref<1x128xi32, #tpu.memory_space<hbm>>
      %dma_start3A_41 = tpu.memref_squeeze %dma_start3A_40 : memref<1x128xi32, #tpu.memory_space<hbm>> -> memref<128xi32, #tpu.memory_space<hbm>>
      %dma_start3A_42 = arith.constant 0 : i32
      %dma_start3A_43 = tpu.memref_slice %arg3[%add3A_39, %dma_start3A_42] : memref<2560x128xi32, #tpu.memory_space<hbm>> -> memref<1x128xi32, #tpu.memory_space<hbm>>
      %dma_start3A_44 = tpu.memref_squeeze %dma_start3A_43 : memref<1x128xi32, #tpu.memory_space<hbm>> -> memref<128xi32, #tpu.memory_space<hbm>>
      tpu.enqueue_dma source(%dma_start3A_44 : memref<128xi32, #tpu.memory_space<hbm>>) target(%arg6 : memref<128xi32, #tpu.memory_space<vmem>>) target_semaphore(%arg16 : memref<!tpu.dma_semaphore, #tpu.memory_space<semaphore_mem>>)
      %dma_start3A_45 = arith.constant 0 : i32
      %dma_start3A_46 = tpu.memref_slice %arg4[%add3A_39, %dma_start3A_45] : memref<2560x128xi32, #tpu.memory_space<hbm>> -> memref<1x128xi32, #tpu.memory_space<hbm>>
      %dma_start3A_47 = tpu.memref_squeeze %dma_start3A_46 : memref<1x128xi32, #tpu.memory_space<hbm>> -> memref<128xi32, #tpu.memory_space<hbm>>
      %dma_start3A_48 = arith.constant 0 : i32
      %dma_start3A_49 = tpu.memref_slice %arg4[%add3A_39, %dma_start3A_48] : memref<2560x128xi32, #tpu.memory_space<hbm>> -> memref<1x128xi32, #tpu.memory_space<hbm>>
      %dma_start3A_50 = tpu.memref_squeeze %dma_start3A_49 : memref<1x128xi32, #tpu.memory_space<hbm>> -> memref<128xi32, #tpu.memory_space<hbm>>
      tpu.enqueue_dma source(%dma_start3A_50 : memref<128xi32, #tpu.memory_space<hbm>>) target(%arg8 : memref<128xi32, #tpu.memory_space<vmem>>) target_semaphore(%arg17 : memref<!tpu.dma_semaphore, #tpu.memory_space<semaphore_mem>>)
      %dma_wait3A = arith.constant 0 : i32
      %dma_wait3A_51 = tpu.memref_slice %arg3[%add3A_39, %dma_wait3A] : memref<2560x128xi32, #tpu.memory_space<hbm>> -> memref<1x128xi32, #tpu.memory_space<hbm>>
      %dma_wait3A_52 = tpu.memref_squeeze %dma_wait3A_51 : memref<1x128xi32, #tpu.memory_space<hbm>> -> memref<128xi32, #tpu.memory_space<hbm>>
      %dma_wait3A_53 = arith.constant 0 : i32
      %dma_wait3A_54 = tpu.memref_slice %arg3[%add3A_39, %dma_wait3A_53] : memref<2560x128xi32, #tpu.memory_space<hbm>> -> memref<1x128xi32, #tpu.memory_space<hbm>>
      %dma_wait3A_55 = tpu.memref_squeeze %dma_wait3A_54 : memref<1x128xi32, #tpu.memory_space<hbm>> -> memref<128xi32, #tpu.memory_space<hbm>>
      tpu.wait_dma2 semaphore(%arg16 : memref<!tpu.dma_semaphore, #tpu.memory_space<semaphore_mem>>) src(%dma_wait3A_55 : memref<128xi32, #tpu.memory_space<hbm>>) dst(%arg6 : memref<128xi32, #tpu.memory_space<vmem>>)
      %dma_wait3A_56 = arith.constant 0 : i32
      %dma_wait3A_57 = tpu.memref_slice %arg4[%add3A_39, %dma_wait3A_56] : memref<2560x128xi32, #tpu.memory_space<hbm>> -> memref<1x128xi32, #tpu.memory_space<hbm>>
      %dma_wait3A_58 = tpu.memref_squeeze %dma_wait3A_57 : memref<1x128xi32, #tpu.memory_space<hbm>> -> memref<128xi32, #tpu.memory_space<hbm>>
      %dma_wait3A_59 = arith.constant 0 : i32
      %dma_wait3A_60 = tpu.memref_slice %arg4[%add3A_39, %dma_wait3A_59] : memref<2560x128xi32, #tpu.memory_space<hbm>> -> memref<1x128xi32, #tpu.memory_space<hbm>>
      %dma_wait3A_61 = tpu.memref_squeeze %dma_wait3A_60 : memref<1x128xi32, #tpu.memory_space<hbm>> -> memref<128xi32, #tpu.memory_space<hbm>>
      tpu.wait_dma2 semaphore(%arg17 : memref<!tpu.dma_semaphore, #tpu.memory_space<semaphore_mem>>) src(%dma_wait3A_61 : memref<128xi32, #tpu.memory_space<hbm>>) dst(%arg8 : memref<128xi32, #tpu.memory_space<vmem>>)
      %dma_start3A_62 = arith.constant 0 : i32
      %dma_start3A_63 = arith.constant 0 : i32
      %dma_start3A_64 = tpu.memref_slice %arg2[%dma_start3A_62, %dma_start3A_63] : memref<10000x128xf32, #tpu.memory_space<hbm>> -> memref<10000x128xf32, #tpu.memory_space<hbm>>
      tpu.enqueue_indirect_dma source(%dma_start3A_64 : memref<10000x128xf32, #tpu.memory_space<hbm>>) target(%arg10 : memref<128x128xf32, #tpu.memory_space<vmem>>) offsets(%arg6 : memref<128xi32, #tpu.memory_space<vmem>>) semaphore(%arg14 : memref<!tpu.dma_semaphore, #tpu.memory_space<semaphore_mem>>)
      %dma_wait3A_65 = arith.constant 0 : i32
      %dma_wait3A_66 = arith.constant 0 : i32
      %dma_wait3A_67 = tpu.memref_slice %arg2[%dma_wait3A_65, %dma_wait3A_66] : memref<10000x128xf32, #tpu.memory_space<hbm>> -> memref<10000x128xf32, #tpu.memory_space<hbm>>
      tpu.wait_indirect_dma semaphore(%arg14 : memref<!tpu.dma_semaphore, #tpu.memory_space<semaphore_mem>>) src(%dma_wait3A_67 : memref<10000x128xf32, #tpu.memory_space<hbm>>) dst(%arg10 : memref<128x128xf32, #tpu.memory_space<vmem>>)
      "tpu.region"() ({
        %run_scoped3A = tpu.sem_alloc : memref<!tpu.dma_semaphore, #tpu.memory_space<semaphore_mem>>
        %dma_start3A_68 = arith.constant 0 : i32
        %dma_start3A_69 = arith.constant 0 : i32
        %dma_start3A_70 = tpu.memref_slice %arg13[%dma_start3A_68, %dma_start3A_69] : memref<10016x128xf32, #tpu.memory_space<vmem_shared>> -> memref<10016x128xf32, #tpu.memory_space<vmem_shared>>
        tpu.enqueue_indirect_dma source(%arg10 : memref<128x128xf32, #tpu.memory_space<vmem>>) target(%dma_start3A_70 : memref<10016x128xf32, #tpu.memory_space<vmem_shared>>) offsets(%arg8 : memref<128xi32, #tpu.memory_space<vmem>>) semaphore(%run_scoped3A : memref<!tpu.dma_semaphore, #tpu.memory_space<semaphore_mem>>) {add = true}
        %dma_wait3A_71 = arith.constant 0 : i32
        %dma_wait3A_72 = arith.constant 0 : i32
        %dma_wait3A_73 = tpu.memref_slice %arg13[%dma_wait3A_71, %dma_wait3A_72] : memref<10016x128xf32, #tpu.memory_space<vmem_shared>> -> memref<10016x128xf32, #tpu.memory_space<vmem_shared>>
        tpu.wait_indirect_dma semaphore(%run_scoped3A : memref<!tpu.dma_semaphore, #tpu.memory_space<semaphore_mem>>) src(%arg10 : memref<128x128xf32, #tpu.memory_space<vmem>>) dst(%dma_wait3A_73 : memref<10016x128xf32, #tpu.memory_space<vmem_shared>>)
        tpu.yield
      }) : () -> ()
    }
    %scan3A_25 = arith.constant 80 : i32
    %barrier3A_26 = arith.constant 0 : index
    tpu.barrier barrier_id(%barrier3A_26)
    "tpu.region"() ({
      %run_scoped3A = tpu.sem_alloc : memref<!tpu.dma_semaphore, #tpu.memory_space<semaphore_mem>>
      %dma_start3A = arith.constant 0 : i32
      %dma_start3A_32 = tpu.memref_slice %arg5[%arg0, %mul3A_2, %dma_start3A] : memref<2x10000x128xf32, #tpu.memory_space<hbm>> -> memref<1x624x128xf32, #tpu.memory_space<hbm>>
      %dma_start3A_33 = tpu.memref_squeeze %dma_start3A_32 : memref<1x624x128xf32, #tpu.memory_space<hbm>> -> memref<624x128xf32, #tpu.memory_space<hbm>>
      %dma_start3A_34 = arith.constant 0 : i32
      %dma_start3A_35 = tpu.memref_slice %arg13[%mul3A_2, %dma_start3A_34] : memref<10016x128xf32, #tpu.memory_space<vmem_shared>> -> memref<624x128xf32, #tpu.memory_space<vmem_shared>>
      tpu.enqueue_dma source(%dma_start3A_35 : memref<624x128xf32, #tpu.memory_space<vmem_shared>>) target(%dma_start3A_33 : memref<624x128xf32, #tpu.memory_space<hbm>>) target_semaphore(%run_scoped3A : memref<!tpu.dma_semaphore, #tpu.memory_space<semaphore_mem>>)
      %dma_wait3A = arith.constant 0 : i32
      %dma_wait3A_36 = tpu.memref_slice %arg5[%arg0, %mul3A_2, %dma_wait3A] : memref<2x10000x128xf32, #tpu.memory_space<hbm>> -> memref<1x624x128xf32, #tpu.memory_space<hbm>>
      %dma_wait3A_37 = tpu.memref_squeeze %dma_wait3A_36 : memref<1x624x128xf32, #tpu.memory_space<hbm>> -> memref<624x128xf32, #tpu.memory_space<hbm>>
      %dma_wait3A_38 = arith.constant 0 : i32
      %dma_wait3A_39 = tpu.memref_slice %arg13[%mul3A_2, %dma_wait3A_38] : memref<10016x128xf32, #tpu.memory_space<vmem_shared>> -> memref<624x128xf32, #tpu.memory_space<vmem_shared>>
      tpu.wait_dma2 semaphore(%run_scoped3A : memref<!tpu.dma_semaphore, #tpu.memory_space<semaphore_mem>>) src(%dma_wait3A_39 : memref<624x128xf32, #tpu.memory_space<vmem_shared>>) dst(%dma_wait3A_37 : memref<624x128xf32, #tpu.memory_space<hbm>>)
      tpu.yield
    }) : () -> ()
    %eq3A_27 = arith.constant 0 : i32
    %eq3A_28 = arith.cmpi eq, %arg1, %eq3A_27 : i32
    %convert_element_type3A_29 = arith.extui %eq3A_28 : i1 to i32
    %cond3A_30 = arith.constant 0 : i32
    %cond3A_31 = arith.cmpi ne, %convert_element_type3A_29, %cond3A_30 : i32
    scf.if %cond3A_31 {
      "tpu.region"() ({
        %run_scoped3A = tpu.sem_alloc : memref<!tpu.dma_semaphore, #tpu.memory_space<semaphore_mem>>
        %dma_start3A = arith.constant 9984 : i32
        %dma_start3A_32 = arith.constant 0 : i32
        %dma_start3A_33 = tpu.memref_slice %arg5[%arg0, %dma_start3A, %dma_start3A_32] : memref<2x10000x128xf32, #tpu.memory_space<hbm>> -> memref<1x16x128xf32, #tpu.memory_space<hbm>>
        %dma_start3A_34 = tpu.memref_squeeze %dma_start3A_33 : memref<1x16x128xf32, #tpu.memory_space<hbm>> -> memref<16x128xf32, #tpu.memory_space<hbm>>
        %dma_start3A_35 = arith.constant 9984 : i32
        %dma_start3A_36 = arith.constant 0 : i32
        %dma_start3A_37 = tpu.memref_slice %arg13[%dma_start3A_35, %dma_start3A_36] : memref<10016x128xf32, #tpu.memory_space<vmem_shared>> -> memref<16x128xf32, #tpu.memory_space<vmem_shared>>
        tpu.enqueue_dma source(%dma_start3A_37 : memref<16x128xf32, #tpu.memory_space<vmem_shared>>) target(%dma_start3A_34 : memref<16x128xf32, #tpu.memory_space<hbm>>) target_semaphore(%run_scoped3A : memref<!tpu.dma_semaphore, #tpu.memory_space<semaphore_mem>>)
        %dma_wait3A = arith.constant 9984 : i32
        %dma_wait3A_38 = arith.constant 0 : i32
        %dma_wait3A_39 = tpu.memref_slice %arg5[%arg0, %dma_wait3A, %dma_wait3A_38] : memref<2x10000x128xf32, #tpu.memory_space<hbm>> -> memref<1x16x128xf32, #tpu.memory_space<hbm>>
        %dma_wait3A_40 = tpu.memref_squeeze %dma_wait3A_39 : memref<1x16x128xf32, #tpu.memory_space<hbm>> -> memref<16x128xf32, #tpu.memory_space<hbm>>
        %dma_wait3A_41 = arith.constant 9984 : i32
        %dma_wait3A_42 = arith.constant 0 : i32
        %dma_wait3A_43 = tpu.memref_slice %arg13[%dma_wait3A_41, %dma_wait3A_42] : memref<10016x128xf32, #tpu.memory_space<vmem_shared>> -> memref<16x128xf32, #tpu.memory_space<vmem_shared>>
        tpu.wait_dma2 semaphore(%run_scoped3A : memref<!tpu.dma_semaphore, #tpu.memory_space<semaphore_mem>>) src(%dma_wait3A_43 : memref<16x128xf32, #tpu.memory_space<vmem_shared>>) dst(%dma_wait3A_40 : memref<16x128xf32, #tpu.memory_space<hbm>>)
        tpu.yield
      }) : () -> ()
    } else {
    }
    return
  }
}

#map = affine_map<(d0, d1) -> (0, 0)>
#map1 = affine_map<(d0, d1) -> (0, 0, 0)>
module attributes {stable_mosaic.version = 14 : i64} {
  func.func @k(%arg0: i32, %arg1: i32, %arg2: memref<10000x128xf32, #tpu.memory_space<hbm>>, %arg3: memref<2560x128xi32, #tpu.memory_space<hbm>>, %arg4: memref<2560x128xi32, #tpu.memory_space<hbm>>, %arg5: memref<2x10000x128xf32, #tpu.memory_space<hbm>>, %arg6: memref<128xi32, #tpu.memory_space<vmem>>, %arg7: memref<128xi32, #tpu.memory_space<vmem>>, %arg8: memref<128xi32, #tpu.memory_space<vmem>>, %arg9: memref<128xi32, #tpu.memory_space<vmem>>, %arg10: memref<128x128xf32, #tpu.memory_space<vmem>>, %arg11: memref<128x128xf32, #tpu.memory_space<vmem>>, %arg12: memref<104x128xf32, #tpu.memory_space<vmem>>, %arg13: memref<10016x128xf32, #tpu.memory_space<vmem_shared>>, %arg14: memref<!tpu.dma_semaphore, #tpu.memory_space<semaphore_mem>>, %arg15: memref<!tpu.dma_semaphore, #tpu.memory_space<semaphore_mem>>, %arg16: memref<!tpu.dma_semaphore, #tpu.memory_space<semaphore_mem>>, %arg17: memref<!tpu.dma_semaphore, #tpu.memory_space<semaphore_mem>>) attributes {dimension_semantics = [#tpu.dimension_semantics<core_parallel>, #tpu.dimension_semantics<subcore_parallel>], iteration_bounds = array<i64: 2, 16>, scalar_prefetch = 0 : i64, scratch_operands = 12 : i64, tpu.core_type = #tpu.core_type<sc_vector_subcore>, window_params = [{transform_indices = #map}, {transform_indices = #map}, {transform_indices = #map}, {transform_indices = #map1}]} {
    %mul3A = arith.constant 16 : i32
    %mul3A_0 = arith.muli %arg0, %mul3A : i32
    %add3A = arith.addi %mul3A_0, %arg1 : i32
    %mul3A_1 = arith.constant 624 : i32
    %mul3A_2 = arith.muli %arg1, %mul3A_1 : i32
    %scan3A = arith.constant 0 : i32
    %scan3A_3 = arith.constant 104 : i32
    %scan3A_4 = arith.addi %scan3A, %scan3A_3 : i32
    %scan3A_5 = arith.constant 1 : i32
    scf.for %scan3A_32 = %scan3A to %scan3A_4 step %scan3A_5  : i32 {
      %mul3A_33 = arith.constant 1 : i32
      %mul3A_34 = arith.muli %scan3A_32, %mul3A_33 : i32
      %add3A_35 = arith.constant 0 : i32
      %add3A_36 = arith.addi %add3A_35, %mul3A_34 : i32
      %scan3A_37 = arith.constant 0 : i32
      %scan3A_38 = arith.constant 8 : i32
      %scan3A_39 = arith.addi %scan3A_37, %scan3A_38 : i32
      %scan3A_40 = arith.constant 1 : i32
      scf.for %scan3A_42 = %scan3A_37 to %scan3A_39 step %scan3A_40  : i32 {
        %mul3A_43 = arith.constant 16 : i32
        %mul3A_44 = arith.muli %scan3A_42, %mul3A_43 : i32
        %add3A_45 = arith.constant 0 : i32
        %add3A_46 = arith.addi %add3A_45, %mul3A_44 : i32
        %broadcast_in_dim3A = arith.constant 0.000000e+00 : f32
        %broadcast_in_dim3A_47 = vector.broadcast %broadcast_in_dim3A : f32 to vector<16xf32>
        %swap3A = arith.index_cast %add3A_36 : i32 to index
        %swap3A_48 = arith.index_cast %add3A_46 : i32 to index
        %swap3A_49 = tpu.vector_load %arg12[%swap3A, %swap3A_48] {strides = array<i32>} : memref<104x128xf32, #tpu.memory_space<vmem>>, vector<1x16xf32>,
        %swap3A_50 = vector.shape_cast %swap3A_49 : vector<1x16xf32> to vector<16xf32>
        %swap3A_51 = vector.shape_cast %broadcast_in_dim3A_47 : vector<16xf32> to vector<1x16xf32>
        tpu.vector_store %arg12[%swap3A, %swap3A_48], %swap3A_51 {strides = array<i32>} : memref<104x128xf32, #tpu.memory_space<vmem>>, vector<1x16xf32>,
      }
      %scan3A_41 = arith.constant 8 : i32
    }
    %scan3A_6 = arith.constant 104 : i32
    %add3A_7 = arith.constant 0 : i32
    %add3A_8 = arith.addi %mul3A_2, %add3A_7 : i32
    "tpu.region"() ({
      %run_scoped3A = tpu.sem_alloc : memref<!tpu.dma_semaphore, #tpu.memory_space<semaphore_mem>>
      %dma_start3A = arith.constant 0 : i32
      %dma_start3A_32 = tpu.memref_slice %arg13[%add3A_8, %dma_start3A] : memref<10016x128xf32, #tpu.memory_space<vmem_shared>> -> memref<104x128xf32, #tpu.memory_space<vmem_shared>>
      %dma_start3A_33 = arith.constant 0 : i32
      %dma_start3A_34 = tpu.memref_slice %arg13[%add3A_8, %dma_start3A_33] : memref<10016x128xf32, #tpu.memory_space<vmem_shared>> -> memref<104x128xf32, #tpu.memory_space<vmem_shared>>
      tpu.enqueue_dma source(%arg12 : memref<104x128xf32, #tpu.memory_space<vmem>>) target(%dma_start3A_34 : memref<104x128xf32, #tpu.memory_space<vmem_shared>>) target_semaphore(%run_scoped3A : memref<!tpu.dma_semaphore, #tpu.memory_space<semaphore_mem>>)
      %dma_wait3A = arith.constant 0 : i32
      %dma_wait3A_35 = tpu.memref_slice %arg13[%add3A_8, %dma_wait3A] : memref<10016x128xf32, #tpu.memory_space<vmem_shared>> -> memref<104x128xf32, #tpu.memory_space<vmem_shared>>
      %dma_wait3A_36 = arith.constant 0 : i32
      %dma_wait3A_37 = tpu.memref_slice %arg13[%add3A_8, %dma_wait3A_36] : memref<10016x128xf32, #tpu.memory_space<vmem_shared>> -> memref<104x128xf32, #tpu.memory_space<vmem_shared>>
      tpu.wait_dma2 semaphore(%run_scoped3A : memref<!tpu.dma_semaphore, #tpu.memory_space<semaphore_mem>>) src(%arg12 : memref<104x128xf32, #tpu.memory_space<vmem>>) dst(%dma_wait3A_37 : memref<104x128xf32, #tpu.memory_space<vmem_shared>>)
      tpu.yield
    }) : () -> ()
    %add3A_9 = arith.constant 104 : i32
    %add3A_10 = arith.addi %mul3A_2, %add3A_9 : i32
    "tpu.region"() ({
      %run_scoped3A = tpu.sem_alloc : memref<!tpu.dma_semaphore, #tpu.memory_space<semaphore_mem>>
      %dma_start3A = arith.constant 0 : i32
      %dma_start3A_32 = tpu.memref_slice %arg13[%add3A_10, %dma_start3A] : memref<10016x128xf32, #tpu.memory_space<vmem_shared>> -> memref<104x128xf32, #tpu.memory_space<vmem_shared>>
      %dma_start3A_33 = arith.constant 0 : i32
      %dma_start3A_34 = tpu.memref_slice %arg13[%add3A_10, %dma_start3A_33] : memref<10016x128xf32, #tpu.memory_space<vmem_shared>> -> memref<104x128xf32, #tpu.memory_space<vmem_shared>>
      tpu.enqueue_dma source(%arg12 : memref<104x128xf32, #tpu.memory_space<vmem>>) target(%dma_start3A_34 : memref<104x128xf32, #tpu.memory_space<vmem_shared>>) target_semaphore(%run_scoped3A : memref<!tpu.dma_semaphore, #tpu.memory_space<semaphore_mem>>)
      %dma_wait3A = arith.constant 0 : i32
      %dma_wait3A_35 = tpu.memref_slice %arg13[%add3A_10, %dma_wait3A] : memref<10016x128xf32, #tpu.memory_space<vmem_shared>> -> memref<104x128xf32, #tpu.memory_space<vmem_shared>>
      %dma_wait3A_36 = arith.constant 0 : i32
      %dma_wait3A_37 = tpu.memref_slice %arg13[%add3A_10, %dma_wait3A_36] : memref<10016x128xf32, #tpu.memory_space<vmem_shared>> -> memref<104x128xf32, #tpu.memory_space<vmem_shared>>
      tpu.wait_dma2 semaphore(%run_scoped3A : memref<!tpu.dma_semaphore, #tpu.memory_space<semaphore_mem>>) src(%arg12 : memref<104x128xf32, #tpu.memory_space<vmem>>) dst(%dma_wait3A_37 : memref<104x128xf32, #tpu.memory_space<vmem_shared>>)
      tpu.yield
    }) : () -> ()
    %add3A_11 = arith.constant 208 : i32
    %add3A_12 = arith.addi %mul3A_2, %add3A_11 : i32
    "tpu.region"() ({
      %run_scoped3A = tpu.sem_alloc : memref<!tpu.dma_semaphore, #tpu.memory_space<semaphore_mem>>
      %dma_start3A = arith.constant 0 : i32
      %dma_start3A_32 = tpu.memref_slice %arg13[%add3A_12, %dma_start3A] : memref<10016x128xf32, #tpu.memory_space<vmem_shared>> -> memref<104x128xf32, #tpu.memory_space<vmem_shared>>
      %dma_start3A_33 = arith.constant 0 : i32
      %dma_start3A_34 = tpu.memref_slice %arg13[%add3A_12, %dma_start3A_33] : memref<10016x128xf32, #tpu.memory_space<vmem_shared>> -> memref<104x128xf32, #tpu.memory_space<vmem_shared>>
      tpu.enqueue_dma source(%arg12 : memref<104x128xf32, #tpu.memory_space<vmem>>) target(%dma_start3A_34 : memref<104x128xf32, #tpu.memory_space<vmem_shared>>) target_semaphore(%run_scoped3A : memref<!tpu.dma_semaphore, #tpu.memory_space<semaphore_mem>>)
      %dma_wait3A = arith.constant 0 : i32
      %dma_wait3A_35 = tpu.memref_slice %arg13[%add3A_12, %dma_wait3A] : memref<10016x128xf32, #tpu.memory_space<vmem_shared>> -> memref<104x128xf32, #tpu.memory_space<vmem_shared>>
      %dma_wait3A_36 = arith.constant 0 : i32
      %dma_wait3A_37 = tpu.memref_slice %arg13[%add3A_12, %dma_wait3A_36] : memref<10016x128xf32, #tpu.memory_space<vmem_shared>> -> memref<104x128xf32, #tpu.memory_space<vmem_shared>>
      tpu.wait_dma2 semaphore(%run_scoped3A : memref<!tpu.dma_semaphore, #tpu.memory_space<semaphore_mem>>) src(%arg12 : memref<104x128xf32, #tpu.memory_space<vmem>>) dst(%dma_wait3A_37 : memref<104x128xf32, #tpu.memory_space<vmem_shared>>)
      tpu.yield
    }) : () -> ()
    %add3A_13 = arith.constant 312 : i32
    %add3A_14 = arith.addi %mul3A_2, %add3A_13 : i32
    "tpu.region"() ({
      %run_scoped3A = tpu.sem_alloc : memref<!tpu.dma_semaphore, #tpu.memory_space<semaphore_mem>>
      %dma_start3A = arith.constant 0 : i32
      %dma_start3A_32 = tpu.memref_slice %arg13[%add3A_14, %dma_start3A] : memref<10016x128xf32, #tpu.memory_space<vmem_shared>> -> memref<104x128xf32, #tpu.memory_space<vmem_shared>>
      %dma_start3A_33 = arith.constant 0 : i32
      %dma_start3A_34 = tpu.memref_slice %arg13[%add3A_14, %dma_start3A_33] : memref<10016x128xf32, #tpu.memory_space<vmem_shared>> -> memref<104x128xf32, #tpu.memory_space<vmem_shared>>
      tpu.enqueue_dma source(%arg12 : memref<104x128xf32, #tpu.memory_space<vmem>>) target(%dma_start3A_34 : memref<104x128xf32, #tpu.memory_space<vmem_shared>>) target_semaphore(%run_scoped3A : memref<!tpu.dma_semaphore, #tpu.memory_space<semaphore_mem>>)
      %dma_wait3A = arith.constant 0 : i32
      %dma_wait3A_35 = tpu.memref_slice %arg13[%add3A_14, %dma_wait3A] : memref<10016x128xf32, #tpu.memory_space<vmem_shared>> -> memref<104x128xf32, #tpu.memory_space<vmem_shared>>
      %dma_wait3A_36 = arith.constant 0 : i32
      %dma_wait3A_37 = tpu.memref_slice %arg13[%add3A_14, %dma_wait3A_36] : memref<10016x128xf32, #tpu.memory_space<vmem_shared>> -> memref<104x128xf32, #tpu.memory_space<vmem_shared>>
      tpu.wait_dma2 semaphore(%run_scoped3A : memref<!tpu.dma_semaphore, #tpu.memory_space<semaphore_mem>>) src(%arg12 : memref<104x128xf32, #tpu.memory_space<vmem>>) dst(%dma_wait3A_37 : memref<104x128xf32, #tpu.memory_space<vmem_shared>>)
      tpu.yield
    }) : () -> ()
    %add3A_15 = arith.constant 416 : i32
    %add3A_16 = arith.addi %mul3A_2, %add3A_15 : i32
    "tpu.region"() ({
      %run_scoped3A = tpu.sem_alloc : memref<!tpu.dma_semaphore, #tpu.memory_space<semaphore_mem>>
      %dma_start3A = arith.constant 0 : i32
      %dma_start3A_32 = tpu.memref_slice %arg13[%add3A_16, %dma_start3A] : memref<10016x128xf32, #tpu.memory_space<vmem_shared>> -> memref<104x128xf32, #tpu.memory_space<vmem_shared>>
      %dma_start3A_33 = arith.constant 0 : i32
      %dma_start3A_34 = tpu.memref_slice %arg13[%add3A_16, %dma_start3A_33] : memref<10016x128xf32, #tpu.memory_space<vmem_shared>> -> memref<104x128xf32, #tpu.memory_space<vmem_shared>>
      tpu.enqueue_dma source(%arg12 : memref<104x128xf32, #tpu.memory_space<vmem>>) target(%dma_start3A_34 : memref<104x128xf32, #tpu.memory_space<vmem_shared>>) target_semaphore(%run_scoped3A : memref<!tpu.dma_semaphore, #tpu.memory_space<semaphore_mem>>)
      %dma_wait3A = arith.constant 0 : i32
      %dma_wait3A_35 = tpu.memref_slice %arg13[%add3A_16, %dma_wait3A] : memref<10016x128xf32, #tpu.memory_space<vmem_shared>> -> memref<104x128xf32, #tpu.memory_space<vmem_shared>>
      %dma_wait3A_36 = arith.constant 0 : i32
      %dma_wait3A_37 = tpu.memref_slice %arg13[%add3A_16, %dma_wait3A_36] : memref<10016x128xf32, #tpu.memory_space<vmem_shared>> -> memref<104x128xf32, #tpu.memory_space<vmem_shared>>
      tpu.wait_dma2 semaphore(%run_scoped3A : memref<!tpu.dma_semaphore, #tpu.memory_space<semaphore_mem>>) src(%arg12 : memref<104x128xf32, #tpu.memory_space<vmem>>) dst(%dma_wait3A_37 : memref<104x128xf32, #tpu.memory_space<vmem_shared>>)
      tpu.yield
    }) : () -> ()
    %add3A_17 = arith.constant 520 : i32
    %add3A_18 = arith.addi %mul3A_2, %add3A_17 : i32
    "tpu.region"() ({
      %run_scoped3A = tpu.sem_alloc : memref<!tpu.dma_semaphore, #tpu.memory_space<semaphore_mem>>
      %dma_start3A = arith.constant 0 : i32
      %dma_start3A_32 = tpu.memref_slice %arg13[%add3A_18, %dma_start3A] : memref<10016x128xf32, #tpu.memory_space<vmem_shared>> -> memref<104x128xf32, #tpu.memory_space<vmem_shared>>
      %dma_start3A_33 = arith.constant 0 : i32
      %dma_start3A_34 = tpu.memref_slice %arg13[%add3A_18, %dma_start3A_33] : memref<10016x128xf32, #tpu.memory_space<vmem_shared>> -> memref<104x128xf32, #tpu.memory_space<vmem_shared>>
      tpu.enqueue_dma source(%arg12 : memref<104x128xf32, #tpu.memory_space<vmem>>) target(%dma_start3A_34 : memref<104x128xf32, #tpu.memory_space<vmem_shared>>) target_semaphore(%run_scoped3A : memref<!tpu.dma_semaphore, #tpu.memory_space<semaphore_mem>>)
      %dma_wait3A = arith.constant 0 : i32
      %dma_wait3A_35 = tpu.memref_slice %arg13[%add3A_18, %dma_wait3A] : memref<10016x128xf32, #tpu.memory_space<vmem_shared>> -> memref<104x128xf32, #tpu.memory_space<vmem_shared>>
      %dma_wait3A_36 = arith.constant 0 : i32
      %dma_wait3A_37 = tpu.memref_slice %arg13[%add3A_18, %dma_wait3A_36] : memref<10016x128xf32, #tpu.memory_space<vmem_shared>> -> memref<104x128xf32, #tpu.memory_space<vmem_shared>>
      tpu.wait_dma2 semaphore(%run_scoped3A : memref<!tpu.dma_semaphore, #tpu.memory_space<semaphore_mem>>) src(%arg12 : memref<104x128xf32, #tpu.memory_space<vmem>>) dst(%dma_wait3A_37 : memref<104x128xf32, #tpu.memory_space<vmem_shared>>)
      tpu.yield
    }) : () -> ()
    %eq3A = arith.constant 0 : i32
    %eq3A_19 = arith.cmpi eq, %arg1, %eq3A : i32
    %convert_element_type3A = arith.extui %eq3A_19 : i1 to i32
    %cond3A = arith.constant 0 : i32
    %cond3A_20 = arith.cmpi ne, %convert_element_type3A, %cond3A : i32
    scf.if %cond3A_20 {
      "tpu.region"() ({
        %run_scoped3A = tpu.sem_alloc : memref<!tpu.dma_semaphore, #tpu.memory_space<semaphore_mem>>
        %dma_start3A = arith.constant 0 : i32
        %dma_start3A_32 = arith.constant 0 : i32
        %dma_start3A_33 = tpu.memref_slice %arg12[%dma_start3A, %dma_start3A_32] : memref<104x128xf32, #tpu.memory_space<vmem>> -> memref<32x128xf32, #tpu.memory_space<vmem>>
        %dma_start3A_34 = arith.constant 9984 : i32
        %dma_start3A_35 = arith.constant 0 : i32
        %dma_start3A_36 = tpu.memref_slice %arg13[%dma_start3A_34, %dma_start3A_35] : memref<10016x128xf32, #tpu.memory_space<vmem_shared>> -> memref<32x128xf32, #tpu.memory_space<vmem_shared>>
        %dma_start3A_37 = arith.constant 9984 : i32
        %dma_start3A_38 = arith.constant 0 : i32
        %dma_start3A_39 = tpu.memref_slice %arg13[%dma_start3A_37, %dma_start3A_38] : memref<10016x128xf32, #tpu.memory_space<vmem_shared>> -> memref<32x128xf32, #tpu.memory_space<vmem_shared>>
        %dma_start3A_40 = arith.constant 0 : i32
        %dma_start3A_41 = arith.constant 0 : i32
        %dma_start3A_42 = tpu.memref_slice %arg12[%dma_start3A_40, %dma_start3A_41] : memref<104x128xf32, #tpu.memory_space<vmem>> -> memref<32x128xf32, #tpu.memory_space<vmem>>
        tpu.enqueue_dma source(%dma_start3A_42 : memref<32x128xf32, #tpu.memory_space<vmem>>) target(%dma_start3A_39 : memref<32x128xf32, #tpu.memory_space<vmem_shared>>) target_semaphore(%run_scoped3A : memref<!tpu.dma_semaphore, #tpu.memory_space<semaphore_mem>>)
        %dma_wait3A = arith.constant 0 : i32
        %dma_wait3A_43 = arith.constant 0 : i32
        %dma_wait3A_44 = tpu.memref_slice %arg12[%dma_wait3A, %dma_wait3A_43] : memref<104x128xf32, #tpu.memory_space<vmem>> -> memref<32x128xf32, #tpu.memory_space<vmem>>
        %dma_wait3A_45 = arith.constant 9984 : i32
        %dma_wait3A_46 = arith.constant 0 : i32
        %dma_wait3A_47 = tpu.memref_slice %arg13[%dma_wait3A_45, %dma_wait3A_46] : memref<10016x128xf32, #tpu.memory_space<vmem_shared>> -> memref<32x128xf32, #tpu.memory_space<vmem_shared>>
        %dma_wait3A_48 = arith.constant 9984 : i32
        %dma_wait3A_49 = arith.constant 0 : i32
        %dma_wait3A_50 = tpu.memref_slice %arg13[%dma_wait3A_48, %dma_wait3A_49] : memref<10016x128xf32, #tpu.memory_space<vmem_shared>> -> memref<32x128xf32, #tpu.memory_space<vmem_shared>>
        %dma_wait3A_51 = arith.constant 0 : i32
        %dma_wait3A_52 = arith.constant 0 : i32
        %dma_wait3A_53 = tpu.memref_slice %arg12[%dma_wait3A_51, %dma_wait3A_52] : memref<104x128xf32, #tpu.memory_space<vmem>> -> memref<32x128xf32, #tpu.memory_space<vmem>>
        tpu.wait_dma2 semaphore(%run_scoped3A : memref<!tpu.dma_semaphore, #tpu.memory_space<semaphore_mem>>) src(%dma_wait3A_53 : memref<32x128xf32, #tpu.memory_space<vmem>>) dst(%dma_wait3A_50 : memref<32x128xf32, #tpu.memory_space<vmem_shared>>)
        tpu.yield
      }) : () -> ()
    } else {
    }
    %barrier3A = arith.constant 0 : index
    tpu.barrier barrier_id(%barrier3A)
    %scan3A_21 = arith.constant 0 : i32
    %scan3A_22 = arith.constant 80 : i32
    %scan3A_23 = arith.addi %scan3A_21, %scan3A_22 : i32
    %scan3A_24 = arith.constant 1 : i32
    scf.for %scan3A_32 = %scan3A_21 to %scan3A_23 step %scan3A_24  : i32 {
      %mul3A_33 = arith.constant 1 : i32
      %mul3A_34 = arith.muli %scan3A_32, %mul3A_33 : i32
      %add3A_35 = arith.constant 0 : i32
      %add3A_36 = arith.addi %add3A_35, %mul3A_34 : i32
      %mul3A_37 = arith.constant 80 : i32
      %mul3A_38 = arith.muli %add3A, %mul3A_37 : i32
      %add3A_39 = arith.addi %mul3A_38, %add3A_36 : i32
      %dma_start3A = arith.constant 0 : i32
      %dma_start3A_40 = tpu.memref_slice %arg3[%add3A_39, %dma_start3A] : memref<2560x128xi32, #tpu.memory_space<hbm>> -> memref<1x128xi32, #tpu.memory_space<hbm>>
      %dma_start3A_41 = tpu.memref_squeeze %dma_start3A_40 : memref<1x128xi32, #tpu.memory_space<hbm>> -> memref<128xi32, #tpu.memory_space<hbm>>
      %dma_start3A_42 = arith.constant 0 : i32
      %dma_start3A_43 = tpu.memref_slice %arg3[%add3A_39, %dma_start3A_42] : memref<2560x128xi32, #tpu.memory_space<hbm>> -> memref<1x128xi32, #tpu.memory_space<hbm>>
      %dma_start3A_44 = tpu.memref_squeeze %dma_start3A_43 : memref<1x128xi32, #tpu.memory_space<hbm>> -> memref<128xi32, #tpu.memory_space<hbm>>
      tpu.enqueue_dma source(%dma_start3A_44 : memref<128xi32, #tpu.memory_space<hbm>>) target(%arg6 : memref<128xi32, #tpu.memory_space<vmem>>) target_semaphore(%arg16 : memref<!tpu.dma_semaphore, #tpu.memory_space<semaphore_mem>>)
      %dma_start3A_45 = arith.constant 0 : i32
      %dma_start3A_46 = tpu.memref_slice %arg4[%add3A_39, %dma_start3A_45] : memref<2560x128xi32, #tpu.memory_space<hbm>> -> memref<1x128xi32, #tpu.memory_space<hbm>>
      %dma_start3A_47 = tpu.memref_squeeze %dma_start3A_46 : memref<1x128xi32, #tpu.memory_space<hbm>> -> memref<128xi32, #tpu.memory_space<hbm>>
      %dma_start3A_48 = arith.constant 0 : i32
      %dma_start3A_49 = tpu.memref_slice %arg4[%add3A_39, %dma_start3A_48] : memref<2560x128xi32, #tpu.memory_space<hbm>> -> memref<1x128xi32, #tpu.memory_space<hbm>>
      %dma_start3A_50 = tpu.memref_squeeze %dma_start3A_49 : memref<1x128xi32, #tpu.memory_space<hbm>> -> memref<128xi32, #tpu.memory_space<hbm>>
      tpu.enqueue_dma source(%dma_start3A_50 : memref<128xi32, #tpu.memory_space<hbm>>) target(%arg8 : memref<128xi32, #tpu.memory_space<vmem>>) target_semaphore(%arg17 : memref<!tpu.dma_semaphore, #tpu.memory_space<semaphore_mem>>)
      %dma_wait3A = arith.constant 0 : i32
      %dma_wait3A_51 = tpu.memref_slice %arg3[%add3A_39, %dma_wait3A] : memref<2560x128xi32, #tpu.memory_space<hbm>> -> memref<1x128xi32, #tpu.memory_space<hbm>>
      %dma_wait3A_52 = tpu.memref_squeeze %dma_wait3A_51 : memref<1x128xi32, #tpu.memory_space<hbm>> -> memref<128xi32, #tpu.memory_space<hbm>>
      %dma_wait3A_53 = arith.constant 0 : i32
      %dma_wait3A_54 = tpu.memref_slice %arg3[%add3A_39, %dma_wait3A_53] : memref<2560x128xi32, #tpu.memory_space<hbm>> -> memref<1x128xi32, #tpu.memory_space<hbm>>
      %dma_wait3A_55 = tpu.memref_squeeze %dma_wait3A_54 : memref<1x128xi32, #tpu.memory_space<hbm>> -> memref<128xi32, #tpu.memory_space<hbm>>
      tpu.wait_dma2 semaphore(%arg16 : memref<!tpu.dma_semaphore, #tpu.memory_space<semaphore_mem>>) src(%dma_wait3A_55 : memref<128xi32, #tpu.memory_space<hbm>>) dst(%arg6 : memref<128xi32, #tpu.memory_space<vmem>>)
      %dma_wait3A_56 = arith.constant 0 : i32
      %dma_wait3A_57 = tpu.memref_slice %arg4[%add3A_39, %dma_wait3A_56] : memref<2560x128xi32, #tpu.memory_space<hbm>> -> memref<1x128xi32, #tpu.memory_space<hbm>>
      %dma_wait3A_58 = tpu.memref_squeeze %dma_wait3A_57 : memref<1x128xi32, #tpu.memory_space<hbm>> -> memref<128xi32, #tpu.memory_space<hbm>>
      %dma_wait3A_59 = arith.constant 0 : i32
      %dma_wait3A_60 = tpu.memref_slice %arg4[%add3A_39, %dma_wait3A_59] : memref<2560x128xi32, #tpu.memory_space<hbm>> -> memref<1x128xi32, #tpu.memory_space<hbm>>
      %dma_wait3A_61 = tpu.memref_squeeze %dma_wait3A_60 : memref<1x128xi32, #tpu.memory_space<hbm>> -> memref<128xi32, #tpu.memory_space<hbm>>
      tpu.wait_dma2 semaphore(%arg17 : memref<!tpu.dma_semaphore, #tpu.memory_space<semaphore_mem>>) src(%dma_wait3A_61 : memref<128xi32, #tpu.memory_space<hbm>>) dst(%arg8 : memref<128xi32, #tpu.memory_space<vmem>>)
      %dma_start3A_62 = arith.constant 0 : i32
      %dma_start3A_63 = arith.constant 0 : i32
      %dma_start3A_64 = tpu.memref_slice %arg2[%dma_start3A_62, %dma_start3A_63] : memref<10000x128xf32, #tpu.memory_space<hbm>> -> memref<10000x128xf32, #tpu.memory_space<hbm>>
      tpu.enqueue_indirect_dma source(%dma_start3A_64 : memref<10000x128xf32, #tpu.memory_space<hbm>>) target(%arg10 : memref<128x128xf32, #tpu.memory_space<vmem>>) offsets(%arg6 : memref<128xi32, #tpu.memory_space<vmem>>) semaphore(%arg14 : memref<!tpu.dma_semaphore, #tpu.memory_space<semaphore_mem>>)
      %dma_wait3A_65 = arith.constant 0 : i32
      %dma_wait3A_66 = arith.constant 0 : i32
      %dma_wait3A_67 = tpu.memref_slice %arg2[%dma_wait3A_65, %dma_wait3A_66] : memref<10000x128xf32, #tpu.memory_space<hbm>> -> memref<10000x128xf32, #tpu.memory_space<hbm>>
      tpu.wait_indirect_dma semaphore(%arg14 : memref<!tpu.dma_semaphore, #tpu.memory_space<semaphore_mem>>) src(%dma_wait3A_67 : memref<10000x128xf32, #tpu.memory_space<hbm>>) dst(%arg10 : memref<128x128xf32, #tpu.memory_space<vmem>>)
      "tpu.region"() ({
        %run_scoped3A = tpu.sem_alloc : memref<!tpu.dma_semaphore, #tpu.memory_space<semaphore_mem>>
        %dma_start3A_68 = arith.constant 0 : i32
        %dma_start3A_69 = arith.constant 0 : i32
        %dma_start3A_70 = tpu.memref_slice %arg13[%dma_start3A_68, %dma_start3A_69] : memref<10016x128xf32, #tpu.memory_space<vmem_shared>> -> memref<10016x128xf32, #tpu.memory_space<vmem_shared>>
        tpu.enqueue_indirect_dma source(%arg10 : memref<128x128xf32, #tpu.memory_space<vmem>>) target(%dma_start3A_70 : memref<10016x128xf32, #tpu.memory_space<vmem_shared>>) offsets(%arg8 : memref<128xi32, #tpu.memory_space<vmem>>) semaphore(%run_scoped3A : memref<!tpu.dma_semaphore, #tpu.memory_space<semaphore_mem>>) {add = true}
        %dma_wait3A_71 = arith.constant 0 : i32
        %dma_wait3A_72 = arith.constant 0 : i32
        %dma_wait3A_73 = tpu.memref_slice %arg13[%dma_wait3A_71, %dma_wait3A_72] : memref<10016x128xf32, #tpu.memory_space<vmem_shared>> -> memref<10016x128xf32, #tpu.memory_space<vmem_shared>>
        tpu.wait_indirect_dma semaphore(%run_scoped3A : memref<!tpu.dma_semaphore, #tpu.memory_space<semaphore_mem>>) src(%arg10 : memref<128x128xf32, #tpu.memory_space<vmem>>) dst(%dma_wait3A_73 : memref<10016x128xf32, #tpu.memory_space<vmem_shared>>)
        tpu.yield
      }) : () -> ()
    }
    %scan3A_25 = arith.constant 80 : i32
    %barrier3A_26 = arith.constant 0 : index
    tpu.barrier barrier_id(%barrier3A_26)
    "tpu.region"() ({
      %run_scoped3A = tpu.sem_alloc : memref<!tpu.dma_semaphore, #tpu.memory_space<semaphore_mem>>
      %dma_start3A = arith.constant 0 : i32
      %dma_start3A_32 = tpu.memref_slice %arg5[%arg0, %mul3A_2, %dma_start3A] : memref<2x10000x128xf32, #tpu.memory_space<hbm>> -> memref<1x624x128xf32, #tpu.memory_space<hbm>>
      %dma_start3A_33 = tpu.memref_squeeze %dma_start3A_32 : memref<1x624x128xf32, #tpu.memory_space<hbm>> -> memref<624x128xf32, #tpu.memory_space<hbm>>
      %dma_start3A_34 = arith.constant 0 : i32
      %dma_start3A_35 = tpu.memref_slice %arg13[%mul3A_2, %dma_start3A_34] : memref<10016x128xf32, #tpu.memory_space<vmem_shared>> -> memref<624x128xf32, #tpu.memory_space<vmem_shared>>
      tpu.enqueue_dma source(%dma_start3A_35 : memref<624x128xf32, #tpu.memory_space<vmem_shared>>) target(%dma_start3A_33 : memref<624x128xf32, #tpu.memory_space<hbm>>) target_semaphore(%run_scoped3A : memref<!tpu.dma_semaphore, #tpu.memory_space<semaphore_mem>>)
      %dma_wait3A = arith.constant 0 : i32
      %dma_wait3A_36 = tpu.memref_slice %arg5[%arg0, %mul3A_2, %dma_wait3A] : memref<2x10000x128xf32, #tpu.memory_space<hbm>> -> memref<1x624x128xf32, #tpu.memory_space<hbm>>
      %dma_wait3A_37 = tpu.memref_squeeze %dma_wait3A_36 : memref<1x624x128xf32, #tpu.memory_space<hbm>> -> memref<624x128xf32, #tpu.memory_space<hbm>>
      %dma_wait3A_38 = arith.constant 0 : i32
      %dma_wait3A_39 = tpu.memref_slice %arg13[%mul3A_2, %dma_wait3A_38] : memref<10016x128xf32, #tpu.memory_space<vmem_shared>> -> memref<624x128xf32, #tpu.memory_space<vmem_shared>>
      tpu.wait_dma2 semaphore(%run_scoped3A : memref<!tpu.dma_semaphore, #tpu.memory_space<semaphore_mem>>) src(%dma_wait3A_39 : memref<624x128xf32, #tpu.memory_space<vmem_shared>>) dst(%dma_wait3A_37 : memref<624x128xf32, #tpu.memory_space<hbm>>)
      tpu.yield
    }) : () -> ()
    %eq3A_27 = arith.constant 0 : i32
    %eq3A_28 = arith.cmpi eq, %arg1, %eq3A_27 : i32
    %convert_element_type3A_29 = arith.extui %eq3A_28 : i1 to i32
    %cond3A_30 = arith.constant 0 : i32
    %cond3A_31 = arith.cmpi ne, %convert_element_type3A_29, %cond3A_30 : i32
    scf.if %cond3A_31 {
      "tpu.region"() ({
        %run_scoped3A = tpu.sem_alloc : memref<!tpu.dma_semaphore, #tpu.memory_space<semaphore_mem>>
        %dma_start3A = arith.constant 9984 : i32
        %dma_start3A_32 = arith.constant 0 : i32
        %dma_start3A_33 = tpu.memref_slice %arg5[%arg0, %dma_start3A, %dma_start3A_32] : memref<2x10000x128xf32, #tpu.memory_space<hbm>> -> memref<1x16x128xf32, #tpu.memory_space<hbm>>
        %dma_start3A_34 = tpu.memref_squeeze %dma_start3A_33 : memref<1x16x128xf32, #tpu.memory_space<hbm>> -> memref<16x128xf32, #tpu.memory_space<hbm>>
        %dma_start3A_35 = arith.constant 9984 : i32
        %dma_start3A_36 = arith.constant 0 : i32
        %dma_start3A_37 = tpu.memref_slice %arg13[%dma_start3A_35, %dma_start3A_36] : memref<10016x128xf32, #tpu.memory_space<vmem_shared>> -> memref<16x128xf32, #tpu.memory_space<vmem_shared>>
        tpu.enqueue_dma source(%dma_start3A_37 : memref<16x128xf32, #tpu.memory_space<vmem_shared>>) target(%dma_start3A_34 : memref<16x128xf32, #tpu.memory_space<hbm>>) target_semaphore(%run_scoped3A : memref<!tpu.dma_semaphore, #tpu.memory_space<semaphore_mem>>)
        %dma_wait3A = arith.constant 9984 : i32
        %dma_wait3A_38 = arith.constant 0 : i32
        %dma_wait3A_39 = tpu.memref_slice %arg5[%arg0, %dma_wait3A, %dma_wait3A_38] : memref<2x10000x128xf32, #tpu.memory_space<hbm>> -> memref<1x16x128xf32, #tpu.memory_space<hbm>>
        %dma_wait3A_40 = tpu.memref_squeeze %dma_wait3A_39 : memref<1x16x128xf32, #tpu.memory_space<hbm>> -> memref<16x128xf32, #tpu.memory_space<hbm>>
        %dma_wait3A_41 = arith.constant 9984 : i32
        %dma_wait3A_42 = arith.constant 0 : i32
        %dma_wait3A_43 = tpu.memref_slice %arg13[%dma_wait3A_41, %dma_wait3A_42] : memref<10016x128xf32, #tpu.memory_space<vmem_shared>> -> memref<16x128xf32, #tpu.memory_space<vmem_shared>>
        tpu.wait_dma2 semaphore(%run_scoped3A : memref<!tpu.dma_semaphore, #tpu.memory_space<semaphore_mem>>) src(%dma_wait3A_43 : memref<16x128xf32, #tpu.memory_space<vmem_shared>>) dst(%dma_wait3A_40 : memref<16x128xf32, #tpu.memory_space<hbm>>)
        tpu.yield
      }) : () -> ()
    } else {
    }
    return
  }
}

#map = affine_map<(d0, d1) -> (0, 0)>
#map1 = affine_map<(d0, d1) -> (0, 0, 0)>
module attributes {stable_mosaic.version = 14 : i64} {
  func.func @k(%arg0: i32, %arg1: i32, %arg2: memref<10000x128xf32, #tpu.memory_space<hbm>>, %arg3: memref<2560x128xi32, #tpu.memory_space<hbm>>, %arg4: memref<2560x128xi32, #tpu.memory_space<hbm>>, %arg5: memref<2x10000x128xf32, #tpu.memory_space<hbm>>, %arg6: memref<128xi32, #tpu.memory_space<vmem>>, %arg7: memref<128xi32, #tpu.memory_space<vmem>>, %arg8: memref<128xi32, #tpu.memory_space<vmem>>, %arg9: memref<128xi32, #tpu.memory_space<vmem>>, %arg10: memref<128x128xf32, #tpu.memory_space<vmem>>, %arg11: memref<128x128xf32, #tpu.memory_space<vmem>>, %arg12: memref<104x128xf32, #tpu.memory_space<vmem>>, %arg13: memref<10016x128xf32, #tpu.memory_space<vmem_shared>>, %arg14: memref<!tpu.dma_semaphore, #tpu.memory_space<semaphore_mem>>, %arg15: memref<!tpu.dma_semaphore, #tpu.memory_space<semaphore_mem>>, %arg16: memref<!tpu.dma_semaphore, #tpu.memory_space<semaphore_mem>>, %arg17: memref<!tpu.dma_semaphore, #tpu.memory_space<semaphore_mem>>) attributes {dimension_semantics = [#tpu.dimension_semantics<core_parallel>, #tpu.dimension_semantics<subcore_parallel>], iteration_bounds = array<i64: 2, 16>, scalar_prefetch = 0 : i64, scratch_operands = 12 : i64, tpu.core_type = #tpu.core_type<sc_vector_subcore>, window_params = [{transform_indices = #map}, {transform_indices = #map}, {transform_indices = #map}, {transform_indices = #map1}]} {
    %mul3A = arith.constant 16 : i32
    %mul3A_0 = arith.muli %arg0, %mul3A : i32
    %add3A = arith.addi %mul3A_0, %arg1 : i32
    %mul3A_1 = arith.constant 624 : i32
    %mul3A_2 = arith.muli %arg1, %mul3A_1 : i32
    %scan3A = arith.constant 0 : i32
    %scan3A_3 = arith.constant 104 : i32
    %scan3A_4 = arith.addi %scan3A, %scan3A_3 : i32
    %scan3A_5 = arith.constant 1 : i32
    scf.for %scan3A_32 = %scan3A to %scan3A_4 step %scan3A_5  : i32 {
      %mul3A_33 = arith.constant 1 : i32
      %mul3A_34 = arith.muli %scan3A_32, %mul3A_33 : i32
      %add3A_35 = arith.constant 0 : i32
      %add3A_36 = arith.addi %add3A_35, %mul3A_34 : i32
      %scan3A_37 = arith.constant 0 : i32
      %scan3A_38 = arith.constant 8 : i32
      %scan3A_39 = arith.addi %scan3A_37, %scan3A_38 : i32
      %scan3A_40 = arith.constant 1 : i32
      scf.for %scan3A_42 = %scan3A_37 to %scan3A_39 step %scan3A_40  : i32 {
        %mul3A_43 = arith.constant 16 : i32
        %mul3A_44 = arith.muli %scan3A_42, %mul3A_43 : i32
        %add3A_45 = arith.constant 0 : i32
        %add3A_46 = arith.addi %add3A_45, %mul3A_44 : i32
        %broadcast_in_dim3A = arith.constant 0.000000e+00 : f32
        %broadcast_in_dim3A_47 = vector.broadcast %broadcast_in_dim3A : f32 to vector<16xf32>
        %swap3A = arith.index_cast %add3A_36 : i32 to index
        %swap3A_48 = arith.index_cast %add3A_46 : i32 to index
        %swap3A_49 = tpu.vector_load %arg12[%swap3A, %swap3A_48] {strides = array<i32>} : memref<104x128xf32, #tpu.memory_space<vmem>>, vector<1x16xf32>,
        %swap3A_50 = vector.shape_cast %swap3A_49 : vector<1x16xf32> to vector<16xf32>
        %swap3A_51 = vector.shape_cast %broadcast_in_dim3A_47 : vector<16xf32> to vector<1x16xf32>
        tpu.vector_store %arg12[%swap3A, %swap3A_48], %swap3A_51 {strides = array<i32>} : memref<104x128xf32, #tpu.memory_space<vmem>>, vector<1x16xf32>,
      }
      %scan3A_41 = arith.constant 8 : i32
    }
    %scan3A_6 = arith.constant 104 : i32
    %add3A_7 = arith.constant 0 : i32
    %add3A_8 = arith.addi %mul3A_2, %add3A_7 : i32
    "tpu.region"() ({
      %run_scoped3A = tpu.sem_alloc : memref<!tpu.dma_semaphore, #tpu.memory_space<semaphore_mem>>
      %dma_start3A = arith.constant 0 : i32
      %dma_start3A_32 = tpu.memref_slice %arg13[%add3A_8, %dma_start3A] : memref<10016x128xf32, #tpu.memory_space<vmem_shared>> -> memref<104x128xf32, #tpu.memory_space<vmem_shared>>
      %dma_start3A_33 = arith.constant 0 : i32
      %dma_start3A_34 = tpu.memref_slice %arg13[%add3A_8, %dma_start3A_33] : memref<10016x128xf32, #tpu.memory_space<vmem_shared>> -> memref<104x128xf32, #tpu.memory_space<vmem_shared>>
      tpu.enqueue_dma source(%arg12 : memref<104x128xf32, #tpu.memory_space<vmem>>) target(%dma_start3A_34 : memref<104x128xf32, #tpu.memory_space<vmem_shared>>) target_semaphore(%run_scoped3A : memref<!tpu.dma_semaphore, #tpu.memory_space<semaphore_mem>>)
      %dma_wait3A = arith.constant 0 : i32
      %dma_wait3A_35 = tpu.memref_slice %arg13[%add3A_8, %dma_wait3A] : memref<10016x128xf32, #tpu.memory_space<vmem_shared>> -> memref<104x128xf32, #tpu.memory_space<vmem_shared>>
      %dma_wait3A_36 = arith.constant 0 : i32
      %dma_wait3A_37 = tpu.memref_slice %arg13[%add3A_8, %dma_wait3A_36] : memref<10016x128xf32, #tpu.memory_space<vmem_shared>> -> memref<104x128xf32, #tpu.memory_space<vmem_shared>>
      tpu.wait_dma2 semaphore(%run_scoped3A : memref<!tpu.dma_semaphore, #tpu.memory_space<semaphore_mem>>) src(%arg12 : memref<104x128xf32, #tpu.memory_space<vmem>>) dst(%dma_wait3A_37 : memref<104x128xf32, #tpu.memory_space<vmem_shared>>)
      tpu.yield
    }) : () -> ()
    %add3A_9 = arith.constant 104 : i32
    %add3A_10 = arith.addi %mul3A_2, %add3A_9 : i32
    "tpu.region"() ({
      %run_scoped3A = tpu.sem_alloc : memref<!tpu.dma_semaphore, #tpu.memory_space<semaphore_mem>>
      %dma_start3A = arith.constant 0 : i32
      %dma_start3A_32 = tpu.memref_slice %arg13[%add3A_10, %dma_start3A] : memref<10016x128xf32, #tpu.memory_space<vmem_shared>> -> memref<104x128xf32, #tpu.memory_space<vmem_shared>>
      %dma_start3A_33 = arith.constant 0 : i32
      %dma_start3A_34 = tpu.memref_slice %arg13[%add3A_10, %dma_start3A_33] : memref<10016x128xf32, #tpu.memory_space<vmem_shared>> -> memref<104x128xf32, #tpu.memory_space<vmem_shared>>
      tpu.enqueue_dma source(%arg12 : memref<104x128xf32, #tpu.memory_space<vmem>>) target(%dma_start3A_34 : memref<104x128xf32, #tpu.memory_space<vmem_shared>>) target_semaphore(%run_scoped3A : memref<!tpu.dma_semaphore, #tpu.memory_space<semaphore_mem>>)
      %dma_wait3A = arith.constant 0 : i32
      %dma_wait3A_35 = tpu.memref_slice %arg13[%add3A_10, %dma_wait3A] : memref<10016x128xf32, #tpu.memory_space<vmem_shared>> -> memref<104x128xf32, #tpu.memory_space<vmem_shared>>
      %dma_wait3A_36 = arith.constant 0 : i32
      %dma_wait3A_37 = tpu.memref_slice %arg13[%add3A_10, %dma_wait3A_36] : memref<10016x128xf32, #tpu.memory_space<vmem_shared>> -> memref<104x128xf32, #tpu.memory_space<vmem_shared>>
      tpu.wait_dma2 semaphore(%run_scoped3A : memref<!tpu.dma_semaphore, #tpu.memory_space<semaphore_mem>>) src(%arg12 : memref<104x128xf32, #tpu.memory_space<vmem>>) dst(%dma_wait3A_37 : memref<104x128xf32, #tpu.memory_space<vmem_shared>>)
      tpu.yield
    }) : () -> ()
    %add3A_11 = arith.constant 208 : i32
    %add3A_12 = arith.addi %mul3A_2, %add3A_11 : i32
    "tpu.region"() ({
      %run_scoped3A = tpu.sem_alloc : memref<!tpu.dma_semaphore, #tpu.memory_space<semaphore_mem>>
      %dma_start3A = arith.constant 0 : i32
      %dma_start3A_32 = tpu.memref_slice %arg13[%add3A_12, %dma_start3A] : memref<10016x128xf32, #tpu.memory_space<vmem_shared>> -> memref<104x128xf32, #tpu.memory_space<vmem_shared>>
      %dma_start3A_33 = arith.constant 0 : i32
      %dma_start3A_34 = tpu.memref_slice %arg13[%add3A_12, %dma_start3A_33] : memref<10016x128xf32, #tpu.memory_space<vmem_shared>> -> memref<104x128xf32, #tpu.memory_space<vmem_shared>>
      tpu.enqueue_dma source(%arg12 : memref<104x128xf32, #tpu.memory_space<vmem>>) target(%dma_start3A_34 : memref<104x128xf32, #tpu.memory_space<vmem_shared>>) target_semaphore(%run_scoped3A : memref<!tpu.dma_semaphore, #tpu.memory_space<semaphore_mem>>)
      %dma_wait3A = arith.constant 0 : i32
      %dma_wait3A_35 = tpu.memref_slice %arg13[%add3A_12, %dma_wait3A] : memref<10016x128xf32, #tpu.memory_space<vmem_shared>> -> memref<104x128xf32, #tpu.memory_space<vmem_shared>>
      %dma_wait3A_36 = arith.constant 0 : i32
      %dma_wait3A_37 = tpu.memref_slice %arg13[%add3A_12, %dma_wait3A_36] : memref<10016x128xf32, #tpu.memory_space<vmem_shared>> -> memref<104x128xf32, #tpu.memory_space<vmem_shared>>
      tpu.wait_dma2 semaphore(%run_scoped3A : memref<!tpu.dma_semaphore, #tpu.memory_space<semaphore_mem>>) src(%arg12 : memref<104x128xf32, #tpu.memory_space<vmem>>) dst(%dma_wait3A_37 : memref<104x128xf32, #tpu.memory_space<vmem_shared>>)
      tpu.yield
    }) : () -> ()
    %add3A_13 = arith.constant 312 : i32
    %add3A_14 = arith.addi %mul3A_2, %add3A_13 : i32
    "tpu.region"() ({
      %run_scoped3A = tpu.sem_alloc : memref<!tpu.dma_semaphore, #tpu.memory_space<semaphore_mem>>
      %dma_start3A = arith.constant 0 : i32
      %dma_start3A_32 = tpu.memref_slice %arg13[%add3A_14, %dma_start3A] : memref<10016x128xf32, #tpu.memory_space<vmem_shared>> -> memref<104x128xf32, #tpu.memory_space<vmem_shared>>
      %dma_start3A_33 = arith.constant 0 : i32
      %dma_start3A_34 = tpu.memref_slice %arg13[%add3A_14, %dma_start3A_33] : memref<10016x128xf32, #tpu.memory_space<vmem_shared>> -> memref<104x128xf32, #tpu.memory_space<vmem_shared>>
      tpu.enqueue_dma source(%arg12 : memref<104x128xf32, #tpu.memory_space<vmem>>) target(%dma_start3A_34 : memref<104x128xf32, #tpu.memory_space<vmem_shared>>) target_semaphore(%run_scoped3A : memref<!tpu.dma_semaphore, #tpu.memory_space<semaphore_mem>>)
      %dma_wait3A = arith.constant 0 : i32
      %dma_wait3A_35 = tpu.memref_slice %arg13[%add3A_14, %dma_wait3A] : memref<10016x128xf32, #tpu.memory_space<vmem_shared>> -> memref<104x128xf32, #tpu.memory_space<vmem_shared>>
      %dma_wait3A_36 = arith.constant 0 : i32
      %dma_wait3A_37 = tpu.memref_slice %arg13[%add3A_14, %dma_wait3A_36] : memref<10016x128xf32, #tpu.memory_space<vmem_shared>> -> memref<104x128xf32, #tpu.memory_space<vmem_shared>>
      tpu.wait_dma2 semaphore(%run_scoped3A : memref<!tpu.dma_semaphore, #tpu.memory_space<semaphore_mem>>) src(%arg12 : memref<104x128xf32, #tpu.memory_space<vmem>>) dst(%dma_wait3A_37 : memref<104x128xf32, #tpu.memory_space<vmem_shared>>)
      tpu.yield
    }) : () -> ()
    %add3A_15 = arith.constant 416 : i32
    %add3A_16 = arith.addi %mul3A_2, %add3A_15 : i32
    "tpu.region"() ({
      %run_scoped3A = tpu.sem_alloc : memref<!tpu.dma_semaphore, #tpu.memory_space<semaphore_mem>>
      %dma_start3A = arith.constant 0 : i32
      %dma_start3A_32 = tpu.memref_slice %arg13[%add3A_16, %dma_start3A] : memref<10016x128xf32, #tpu.memory_space<vmem_shared>> -> memref<104x128xf32, #tpu.memory_space<vmem_shared>>
      %dma_start3A_33 = arith.constant 0 : i32
      %dma_start3A_34 = tpu.memref_slice %arg13[%add3A_16, %dma_start3A_33] : memref<10016x128xf32, #tpu.memory_space<vmem_shared>> -> memref<104x128xf32, #tpu.memory_space<vmem_shared>>
      tpu.enqueue_dma source(%arg12 : memref<104x128xf32, #tpu.memory_space<vmem>>) target(%dma_start3A_34 : memref<104x128xf32, #tpu.memory_space<vmem_shared>>) target_semaphore(%run_scoped3A : memref<!tpu.dma_semaphore, #tpu.memory_space<semaphore_mem>>)
      %dma_wait3A = arith.constant 0 : i32
      %dma_wait3A_35 = tpu.memref_slice %arg13[%add3A_16, %dma_wait3A] : memref<10016x128xf32, #tpu.memory_space<vmem_shared>> -> memref<104x128xf32, #tpu.memory_space<vmem_shared>>
      %dma_wait3A_36 = arith.constant 0 : i32
      %dma_wait3A_37 = tpu.memref_slice %arg13[%add3A_16, %dma_wait3A_36] : memref<10016x128xf32, #tpu.memory_space<vmem_shared>> -> memref<104x128xf32, #tpu.memory_space<vmem_shared>>
      tpu.wait_dma2 semaphore(%run_scoped3A : memref<!tpu.dma_semaphore, #tpu.memory_space<semaphore_mem>>) src(%arg12 : memref<104x128xf32, #tpu.memory_space<vmem>>) dst(%dma_wait3A_37 : memref<104x128xf32, #tpu.memory_space<vmem_shared>>)
      tpu.yield
    }) : () -> ()
    %add3A_17 = arith.constant 520 : i32
    %add3A_18 = arith.addi %mul3A_2, %add3A_17 : i32
    "tpu.region"() ({
      %run_scoped3A = tpu.sem_alloc : memref<!tpu.dma_semaphore, #tpu.memory_space<semaphore_mem>>
      %dma_start3A = arith.constant 0 : i32
      %dma_start3A_32 = tpu.memref_slice %arg13[%add3A_18, %dma_start3A] : memref<10016x128xf32, #tpu.memory_space<vmem_shared>> -> memref<104x128xf32, #tpu.memory_space<vmem_shared>>
      %dma_start3A_33 = arith.constant 0 : i32
      %dma_start3A_34 = tpu.memref_slice %arg13[%add3A_18, %dma_start3A_33] : memref<10016x128xf32, #tpu.memory_space<vmem_shared>> -> memref<104x128xf32, #tpu.memory_space<vmem_shared>>
      tpu.enqueue_dma source(%arg12 : memref<104x128xf32, #tpu.memory_space<vmem>>) target(%dma_start3A_34 : memref<104x128xf32, #tpu.memory_space<vmem_shared>>) target_semaphore(%run_scoped3A : memref<!tpu.dma_semaphore, #tpu.memory_space<semaphore_mem>>)
      %dma_wait3A = arith.constant 0 : i32
      %dma_wait3A_35 = tpu.memref_slice %arg13[%add3A_18, %dma_wait3A] : memref<10016x128xf32, #tpu.memory_space<vmem_shared>> -> memref<104x128xf32, #tpu.memory_space<vmem_shared>>
      %dma_wait3A_36 = arith.constant 0 : i32
      %dma_wait3A_37 = tpu.memref_slice %arg13[%add3A_18, %dma_wait3A_36] : memref<10016x128xf32, #tpu.memory_space<vmem_shared>> -> memref<104x128xf32, #tpu.memory_space<vmem_shared>>
      tpu.wait_dma2 semaphore(%run_scoped3A : memref<!tpu.dma_semaphore, #tpu.memory_space<semaphore_mem>>) src(%arg12 : memref<104x128xf32, #tpu.memory_space<vmem>>) dst(%dma_wait3A_37 : memref<104x128xf32, #tpu.memory_space<vmem_shared>>)
      tpu.yield
    }) : () -> ()
    %eq3A = arith.constant 0 : i32
    %eq3A_19 = arith.cmpi eq, %arg1, %eq3A : i32
    %convert_element_type3A = arith.extui %eq3A_19 : i1 to i32
    %cond3A = arith.constant 0 : i32
    %cond3A_20 = arith.cmpi ne, %convert_element_type3A, %cond3A : i32
    scf.if %cond3A_20 {
      "tpu.region"() ({
        %run_scoped3A = tpu.sem_alloc : memref<!tpu.dma_semaphore, #tpu.memory_space<semaphore_mem>>
        %dma_start3A = arith.constant 0 : i32
        %dma_start3A_32 = arith.constant 0 : i32
        %dma_start3A_33 = tpu.memref_slice %arg12[%dma_start3A, %dma_start3A_32] : memref<104x128xf32, #tpu.memory_space<vmem>> -> memref<32x128xf32, #tpu.memory_space<vmem>>
        %dma_start3A_34 = arith.constant 9984 : i32
        %dma_start3A_35 = arith.constant 0 : i32
        %dma_start3A_36 = tpu.memref_slice %arg13[%dma_start3A_34, %dma_start3A_35] : memref<10016x128xf32, #tpu.memory_space<vmem_shared>> -> memref<32x128xf32, #tpu.memory_space<vmem_shared>>
        %dma_start3A_37 = arith.constant 9984 : i32
        %dma_start3A_38 = arith.constant 0 : i32
        %dma_start3A_39 = tpu.memref_slice %arg13[%dma_start3A_37, %dma_start3A_38] : memref<10016x128xf32, #tpu.memory_space<vmem_shared>> -> memref<32x128xf32, #tpu.memory_space<vmem_shared>>
        %dma_start3A_40 = arith.constant 0 : i32
        %dma_start3A_41 = arith.constant 0 : i32
        %dma_start3A_42 = tpu.memref_slice %arg12[%dma_start3A_40, %dma_start3A_41] : memref<104x128xf32, #tpu.memory_space<vmem>> -> memref<32x128xf32, #tpu.memory_space<vmem>>
        tpu.enqueue_dma source(%dma_start3A_42 : memref<32x128xf32, #tpu.memory_space<vmem>>) target(%dma_start3A_39 : memref<32x128xf32, #tpu.memory_space<vmem_shared>>) target_semaphore(%run_scoped3A : memref<!tpu.dma_semaphore, #tpu.memory_space<semaphore_mem>>)
        %dma_wait3A = arith.constant 0 : i32
        %dma_wait3A_43 = arith.constant 0 : i32
        %dma_wait3A_44 = tpu.memref_slice %arg12[%dma_wait3A, %dma_wait3A_43] : memref<104x128xf32, #tpu.memory_space<vmem>> -> memref<32x128xf32, #tpu.memory_space<vmem>>
        %dma_wait3A_45 = arith.constant 9984 : i32
        %dma_wait3A_46 = arith.constant 0 : i32
        %dma_wait3A_47 = tpu.memref_slice %arg13[%dma_wait3A_45, %dma_wait3A_46] : memref<10016x128xf32, #tpu.memory_space<vmem_shared>> -> memref<32x128xf32, #tpu.memory_space<vmem_shared>>
        %dma_wait3A_48 = arith.constant 9984 : i32
        %dma_wait3A_49 = arith.constant 0 : i32
        %dma_wait3A_50 = tpu.memref_slice %arg13[%dma_wait3A_48, %dma_wait3A_49] : memref<10016x128xf32, #tpu.memory_space<vmem_shared>> -> memref<32x128xf32, #tpu.memory_space<vmem_shared>>
        %dma_wait3A_51 = arith.constant 0 : i32
        %dma_wait3A_52 = arith.constant 0 : i32
        %dma_wait3A_53 = tpu.memref_slice %arg12[%dma_wait3A_51, %dma_wait3A_52] : memref<104x128xf32, #tpu.memory_space<vmem>> -> memref<32x128xf32, #tpu.memory_space<vmem>>
        tpu.wait_dma2 semaphore(%run_scoped3A : memref<!tpu.dma_semaphore, #tpu.memory_space<semaphore_mem>>) src(%dma_wait3A_53 : memref<32x128xf32, #tpu.memory_space<vmem>>) dst(%dma_wait3A_50 : memref<32x128xf32, #tpu.memory_space<vmem_shared>>)
        tpu.yield
      }) : () -> ()
    } else {
    }
    %barrier3A = arith.constant 0 : index
    tpu.barrier barrier_id(%barrier3A)
    %scan3A_21 = arith.constant 0 : i32
    %scan3A_22 = arith.constant 80 : i32
    %scan3A_23 = arith.addi %scan3A_21, %scan3A_22 : i32
    %scan3A_24 = arith.constant 1 : i32
    scf.for %scan3A_32 = %scan3A_21 to %scan3A_23 step %scan3A_24  : i32 {
      %mul3A_33 = arith.constant 1 : i32
      %mul3A_34 = arith.muli %scan3A_32, %mul3A_33 : i32
      %add3A_35 = arith.constant 0 : i32
      %add3A_36 = arith.addi %add3A_35, %mul3A_34 : i32
      %mul3A_37 = arith.constant 80 : i32
      %mul3A_38 = arith.muli %add3A, %mul3A_37 : i32
      %add3A_39 = arith.addi %mul3A_38, %add3A_36 : i32
      %dma_start3A = arith.constant 0 : i32
      %dma_start3A_40 = tpu.memref_slice %arg3[%add3A_39, %dma_start3A] : memref<2560x128xi32, #tpu.memory_space<hbm>> -> memref<1x128xi32, #tpu.memory_space<hbm>>
      %dma_start3A_41 = tpu.memref_squeeze %dma_start3A_40 : memref<1x128xi32, #tpu.memory_space<hbm>> -> memref<128xi32, #tpu.memory_space<hbm>>
      %dma_start3A_42 = arith.constant 0 : i32
      %dma_start3A_43 = tpu.memref_slice %arg3[%add3A_39, %dma_start3A_42] : memref<2560x128xi32, #tpu.memory_space<hbm>> -> memref<1x128xi32, #tpu.memory_space<hbm>>
      %dma_start3A_44 = tpu.memref_squeeze %dma_start3A_43 : memref<1x128xi32, #tpu.memory_space<hbm>> -> memref<128xi32, #tpu.memory_space<hbm>>
      tpu.enqueue_dma source(%dma_start3A_44 : memref<128xi32, #tpu.memory_space<hbm>>) target(%arg6 : memref<128xi32, #tpu.memory_space<vmem>>) target_semaphore(%arg16 : memref<!tpu.dma_semaphore, #tpu.memory_space<semaphore_mem>>)
      %dma_start3A_45 = arith.constant 0 : i32
      %dma_start3A_46 = tpu.memref_slice %arg4[%add3A_39, %dma_start3A_45] : memref<2560x128xi32, #tpu.memory_space<hbm>> -> memref<1x128xi32, #tpu.memory_space<hbm>>
      %dma_start3A_47 = tpu.memref_squeeze %dma_start3A_46 : memref<1x128xi32, #tpu.memory_space<hbm>> -> memref<128xi32, #tpu.memory_space<hbm>>
      %dma_start3A_48 = arith.constant 0 : i32
      %dma_start3A_49 = tpu.memref_slice %arg4[%add3A_39, %dma_start3A_48] : memref<2560x128xi32, #tpu.memory_space<hbm>> -> memref<1x128xi32, #tpu.memory_space<hbm>>
      %dma_start3A_50 = tpu.memref_squeeze %dma_start3A_49 : memref<1x128xi32, #tpu.memory_space<hbm>> -> memref<128xi32, #tpu.memory_space<hbm>>
      tpu.enqueue_dma source(%dma_start3A_50 : memref<128xi32, #tpu.memory_space<hbm>>) target(%arg8 : memref<128xi32, #tpu.memory_space<vmem>>) target_semaphore(%arg17 : memref<!tpu.dma_semaphore, #tpu.memory_space<semaphore_mem>>)
      %dma_wait3A = arith.constant 0 : i32
      %dma_wait3A_51 = tpu.memref_slice %arg3[%add3A_39, %dma_wait3A] : memref<2560x128xi32, #tpu.memory_space<hbm>> -> memref<1x128xi32, #tpu.memory_space<hbm>>
      %dma_wait3A_52 = tpu.memref_squeeze %dma_wait3A_51 : memref<1x128xi32, #tpu.memory_space<hbm>> -> memref<128xi32, #tpu.memory_space<hbm>>
      %dma_wait3A_53 = arith.constant 0 : i32
      %dma_wait3A_54 = tpu.memref_slice %arg3[%add3A_39, %dma_wait3A_53] : memref<2560x128xi32, #tpu.memory_space<hbm>> -> memref<1x128xi32, #tpu.memory_space<hbm>>
      %dma_wait3A_55 = tpu.memref_squeeze %dma_wait3A_54 : memref<1x128xi32, #tpu.memory_space<hbm>> -> memref<128xi32, #tpu.memory_space<hbm>>
      tpu.wait_dma2 semaphore(%arg16 : memref<!tpu.dma_semaphore, #tpu.memory_space<semaphore_mem>>) src(%dma_wait3A_55 : memref<128xi32, #tpu.memory_space<hbm>>) dst(%arg6 : memref<128xi32, #tpu.memory_space<vmem>>)
      %dma_wait3A_56 = arith.constant 0 : i32
      %dma_wait3A_57 = tpu.memref_slice %arg4[%add3A_39, %dma_wait3A_56] : memref<2560x128xi32, #tpu.memory_space<hbm>> -> memref<1x128xi32, #tpu.memory_space<hbm>>
      %dma_wait3A_58 = tpu.memref_squeeze %dma_wait3A_57 : memref<1x128xi32, #tpu.memory_space<hbm>> -> memref<128xi32, #tpu.memory_space<hbm>>
      %dma_wait3A_59 = arith.constant 0 : i32
      %dma_wait3A_60 = tpu.memref_slice %arg4[%add3A_39, %dma_wait3A_59] : memref<2560x128xi32, #tpu.memory_space<hbm>> -> memref<1x128xi32, #tpu.memory_space<hbm>>
      %dma_wait3A_61 = tpu.memref_squeeze %dma_wait3A_60 : memref<1x128xi32, #tpu.memory_space<hbm>> -> memref<128xi32, #tpu.memory_space<hbm>>
      tpu.wait_dma2 semaphore(%arg17 : memref<!tpu.dma_semaphore, #tpu.memory_space<semaphore_mem>>) src(%dma_wait3A_61 : memref<128xi32, #tpu.memory_space<hbm>>) dst(%arg8 : memref<128xi32, #tpu.memory_space<vmem>>)
      %dma_start3A_62 = arith.constant 0 : i32
      %dma_start3A_63 = arith.constant 0 : i32
      %dma_start3A_64 = tpu.memref_slice %arg2[%dma_start3A_62, %dma_start3A_63] : memref<10000x128xf32, #tpu.memory_space<hbm>> -> memref<10000x128xf32, #tpu.memory_space<hbm>>
      tpu.enqueue_indirect_dma source(%dma_start3A_64 : memref<10000x128xf32, #tpu.memory_space<hbm>>) target(%arg10 : memref<128x128xf32, #tpu.memory_space<vmem>>) offsets(%arg6 : memref<128xi32, #tpu.memory_space<vmem>>) semaphore(%arg14 : memref<!tpu.dma_semaphore, #tpu.memory_space<semaphore_mem>>)
      %dma_wait3A_65 = arith.constant 0 : i32
      %dma_wait3A_66 = arith.constant 0 : i32
      %dma_wait3A_67 = tpu.memref_slice %arg2[%dma_wait3A_65, %dma_wait3A_66] : memref<10000x128xf32, #tpu.memory_space<hbm>> -> memref<10000x128xf32, #tpu.memory_space<hbm>>
      tpu.wait_indirect_dma semaphore(%arg14 : memref<!tpu.dma_semaphore, #tpu.memory_space<semaphore_mem>>) src(%dma_wait3A_67 : memref<10000x128xf32, #tpu.memory_space<hbm>>) dst(%arg10 : memref<128x128xf32, #tpu.memory_space<vmem>>)
      "tpu.region"() ({
        %run_scoped3A = tpu.sem_alloc : memref<!tpu.dma_semaphore, #tpu.memory_space<semaphore_mem>>
        %dma_start3A_68 = arith.constant 0 : i32
        %dma_start3A_69 = arith.constant 0 : i32
        %dma_start3A_70 = tpu.memref_slice %arg13[%dma_start3A_68, %dma_start3A_69] : memref<10016x128xf32, #tpu.memory_space<vmem_shared>> -> memref<10016x128xf32, #tpu.memory_space<vmem_shared>>
        tpu.enqueue_indirect_dma source(%arg10 : memref<128x128xf32, #tpu.memory_space<vmem>>) target(%dma_start3A_70 : memref<10016x128xf32, #tpu.memory_space<vmem_shared>>) offsets(%arg8 : memref<128xi32, #tpu.memory_space<vmem>>) semaphore(%run_scoped3A : memref<!tpu.dma_semaphore, #tpu.memory_space<semaphore_mem>>) {add = true}
        %dma_wait3A_71 = arith.constant 0 : i32
        %dma_wait3A_72 = arith.constant 0 : i32
        %dma_wait3A_73 = tpu.memref_slice %arg13[%dma_wait3A_71, %dma_wait3A_72] : memref<10016x128xf32, #tpu.memory_space<vmem_shared>> -> memref<10016x128xf32, #tpu.memory_space<vmem_shared>>
        tpu.wait_indirect_dma semaphore(%run_scoped3A : memref<!tpu.dma_semaphore, #tpu.memory_space<semaphore_mem>>) src(%arg10 : memref<128x128xf32, #tpu.memory_space<vmem>>) dst(%dma_wait3A_73 : memref<10016x128xf32, #tpu.memory_space<vmem_shared>>)
        tpu.yield
      }) : () -> ()
    }
    %scan3A_25 = arith.constant 80 : i32
    %barrier3A_26 = arith.constant 0 : index
    tpu.barrier barrier_id(%barrier3A_26)
    "tpu.region"() ({
      %run_scoped3A = tpu.sem_alloc : memref<!tpu.dma_semaphore, #tpu.memory_space<semaphore_mem>>
      %dma_start3A = arith.constant 0 : i32
      %dma_start3A_32 = tpu.memref_slice %arg5[%arg0, %mul3A_2, %dma_start3A] : memref<2x10000x128xf32, #tpu.memory_space<hbm>> -> memref<1x624x128xf32, #tpu.memory_space<hbm>>
      %dma_start3A_33 = tpu.memref_squeeze %dma_start3A_32 : memref<1x624x128xf32, #tpu.memory_space<hbm>> -> memref<624x128xf32, #tpu.memory_space<hbm>>
      %dma_start3A_34 = arith.constant 0 : i32
      %dma_start3A_35 = tpu.memref_slice %arg13[%mul3A_2, %dma_start3A_34] : memref<10016x128xf32, #tpu.memory_space<vmem_shared>> -> memref<624x128xf32, #tpu.memory_space<vmem_shared>>
      tpu.enqueue_dma source(%dma_start3A_35 : memref<624x128xf32, #tpu.memory_space<vmem_shared>>) target(%dma_start3A_33 : memref<624x128xf32, #tpu.memory_space<hbm>>) target_semaphore(%run_scoped3A : memref<!tpu.dma_semaphore, #tpu.memory_space<semaphore_mem>>)
      %dma_wait3A = arith.constant 0 : i32
      %dma_wait3A_36 = tpu.memref_slice %arg5[%arg0, %mul3A_2, %dma_wait3A] : memref<2x10000x128xf32, #tpu.memory_space<hbm>> -> memref<1x624x128xf32, #tpu.memory_space<hbm>>
      %dma_wait3A_37 = tpu.memref_squeeze %dma_wait3A_36 : memref<1x624x128xf32, #tpu.memory_space<hbm>> -> memref<624x128xf32, #tpu.memory_space<hbm>>
      %dma_wait3A_38 = arith.constant 0 : i32
      %dma_wait3A_39 = tpu.memref_slice %arg13[%mul3A_2, %dma_wait3A_38] : memref<10016x128xf32, #tpu.memory_space<vmem_shared>> -> memref<624x128xf32, #tpu.memory_space<vmem_shared>>
      tpu.wait_dma2 semaphore(%run_scoped3A : memref<!tpu.dma_semaphore, #tpu.memory_space<semaphore_mem>>) src(%dma_wait3A_39 : memref<624x128xf32, #tpu.memory_space<vmem_shared>>) dst(%dma_wait3A_37 : memref<624x128xf32, #tpu.memory_space<hbm>>)
      tpu.yield
    }) : () -> ()
    %eq3A_27 = arith.constant 0 : i32
    %eq3A_28 = arith.cmpi eq, %arg1, %eq3A_27 : i32
    %convert_element_type3A_29 = arith.extui %eq3A_28 : i1 to i32
    %cond3A_30 = arith.constant 0 : i32
    %cond3A_31 = arith.cmpi ne, %convert_element_type3A_29, %cond3A_30 : i32
    scf.if %cond3A_31 {
      "tpu.region"() ({
        %run_scoped3A = tpu.sem_alloc : memref<!tpu.dma_semaphore, #tpu.memory_space<semaphore_mem>>
        %dma_start3A = arith.constant 9984 : i32
        %dma_start3A_32 = arith.constant 0 : i32
        %dma_start3A_33 = tpu.memref_slice %arg5[%arg0, %dma_start3A, %dma_start3A_32] : memref<2x10000x128xf32, #tpu.memory_space<hbm>> -> memref<1x16x128xf32, #tpu.memory_space<hbm>>
        %dma_start3A_34 = tpu.memref_squeeze %dma_start3A_33 : memref<1x16x128xf32, #tpu.memory_space<hbm>> -> memref<16x128xf32, #tpu.memory_space<hbm>>
        %dma_start3A_35 = arith.constant 9984 : i32
        %dma_start3A_36 = arith.constant 0 : i32
        %dma_start3A_37 = tpu.memref_slice %arg13[%dma_start3A_35, %dma_start3A_36] : memref<10016x128xf32, #tpu.memory_space<vmem_shared>> -> memref<16x128xf32, #tpu.memory_space<vmem_shared>>
        tpu.enqueue_dma source(%dma_start3A_37 : memref<16x128xf32, #tpu.memory_space<vmem_shared>>) target(%dma_start3A_34 : memref<16x128xf32, #tpu.memory_space<hbm>>) target_semaphore(%run_scoped3A : memref<!tpu.dma_semaphore, #tpu.memory_space<semaphore_mem>>)
        %dma_wait3A = arith.constant 9984 : i32
        %dma_wait3A_38 = arith.constant 0 : i32
        %dma_wait3A_39 = tpu.memref_slice %arg5[%arg0, %dma_wait3A, %dma_wait3A_38] : memref<2x10000x128xf32, #tpu.memory_space<hbm>> -> memref<1x16x128xf32, #tpu.memory_space<hbm>>
        %dma_wait3A_40 = tpu.memref_squeeze %dma_wait3A_39 : memref<1x16x128xf32, #tpu.memory_space<hbm>> -> memref<16x128xf32, #tpu.memory_space<hbm>>
        %dma_wait3A_41 = arith.constant 9984 : i32
        %dma_wait3A_42 = arith.constant 0 : i32
        %dma_wait3A_43 = tpu.memref_slice %arg13[%dma_wait3A_41, %dma_wait3A_42] : memref<10016x128xf32, #tpu.memory_space<vmem_shared>> -> memref<16x128xf32, #tpu.memory_space<vmem_shared>>
        tpu.wait_dma2 semaphore(%run_scoped3A : memref<!tpu.dma_semaphore, #tpu.memory_space<semaphore_mem>>) src(%dma_wait3A_43 : memref<16x128xf32, #tpu.memory_space<vmem_shared>>) dst(%dma_wait3A_40 : memref<16x128xf32, #tpu.memory_space<hbm>>)
        tpu.yield
      }) : () -> ()
    } else {
    }
    return
  }
}

#map = affine_map<(d0, d1) -> (0, 0)>
#map1 = affine_map<(d0, d1) -> (0, 0, 0)>
module attributes {stable_mosaic.version = 14 : i64} {
  func.func @k(%arg0: i32, %arg1: i32, %arg2: memref<10000x128xf32, #tpu.memory_space<hbm>>, %arg3: memref<2560x128xi32, #tpu.memory_space<hbm>>, %arg4: memref<2560x128xi32, #tpu.memory_space<hbm>>, %arg5: memref<2x10000x128xf32, #tpu.memory_space<hbm>>, %arg6: memref<128xi32, #tpu.memory_space<vmem>>, %arg7: memref<128xi32, #tpu.memory_space<vmem>>, %arg8: memref<128xi32, #tpu.memory_space<vmem>>, %arg9: memref<128xi32, #tpu.memory_space<vmem>>, %arg10: memref<128x128xf32, #tpu.memory_space<vmem>>, %arg11: memref<128x128xf32, #tpu.memory_space<vmem>>, %arg12: memref<104x128xf32, #tpu.memory_space<vmem>>, %arg13: memref<10016x128xf32, #tpu.memory_space<vmem_shared>>, %arg14: memref<!tpu.dma_semaphore, #tpu.memory_space<semaphore_mem>>, %arg15: memref<!tpu.dma_semaphore, #tpu.memory_space<semaphore_mem>>, %arg16: memref<!tpu.dma_semaphore, #tpu.memory_space<semaphore_mem>>, %arg17: memref<!tpu.dma_semaphore, #tpu.memory_space<semaphore_mem>>) attributes {dimension_semantics = [#tpu.dimension_semantics<core_parallel>, #tpu.dimension_semantics<subcore_parallel>], iteration_bounds = array<i64: 2, 16>, scalar_prefetch = 0 : i64, scratch_operands = 12 : i64, tpu.core_type = #tpu.core_type<sc_vector_subcore>, window_params = [{transform_indices = #map}, {transform_indices = #map}, {transform_indices = #map}, {transform_indices = #map1}]} {
    %mul3A = arith.constant 16 : i32
    %mul3A_0 = arith.muli %arg0, %mul3A : i32
    %add3A = arith.addi %mul3A_0, %arg1 : i32
    %mul3A_1 = arith.constant 624 : i32
    %mul3A_2 = arith.muli %arg1, %mul3A_1 : i32
    %scan3A = arith.constant 0 : i32
    %scan3A_3 = arith.constant 104 : i32
    %scan3A_4 = arith.addi %scan3A, %scan3A_3 : i32
    %scan3A_5 = arith.constant 1 : i32
    scf.for %scan3A_32 = %scan3A to %scan3A_4 step %scan3A_5  : i32 {
      %mul3A_33 = arith.constant 1 : i32
      %mul3A_34 = arith.muli %scan3A_32, %mul3A_33 : i32
      %add3A_35 = arith.constant 0 : i32
      %add3A_36 = arith.addi %add3A_35, %mul3A_34 : i32
      %scan3A_37 = arith.constant 0 : i32
      %scan3A_38 = arith.constant 8 : i32
      %scan3A_39 = arith.addi %scan3A_37, %scan3A_38 : i32
      %scan3A_40 = arith.constant 1 : i32
      scf.for %scan3A_42 = %scan3A_37 to %scan3A_39 step %scan3A_40  : i32 {
        %mul3A_43 = arith.constant 16 : i32
        %mul3A_44 = arith.muli %scan3A_42, %mul3A_43 : i32
        %add3A_45 = arith.constant 0 : i32
        %add3A_46 = arith.addi %add3A_45, %mul3A_44 : i32
        %broadcast_in_dim3A = arith.constant 0.000000e+00 : f32
        %broadcast_in_dim3A_47 = vector.broadcast %broadcast_in_dim3A : f32 to vector<16xf32>
        %swap3A = arith.index_cast %add3A_36 : i32 to index
        %swap3A_48 = arith.index_cast %add3A_46 : i32 to index
        %swap3A_49 = tpu.vector_load %arg12[%swap3A, %swap3A_48] {strides = array<i32>} : memref<104x128xf32, #tpu.memory_space<vmem>>, vector<1x16xf32>,
        %swap3A_50 = vector.shape_cast %swap3A_49 : vector<1x16xf32> to vector<16xf32>
        %swap3A_51 = vector.shape_cast %broadcast_in_dim3A_47 : vector<16xf32> to vector<1x16xf32>
        tpu.vector_store %arg12[%swap3A, %swap3A_48], %swap3A_51 {strides = array<i32>} : memref<104x128xf32, #tpu.memory_space<vmem>>, vector<1x16xf32>,
      }
      %scan3A_41 = arith.constant 8 : i32
    }
    %scan3A_6 = arith.constant 104 : i32
    %add3A_7 = arith.constant 0 : i32
    %add3A_8 = arith.addi %mul3A_2, %add3A_7 : i32
    "tpu.region"() ({
      %run_scoped3A = tpu.sem_alloc : memref<!tpu.dma_semaphore, #tpu.memory_space<semaphore_mem>>
      %dma_start3A = arith.constant 0 : i32
      %dma_start3A_32 = tpu.memref_slice %arg13[%add3A_8, %dma_start3A] : memref<10016x128xf32, #tpu.memory_space<vmem_shared>> -> memref<104x128xf32, #tpu.memory_space<vmem_shared>>
      %dma_start3A_33 = arith.constant 0 : i32
      %dma_start3A_34 = tpu.memref_slice %arg13[%add3A_8, %dma_start3A_33] : memref<10016x128xf32, #tpu.memory_space<vmem_shared>> -> memref<104x128xf32, #tpu.memory_space<vmem_shared>>
      tpu.enqueue_dma source(%arg12 : memref<104x128xf32, #tpu.memory_space<vmem>>) target(%dma_start3A_34 : memref<104x128xf32, #tpu.memory_space<vmem_shared>>) target_semaphore(%run_scoped3A : memref<!tpu.dma_semaphore, #tpu.memory_space<semaphore_mem>>)
      %dma_wait3A = arith.constant 0 : i32
      %dma_wait3A_35 = tpu.memref_slice %arg13[%add3A_8, %dma_wait3A] : memref<10016x128xf32, #tpu.memory_space<vmem_shared>> -> memref<104x128xf32, #tpu.memory_space<vmem_shared>>
      %dma_wait3A_36 = arith.constant 0 : i32
      %dma_wait3A_37 = tpu.memref_slice %arg13[%add3A_8, %dma_wait3A_36] : memref<10016x128xf32, #tpu.memory_space<vmem_shared>> -> memref<104x128xf32, #tpu.memory_space<vmem_shared>>
      tpu.wait_dma2 semaphore(%run_scoped3A : memref<!tpu.dma_semaphore, #tpu.memory_space<semaphore_mem>>) src(%arg12 : memref<104x128xf32, #tpu.memory_space<vmem>>) dst(%dma_wait3A_37 : memref<104x128xf32, #tpu.memory_space<vmem_shared>>)
      tpu.yield
    }) : () -> ()
    %add3A_9 = arith.constant 104 : i32
    %add3A_10 = arith.addi %mul3A_2, %add3A_9 : i32
    "tpu.region"() ({
      %run_scoped3A = tpu.sem_alloc : memref<!tpu.dma_semaphore, #tpu.memory_space<semaphore_mem>>
      %dma_start3A = arith.constant 0 : i32
      %dma_start3A_32 = tpu.memref_slice %arg13[%add3A_10, %dma_start3A] : memref<10016x128xf32, #tpu.memory_space<vmem_shared>> -> memref<104x128xf32, #tpu.memory_space<vmem_shared>>
      %dma_start3A_33 = arith.constant 0 : i32
      %dma_start3A_34 = tpu.memref_slice %arg13[%add3A_10, %dma_start3A_33] : memref<10016x128xf32, #tpu.memory_space<vmem_shared>> -> memref<104x128xf32, #tpu.memory_space<vmem_shared>>
      tpu.enqueue_dma source(%arg12 : memref<104x128xf32, #tpu.memory_space<vmem>>) target(%dma_start3A_34 : memref<104x128xf32, #tpu.memory_space<vmem_shared>>) target_semaphore(%run_scoped3A : memref<!tpu.dma_semaphore, #tpu.memory_space<semaphore_mem>>)
      %dma_wait3A = arith.constant 0 : i32
      %dma_wait3A_35 = tpu.memref_slice %arg13[%add3A_10, %dma_wait3A] : memref<10016x128xf32, #tpu.memory_space<vmem_shared>> -> memref<104x128xf32, #tpu.memory_space<vmem_shared>>
      %dma_wait3A_36 = arith.constant 0 : i32
      %dma_wait3A_37 = tpu.memref_slice %arg13[%add3A_10, %dma_wait3A_36] : memref<10016x128xf32, #tpu.memory_space<vmem_shared>> -> memref<104x128xf32, #tpu.memory_space<vmem_shared>>
      tpu.wait_dma2 semaphore(%run_scoped3A : memref<!tpu.dma_semaphore, #tpu.memory_space<semaphore_mem>>) src(%arg12 : memref<104x128xf32, #tpu.memory_space<vmem>>) dst(%dma_wait3A_37 : memref<104x128xf32, #tpu.memory_space<vmem_shared>>)
      tpu.yield
    }) : () -> ()
    %add3A_11 = arith.constant 208 : i32
    %add3A_12 = arith.addi %mul3A_2, %add3A_11 : i32
    "tpu.region"() ({
      %run_scoped3A = tpu.sem_alloc : memref<!tpu.dma_semaphore, #tpu.memory_space<semaphore_mem>>
      %dma_start3A = arith.constant 0 : i32
      %dma_start3A_32 = tpu.memref_slice %arg13[%add3A_12, %dma_start3A] : memref<10016x128xf32, #tpu.memory_space<vmem_shared>> -> memref<104x128xf32, #tpu.memory_space<vmem_shared>>
      %dma_start3A_33 = arith.constant 0 : i32
      %dma_start3A_34 = tpu.memref_slice %arg13[%add3A_12, %dma_start3A_33] : memref<10016x128xf32, #tpu.memory_space<vmem_shared>> -> memref<104x128xf32, #tpu.memory_space<vmem_shared>>
      tpu.enqueue_dma source(%arg12 : memref<104x128xf32, #tpu.memory_space<vmem>>) target(%dma_start3A_34 : memref<104x128xf32, #tpu.memory_space<vmem_shared>>) target_semaphore(%run_scoped3A : memref<!tpu.dma_semaphore, #tpu.memory_space<semaphore_mem>>)
      %dma_wait3A = arith.constant 0 : i32
      %dma_wait3A_35 = tpu.memref_slice %arg13[%add3A_12, %dma_wait3A] : memref<10016x128xf32, #tpu.memory_space<vmem_shared>> -> memref<104x128xf32, #tpu.memory_space<vmem_shared>>
      %dma_wait3A_36 = arith.constant 0 : i32
      %dma_wait3A_37 = tpu.memref_slice %arg13[%add3A_12, %dma_wait3A_36] : memref<10016x128xf32, #tpu.memory_space<vmem_shared>> -> memref<104x128xf32, #tpu.memory_space<vmem_shared>>
      tpu.wait_dma2 semaphore(%run_scoped3A : memref<!tpu.dma_semaphore, #tpu.memory_space<semaphore_mem>>) src(%arg12 : memref<104x128xf32, #tpu.memory_space<vmem>>) dst(%dma_wait3A_37 : memref<104x128xf32, #tpu.memory_space<vmem_shared>>)
      tpu.yield
    }) : () -> ()
    %add3A_13 = arith.constant 312 : i32
    %add3A_14 = arith.addi %mul3A_2, %add3A_13 : i32
    "tpu.region"() ({
      %run_scoped3A = tpu.sem_alloc : memref<!tpu.dma_semaphore, #tpu.memory_space<semaphore_mem>>
      %dma_start3A = arith.constant 0 : i32
      %dma_start3A_32 = tpu.memref_slice %arg13[%add3A_14, %dma_start3A] : memref<10016x128xf32, #tpu.memory_space<vmem_shared>> -> memref<104x128xf32, #tpu.memory_space<vmem_shared>>
      %dma_start3A_33 = arith.constant 0 : i32
      %dma_start3A_34 = tpu.memref_slice %arg13[%add3A_14, %dma_start3A_33] : memref<10016x128xf32, #tpu.memory_space<vmem_shared>> -> memref<104x128xf32, #tpu.memory_space<vmem_shared>>
      tpu.enqueue_dma source(%arg12 : memref<104x128xf32, #tpu.memory_space<vmem>>) target(%dma_start3A_34 : memref<104x128xf32, #tpu.memory_space<vmem_shared>>) target_semaphore(%run_scoped3A : memref<!tpu.dma_semaphore, #tpu.memory_space<semaphore_mem>>)
      %dma_wait3A = arith.constant 0 : i32
      %dma_wait3A_35 = tpu.memref_slice %arg13[%add3A_14, %dma_wait3A] : memref<10016x128xf32, #tpu.memory_space<vmem_shared>> -> memref<104x128xf32, #tpu.memory_space<vmem_shared>>
      %dma_wait3A_36 = arith.constant 0 : i32
      %dma_wait3A_37 = tpu.memref_slice %arg13[%add3A_14, %dma_wait3A_36] : memref<10016x128xf32, #tpu.memory_space<vmem_shared>> -> memref<104x128xf32, #tpu.memory_space<vmem_shared>>
      tpu.wait_dma2 semaphore(%run_scoped3A : memref<!tpu.dma_semaphore, #tpu.memory_space<semaphore_mem>>) src(%arg12 : memref<104x128xf32, #tpu.memory_space<vmem>>) dst(%dma_wait3A_37 : memref<104x128xf32, #tpu.memory_space<vmem_shared>>)
      tpu.yield
    }) : () -> ()
    %add3A_15 = arith.constant 416 : i32
    %add3A_16 = arith.addi %mul3A_2, %add3A_15 : i32
    "tpu.region"() ({
      %run_scoped3A = tpu.sem_alloc : memref<!tpu.dma_semaphore, #tpu.memory_space<semaphore_mem>>
      %dma_start3A = arith.constant 0 : i32
      %dma_start3A_32 = tpu.memref_slice %arg13[%add3A_16, %dma_start3A] : memref<10016x128xf32, #tpu.memory_space<vmem_shared>> -> memref<104x128xf32, #tpu.memory_space<vmem_shared>>
      %dma_start3A_33 = arith.constant 0 : i32
      %dma_start3A_34 = tpu.memref_slice %arg13[%add3A_16, %dma_start3A_33] : memref<10016x128xf32, #tpu.memory_space<vmem_shared>> -> memref<104x128xf32, #tpu.memory_space<vmem_shared>>
      tpu.enqueue_dma source(%arg12 : memref<104x128xf32, #tpu.memory_space<vmem>>) target(%dma_start3A_34 : memref<104x128xf32, #tpu.memory_space<vmem_shared>>) target_semaphore(%run_scoped3A : memref<!tpu.dma_semaphore, #tpu.memory_space<semaphore_mem>>)
      %dma_wait3A = arith.constant 0 : i32
      %dma_wait3A_35 = tpu.memref_slice %arg13[%add3A_16, %dma_wait3A] : memref<10016x128xf32, #tpu.memory_space<vmem_shared>> -> memref<104x128xf32, #tpu.memory_space<vmem_shared>>
      %dma_wait3A_36 = arith.constant 0 : i32
      %dma_wait3A_37 = tpu.memref_slice %arg13[%add3A_16, %dma_wait3A_36] : memref<10016x128xf32, #tpu.memory_space<vmem_shared>> -> memref<104x128xf32, #tpu.memory_space<vmem_shared>>
      tpu.wait_dma2 semaphore(%run_scoped3A : memref<!tpu.dma_semaphore, #tpu.memory_space<semaphore_mem>>) src(%arg12 : memref<104x128xf32, #tpu.memory_space<vmem>>) dst(%dma_wait3A_37 : memref<104x128xf32, #tpu.memory_space<vmem_shared>>)
      tpu.yield
    }) : () -> ()
    %add3A_17 = arith.constant 520 : i32
    %add3A_18 = arith.addi %mul3A_2, %add3A_17 : i32
    "tpu.region"() ({
      %run_scoped3A = tpu.sem_alloc : memref<!tpu.dma_semaphore, #tpu.memory_space<semaphore_mem>>
      %dma_start3A = arith.constant 0 : i32
      %dma_start3A_32 = tpu.memref_slice %arg13[%add3A_18, %dma_start3A] : memref<10016x128xf32, #tpu.memory_space<vmem_shared>> -> memref<104x128xf32, #tpu.memory_space<vmem_shared>>
      %dma_start3A_33 = arith.constant 0 : i32
      %dma_start3A_34 = tpu.memref_slice %arg13[%add3A_18, %dma_start3A_33] : memref<10016x128xf32, #tpu.memory_space<vmem_shared>> -> memref<104x128xf32, #tpu.memory_space<vmem_shared>>
      tpu.enqueue_dma source(%arg12 : memref<104x128xf32, #tpu.memory_space<vmem>>) target(%dma_start3A_34 : memref<104x128xf32, #tpu.memory_space<vmem_shared>>) target_semaphore(%run_scoped3A : memref<!tpu.dma_semaphore, #tpu.memory_space<semaphore_mem>>)
      %dma_wait3A = arith.constant 0 : i32
      %dma_wait3A_35 = tpu.memref_slice %arg13[%add3A_18, %dma_wait3A] : memref<10016x128xf32, #tpu.memory_space<vmem_shared>> -> memref<104x128xf32, #tpu.memory_space<vmem_shared>>
      %dma_wait3A_36 = arith.constant 0 : i32
      %dma_wait3A_37 = tpu.memref_slice %arg13[%add3A_18, %dma_wait3A_36] : memref<10016x128xf32, #tpu.memory_space<vmem_shared>> -> memref<104x128xf32, #tpu.memory_space<vmem_shared>>
      tpu.wait_dma2 semaphore(%run_scoped3A : memref<!tpu.dma_semaphore, #tpu.memory_space<semaphore_mem>>) src(%arg12 : memref<104x128xf32, #tpu.memory_space<vmem>>) dst(%dma_wait3A_37 : memref<104x128xf32, #tpu.memory_space<vmem_shared>>)
      tpu.yield
    }) : () -> ()
    %eq3A = arith.constant 0 : i32
    %eq3A_19 = arith.cmpi eq, %arg1, %eq3A : i32
    %convert_element_type3A = arith.extui %eq3A_19 : i1 to i32
    %cond3A = arith.constant 0 : i32
    %cond3A_20 = arith.cmpi ne, %convert_element_type3A, %cond3A : i32
    scf.if %cond3A_20 {
      "tpu.region"() ({
        %run_scoped3A = tpu.sem_alloc : memref<!tpu.dma_semaphore, #tpu.memory_space<semaphore_mem>>
        %dma_start3A = arith.constant 0 : i32
        %dma_start3A_32 = arith.constant 0 : i32
        %dma_start3A_33 = tpu.memref_slice %arg12[%dma_start3A, %dma_start3A_32] : memref<104x128xf32, #tpu.memory_space<vmem>> -> memref<32x128xf32, #tpu.memory_space<vmem>>
        %dma_start3A_34 = arith.constant 9984 : i32
        %dma_start3A_35 = arith.constant 0 : i32
        %dma_start3A_36 = tpu.memref_slice %arg13[%dma_start3A_34, %dma_start3A_35] : memref<10016x128xf32, #tpu.memory_space<vmem_shared>> -> memref<32x128xf32, #tpu.memory_space<vmem_shared>>
        %dma_start3A_37 = arith.constant 9984 : i32
        %dma_start3A_38 = arith.constant 0 : i32
        %dma_start3A_39 = tpu.memref_slice %arg13[%dma_start3A_37, %dma_start3A_38] : memref<10016x128xf32, #tpu.memory_space<vmem_shared>> -> memref<32x128xf32, #tpu.memory_space<vmem_shared>>
        %dma_start3A_40 = arith.constant 0 : i32
        %dma_start3A_41 = arith.constant 0 : i32
        %dma_start3A_42 = tpu.memref_slice %arg12[%dma_start3A_40, %dma_start3A_41] : memref<104x128xf32, #tpu.memory_space<vmem>> -> memref<32x128xf32, #tpu.memory_space<vmem>>
        tpu.enqueue_dma source(%dma_start3A_42 : memref<32x128xf32, #tpu.memory_space<vmem>>) target(%dma_start3A_39 : memref<32x128xf32, #tpu.memory_space<vmem_shared>>) target_semaphore(%run_scoped3A : memref<!tpu.dma_semaphore, #tpu.memory_space<semaphore_mem>>)
        %dma_wait3A = arith.constant 0 : i32
        %dma_wait3A_43 = arith.constant 0 : i32
        %dma_wait3A_44 = tpu.memref_slice %arg12[%dma_wait3A, %dma_wait3A_43] : memref<104x128xf32, #tpu.memory_space<vmem>> -> memref<32x128xf32, #tpu.memory_space<vmem>>
        %dma_wait3A_45 = arith.constant 9984 : i32
        %dma_wait3A_46 = arith.constant 0 : i32
        %dma_wait3A_47 = tpu.memref_slice %arg13[%dma_wait3A_45, %dma_wait3A_46] : memref<10016x128xf32, #tpu.memory_space<vmem_shared>> -> memref<32x128xf32, #tpu.memory_space<vmem_shared>>
        %dma_wait3A_48 = arith.constant 9984 : i32
        %dma_wait3A_49 = arith.constant 0 : i32
        %dma_wait3A_50 = tpu.memref_slice %arg13[%dma_wait3A_48, %dma_wait3A_49] : memref<10016x128xf32, #tpu.memory_space<vmem_shared>> -> memref<32x128xf32, #tpu.memory_space<vmem_shared>>
        %dma_wait3A_51 = arith.constant 0 : i32
        %dma_wait3A_52 = arith.constant 0 : i32
        %dma_wait3A_53 = tpu.memref_slice %arg12[%dma_wait3A_51, %dma_wait3A_52] : memref<104x128xf32, #tpu.memory_space<vmem>> -> memref<32x128xf32, #tpu.memory_space<vmem>>
        tpu.wait_dma2 semaphore(%run_scoped3A : memref<!tpu.dma_semaphore, #tpu.memory_space<semaphore_mem>>) src(%dma_wait3A_53 : memref<32x128xf32, #tpu.memory_space<vmem>>) dst(%dma_wait3A_50 : memref<32x128xf32, #tpu.memory_space<vmem_shared>>)
        tpu.yield
      }) : () -> ()
    } else {
    }
    %barrier3A = arith.constant 0 : index
    tpu.barrier barrier_id(%barrier3A)
    %scan3A_21 = arith.constant 0 : i32
    %scan3A_22 = arith.constant 80 : i32
    %scan3A_23 = arith.addi %scan3A_21, %scan3A_22 : i32
    %scan3A_24 = arith.constant 1 : i32
    scf.for %scan3A_32 = %scan3A_21 to %scan3A_23 step %scan3A_24  : i32 {
      %mul3A_33 = arith.constant 1 : i32
      %mul3A_34 = arith.muli %scan3A_32, %mul3A_33 : i32
      %add3A_35 = arith.constant 0 : i32
      %add3A_36 = arith.addi %add3A_35, %mul3A_34 : i32
      %mul3A_37 = arith.constant 80 : i32
      %mul3A_38 = arith.muli %add3A, %mul3A_37 : i32
      %add3A_39 = arith.addi %mul3A_38, %add3A_36 : i32
      %dma_start3A = arith.constant 0 : i32
      %dma_start3A_40 = tpu.memref_slice %arg3[%add3A_39, %dma_start3A] : memref<2560x128xi32, #tpu.memory_space<hbm>> -> memref<1x128xi32, #tpu.memory_space<hbm>>
      %dma_start3A_41 = tpu.memref_squeeze %dma_start3A_40 : memref<1x128xi32, #tpu.memory_space<hbm>> -> memref<128xi32, #tpu.memory_space<hbm>>
      %dma_start3A_42 = arith.constant 0 : i32
      %dma_start3A_43 = tpu.memref_slice %arg3[%add3A_39, %dma_start3A_42] : memref<2560x128xi32, #tpu.memory_space<hbm>> -> memref<1x128xi32, #tpu.memory_space<hbm>>
      %dma_start3A_44 = tpu.memref_squeeze %dma_start3A_43 : memref<1x128xi32, #tpu.memory_space<hbm>> -> memref<128xi32, #tpu.memory_space<hbm>>
      tpu.enqueue_dma source(%dma_start3A_44 : memref<128xi32, #tpu.memory_space<hbm>>) target(%arg6 : memref<128xi32, #tpu.memory_space<vmem>>) target_semaphore(%arg16 : memref<!tpu.dma_semaphore, #tpu.memory_space<semaphore_mem>>)
      %dma_start3A_45 = arith.constant 0 : i32
      %dma_start3A_46 = tpu.memref_slice %arg4[%add3A_39, %dma_start3A_45] : memref<2560x128xi32, #tpu.memory_space<hbm>> -> memref<1x128xi32, #tpu.memory_space<hbm>>
      %dma_start3A_47 = tpu.memref_squeeze %dma_start3A_46 : memref<1x128xi32, #tpu.memory_space<hbm>> -> memref<128xi32, #tpu.memory_space<hbm>>
      %dma_start3A_48 = arith.constant 0 : i32
      %dma_start3A_49 = tpu.memref_slice %arg4[%add3A_39, %dma_start3A_48] : memref<2560x128xi32, #tpu.memory_space<hbm>> -> memref<1x128xi32, #tpu.memory_space<hbm>>
      %dma_start3A_50 = tpu.memref_squeeze %dma_start3A_49 : memref<1x128xi32, #tpu.memory_space<hbm>> -> memref<128xi32, #tpu.memory_space<hbm>>
      tpu.enqueue_dma source(%dma_start3A_50 : memref<128xi32, #tpu.memory_space<hbm>>) target(%arg8 : memref<128xi32, #tpu.memory_space<vmem>>) target_semaphore(%arg17 : memref<!tpu.dma_semaphore, #tpu.memory_space<semaphore_mem>>)
      %dma_wait3A = arith.constant 0 : i32
      %dma_wait3A_51 = tpu.memref_slice %arg3[%add3A_39, %dma_wait3A] : memref<2560x128xi32, #tpu.memory_space<hbm>> -> memref<1x128xi32, #tpu.memory_space<hbm>>
      %dma_wait3A_52 = tpu.memref_squeeze %dma_wait3A_51 : memref<1x128xi32, #tpu.memory_space<hbm>> -> memref<128xi32, #tpu.memory_space<hbm>>
      %dma_wait3A_53 = arith.constant 0 : i32
      %dma_wait3A_54 = tpu.memref_slice %arg3[%add3A_39, %dma_wait3A_53] : memref<2560x128xi32, #tpu.memory_space<hbm>> -> memref<1x128xi32, #tpu.memory_space<hbm>>
      %dma_wait3A_55 = tpu.memref_squeeze %dma_wait3A_54 : memref<1x128xi32, #tpu.memory_space<hbm>> -> memref<128xi32, #tpu.memory_space<hbm>>
      tpu.wait_dma2 semaphore(%arg16 : memref<!tpu.dma_semaphore, #tpu.memory_space<semaphore_mem>>) src(%dma_wait3A_55 : memref<128xi32, #tpu.memory_space<hbm>>) dst(%arg6 : memref<128xi32, #tpu.memory_space<vmem>>)
      %dma_wait3A_56 = arith.constant 0 : i32
      %dma_wait3A_57 = tpu.memref_slice %arg4[%add3A_39, %dma_wait3A_56] : memref<2560x128xi32, #tpu.memory_space<hbm>> -> memref<1x128xi32, #tpu.memory_space<hbm>>
      %dma_wait3A_58 = tpu.memref_squeeze %dma_wait3A_57 : memref<1x128xi32, #tpu.memory_space<hbm>> -> memref<128xi32, #tpu.memory_space<hbm>>
      %dma_wait3A_59 = arith.constant 0 : i32
      %dma_wait3A_60 = tpu.memref_slice %arg4[%add3A_39, %dma_wait3A_59] : memref<2560x128xi32, #tpu.memory_space<hbm>> -> memref<1x128xi32, #tpu.memory_space<hbm>>
      %dma_wait3A_61 = tpu.memref_squeeze %dma_wait3A_60 : memref<1x128xi32, #tpu.memory_space<hbm>> -> memref<128xi32, #tpu.memory_space<hbm>>
      tpu.wait_dma2 semaphore(%arg17 : memref<!tpu.dma_semaphore, #tpu.memory_space<semaphore_mem>>) src(%dma_wait3A_61 : memref<128xi32, #tpu.memory_space<hbm>>) dst(%arg8 : memref<128xi32, #tpu.memory_space<vmem>>)
      %dma_start3A_62 = arith.constant 0 : i32
      %dma_start3A_63 = arith.constant 0 : i32
      %dma_start3A_64 = tpu.memref_slice %arg2[%dma_start3A_62, %dma_start3A_63] : memref<10000x128xf32, #tpu.memory_space<hbm>> -> memref<10000x128xf32, #tpu.memory_space<hbm>>
      tpu.enqueue_indirect_dma source(%dma_start3A_64 : memref<10000x128xf32, #tpu.memory_space<hbm>>) target(%arg10 : memref<128x128xf32, #tpu.memory_space<vmem>>) offsets(%arg6 : memref<128xi32, #tpu.memory_space<vmem>>) semaphore(%arg14 : memref<!tpu.dma_semaphore, #tpu.memory_space<semaphore_mem>>)
      %dma_wait3A_65 = arith.constant 0 : i32
      %dma_wait3A_66 = arith.constant 0 : i32
      %dma_wait3A_67 = tpu.memref_slice %arg2[%dma_wait3A_65, %dma_wait3A_66] : memref<10000x128xf32, #tpu.memory_space<hbm>> -> memref<10000x128xf32, #tpu.memory_space<hbm>>
      tpu.wait_indirect_dma semaphore(%arg14 : memref<!tpu.dma_semaphore, #tpu.memory_space<semaphore_mem>>) src(%dma_wait3A_67 : memref<10000x128xf32, #tpu.memory_space<hbm>>) dst(%arg10 : memref<128x128xf32, #tpu.memory_space<vmem>>)
      "tpu.region"() ({
        %run_scoped3A = tpu.sem_alloc : memref<!tpu.dma_semaphore, #tpu.memory_space<semaphore_mem>>
        %dma_start3A_68 = arith.constant 0 : i32
        %dma_start3A_69 = arith.constant 0 : i32
        %dma_start3A_70 = tpu.memref_slice %arg13[%dma_start3A_68, %dma_start3A_69] : memref<10016x128xf32, #tpu.memory_space<vmem_shared>> -> memref<10016x128xf32, #tpu.memory_space<vmem_shared>>
        tpu.enqueue_indirect_dma source(%arg10 : memref<128x128xf32, #tpu.memory_space<vmem>>) target(%dma_start3A_70 : memref<10016x128xf32, #tpu.memory_space<vmem_shared>>) offsets(%arg8 : memref<128xi32, #tpu.memory_space<vmem>>) semaphore(%run_scoped3A : memref<!tpu.dma_semaphore, #tpu.memory_space<semaphore_mem>>) {add = true}
        %dma_wait3A_71 = arith.constant 0 : i32
        %dma_wait3A_72 = arith.constant 0 : i32
        %dma_wait3A_73 = tpu.memref_slice %arg13[%dma_wait3A_71, %dma_wait3A_72] : memref<10016x128xf32, #tpu.memory_space<vmem_shared>> -> memref<10016x128xf32, #tpu.memory_space<vmem_shared>>
        tpu.wait_indirect_dma semaphore(%run_scoped3A : memref<!tpu.dma_semaphore, #tpu.memory_space<semaphore_mem>>) src(%arg10 : memref<128x128xf32, #tpu.memory_space<vmem>>) dst(%dma_wait3A_73 : memref<10016x128xf32, #tpu.memory_space<vmem_shared>>)
        tpu.yield
      }) : () -> ()
    }
    %scan3A_25 = arith.constant 80 : i32
    %barrier3A_26 = arith.constant 0 : index
    tpu.barrier barrier_id(%barrier3A_26)
    "tpu.region"() ({
      %run_scoped3A = tpu.sem_alloc : memref<!tpu.dma_semaphore, #tpu.memory_space<semaphore_mem>>
      %dma_start3A = arith.constant 0 : i32
      %dma_start3A_32 = tpu.memref_slice %arg5[%arg0, %mul3A_2, %dma_start3A] : memref<2x10000x128xf32, #tpu.memory_space<hbm>> -> memref<1x624x128xf32, #tpu.memory_space<hbm>>
      %dma_start3A_33 = tpu.memref_squeeze %dma_start3A_32 : memref<1x624x128xf32, #tpu.memory_space<hbm>> -> memref<624x128xf32, #tpu.memory_space<hbm>>
      %dma_start3A_34 = arith.constant 0 : i32
      %dma_start3A_35 = tpu.memref_slice %arg13[%mul3A_2, %dma_start3A_34] : memref<10016x128xf32, #tpu.memory_space<vmem_shared>> -> memref<624x128xf32, #tpu.memory_space<vmem_shared>>
      tpu.enqueue_dma source(%dma_start3A_35 : memref<624x128xf32, #tpu.memory_space<vmem_shared>>) target(%dma_start3A_33 : memref<624x128xf32, #tpu.memory_space<hbm>>) target_semaphore(%run_scoped3A : memref<!tpu.dma_semaphore, #tpu.memory_space<semaphore_mem>>)
      %dma_wait3A = arith.constant 0 : i32
      %dma_wait3A_36 = tpu.memref_slice %arg5[%arg0, %mul3A_2, %dma_wait3A] : memref<2x10000x128xf32, #tpu.memory_space<hbm>> -> memref<1x624x128xf32, #tpu.memory_space<hbm>>
      %dma_wait3A_37 = tpu.memref_squeeze %dma_wait3A_36 : memref<1x624x128xf32, #tpu.memory_space<hbm>> -> memref<624x128xf32, #tpu.memory_space<hbm>>
      %dma_wait3A_38 = arith.constant 0 : i32
      %dma_wait3A_39 = tpu.memref_slice %arg13[%mul3A_2, %dma_wait3A_38] : memref<10016x128xf32, #tpu.memory_space<vmem_shared>> -> memref<624x128xf32, #tpu.memory_space<vmem_shared>>
      tpu.wait_dma2 semaphore(%run_scoped3A : memref<!tpu.dma_semaphore, #tpu.memory_space<semaphore_mem>>) src(%dma_wait3A_39 : memref<624x128xf32, #tpu.memory_space<vmem_shared>>) dst(%dma_wait3A_37 : memref<624x128xf32, #tpu.memory_space<hbm>>)
      tpu.yield
    }) : () -> ()
    %eq3A_27 = arith.constant 0 : i32
    %eq3A_28 = arith.cmpi eq, %arg1, %eq3A_27 : i32
    %convert_element_type3A_29 = arith.extui %eq3A_28 : i1 to i32
    %cond3A_30 = arith.constant 0 : i32
    %cond3A_31 = arith.cmpi ne, %convert_element_type3A_29, %cond3A_30 : i32
    scf.if %cond3A_31 {
      "tpu.region"() ({
        %run_scoped3A = tpu.sem_alloc : memref<!tpu.dma_semaphore, #tpu.memory_space<semaphore_mem>>
        %dma_start3A = arith.constant 9984 : i32
        %dma_start3A_32 = arith.constant 0 : i32
        %dma_start3A_33 = tpu.memref_slice %arg5[%arg0, %dma_start3A, %dma_start3A_32] : memref<2x10000x128xf32, #tpu.memory_space<hbm>> -> memref<1x16x128xf32, #tpu.memory_space<hbm>>
        %dma_start3A_34 = tpu.memref_squeeze %dma_start3A_33 : memref<1x16x128xf32, #tpu.memory_space<hbm>> -> memref<16x128xf32, #tpu.memory_space<hbm>>
        %dma_start3A_35 = arith.constant 9984 : i32
        %dma_start3A_36 = arith.constant 0 : i32
        %dma_start3A_37 = tpu.memref_slice %arg13[%dma_start3A_35, %dma_start3A_36] : memref<10016x128xf32, #tpu.memory_space<vmem_shared>> -> memref<16x128xf32, #tpu.memory_space<vmem_shared>>
        tpu.enqueue_dma source(%dma_start3A_37 : memref<16x128xf32, #tpu.memory_space<vmem_shared>>) target(%dma_start3A_34 : memref<16x128xf32, #tpu.memory_space<hbm>>) target_semaphore(%run_scoped3A : memref<!tpu.dma_semaphore, #tpu.memory_space<semaphore_mem>>)
        %dma_wait3A = arith.constant 9984 : i32
        %dma_wait3A_38 = arith.constant 0 : i32
        %dma_wait3A_39 = tpu.memref_slice %arg5[%arg0, %dma_wait3A, %dma_wait3A_38] : memref<2x10000x128xf32, #tpu.memory_space<hbm>> -> memref<1x16x128xf32, #tpu.memory_space<hbm>>
        %dma_wait3A_40 = tpu.memref_squeeze %dma_wait3A_39 : memref<1x16x128xf32, #tpu.memory_space<hbm>> -> memref<16x128xf32, #tpu.memory_space<hbm>>
        %dma_wait3A_41 = arith.constant 9984 : i32
        %dma_wait3A_42 = arith.constant 0 : i32
        %dma_wait3A_43 = tpu.memref_slice %arg13[%dma_wait3A_41, %dma_wait3A_42] : memref<10016x128xf32, #tpu.memory_space<vmem_shared>> -> memref<16x128xf32, #tpu.memory_space<vmem_shared>>
        tpu.wait_dma2 semaphore(%run_scoped3A : memref<!tpu.dma_semaphore, #tpu.memory_space<semaphore_mem>>) src(%dma_wait3A_43 : memref<16x128xf32, #tpu.memory_space<vmem_shared>>) dst(%dma_wait3A_40 : memref<16x128xf32, #tpu.memory_space<hbm>>)
        tpu.yield
      }) : () -> ()
    } else {
    }
    return
  }
}

module attributes {stable_mosaic.version = 14 : i64} {
  func.func @body(%arg0: i32, %arg1: memref<2000x16xf32, #tpu.memory_space<vmem>>, %arg2: memref<128x16xf32, #tpu.memory_space<vmem>>, %arg3: memref<1x128xf32, #tpu.memory_space<vmem>>, %arg4: memref<128x128xf32, #tpu.memory_space<vmem>>, %arg5: memref<2000x16xf32, #tpu.memory_space<vmem>>, %arg6: memref<2000x16xf32, #tpu.memory_space<vmem>>, %arg7: memref<2000x128xf32, #tpu.memory_space<vmem>>, %arg8: memref<2000x128xf32, #tpu.memory_space<vmem>>, %arg9: memref<2000x128xf32, #tpu.memory_space<vmem>>) attributes {dimension_semantics = [#tpu.dimension_semantics<arbitrary>], iteration_bounds = array<i64: 5>, scalar_prefetch = 0 : i64, scratch_operands = 0 : i64, tpu.core_type = #tpu.core_type<tc>, window_params = [{transform_indices = @transform_0, window_bounds = array<i64: 2000, 16>}, {pipeline_mode = #tpu.pipeline_mode<synchronous>, transform_indices = @transform_1, window_bounds = array<i64: 128, 16>}, {pipeline_mode = #tpu.pipeline_mode<synchronous>, transform_indices = @transform_2, window_bounds = array<i64: 1, 128>}, {pipeline_mode = #tpu.pipeline_mode<synchronous>, transform_indices = @transform_3, window_bounds = array<i64: 128, 128>}, {transform_indices = @transform_4, window_bounds = array<i64: 2000, 16>}, {transform_indices = @transform_5, window_bounds = array<i64: 2000, 16>}, {transform_indices = @transform_6, window_bounds = array<i64: 2000, 128>}, {transform_indices = @transform_7, window_bounds = array<i64: 2000, 128>}, {transform_indices = @transform_8, window_bounds = array<i64: 2000, 128>}]} {
    %get3A = arith.constant 0 : index
    %get3A_0 = arith.constant 0 : index
    %get3A_1 = vector.load %arg1[%get3A, %get3A_0] : memref<2000x16xf32, #tpu.memory_space<vmem>>, vector<2000x16xf32>
    %add3A = arith.constant 1.000000e+00 : f32
    %add3A_2 = vector.broadcast %add3A : f32 to vector<2000x16xf32>
    %add3A_3 = arith.addf %get3A_1, %add3A_2 : vector<2000x16xf32>
    %log3A = math.log %add3A_3 : vector<2000x16xf32>
    %get3A_4 = arith.constant 0 : index
    %get3A_5 = arith.constant 0 : index
    %get3A_6 = vector.load %arg2[%get3A_4, %get3A_5] : memref<128x16xf32, #tpu.memory_space<vmem>>, vector<128x16xf32>
    %dot_general3A = arith.constant dense<0.000000e+00> : vector<2000x128xf32>
    %dot_general3A_7 = tpu.matmul %log3A, %get3A_6, %dot_general3A {dimension_numbers = #tpu.dot_dimension_numbers<[1], [1], [0], [0], [0, 0, 1, 0], [], []>, precision = #tpu.contract_precision<fp32>, transpose_lhs_hint = false} : vector<2000x16xf32>, vector<128x16xf32>, vector<2000x128xf32> -> vector<2000x128xf32>
    %get3A_8 = arith.constant 0 : index
    %get3A_9 = arith.constant 0 : index
    %get3A_10 = vector.load %arg3[%get3A_8, %get3A_9] : memref<1x128xf32, #tpu.memory_space<vmem>>, vector<1x128xf32>
    %add3A_11 = vector.broadcast %get3A_10 : vector<1x128xf32> to vector<2000x128xf32>
    %add3A_12 = arith.addf %dot_general3A_7, %add3A_11 : vector<2000x128xf32>
    %get3A_13 = arith.constant 0 : index
    %get3A_14 = arith.constant 0 : index
    %get3A_15 = vector.load %arg5[%get3A_13, %get3A_14] : memref<2000x16xf32, #tpu.memory_space<vmem>>, vector<2000x1xf32>
    %get3A_16 = arith.constant 0 : index
    %get3A_17 = arith.constant 0 : index
    %get3A_18 = vector.load %arg6[%get3A_16, %get3A_17] : memref<2000x16xf32, #tpu.memory_space<vmem>>, vector<2000x1xf32>
    %add3A_19 = arith.addf %get3A_15, %get3A_18 : vector<2000x1xf32>
    %add3A_20 = arith.constant 2.000000e+00 : f32
    %add3A_21 = vector.broadcast %add3A_20 : f32 to vector<2000x1xf32>
    %add3A_22 = arith.addf %add3A_19, %add3A_21 : vector<2000x1xf32>
    %rsqrt3A = math.rsqrt %add3A_22 : vector<2000x1xf32>
    %broadcast_in_dim3A = vector.shape_cast %rsqrt3A : vector<2000x1xf32> to vector<2000x1xf32>
    %broadcast_in_dim3A_23 = vector.broadcast %broadcast_in_dim3A : vector<2000x1xf32> to vector<2000x128xf32>
    %swap3A = arith.constant 0 : index
    %swap3A_24 = arith.constant 0 : index
    %swap3A_25 = vector.load %arg7[%swap3A, %swap3A_24] : memref<2000x128xf32, #tpu.memory_space<vmem>>, vector<2000x128xf32>
    tpu.vector_store %arg7[%swap3A, %swap3A_24], %add3A_12 {strides = array<i32>} : memref<2000x128xf32, #tpu.memory_space<vmem>>, vector<2000x128xf32>,
    %get3A_26 = arith.constant 0 : index
    %get3A_27 = arith.constant 0 : index
    %get3A_28 = vector.load %arg4[%get3A_26, %get3A_27] : memref<128x128xf32, #tpu.memory_space<vmem>>, vector<128x128xf32>
    %dot_general3A_29 = arith.constant dense<0.000000e+00> : vector<2000x128xf32>
    %dot_general3A_30 = tpu.matmul %add3A_12, %get3A_28, %dot_general3A_29 {dimension_numbers = #tpu.dot_dimension_numbers<[1], [1], [0], [0], [0, 0, 1, 0], [], []>, precision = #tpu.contract_precision<fp32>, transpose_lhs_hint = false} : vector<2000x128xf32>, vector<128x128xf32>, vector<2000x128xf32> -> vector<2000x128xf32>
    %mul3A = arith.mulf %dot_general3A_30, %broadcast_in_dim3A_23 : vector<2000x128xf32>
    %swap3A_31 = arith.constant 0 : index
    %swap3A_32 = arith.constant 0 : index
    %swap3A_33 = vector.load %arg8[%swap3A_31, %swap3A_32] : memref<2000x128xf32, #tpu.memory_space<vmem>>, vector<2000x128xf32>
    tpu.vector_store %arg8[%swap3A_31, %swap3A_32], %mul3A {strides = array<i32>} : memref<2000x128xf32, #tpu.memory_space<vmem>>, vector<2000x128xf32>,
    %swap3A_34 = arith.constant 0 : index
    %swap3A_35 = arith.constant 0 : index
    %swap3A_36 = vector.load %arg9[%swap3A_34, %swap3A_35] : memref<2000x128xf32, #tpu.memory_space<vmem>>, vector<2000x128xf32>
    tpu.vector_store %arg9[%swap3A_34, %swap3A_35], %broadcast_in_dim3A_23 {strides = array<i32>} : memref<2000x128xf32, #tpu.memory_space<vmem>>, vector<2000x128xf32>,
    return
  }
  func.func @transform_0(%arg0: i32) -> (i32, i32) {
    %c0_i32 = arith.constant 0 : i32
    %c0_i32_0 = arith.constant 0 : i32
    return %arg0, %c0_i32 : i32, i32
  }
  func.func @transform_1(%arg0: i32) -> (i32, i32) {
    %c0_i32 = arith.constant 0 : i32
    %c0_i32_0 = arith.constant 0 : i32
    %c0_i32_1 = arith.constant 0 : i32
    return %c0_i32, %c0_i32_0 : i32, i32
  }
  func.func @transform_2(%arg0: i32) -> (i32, i32) {
    %c0_i32 = arith.constant 0 : i32
    %c0_i32_0 = arith.constant 0 : i32
    %c0_i32_1 = arith.constant 0 : i32
    return %c0_i32, %c0_i32_0 : i32, i32
  }
  func.func @transform_3(%arg0: i32) -> (i32, i32) {
    %c0_i32 = arith.constant 0 : i32
    %c0_i32_0 = arith.constant 0 : i32
    %c0_i32_1 = arith.constant 0 : i32
    return %c0_i32, %c0_i32_0 : i32, i32
  }
  func.func @transform_4(%arg0: i32) -> (i32, i32) {
    %c0_i32 = arith.constant 0 : i32
    %c0_i32_0 = arith.constant 0 : i32
    return %arg0, %c0_i32 : i32, i32
  }
  func.func @transform_5(%arg0: i32) -> (i32, i32) {
    %c0_i32 = arith.constant 0 : i32
    %c0_i32_0 = arith.constant 0 : i32
    return %arg0, %c0_i32 : i32, i32
  }
  func.func @transform_6(%arg0: i32) -> (i32, i32) {
    %c0_i32 = arith.constant 0 : i32
    %c0_i32_0 = arith.constant 0 : i32
    return %arg0, %c0_i32 : i32, i32
  }
  func.func @transform_7(%arg0: i32) -> (i32, i32) {
    %c0_i32 = arith.constant 0 : i32
    %c0_i32_0 = arith.constant 0 : i32
    return %arg0, %c0_i32 : i32, i32
  }
  func.func @transform_8(%arg0: i32) -> (i32, i32) {
    %c0_i32 = arith.constant 0 : i32
    %c0_i32_0 = arith.constant 0 : i32
    return %arg0, %c0_i32 : i32, i32
  }
}

module attributes {stable_mosaic.version = 14 : i64} {
  func.func @body(%arg0: i32, %arg1: memref<2000x128xf32, #tpu.memory_space<vmem>>, %arg2: memref<2000x128xf32, #tpu.memory_space<vmem>>, %arg3: memref<2000x128xf32, #tpu.memory_space<vmem>>, %arg4: memref<2000x128xf32, #tpu.memory_space<vmem>>, %arg5: memref<2000x128xf32, #tpu.memory_space<vmem>>, %arg6: memref<1x128xf32, #tpu.memory_space<vmem>>, %arg7: memref<128x128xf32, #tpu.memory_space<vmem>>, %arg8: memref<2000x128xf32, #tpu.memory_space<vmem>>, %arg9: memref<2000x128xf32, #tpu.memory_space<vmem>>) attributes {dimension_semantics = [#tpu.dimension_semantics<arbitrary>], iteration_bounds = array<i64: 5>, scalar_prefetch = 0 : i64, scratch_operands = 0 : i64, tpu.core_type = #tpu.core_type<tc>, window_params = [{transform_indices = @transform_0, window_bounds = array<i64: 2000, 128>}, {transform_indices = @transform_1, window_bounds = array<i64: 2000, 128>}, {transform_indices = @transform_2, window_bounds = array<i64: 2000, 128>}, {transform_indices = @transform_3, window_bounds = array<i64: 2000, 128>}, {transform_indices = @transform_4, window_bounds = array<i64: 2000, 128>}, {pipeline_mode = #tpu.pipeline_mode<synchronous>, transform_indices = @transform_5, window_bounds = array<i64: 1, 128>}, {pipeline_mode = #tpu.pipeline_mode<synchronous>, transform_indices = @transform_6, window_bounds = array<i64: 128, 128>}, {transform_indices = @transform_7, window_bounds = array<i64: 2000, 128>}, {transform_indices = @transform_8, window_bounds = array<i64: 2000, 128>}]} {
    %get3A = arith.constant 0 : index
    %get3A_0 = arith.constant 0 : index
    %get3A_1 = vector.load %arg5[%get3A, %get3A_0] : memref<2000x128xf32, #tpu.memory_space<vmem>>, vector<2000x128xf32>
    %get3A_2 = arith.constant 0 : index
    %get3A_3 = arith.constant 0 : index
    %get3A_4 = vector.load %arg3[%get3A_2, %get3A_3] : memref<2000x128xf32, #tpu.memory_space<vmem>>, vector<2000x128xf32>
    %get3A_5 = arith.constant 0 : index
    %get3A_6 = arith.constant 0 : index
    %get3A_7 = vector.load %arg4[%get3A_5, %get3A_6] : memref<2000x128xf32, #tpu.memory_space<vmem>>, vector<2000x128xf32>
    %add3A = arith.addf %get3A_4, %get3A_7 : vector<2000x128xf32>
    %get3A_8 = arith.constant 0 : index
    %get3A_9 = arith.constant 0 : index
    %get3A_10 = vector.load %arg2[%get3A_8, %get3A_9] : memref<2000x128xf32, #tpu.memory_space<vmem>>, vector<2000x128xf32>
    %mul3A = arith.constant 2.000000e+00 : f32
    %mul3A_11 = vector.broadcast %mul3A : f32 to vector<2000x128xf32>
    %mul3A_12 = arith.mulf %mul3A_11, %get3A_10 : vector<2000x128xf32>
    %add3A_13 = arith.addf %add3A, %mul3A_12 : vector<2000x128xf32>
    %mul3A_14 = arith.mulf %get3A_1, %add3A_13 : vector<2000x128xf32>
    %get3A_15 = arith.constant 0 : index
    %get3A_16 = arith.constant 0 : index
    %get3A_17 = vector.load %arg6[%get3A_15, %get3A_16] : memref<1x128xf32, #tpu.memory_space<vmem>>, vector<1x128xf32>
    %add3A_18 = vector.broadcast %get3A_17 : vector<1x128xf32> to vector<2000x128xf32>
    %add3A_19 = arith.addf %mul3A_14, %add3A_18 : vector<2000x128xf32>
    %get3A_20 = arith.constant 0 : index
    %get3A_21 = arith.constant 0 : index
    %get3A_22 = vector.load %arg1[%get3A_20, %get3A_21] : memref<2000x128xf32, #tpu.memory_space<vmem>>, vector<2000x128xf32>
    %max3A = arith.constant 0.000000e+00 : f32
    %max3A_23 = vector.broadcast %max3A : f32 to vector<2000x128xf32>
    %max3A_24 = arith.maximumf %add3A_19, %max3A_23 : vector<2000x128xf32>
    %add3A_25 = arith.addf %get3A_22, %max3A_24 : vector<2000x128xf32>
    %swap3A = arith.constant 0 : index
    %swap3A_26 = arith.constant 0 : index
    %swap3A_27 = vector.load %arg8[%swap3A, %swap3A_26] : memref<2000x128xf32, #tpu.memory_space<vmem>>, vector<2000x128xf32>
    tpu.vector_store %arg8[%swap3A, %swap3A_26], %add3A_25 {strides = array<i32>} : memref<2000x128xf32, #tpu.memory_space<vmem>>, vector<2000x128xf32>,
    %get3A_28 = arith.constant 0 : index
    %get3A_29 = arith.constant 0 : index
    %get3A_30 = vector.load %arg7[%get3A_28, %get3A_29] : memref<128x128xf32, #tpu.memory_space<vmem>>, vector<128x128xf32>
    %dot_general3A = arith.constant dense<0.000000e+00> : vector<2000x128xf32>
    %dot_general3A_31 = tpu.matmul %add3A_25, %get3A_30, %dot_general3A {dimension_numbers = #tpu.dot_dimension_numbers<[1], [1], [0], [0], [0, 0, 1, 0], [], []>, precision = #tpu.contract_precision<fp32>, transpose_lhs_hint = false} : vector<2000x128xf32>, vector<128x128xf32>, vector<2000x128xf32> -> vector<2000x128xf32>
    %mul3A_32 = arith.mulf %dot_general3A_31, %get3A_1 : vector<2000x128xf32>
    %swap3A_33 = arith.constant 0 : index
    %swap3A_34 = arith.constant 0 : index
    %swap3A_35 = vector.load %arg9[%swap3A_33, %swap3A_34] : memref<2000x128xf32, #tpu.memory_space<vmem>>, vector<2000x128xf32>
    tpu.vector_store %arg9[%swap3A_33, %swap3A_34], %mul3A_32 {strides = array<i32>} : memref<2000x128xf32, #tpu.memory_space<vmem>>, vector<2000x128xf32>,
    return
  }
  func.func @transform_0(%arg0: i32) -> (i32, i32) {
    %c0_i32 = arith.constant 0 : i32
    %c0_i32_0 = arith.constant 0 : i32
    return %arg0, %c0_i32 : i32, i32
  }
  func.func @transform_1(%arg0: i32) -> (i32, i32) {
    %c0_i32 = arith.constant 0 : i32
    %c0_i32_0 = arith.constant 0 : i32
    return %arg0, %c0_i32 : i32, i32
  }
  func.func @transform_2(%arg0: i32) -> (i32, i32) {
    %c0_i32 = arith.constant 0 : i32
    %c0_i32_0 = arith.constant 0 : i32
    return %arg0, %c0_i32 : i32, i32
  }
  func.func @transform_3(%arg0: i32) -> (i32, i32) {
    %c0_i32 = arith.constant 0 : i32
    %c0_i32_0 = arith.constant 0 : i32
    return %arg0, %c0_i32 : i32, i32
  }
  func.func @transform_4(%arg0: i32) -> (i32, i32) {
    %c0_i32 = arith.constant 0 : i32
    %c0_i32_0 = arith.constant 0 : i32
    return %arg0, %c0_i32 : i32, i32
  }
  func.func @transform_5(%arg0: i32) -> (i32, i32) {
    %c0_i32 = arith.constant 0 : i32
    %c0_i32_0 = arith.constant 0 : i32
    %c0_i32_1 = arith.constant 0 : i32
    return %c0_i32, %c0_i32_0 : i32, i32
  }
  func.func @transform_6(%arg0: i32) -> (i32, i32) {
    %c0_i32 = arith.constant 0 : i32
    %c0_i32_0 = arith.constant 0 : i32
    %c0_i32_1 = arith.constant 0 : i32
    return %c0_i32, %c0_i32_0 : i32, i32
  }
  func.func @transform_7(%arg0: i32) -> (i32, i32) {
    %c0_i32 = arith.constant 0 : i32
    %c0_i32_0 = arith.constant 0 : i32
    return %arg0, %c0_i32 : i32, i32
  }
  func.func @transform_8(%arg0: i32) -> (i32, i32) {
    %c0_i32 = arith.constant 0 : i32
    %c0_i32_0 = arith.constant 0 : i32
    return %arg0, %c0_i32 : i32, i32
  }
}

module attributes {stable_mosaic.version = 14 : i64} {
  func.func @body(%arg0: i32, %arg1: memref<2000x128xf32, #tpu.memory_space<vmem>>, %arg2: memref<2000x128xf32, #tpu.memory_space<vmem>>, %arg3: memref<2000x128xf32, #tpu.memory_space<vmem>>, %arg4: memref<2000x128xf32, #tpu.memory_space<vmem>>, %arg5: memref<2000x128xf32, #tpu.memory_space<vmem>>, %arg6: memref<1x128xf32, #tpu.memory_space<vmem>>, %arg7: memref<1x1x2000xi32, #tpu.memory_space<vmem>>, %arg8: memref<256x128xf32, #tpu.memory_space<vmem>>) attributes {dimension_semantics = [#tpu.dimension_semantics<arbitrary>], iteration_bounds = array<i64: 5>, scalar_prefetch = 0 : i64, scratch_operands = 0 : i64, tpu.core_type = #tpu.core_type<tc>, window_params = [{transform_indices = @transform_0, window_bounds = array<i64: 2000, 128>}, {transform_indices = @transform_1, window_bounds = array<i64: 2000, 128>}, {transform_indices = @transform_2, window_bounds = array<i64: 2000, 128>}, {transform_indices = @transform_3, window_bounds = array<i64: 2000, 128>}, {transform_indices = @transform_4, window_bounds = array<i64: 2000, 128>}, {pipeline_mode = #tpu.pipeline_mode<synchronous>, transform_indices = @transform_5, window_bounds = array<i64: 1, 128>}, {transform_indices = @transform_6, window_bounds = array<i64: 1, 1, 2000>}, {pipeline_mode = #tpu.pipeline_mode<synchronous>, transform_indices = @transform_7, window_bounds = array<i64: 256, 128>}]} {
    %get3A = arith.constant 0 : index
    %get3A_0 = arith.constant 0 : index
    %get3A_1 = vector.load %arg5[%get3A, %get3A_0] : memref<2000x128xf32, #tpu.memory_space<vmem>>, vector<2000x128xf32>
    %get3A_2 = arith.constant 0 : index
    %get3A_3 = arith.constant 0 : index
    %get3A_4 = vector.load %arg3[%get3A_2, %get3A_3] : memref<2000x128xf32, #tpu.memory_space<vmem>>, vector<2000x128xf32>
    %get3A_5 = arith.constant 0 : index
    %get3A_6 = arith.constant 0 : index
    %get3A_7 = vector.load %arg4[%get3A_5, %get3A_6] : memref<2000x128xf32, #tpu.memory_space<vmem>>, vector<2000x128xf32>
    %add3A = arith.addf %get3A_4, %get3A_7 : vector<2000x128xf32>
    %get3A_8 = arith.constant 0 : index
    %get3A_9 = arith.constant 0 : index
    %get3A_10 = vector.load %arg2[%get3A_8, %get3A_9] : memref<2000x128xf32, #tpu.memory_space<vmem>>, vector<2000x128xf32>
    %mul3A = arith.constant 2.000000e+00 : f32
    %mul3A_11 = vector.broadcast %mul3A : f32 to vector<2000x128xf32>
    %mul3A_12 = arith.mulf %mul3A_11, %get3A_10 : vector<2000x128xf32>
    %add3A_13 = arith.addf %add3A, %mul3A_12 : vector<2000x128xf32>
    %mul3A_14 = arith.mulf %get3A_1, %add3A_13 : vector<2000x128xf32>
    %get3A_15 = arith.constant 0 : index
    %get3A_16 = arith.constant 0 : index
    %get3A_17 = vector.load %arg6[%get3A_15, %get3A_16] : memref<1x128xf32, #tpu.memory_space<vmem>>, vector<1x128xf32>
    %add3A_18 = vector.broadcast %get3A_17 : vector<1x128xf32> to vector<2000x128xf32>
    %add3A_19 = arith.addf %mul3A_14, %add3A_18 : vector<2000x128xf32>
    %get3A_20 = arith.constant 0 : index
    %get3A_21 = arith.constant 0 : index
    %get3A_22 = vector.load %arg1[%get3A_20, %get3A_21] : memref<2000x128xf32, #tpu.memory_space<vmem>>, vector<2000x128xf32>
    %max3A = arith.constant 0.000000e+00 : f32
    %max3A_23 = vector.broadcast %max3A : f32 to vector<2000x128xf32>
    %max3A_24 = arith.maximumf %add3A_19, %max3A_23 : vector<2000x128xf32>
    %add3A_25 = arith.addf %get3A_22, %max3A_24 : vector<2000x128xf32>
    %get3A_26 = arith.constant 0 : index
    %get3A_27 = arith.constant 0 : index
    %get3A_28 = arith.constant 0 : index
    %get3A_29 = vector.load %arg7[%get3A_26, %get3A_27, %get3A_28] : memref<1x1x2000xi32, #tpu.memory_space<vmem>>, vector<1x1x2000xi32>
    %get3A_30 = vector.shape_cast %get3A_29 : vector<1x1x2000xi32> to vector<2000xi32>
    %iota3A = tpu.iota {dimensions = array<i32: 0>} : vector<256x2000xi32>
    %broadcast_in_dim3A = vector.shape_cast %get3A_30 : vector<2000xi32> to vector<1x2000xi32>
    %eq3A = vector.broadcast %broadcast_in_dim3A : vector<1x2000xi32> to vector<256x2000xi32>
    %eq3A_31 = arith.cmpi eq, %iota3A, %eq3A : vector<256x2000xi32>
    %convert_element_type3A = arith.extui %eq3A_31 : vector<256x2000xi1> to vector<256x2000xi32>
    %convert_element_type3A_32 = arith.sitofp %convert_element_type3A : vector<256x2000xi32> to vector<256x2000xf32>
    %dot_general3A = arith.constant dense<0.000000e+00> : vector<256x128xf32>
    %dot_general3A_33 = tpu.matmul %convert_element_type3A_32, %add3A_25, %dot_general3A {dimension_numbers = #tpu.dot_dimension_numbers<[1], [0], [0], [1], [0, 0, 1, 1], [], []>, precision = #tpu.contract_precision<fp32>, transpose_lhs_hint = false} : vector<256x2000xf32>, vector<2000x128xf32>, vector<256x128xf32> -> vector<256x128xf32>
    %eq3A_34 = arith.constant 0 : i32
    %eq3A_35 = arith.cmpi eq, %arg0, %eq3A_34 : i32
    %convert_element_type3A_36 = arith.extui %eq3A_35 : i1 to i32
    %cond3A = arith.constant 0 : i32
    %cond3A_37 = arith.cmpi ne, %convert_element_type3A_36, %cond3A : i32
    scf.if %cond3A_37 {
      %swap3A = arith.constant 0 : index
      %swap3A_42 = arith.constant 0 : index
      %swap3A_43 = vector.load %arg8[%swap3A, %swap3A_42] : memref<256x128xf32, #tpu.memory_space<vmem>>, vector<256x128xf32>
      tpu.vector_store %arg8[%swap3A, %swap3A_42], %dot_general3A_33 {strides = array<i32>} : memref<256x128xf32, #tpu.memory_space<vmem>>, vector<256x128xf32>,
    } else {
    }
    %gt3A = arith.constant 0 : i32
    %gt3A_38 = arith.cmpi sgt, %arg0, %gt3A : i32
    %convert_element_type3A_39 = arith.extui %gt3A_38 : i1 to i32
    %cond3A_40 = arith.constant 0 : i32
    %cond3A_41 = arith.cmpi ne, %convert_element_type3A_39, %cond3A_40 : i32
    scf.if %cond3A_41 {
      %get3A_42 = arith.constant 0 : index
      %get3A_43 = arith.constant 0 : index
      %get3A_44 = vector.load %arg8[%get3A_42, %get3A_43] : memref<256x128xf32, #tpu.memory_space<vmem>>, vector<256x128xf32>
      %add3A_45 = arith.addf %get3A_44, %dot_general3A_33 : vector<256x128xf32>
      %swap3A = arith.constant 0 : index
      %swap3A_46 = arith.constant 0 : index
      %swap3A_47 = vector.load %arg8[%swap3A, %swap3A_46] : memref<256x128xf32, #tpu.memory_space<vmem>>, vector<256x128xf32>
      tpu.vector_store %arg8[%swap3A, %swap3A_46], %add3A_45 {strides = array<i32>} : memref<256x128xf32, #tpu.memory_space<vmem>>, vector<256x128xf32>,
    } else {
    }
    return
  }
  func.func @transform_0(%arg0: i32) -> (i32, i32) {
    %c0_i32 = arith.constant 0 : i32
    %c0_i32_0 = arith.constant 0 : i32
    return %arg0, %c0_i32 : i32, i32
  }
  func.func @transform_1(%arg0: i32) -> (i32, i32) {
    %c0_i32 = arith.constant 0 : i32
    %c0_i32_0 = arith.constant 0 : i32
    return %arg0, %c0_i32 : i32, i32
  }
  func.func @transform_2(%arg0: i32) -> (i32, i32) {
    %c0_i32 = arith.constant 0 : i32
    %c0_i32_0 = arith.constant 0 : i32
    return %arg0, %c0_i32 : i32, i32
  }
  func.func @transform_3(%arg0: i32) -> (i32, i32) {
    %c0_i32 = arith.constant 0 : i32
    %c0_i32_0 = arith.constant 0 : i32
    return %arg0, %c0_i32 : i32, i32
  }
  func.func @transform_4(%arg0: i32) -> (i32, i32) {
    %c0_i32 = arith.constant 0 : i32
    %c0_i32_0 = arith.constant 0 : i32
    return %arg0, %c0_i32 : i32, i32
  }
  func.func @transform_5(%arg0: i32) -> (i32, i32) {
    %c0_i32 = arith.constant 0 : i32
    %c0_i32_0 = arith.constant 0 : i32
    %c0_i32_1 = arith.constant 0 : i32
    return %c0_i32, %c0_i32_0 : i32, i32
  }
  func.func @transform_6(%arg0: i32) -> (i32, i32, i32) {
    %c0_i32 = arith.constant 0 : i32
    %c0_i32_0 = arith.constant 0 : i32
    %c0_i32_1 = arith.constant 0 : i32
    return %arg0, %c0_i32, %c0_i32_0 : i32, i32, i32
  }
  func.func @transform_7(%arg0: i32) -> (i32, i32) {
    %c0_i32 = arith.constant 0 : i32
    %c0_i32_0 = arith.constant 0 : i32
    %c0_i32_1 = arith.constant 0 : i32
    return %c0_i32, %c0_i32_0 : i32, i32
  }
}

</mosaic_0001>

<sc_bundles>
// kernel: kernel.14.cloned.1.call-start
scs
__scs_entry_jumppad:
0x0: {  	(pc) =	sbr.rel $0x88, $3  }
0x1: {  	(tag) =	ssettag $0x0;
	lr =	simm.s32 $0x1  }
0x2: {  	[smem:$0x3F9A] =	sst lr;
	_ =	strace $0xD0000000  }
0x3: {  	_ = 	snop  }
0x4: {  	_ = 	snop  }
0x5: {  	_ = 	snop  }
0x6: {  	_ = 	snop  }
0x7: {  	_ = 	snop  }
__scs_overlays_trampoline_lowered:
0x8: {  	[smem:$0x3FA9] =	sst s0  }
0x9: {  	[smem:$0x3FAA] =	sst s1  }
0xa: {  	[smem:$0x3FAB] =	sst s2  }
0xb: {  	[smem:$0x3FAC] =	sst s3  }
0xc: {  	[smem:$0x3FAD] =	sst s4  }
0xd: {  	[smem:$0x3FAE] =	sst s5  }
0xe: {  	[smem:$0x3FAF] =	sst s6  }
0xf: {  	[smem:$0x3FB0] =	sst s7  }
0x10: {  	[smem:$0x3FB1] =	sst s8  }
0x11: {  	[smem:$0x3FB2] =	sst s9;
	s0 =	simm.s32 @!p0 $0x0  }
0x12: {  	s1 =	sld [smem:$0x3F98];
	s0 =	simm.s32 @p0 $0x1  }
0x13: {  	[smem:$0x3FB3] =	sst s0;
	s0 =	simm.s32 @!p1 $0x0  }
0x14: {  	s2 =	sld [smem:$0x3F97];
	s0 =	simm.s32 @p1 $0x1  }
0x15: {  	[smem:$0x3FB4] =	sst s0;
	s0 =	simm.s32 @!p2 $0x0  }
0x16: {  	s3 =	sld [smem:$0x3FDB];
	s0 =	simm.s32 @p2 $0x1  }
0x17: {  	s4 =	simm.s32 $0x1BF5;
	[smem:$0x3FB6] =	sst s0  }
0x18: {  	s0 =	sld [smem:$0x3F99];
	_ =	swait.ge [sflag:s4], $0x0  }
0x19: {  	s7 =	sld [smem:$0x3F9A]  }
0x1a: {  	s8 =	sadd.s32 $0xFFFFE003, lr  }
0x1b: {  	s9 =	sadd.s32 $0xFFFFFEF7, lr;
	s5 =	simm.s32 $0xFFFFFFFF;
	p2 =	slt.u32 s8, $0xFFFFF086  }
0x1c: {  	p1 =	slt.u32 s9, $0xF7A;
	s5 =	simm.s32 @!p2 $0x0  }
0x1d: {  	s5 =	simm.s32 @p1 $0x1;
	p0 =	seq.s32 s7, s2  }
0x1e: {  	s7 =	smul.u32 @!p0 $0xF7A, s2;
	p2 =	seq.s32 @!p0 s5, $0x0  }
0x1f: {  	s9 =	smul.u32 $0xF7A, s1;
	s8 =	simm.s32 @!p0 $0x1BF5;
	p2 =	por !p2, p0  }
0x20: {  	[sflag:s8] =	ssyncset.s32 @!p0 $0xFFFFF086;
	s6 =	sadd.s32 @!p0 s3, s7;
	s7 =	simm.s32 @!p0 $0x108  }
0x21: {  	s3 =	sadd.s32 s3, s9;
	s6 =	sadd.s32 @!p0 $0x88, s6;
	s7 =	simm.s32 @p2 $0x1082  }
0x22: {  	[simem:s7], [sflag:s8] =	dma.local @!p0 [hbm:s6], $0xF7A  }
0x23: {  	s9 =	sor.u32 $0xD0000000, s2;
	s6 =	simm.s32 $0x108;
	_ =	swait.ge @!p0 [sflag:s8], $0x0  }
0x24: {  	s3 =	sadd.s32 $0x88, s3;
	s6 =	simm.s32 @!p1 $0x1082;
	[sflag:s4] =	ssyncset.s32 $0xFFFFF086  }
0x25: {  	[simem:s6], [sflag:s4] =	dma.local [hbm:s3], $0xF7A  }
0x26: {  	[smem:$0x3F9A] =	sst s1;
	(tag) =	ssettag s2;
	_ =	strace s9  }
0x27: {  	s1 =	sld [smem:$0x3FAA]  }
0x28: {  	s2 =	sld [smem:$0x3FAB]  }
0x29: {  	s4 =	sld [smem:$0x3FAD]  }
0x2a: {  	p0 =	seq.s32 s5, $0x0;
	s5 =	sld [smem:$0x3FAE]  }
0x2b: {  	s6 =	sld [smem:$0x3FAF]  }
0x2c: {  	s7 =	sld [smem:$0x3FB0]  }
0x2d: {  	s3 =	simm.s32 $0x108;
	s8 =	sld [smem:$0x3FB1]  }
0x2e: {  	s3 =	simm.s32 @!p0 $0x1082;
	s9 =	sld [smem:$0x3FB2]  }
0x2f: {  	lr =	sadd.s32 s0, s3;
	s0 =	sld [smem:$0x3FA9]  }
0x30: {  	s3 =	sld [smem:$0x3FAC]  }
0x31: {  	[smem:$0x3FB5] =	sst s10  }
0x32: {  	s10 =	sld [smem:$0x3FB3];
	_ =	sdelay $0x3  }
0x33: {  	p0 =	seq.s32 s10, $0x1;
	s10 =	sld [smem:$0x3FB5];
	_ =	sdelay $0x3  }
0x34: {  	[smem:$0x3FB5] =	sst s10  }
0x35: {  	s10 =	sld [smem:$0x3FB4];
	_ =	sdelay $0x3  }
0x36: {  	p1 =	seq.s32 s10, $0x1;
	s10 =	sld [smem:$0x3FB5];
	_ =	sdelay $0x3  }
0x37: {  	[smem:$0x3FB5] =	sst s10  }
0x38: {  	s10 =	sld [smem:$0x3FB6]  }
0x39: {  	_ = 	snop;
	(pc) =	sbr.ind lr, $3  }
0x3a: {  	_ = 	snop  }
0x3b: {  	_ = 	snop  }
0x3c: {  	p2 =	seq.s32 s10, $0x1;
	s10 =	sld [smem:$0x3FB5]  }
0x3d: {  	_ =	shalt  }
0x3e: {  	_ =	shalt  }
0x3f: {  	_ =	shalt  }
0x40: {  	_ =	shalt  }
0x41: {  	_ =	shalt  }
0x42: {  	_ =	shalt  }
0x43: {  	_ =	shalt  }
0x44: {  	_ =	shalt  }
0x45: {  	_ =	shalt  }
0x46: {  	_ =	shalt  }
0x47: {  	_ =	shalt  }
0x48: {  	_ =	shalt  }
0x49: {  	_ =	shalt  }
0x4a: {  	_ =	shalt  }
0x4b: {  	_ =	shalt  }
0x4c: {  	_ =	shalt  }
0x4d: {  	_ =	shalt  }
0x4e: {  	_ =	shalt  }
0x4f: {  	_ =	shalt  }
0x50: {  	_ =	shalt  }
0x51: {  	_ =	shalt  }
0x52: {  	_ =	shalt  }
0x53: {  	_ =	shalt  }
0x54: {  	_ =	shalt  }
0x55: {  	_ =	shalt  }
0x56: {  	_ =	shalt  }
0x57: {  	_ =	shalt  }
0x58: {  	_ =	shalt  }
0x59: {  	_ =	shalt  }
0x5a: {  	_ =	shalt  }
0x5b: {  	_ =	shalt  }
0x5c: {  	_ =	shalt  }
0x5d: {  	_ =	shalt  }
0x5e: {  	_ =	shalt  }
0x5f: {  	_ =	shalt  }
0x60: {  	_ =	shalt  }
0x61: {  	_ =	shalt  }
0x62: {  	_ =	shalt  }
0x63: {  	_ =	shalt  }
0x64: {  	_ =	shalt  }
0x65: {  	_ =	shalt  }
0x66: {  	_ =	shalt  }
0x67: {  	_ =	shalt  }
0x68: {  	_ =	shalt  }
0x69: {  	_ =	shalt  }
0x6a: {  	_ =	shalt  }
0x6b: {  	_ =	shalt  }
0x6c: {  	_ =	shalt  }
0x6d: {  	_ =	shalt  }
0x6e: {  	_ =	shalt  }
0x6f: {  	_ =	shalt  }
0x70: {  	_ =	shalt  }
0x71: {  	_ =	shalt  }
0x72: {  	_ =	shalt  }
0x73: {  	_ =	shalt  }
0x74: {  	_ =	shalt  }
0x75: {  	_ =	shalt  }
0x76: {  	_ =	shalt  }
0x77: {  	_ =	shalt  }
0x78: {  	_ =	shalt  }
0x79: {  	_ =	shalt  }
0x7a: {  	_ =	shalt  }
0x7b: {  	_ =	shalt  }
0x7c: {  	_ =	shalt  }
0x7d: {  	_ =	shalt  }
0x7e: {  	_ =	shalt  }
0x7f: {  	_ =	shalt  }
0x80: {  	_ =	shalt  }
0x81: {  	_ =	shalt  }
0x82: {  	_ =	shalt  }
0x83: {  	_ =	shalt  }
0x84: {  	_ =	shalt  }
0x85: {  	_ =	shalt  }
0x86: {  	_ =	shalt  }
0x87: {  	_ =	shalt  }
.Lfunc_end0:
.L_simem_size_0:
called_computation_lowered:
.L_overlay_start_0:
0x88: {  	s2 =	sld [smem:$0x3FD9]  }
0x89: {  	s3 =	sld [smem:$0x3FFE];
	_ =	sdelay $0x1  }
0x8a: {  	s1 =	srdreg.scid  }
0x8b: {  	s0 =	sand.u32 $0x1, s1  }
0x8c: {  	s16 =	sshll.u32 s0, $0xA;
	s2 =	sadd.s32 s3, s2  }
0x8d: {  	s2 =	sadd.s32 s2, s16  }
0x8e: {  	[smem:$0x3FC1] =	sst s2  }
0x8f: {  	_ = 	snop  }
0x90: {  	(tm) =	ssettm $0x1  }
0x91: {  	s17 =	sld [smem:$0x3FFB];
	_ =	sdelay $0x3  }
0x92: {  	_ =	strace s17  }
0x93: {  	s2 =	sld [smem:$0x3FFC];
	_ =	sdelay $0x3  }
0x94: {  	_ =	strace s2  }
0x95: {  	s2 =	sld [smem:$0x3FFD];
	_ =	sdelay $0x3  }
0x96: {  	_ =	strace s2  }
0x97: {  	_ =	strace $0x8FFFFFFF  }
0x98: {  	s18 =	sld [smem:$0x3FDB];
	_ =	sdelay $0x1  }
0x99: {  	s19 =	simm.s32 $_scs_section_size  }
0x9a: {  	s4 =	simm.s32 $_size__tile_overlayer_lowered;
	s5 =	simm.s32 $_tile_overlayer_lowered  }
0x9b: {  	s22 =	simm.s32 $0x1BFF;
	s21 =	sshll.u32 s5, $0x1;
	s2 =	sadd.s32 s19, s18  }
0x9c: {  	s6 =	simm.s32 $0x0;
	s20 =	sshll.u32 s4, $0x1;
	s4 =	sadd.s32 s21, s2  }
0x9d: {  	[timem:s6], [sflag:s22] =	dma.local [hbm:s4], s20  }
0x9e: {  	_ =	swait.ge [sflag:s22], s20  }
0x9f: {  	s3 =	ssub.s32 $0x0, s20;
	[sflag:s22] =	ssyncset.done $0x0  }
0xa0: {  	[sflag:s22] =	ssyncadd.s32 s3;
	_ =	sdelay $0x1  }
0xa1: {  	s23 =	simm.s32 $0x1B8B  }
0xa2: {  	_ =	swait.ge [sflag:s23], $0x1  }
0xa3: {  	[sflag:s23] =	ssyncset.done $0x0  }
0xa4: {  	s25 =	simm.s32 $0x1B8E;
	s24 =	sld [smem:$0x3FFE];
	[sflag:s23] =	ssyncadd.s32 $0xFFFFFFFF  }
0xa5: {  	s26 =	simm.s32 $execute0_lowered;
	[smem:$0x3FD2] =	sst s25  }
0xa6: {  	s4 =	sshll.u32 s26, $0x1;
	_ =	strace $0x80000046;
	[dreg:$0x1] =	wrdreg $0xFFFFFFFF  }
0xa7: {  	s28 =	simm.s32 $_size_execute0_lowered;
	s2 =	sadd.s32 s2, s4;
	[dreg:$0x0] =	wrdreg $0x0  }
0xa8: {  	s4 =	sshll.u32 s28, $0x1;
	[dreg:$0x2] =	wrdreg s2  }
0xa9: {  	[dreg:$0x3] =	wrdreg s4  }
0xaa: {  	[dreg:$0x4] =	wrdreg $0xC0  }
0xab: {  	_ =	task [dreg:s6], $0x5FFFF  }
0xac: {  	[dreg:$0x1] =	wrdreg $0xFFFFFFFF  }
0xad: {  	[dreg:$0x0] =	wrdreg $0x60  }
0xae: {  	[dreg:$0x2] =	wrdreg s24  }
0xaf: {  	[dreg:$0x3] =	wrdreg $0xA8800  }
0xb0: {  	[dreg:$0x4] =	wrdreg $0x9  }
0xb1: {  	_ =	task.clear_ibuf [dreg:s6], $0x5FFFF;
	_ =	strace $0x90000046  }
0xb2: {  	s29 =	simm.s32 $0x9;
	_ =	strace $0x80000048  }
0xb3: {  	_ =	swait.ge [sflag:s29], $0x1  }
0xb4: {  	[sflag:s29] =	ssyncadd.s32 $0xFFFFFFFF  }
0xb5: {  	_ =	strace $0x90000048  }
0xb6: {  	_ =	sfence  }
0xb7: {  	s30 =	sld [smem:$0x0];
	_ =	sdelay $0x2  }
0xb8: {  	s31 =	sshll.u32 s1, $0xD;
	s1 =	sshrl.u32 s1, $0x2  }
0xb9: {  	s3 =	sand.u32 $0x4000, s31;
	s1 =	sadd.s32 s1, s30  }
0xba: {  	s0 =	sor.u32 s3, s0;
	s1 =	sshll.u32 s1, $0x11  }
0xbb: {  	s0 =	sor.u32 s1, s0  }
0xbc: {  	s0 =	sadd.s32 $0x8F2B, s0  }
0xbd: {  	[sflag:s0] =	ssyncadd.remote.s32 $0x1  }
0xbe: {  	_ =	sfence.sel $0xFFFF  }
0xbf: {  	[dreg:$0x0] =	wrdreg $0xFFFFFFFF;
	(pc) =	sbr.abs _section_cstart, $3  }
0xc0: {  	[dreg:$0x1] =	wrdreg $0xFFFFFFFF  }
0xc1: {  	_ =	task.clear_ibuf [dreg:s6], $0x2FFFF;
	_ =	strace $0x9FFFFFFF  }
0xc2: {  	(tm) =	ssettm $0x7FFFFFFF  }
0xc3: {  	_ =	shalt  }
tec
execute0_lowered:
.L_overlay_start_1:
0x0: {  	(tag) =	ssettag $0x1  }
0x1: {  	s5 =	rddreg [dreg:$0x0]  }
0x2: {  	s1 =	rddreg [dreg:$0x1]  }
0x3: {  	s0 =	rddreg [dreg:$0x2];
	s2 =	simm.s32 $0x0;
	s13 =	stileid.u32  }
0x4: {  	s4 =	srdreg.scid;
	s18 =	simm.s32 $0x0;
	s6 =	smul.u32 $0x4E000, s13  }
0x5: {  	[smem:$0x7FF] =	sst s2;
	s3 =	sadd.s32 $0x6A00, s5;
	s10 =	smul.u32 $0x13800, s13  }
0x6: {  	s7 =	sand.u32 $0x1, s4;
	s11 =	sadd.s32 $0x10A00, s5;
	s15 =	smul.u32 $0x500, s13  }
0x7: {  	p0 =	sne.s32 s13, $0x0;
	s31 =	sshll.u32 s13, $0x6;
	s13 =	simm.s32 $0x1  }
0x8: {  	_ =	strace $0x80000047;
	s8 =	ssub.s32 $0x2, s7;
	s9 =	smul.u32 $0x138800, s7  }
0x9: {  	s14 =	smul.u32 $0x5000, s7;
	s7 =	sadd.s32 $0x138000, s1;
	s28 =	sshrl.u32 s6, $0x2  }
0xa: {  	s29 =	sshrl.u32 s8, $0x1;
	s17 =	sshrl.u32 @!p0 s7, $0x3;
	s4 =	sadd.s32 s28, s1  }
0xb: {  	s12 =	ssub.s32 s8, s29;
	s30 =	sadd.s32 s10, s9;
	s9 =	sshrl.u32 s9, $0x3  }
0xc: {  	s5 =	sadd.s32 $0x6800, s4;
	s6 =	sadd.s32 $0xD000, s4;
	s8 =	sshrl.u32 s30, $0x3  }
0xd: {  	s9 =	sadd.s32 s11, s9;
	s10 =	smax.u32 s12, $0x1;
	s12 =	simm.s32 $0x4080  }
0xe: {  	s16 =	sshrl.u32 s4, $0x3;
	s8 =	sadd.s32 s11, s8;
	s9 =	sadd.s32 $0x27000, s9  }
0xf: {  	v0 =	vimm.f32 $1.000000000e+00;
	v1 =	vimm.f32 $0.0e+00;
	s11 =	sadd.s32 s15, s14;
	s14 =	simm.s32 $0x80;
	s15 =	sor.u32 $0x1C01, s31  }
.LBB2_1:
0x10: {  	s19 =	simm.s32 $0x0  }
.LBB2_2:
0x11: {  	p1 =	sne.s32 s19, $0xFE00  }
.Ltmp0:
0x12: {  	_ = 	snop;
	(pc) =	sbr.rel @p1 .LBB2_2-.Ltmp0, $3  }
0x13: {  	_ =	sdelay $0x1  }
0x14: {  	s20 =	sshra.s32 s19, $0x2  }
0x15: {  	s19 =	sadd.s32 $0x200, s19;
	[tilespmem:s20+$0x80] =	vst v0  }
0x16: {  	s19 =	simm.s32 $0x200;
	s20 =	simm.s32 $0x0  }
.LBB2_4:
0x17: {  	p1 =	sne.s32 s19, $0x19E00;
	[tilespmem:s20+$0x4080] =	vst v1;
	s20 =	smov.u32 s19;
	s19 =	sadd.s32 $0x200, s19  }
.Ltmp1:
0x18: {  	(pc) =	sbr.rel @p1 .LBB2_4-.Ltmp1, $2  }
0x19: {  	_ =	sdelay $0x2  }
0x1a: {  	s20 =	sshra.s32 s20, $0x2  }
0x1b: {  	[tilespmem:s20+$0x4080] =	vst v1  }
0x1c: {  	[spmem:s4] =	stream.linear.scatter [tilespmem:s12], [sflag:$0x1], $0x6800, $0x38;
	[tilespmem:$0xCFA0] =	vst v63  }
0x1d: {  	_ =	swait.ge [sflag:s13], $0x6800  }
0x1e: {  	[sflag:s13] =	ssyncset.done $0x0  }
0x1f: {  	[sflag:s13] =	ssyncadd.s32 $0xFFFF9800  }
0x20: {  	[spmem:s5] =	stream.linear.scatter [tilespmem:s12], [sflag:$0x1], $0x6800, $0x38;
	[tilespmem:$0xCFA0] =	vst v63  }
0x21: {  	_ =	swait.ge [sflag:s13], $0x6800  }
0x22: {  	[sflag:s13] =	ssyncset.done $0x0  }
0x23: {  	[sflag:s13] =	ssyncadd.s32 $0xFFFF9800  }
0x24: {  	[spmem:s6] =	stream.linear.scatter [tilespmem:s12], [sflag:$0x1], $0x6800, $0x38;
	[tilespmem:$0xCFA0] =	vst v63  }
0x25: {  	_ =	swait.ge [sflag:s13], $0x6800  }
0x26: {  	[sflag:s13] =	ssyncset.done $0x0  }
0x27: {  	s19 =	simm.s32 @!p0 $0x4080;
	[sflag:s13] =	ssyncadd.s32 $0xFFFF9800  }
0x28: {  	[spmem:s7] =	stream.linear.scatter @!p0 [tilespmem:s19], [sflag:$0x1], $0x1000, $0x38;
	[tilespmem:$0xCFA0] =	vst v63  }
0x29: {  	s19 =	simm.s32 @!p0 $0x1  }
0x2a: {  	s28 =	simm.s32 $0x0;
	_ =	swait.ge @!p0 [sflag:s19], $0x1000  }
0x2b: {  	s21 =	sadd.s32 $0x0, s11;
	s20 =	sand.u32 $0x70, s28;
	[sflag:s19] =	ssyncset.done @!p0 $0x0  }
0x2c: {  	s29 =	sand.u32 $0xFFFFF80, s21;
	s20 =	sadd.s32 s3, s20;
	[sflag:s19] =	ssyncadd.s32 @!p0 $0xFFFFF000  }
0x2d: {  	s19 =	sadd.s32 s29, s20;
	[bflag:$0x0] =	sbarrier.arrive $0xFFFF  }
0x2e: {  	[tilespmem:s2], [sflag:$0x1] =	stream.linear.gather [hbm4b:s19+s2], $0x80, $0x38;
	[tilespmem:$0xCFA0] =	vst v63  }
0x2f: {  	_ =	swait.ge [sflag:s13], $0x80  }
0x30: {  	s30 =	simm.s32 $0x10;
	[sflag:s13] =	ssyncset.done $0x0  }
0x31: {  	s22 =	sand.u32 $0x70, s30;
	[sflag:s13] =	ssyncadd.s32 $0xFFFFFF80  }
0x32: {  	[spmem:s1] =	stream.indirect.scatter.add.f32 [tilespmem:s14], [sflag:$0x1], $0x10, s2, s14, $0xb8;
	[tilespmem:$0xCFA0] =	vst v63  }
0x33: {  	s31 =	sadd.s32 $0x10, s11;
	s21 =	sadd.s32 s3, s22;
	_ =	swait.ge [sflag:s13], $0x800  }
0x34: {  	s20 =	sand.u32 $0xFFFFF80, s31;
	s19 =	simm.s32 $0x20;
	[sflag:s13] =	ssyncset.done $0x0  }
.LBB2_6:
0x35: {  	s20 =	sadd.s32 s20, s21  }
0x36: {  	[sflag:s13] =	ssyncadd.s32 $0xFFFFF800;
	s21 =	smov.u32 s19;
	s22 =	sadd.s32 $0x10, s19  }
0x37: {  	[tilespmem:s2], [sflag:$0x1] =	stream.linear.gather [hbm4b:s20+s2], $0x80, $0x38;
	[tilespmem:$0xCFA0] =	vst v63  }
0x38: {  	p1 =	sne.s32 s19, $0x4F0;
	_ =	swait.ge [sflag:s13], $0x80  }
.Ltmp2:
0x39: {  	[sflag:s13] =	ssyncset.done $0x0;
	(pc) =	sbr.rel @p1 .LBB2_6-.Ltmp2, $4  }
0x3a: {  	s19 =	sadd.s32 s21, s11;
	[sflag:s13] =	ssyncadd.s32 $0xFFFFFF80  }
0x3b: {  	[spmem:s1] =	stream.indirect.scatter.add.f32 [tilespmem:s14], [sflag:$0x1], $0x10, s2, s14, $0xb8;
	[tilespmem:$0xCFA0] =	vst v63  }
0x3c: {  	s21 =	sand.u32 $0x70, s21;
	s20 =	sand.u32 $0xFFFFF80, s19;
	_ =	swait.ge [sflag:s13], $0x800  }
0x3d: {  	s21 =	sadd.s32 s3, s21;
	s19 =	smov.u32 s22;
	[sflag:s13] =	ssyncset.done $0x0  }
0x3e: {  	s19 =	sadd.s32 s20, s21;
	[sflag:s13] =	ssyncadd.s32 $0xFFFFF800  }
0x3f: {  	[tilespmem:s2], [sflag:$0x1] =	stream.linear.gather [hbm4b:s19+s2], $0x80, $0x38;
	[tilespmem:$0xCFA0] =	vst v63  }
0x40: {  	_ =	swait.ge [sflag:s13], $0x80  }
0x41: {  	[sflag:s13] =	ssyncset.done $0x0  }
0x42: {  	[sflag:s13] =	ssyncadd.s32 $0xFFFFFF80  }
0x43: {  	[spmem:s1] =	stream.indirect.scatter.add.f32 [tilespmem:s14], [sflag:$0x1], $0x10, s2, s14, $0xb8;
	[tilespmem:$0xCFA0] =	vst v63  }
0x44: {  	_ =	swait.ge [sflag:s13], $0x800  }
0x45: {  	[sflag:s13] =	ssyncset.done $0x0  }
0x46: {  	[sflag:s13] =	ssyncadd.s32 $0xFFFFF800  }
0x47: {  	[bflag:$0x0] =	sbarrier.arrive $0xFFFF  }
0x48: {  	[hbm:s8], [sflag:s15] =	dma.local [spmem:s16], $0x2700  }
0x49: {  	s18 =	sadd.s32 $0x1, s18;
	_ =	swait.ge [sflag:s13], $0x2700  }
0x4a: {  	p1 =	sne.s32 s18, s10;
	[sflag:s13] =	ssyncset.done $0x0  }
.Ltmp3:
0x4b: {  	s19 =	simm.s32 @!p0 $0x1;
	[sflag:s13] =	ssyncadd.s32 $0xFFFFD900;
	(pc) =	sbr.rel @p1 .LBB2_1-.Ltmp3, $4  }
0x4c: {  	[hbm:s9], [sflag:s15] =	dma.local @!p0 [spmem:s17], $0x100  }
0x4d: {  	_ =	swait.ge @!p0 [sflag:s19], $0x100  }
0x4e: {  	[sflag:s19] =	ssyncset.done @!p0 $0x0  }
0x4f: {  	[sflag:s19] =	ssyncadd.s32 @!p0 $0xFFFFFF00  }
0x50: {  	_ =	sfence.sel $0x180000  }
0x51: {  	[bflag:$0x0] =	sbarrier.arrive $0xFFFF  }
0x52: {  	_ =	strace $0x90000047  }
0x53: {  	s0 =	sadd.s32 @!p0 $0x100000, s0;
	[bflag:$0x2] =	sbarrier.arrive $0xFFFF  }
0x54: {  	[sflag:s0] =	ssyncadd.tile.s32 @!p0 $0x1;
	_ =	shalt  }
.Lfunc_end2:
_tile_overlayer_lowered:
.L_overlay_start_2:
0x55: {  	(tag) =	ssettag $0x2  }
0x56: {  	s0 =	rddreg [dreg:$0x0];
	s2 =	stileid.u32  }
0x57: {  	s1 =	rddreg [dreg:$0x1];
	p0 =	sne.s32 s2, $0x0  }
0x58: {  	s3 =	rddreg [dreg:$0x2];
	[bflag:$0x3] =	sbarrier.arrive $0xFFFF;
	s2 =	simm.s32 @!p0 $0x1C01  }
0x59: {  	[timem:s3], [sflag:s2] =	dma.local @!p0 [hbm:s0], s1  }
0x5a: {  	s0 =	simm.s32 @!p0 $0x1  }
0x5b: {  	_ =	swait.ge @!p0 [sflag:s0], s1  }
0x5c: {  	s1 =	ssub.s32 @!p0 $0x0, s1;
	[sflag:s0] =	ssyncset.done @!p0 $0x0  }
0x5d: {  	[sflag:s0] =	ssyncadd.s32 @!p0 s1  }
0x5e: {  	[bflag:$0x3] =	sbarrier.arrive $0xFFFF  }
0x5f: {  	_ =	shalt  }

// kernel: kernel.17.cloned.1.call-start
scs
__scs_entry_jumppad:
0x0: {  	(pc) =	sbr.rel $0x88, $3  }
0x1: {  	(tag) =	ssettag $0x0;
	lr =	simm.s32 $0x1  }
0x2: {  	[smem:$0x3F9A] =	sst lr;
	_ =	strace $0xD0000000  }
0x3: {  	_ = 	snop  }
0x4: {  	_ = 	snop  }
0x5: {  	_ = 	snop  }
0x6: {  	_ = 	snop  }
0x7: {  	_ = 	snop  }
__scs_overlays_trampoline_lowered:
0x8: {  	[smem:$0x3FA9] =	sst s0  }
0x9: {  	[smem:$0x3FAA] =	sst s1  }
0xa: {  	[smem:$0x3FAB] =	sst s2  }
0xb: {  	[smem:$0x3FAC] =	sst s3  }
0xc: {  	[smem:$0x3FAD] =	sst s4  }
0xd: {  	[smem:$0x3FAE] =	sst s5  }
0xe: {  	[smem:$0x3FAF] =	sst s6  }
0xf: {  	[smem:$0x3FB0] =	sst s7  }
0x10: {  	[smem:$0x3FB1] =	sst s8  }
0x11: {  	[smem:$0x3FB2] =	sst s9;
	s0 =	simm.s32 @!p0 $0x0  }
0x12: {  	s1 =	sld [smem:$0x3F98];
	s0 =	simm.s32 @p0 $0x1  }
0x13: {  	[smem:$0x3FB3] =	sst s0;
	s0 =	simm.s32 @!p1 $0x0  }
0x14: {  	s2 =	sld [smem:$0x3F97];
	s0 =	simm.s32 @p1 $0x1  }
0x15: {  	[smem:$0x3FB4] =	sst s0;
	s0 =	simm.s32 @!p2 $0x0  }
0x16: {  	s3 =	sld [smem:$0x3FDB];
	s0 =	simm.s32 @p2 $0x1  }
0x17: {  	s4 =	simm.s32 $0x1BF5;
	[smem:$0x3FB6] =	sst s0  }
0x18: {  	s0 =	sld [smem:$0x3F99];
	_ =	swait.ge [sflag:s4], $0x0  }
0x19: {  	s7 =	sld [smem:$0x3F9A]  }
0x1a: {  	s8 =	sadd.s32 $0xFFFFE003, lr  }
0x1b: {  	s9 =	sadd.s32 $0xFFFFFEF7, lr;
	s5 =	simm.s32 $0xFFFFFFFF;
	p2 =	slt.u32 s8, $0xFFFFF086  }
0x1c: {  	p1 =	slt.u32 s9, $0xF7A;
	s5 =	simm.s32 @!p2 $0x0  }
0x1d: {  	s5 =	simm.s32 @p1 $0x1;
	p0 =	seq.s32 s7, s2  }
0x1e: {  	s7 =	smul.u32 @!p0 $0xF7A, s2;
	p2 =	seq.s32 @!p0 s5, $0x0  }
0x1f: {  	s9 =	smul.u32 $0xF7A, s1;
	s8 =	simm.s32 @!p0 $0x1BF5;
	p2 =	por !p2, p0  }
0x20: {  	[sflag:s8] =	ssyncset.s32 @!p0 $0xFFFFF086;
	s6 =	sadd.s32 @!p0 s3, s7;
	s7 =	simm.s32 @!p0 $0x108  }
0x21: {  	s3 =	sadd.s32 s3, s9;
	s6 =	sadd.s32 @!p0 $0x88, s6;
	s7 =	simm.s32 @p2 $0x1082  }
0x22: {  	[simem:s7], [sflag:s8] =	dma.local @!p0 [hbm:s6], $0xF7A  }
0x23: {  	s9 =	sor.u32 $0xD0000000, s2;
	s6 =	simm.s32 $0x108;
	_ =	swait.ge @!p0 [sflag:s8], $0x0  }
0x24: {  	s3 =	sadd.s32 $0x88, s3;
	s6 =	simm.s32 @!p1 $0x1082;
	[sflag:s4] =	ssyncset.s32 $0xFFFFF086  }
0x25: {  	[simem:s6], [sflag:s4] =	dma.local [hbm:s3], $0xF7A  }
0x26: {  	[smem:$0x3F9A] =	sst s1;
	(tag) =	ssettag s2;
	_ =	strace s9  }
0x27: {  	s1 =	sld [smem:$0x3FAA]  }
0x28: {  	s2 =	sld [smem:$0x3FAB]  }
0x29: {  	s4 =	sld [smem:$0x3FAD]  }
0x2a: {  	p0 =	seq.s32 s5, $0x0;
	s5 =	sld [smem:$0x3FAE]  }
0x2b: {  	s6 =	sld [smem:$0x3FAF]  }
0x2c: {  	s7 =	sld [smem:$0x3FB0]  }
0x2d: {  	s3 =	simm.s32 $0x108;
	s8 =	sld [smem:$0x3FB1]  }
0x2e: {  	s3 =	simm.s32 @!p0 $0x1082;
	s9 =	sld [smem:$0x3FB2]  }
0x2f: {  	lr =	sadd.s32 s0, s3;
	s0 =	sld [smem:$0x3FA9]  }
0x30: {  	s3 =	sld [smem:$0x3FAC]  }
0x31: {  	[smem:$0x3FB5] =	sst s10  }
0x32: {  	s10 =	sld [smem:$0x3FB3];
	_ =	sdelay $0x3  }
0x33: {  	p0 =	seq.s32 s10, $0x1;
	s10 =	sld [smem:$0x3FB5];
	_ =	sdelay $0x3  }
0x34: {  	[smem:$0x3FB5] =	sst s10  }
0x35: {  	s10 =	sld [smem:$0x3FB4];
	_ =	sdelay $0x3  }
0x36: {  	p1 =	seq.s32 s10, $0x1;
	s10 =	sld [smem:$0x3FB5];
	_ =	sdelay $0x3  }
0x37: {  	[smem:$0x3FB5] =	sst s10  }
0x38: {  	s10 =	sld [smem:$0x3FB6]  }
0x39: {  	_ = 	snop;
	(pc) =	sbr.ind lr, $3  }
0x3a: {  	_ = 	snop  }
0x3b: {  	_ = 	snop  }
0x3c: {  	p2 =	seq.s32 s10, $0x1;
	s10 =	sld [smem:$0x3FB5]  }
0x3d: {  	_ =	shalt  }
0x3e: {  	_ =	shalt  }
0x3f: {  	_ =	shalt  }
0x40: {  	_ =	shalt  }
0x41: {  	_ =	shalt  }
0x42: {  	_ =	shalt  }
0x43: {  	_ =	shalt  }
0x44: {  	_ =	shalt  }
0x45: {  	_ =	shalt  }
0x46: {  	_ =	shalt  }
0x47: {  	_ =	shalt  }
0x48: {  	_ =	shalt  }
0x49: {  	_ =	shalt  }
0x4a: {  	_ =	shalt  }
0x4b: {  	_ =	shalt  }
0x4c: {  	_ =	shalt  }
0x4d: {  	_ =	shalt  }
0x4e: {  	_ =	shalt  }
0x4f: {  	_ =	shalt  }
0x50: {  	_ =	shalt  }
0x51: {  	_ =	shalt  }
0x52: {  	_ =	shalt  }
0x53: {  	_ =	shalt  }
0x54: {  	_ =	shalt  }
0x55: {  	_ =	shalt  }
0x56: {  	_ =	shalt  }
0x57: {  	_ =	shalt  }
0x58: {  	_ =	shalt  }
0x59: {  	_ =	shalt  }
0x5a: {  	_ =	shalt  }
0x5b: {  	_ =	shalt  }
0x5c: {  	_ =	shalt  }
0x5d: {  	_ =	shalt  }
0x5e: {  	_ =	shalt  }
0x5f: {  	_ =	shalt  }
0x60: {  	_ =	shalt  }
0x61: {  	_ =	shalt  }
0x62: {  	_ =	shalt  }
0x63: {  	_ =	shalt  }
0x64: {  	_ =	shalt  }
0x65: {  	_ =	shalt  }
0x66: {  	_ =	shalt  }
0x67: {  	_ =	shalt  }
0x68: {  	_ =	shalt  }
0x69: {  	_ =	shalt  }
0x6a: {  	_ =	shalt  }
0x6b: {  	_ =	shalt  }
0x6c: {  	_ =	shalt  }
0x6d: {  	_ =	shalt  }
0x6e: {  	_ =	shalt  }
0x6f: {  	_ =	shalt  }
0x70: {  	_ =	shalt  }
0x71: {  	_ =	shalt  }
0x72: {  	_ =	shalt  }
0x73: {  	_ =	shalt  }
0x74: {  	_ =	shalt  }
0x75: {  	_ =	shalt  }
0x76: {  	_ =	shalt  }
0x77: {  	_ =	shalt  }
0x78: {  	_ =	shalt  }
0x79: {  	_ =	shalt  }
0x7a: {  	_ =	shalt  }
0x7b: {  	_ =	shalt  }
0x7c: {  	_ =	shalt  }
0x7d: {  	_ =	shalt  }
0x7e: {  	_ =	shalt  }
0x7f: {  	_ =	shalt  }
0x80: {  	_ =	shalt  }
0x81: {  	_ =	shalt  }
0x82: {  	_ =	shalt  }
0x83: {  	_ =	shalt  }
0x84: {  	_ =	shalt  }
0x85: {  	_ =	shalt  }
0x86: {  	_ =	shalt  }
0x87: {  	_ =	shalt  }
.Lfunc_end0:
.L_simem_size_0:
called_computation.1_lowered:
.L_overlay_start_0:
0x88: {  	s2 =	sld [smem:$0x3FD9]  }
0x89: {  	s3 =	sld [smem:$0x3FFE];
	_ =	sdelay $0x1  }
0x8a: {  	s1 =	srdreg.scid  }
0x8b: {  	s0 =	sand.u32 $0x1, s1  }
0x8c: {  	s16 =	sshll.u32 s0, $0xA;
	s2 =	sadd.s32 s3, s2  }
0x8d: {  	s2 =	sadd.s32 s2, s16  }
0x8e: {  	[smem:$0x3FC1] =	sst s2  }
0x8f: {  	_ = 	snop  }
0x90: {  	(tm) =	ssettm $0x1  }
0x91: {  	s17 =	sld [smem:$0x3FFB];
	_ =	sdelay $0x3  }
0x92: {  	_ =	strace s17  }
0x93: {  	s2 =	sld [smem:$0x3FFC];
	_ =	sdelay $0x3  }
0x94: {  	_ =	strace s2  }
0x95: {  	s2 =	sld [smem:$0x3FFD];
	_ =	sdelay $0x3  }
0x96: {  	_ =	strace s2  }
0x97: {  	_ =	strace $0x8FFFFFFF  }
0x98: {  	s18 =	sld [smem:$0x3FDB];
	_ =	sdelay $0x1  }
0x99: {  	s19 =	simm.s32 $_scs_section_size  }
0x9a: {  	s4 =	simm.s32 $_size__tile_overlayer_lowered;
	s5 =	simm.s32 $_tile_overlayer_lowered  }
0x9b: {  	s22 =	simm.s32 $0x1BFF;
	s21 =	sshll.u32 s5, $0x1;
	s2 =	sadd.s32 s19, s18  }
0x9c: {  	s6 =	simm.s32 $0x0;
	s20 =	sshll.u32 s4, $0x1;
	s4 =	sadd.s32 s21, s2  }
0x9d: {  	[timem:s6], [sflag:s22] =	dma.local [hbm:s4], s20  }
0x9e: {  	_ =	swait.ge [sflag:s22], s20  }
0x9f: {  	s3 =	ssub.s32 $0x0, s20;
	[sflag:s22] =	ssyncset.done $0x0  }
0xa0: {  	[sflag:s22] =	ssyncadd.s32 s3;
	_ =	sdelay $0x1  }
0xa1: {  	s23 =	simm.s32 $0x1B8B  }
0xa2: {  	_ =	swait.ge [sflag:s23], $0x1  }
0xa3: {  	[sflag:s23] =	ssyncset.done $0x0  }
0xa4: {  	s25 =	simm.s32 $0x1B8E;
	s24 =	sld [smem:$0x3FFE];
	[sflag:s23] =	ssyncadd.s32 $0xFFFFFFFF  }
0xa5: {  	s26 =	simm.s32 $execute0_lowered;
	[smem:$0x3FD2] =	sst s25  }
0xa6: {  	s4 =	sshll.u32 s26, $0x1;
	_ =	strace $0x80000049;
	[dreg:$0x1] =	wrdreg $0xFFFFFFFF  }
0xa7: {  	s28 =	simm.s32 $_size_execute0_lowered;
	s2 =	sadd.s32 s2, s4;
	[dreg:$0x0] =	wrdreg $0x0  }
0xa8: {  	s4 =	sshll.u32 s28, $0x1;
	[dreg:$0x2] =	wrdreg s2  }
0xa9: {  	[dreg:$0x3] =	wrdreg s4  }
0xaa: {  	[dreg:$0x4] =	wrdreg $0xC0  }
0xab: {  	_ =	task [dreg:s6], $0x5FFFF  }
0xac: {  	[dreg:$0x1] =	wrdreg $0xFFFFFFFF  }
0xad: {  	[dreg:$0x0] =	wrdreg $0x60  }
0xae: {  	[dreg:$0x2] =	wrdreg s24  }
0xaf: {  	[dreg:$0x3] =	wrdreg $0x75000  }
0xb0: {  	[dreg:$0x4] =	wrdreg $0x9  }
0xb1: {  	_ =	task.clear_ibuf [dreg:s6], $0x5FFFF;
	_ =	strace $0x90000049  }
0xb2: {  	s29 =	simm.s32 $0x9;
	_ =	strace $0x8000004B  }
0xb3: {  	_ =	swait.ge [sflag:s29], $0x1  }
0xb4: {  	[sflag:s29] =	ssyncadd.s32 $0xFFFFFFFF  }
0xb5: {  	_ =	strace $0x9000004B  }
0xb6: {  	_ =	sfence  }
0xb7: {  	s30 =	sld [smem:$0x0];
	_ =	sdelay $0x2  }
0xb8: {  	s31 =	sshll.u32 s1, $0xD;
	s1 =	sshrl.u32 s1, $0x2  }
0xb9: {  	s3 =	sand.u32 $0x4000, s31;
	s1 =	sadd.s32 s1, s30  }
0xba: {  	s0 =	sor.u32 s3, s0;
	s1 =	sshll.u32 s1, $0x11  }
0xbb: {  	s0 =	sor.u32 s1, s0  }
0xbc: {  	s0 =	sadd.s32 $0x8F2B, s0  }
0xbd: {  	[sflag:s0] =	ssyncadd.remote.s32 $0x1  }
0xbe: {  	_ =	sfence.sel $0xFFFF  }
0xbf: {  	[dreg:$0x0] =	wrdreg $0xFFFFFFFF;
	(pc) =	sbr.abs _section_cstart, $3  }
0xc0: {  	[dreg:$0x1] =	wrdreg $0xFFFFFFFF  }
0xc1: {  	_ =	task.clear_ibuf [dreg:s6], $0x2FFFF;
	_ =	strace $0x9FFFFFFF  }
0xc2: {  	(tm) =	ssettm $0x7FFFFFFF  }
0xc3: {  	_ =	shalt  }
tec
execute0_lowered:
.L_overlay_start_1:
0x0: {  	(tag) =	ssettag $0x1  }
0x1: {  	s7 =	rddreg [dreg:$0x0]  }
0x2: {  	s1 =	rddreg [dreg:$0x1]  }
0x3: {  	s0 =	rddreg [dreg:$0x2];
	s2 =	simm.s32 $0x0  }
0x4: {  	s3 =	stileid.u32;
	s8 =	srdreg.scid;
	s21 =	simm.s32 $0x2  }
0x5: {  	s22 =	simm.s32 $0x3;
	s23 =	simm.s32 $0x100;
	s24 =	simm.s32 $0x1  }
0x6: {  	s25 =	simm.s32 $0x0;
	[smem:$0x7FF] =	sst s2;
	s9 =	smul.u32 $0x4E000, s3  }
0x7: {  	s4 =	sadd.s32 $0x10A00, s7;
	s5 =	sadd.s32 $0x5EC00, s7;
	s17 =	smul.u32 $0x13800, s3  }
0x8: {  	s6 =	sadd.s32 $0x6A00, s7;
	s13 =	sand.u32 $0x1, s8;
	s20 =	smul.u32 $0x500, s3  }
0x9: {  	s15 =	sadd.s32 $0x8FE00, s7;
	p0 =	sne.s32 s3, $0x0;
	s14 =	smul.u32 $0x138800, s13  }
0xa: {  	_ =	strace $0x8000004A;
	s8 =	ssub.s32 $0x2, s13;
	s18 =	smul.u32 $0x5000, s13  }
0xb: {  	s13 =	sadd.s32 $0x138000, s1;
	s30 =	sshrl.u32 s9, $0x2;
	s31 =	sshrl.u32 s8, $0x1  }
0xc: {  	s7 =	sadd.s32 s30, s1;
	s16 =	ssub.s32 s8, s31;
	s17 =	sadd.s32 s17, s14  }
0xd: {  	s19 =	sshrl.u32 s14, $0x3;
	s8 =	sadd.s32 $0x3400, s7;
	s9 =	sadd.s32 $0x6800, s7  }
0xe: {  	s10 =	sadd.s32 $0x9C00, s7;
	s11 =	sadd.s32 $0xD000, s7;
	s17 =	sshrl.u32 s17, $0x3  }
0xf: {  	s12 =	sadd.s32 $0x10400, s7;
	s16 =	smax.u32 s16, $0x1;
	s14 =	sadd.s32 s15, s17  }
0x10: {  	s15 =	sadd.s32 s15, s19;
	s17 =	sadd.s32 s20, s18;
	s18 =	simm.s32 $0x4100  }
0x11: {  	v0 =	vimm.f32 $0.0e+00;
	s19 =	simm.s32 $0x4;
	s20 =	simm.s32 $0x80;
	s15 =	sadd.s32 $0x27000, s15  }
.LBB2_1:
0x12: {  	s26 =	simm.s32 $0x70;
	s28 =	simm.s32 $0x3C0  }
.LBB2_2:
0x13: {  	p1 =	sne.s32 s28, $0xCFC0;
	[tilespmem:s26+$0x4100] =	vst v0  }
0x14: {  	[tilespmem:s26+$0x4090] =	vst v0  }
0x15: {  	[tilespmem:s26+$0x40A0] =	vst v0  }
.Ltmp0:
0x16: {  	[tilespmem:s26+$0x40B0] =	vst v0;
	(pc) =	sbr.rel @p1 .LBB2_2-.Ltmp0, $4  }
0x17: {  	[tilespmem:s26+$0x40C0] =	vst v0  }
0x18: {  	[tilespmem:s26+$0x40D0] =	vst v0  }
0x19: {  	[tilespmem:s26+$0x40E0] =	vst v0  }
0x1a: {  	[tilespmem:s26+$0x40F0] =	vst v0;
	s26 =	sshra.s32 s28, $0x2;
	s28 =	sadd.s32 $0x200, s28  }
0x1b: {  	[tilespmem:s26+$0x4100] =	vst v0  }
0x1c: {  	[tilespmem:s26+$0x4090] =	vst v0  }
0x1d: {  	[tilespmem:s26+$0x40A0] =	vst v0  }
0x1e: {  	[tilespmem:s26+$0x40B0] =	vst v0  }
0x1f: {  	[tilespmem:s26+$0x40C0] =	vst v0  }
0x20: {  	[tilespmem:s26+$0x40D0] =	vst v0  }
0x21: {  	[tilespmem:s26+$0x40E0] =	vst v0  }
0x22: {  	[tilespmem:s26+$0x40F0] =	vst v0  }
0x23: {  	[spmem:s7] =	stream.linear.scatter [tilespmem:s18], [sflag:$0x4], $0x3400, $0x38;
	[tilespmem:$0x1AE00] =	vst v63  }
0x24: {  	_ =	swait.ge [sflag:s19], $0x3400  }
0x25: {  	[sflag:s19] =	ssyncset.done $0x0  }
0x26: {  	[sflag:s19] =	ssyncadd.s32 $0xFFFFCC00  }
0x27: {  	[spmem:s8] =	stream.linear.scatter [tilespmem:s18], [sflag:$0x4], $0x3400, $0x38;
	[tilespmem:$0x1AE00] =	vst v63  }
0x28: {  	_ =	swait.ge [sflag:s19], $0x3400  }
0x29: {  	[sflag:s19] =	ssyncset.done $0x0  }
0x2a: {  	[sflag:s19] =	ssyncadd.s32 $0xFFFFCC00  }
0x2b: {  	[spmem:s9] =	stream.linear.scatter [tilespmem:s18], [sflag:$0x4], $0x3400, $0x38;
	[tilespmem:$0x1AE00] =	vst v63  }
0x2c: {  	_ =	swait.ge [sflag:s19], $0x3400  }
0x2d: {  	[sflag:s19] =	ssyncset.done $0x0  }
0x2e: {  	[sflag:s19] =	ssyncadd.s32 $0xFFFFCC00  }
0x2f: {  	[spmem:s10] =	stream.linear.scatter [tilespmem:s18], [sflag:$0x4], $0x3400, $0x38;
	[tilespmem:$0x1AE00] =	vst v63  }
0x30: {  	_ =	swait.ge [sflag:s19], $0x3400  }
0x31: {  	[sflag:s19] =	ssyncset.done $0x0  }
0x32: {  	[sflag:s19] =	ssyncadd.s32 $0xFFFFCC00  }
0x33: {  	[spmem:s11] =	stream.linear.scatter [tilespmem:s18], [sflag:$0x4], $0x3400, $0x38;
	[tilespmem:$0x1AE00] =	vst v63  }
0x34: {  	_ =	swait.ge [sflag:s19], $0x3400  }
0x35: {  	[sflag:s19] =	ssyncset.done $0x0  }
0x36: {  	[sflag:s19] =	ssyncadd.s32 $0xFFFFCC00  }
0x37: {  	[spmem:s12] =	stream.linear.scatter [tilespmem:s18], [sflag:$0x4], $0x3400, $0x38;
	[tilespmem:$0x1AE00] =	vst v63  }
0x38: {  	_ =	swait.ge [sflag:s19], $0x3400  }
0x39: {  	[sflag:s19] =	ssyncset.done $0x0  }
0x3a: {  	s26 =	simm.s32 @!p0 $0x4100;
	[sflag:s19] =	ssyncadd.s32 $0xFFFFCC00  }
0x3b: {  	[spmem:s13] =	stream.linear.scatter @!p0 [tilespmem:s26], [sflag:$0x4], $0x1000, $0x38;
	[tilespmem:$0x1AE00] =	vst v63  }
0x3c: {  	s26 =	simm.s32 @!p0 $0x4  }
0x3d: {  	s28 =	simm.s32 $0x0;
	s29 =	sadd.s32 $0x0, s17;
	_ =	swait.ge @!p0 [sflag:s26], $0x1000  }
0x3e: {  	s29 =	sand.u32 $0xFFFFF80, s29;
	s28 =	sand.u32 $0x70, s28;
	[sflag:s26] =	ssyncset.done @!p0 $0x0  }
0x3f: {  	s29 =	sor.u32 s28, s29;
	[sflag:s26] =	ssyncadd.s32 @!p0 $0xFFFFF000  }
0x40: {  	s28 =	sadd.s32 s5, s29;
	[bflag:$0x0] =	sbarrier.arrive $0xFFFF  }
0x41: {  	[tilespmem:s2], [sflag:$0x2] =	stream.linear.gather [hbm4b:s28+s2], $0x80, $0x38;
	[tilespmem:$0x1AE00] =	vst v63  }
0x42: {  	s26 =	sadd.s32 s6, s29  }
0x43: {  	[tilespmem:s20], [sflag:$0x3] =	stream.linear.gather [hbm4b:s26+s2], $0x80, $0x38;
	[tilespmem:$0x1AE00] =	vst v63  }
0x44: {  	_ =	swait.ge [sflag:s21], $0x80  }
0x45: {  	[sflag:s21] =	ssyncset.done $0x0  }
0x46: {  	[sflag:s21] =	ssyncadd.s32 $0xFFFFFF80  }
0x47: {  	_ =	swait.ge [sflag:s22], $0x80  }
0x48: {  	[sflag:s22] =	ssyncset.done $0x0  }
0x49: {  	[sflag:s22] =	ssyncadd.s32 $0xFFFFFF80  }
0x4a: {  	[tilespmem:s23], [sflag:$0x1] =	stream.indirect.gather [hbm4b:s4+s20], $0x80, s2, s20, $0xb8;
	[tilespmem:$0x1AE00] =	vst v63  }
0x4b: {  	_ =	swait.ge [sflag:s24], $0x4000  }
0x4c: {  	[sflag:s24] =	ssyncset.done $0x0  }
0x4d: {  	s30 =	simm.s32 $0x10;
	s28 =	sadd.s32 $0x10, s17;
	[sflag:s24] =	ssyncadd.s32 $0xFFFFC000  }
0x4e: {  	[spmem:s1] =	stream.indirect.scatter.add.f32 [tilespmem:s23], [sflag:$0x4], $0x80, s20, s20, $0xb8;
	[tilespmem:$0x1AE00] =	vst v63  }
0x4f: {  	s31 =	sand.u32 $0xFFFFF80, s28;
	s26 =	sand.u32 $0x70, s30;
	_ =	swait.ge [sflag:s19], $0x4000  }
0x50: {  	s28 =	simm.s32 $0x20;
	s26 =	sor.u32 s26, s31;
	[sflag:s19] =	ssyncset.done $0x0  }
.LBB2_4:
0x51: {  	s29 =	sadd.s32 s5, s26  }
0x52: {  	[sflag:s19] =	ssyncadd.s32 $0xFFFFC000;
	s30 =	smov.u32 s28;
	s31 =	sadd.s32 $0x10, s28  }
0x53: {  	[tilespmem:s2], [sflag:$0x2] =	stream.linear.gather [hbm4b:s29+s2], $0x80, $0x38;
	[tilespmem:$0x1AE00] =	vst v63  }
0x54: {  	p1 =	sne.s32 s28, $0x4F0;
	s26 =	sadd.s32 s6, s26  }
0x55: {  	[tilespmem:s20], [sflag:$0x3] =	stream.linear.gather [hbm4b:s26+s2], $0x80, $0x38;
	[tilespmem:$0x1AE00] =	vst v63  }
0x56: {  	_ =	swait.ge [sflag:s21], $0x80  }
0x57: {  	[sflag:s21] =	ssyncset.done $0x0  }
0x58: {  	[sflag:s21] =	ssyncadd.s32 $0xFFFFFF80  }
0x59: {  	_ =	swait.ge [sflag:s22], $0x80  }
0x5a: {  	[sflag:s22] =	ssyncset.done $0x0  }
0x5b: {  	[sflag:s22] =	ssyncadd.s32 $0xFFFFFF80  }
0x5c: {  	[tilespmem:s23], [sflag:$0x1] =	stream.indirect.gather [hbm4b:s4+s20], $0x80, s2, s20, $0xb8;
	[tilespmem:$0x1AE00] =	vst v63  }
0x5d: {  	_ =	swait.ge [sflag:s24], $0x4000  }
.Ltmp1:
0x5e: {  	[sflag:s24] =	ssyncset.done $0x0;
	(pc) =	sbr.rel @p1 .LBB2_4-.Ltmp1, $4  }
0x5f: {  	s26 =	sadd.s32 s30, s17;
	[sflag:s24] =	ssyncadd.s32 $0xFFFFC000  }
0x60: {  	[spmem:s1] =	stream.indirect.scatter.add.f32 [tilespmem:s23], [sflag:$0x4], $0x80, s20, s20, $0xb8;
	[tilespmem:$0x1AE00] =	vst v63  }
0x61: {  	s28 =	sand.u32 $0x70, s30;
	s26 =	sand.u32 $0xFFFFF80, s26;
	_ =	swait.ge [sflag:s19], $0x4000  }
0x62: {  	s26 =	sor.u32 s28, s26;
	s28 =	smov.u32 s31;
	[sflag:s19] =	ssyncset.done $0x0  }
0x63: {  	s28 =	sadd.s32 s5, s26;
	[sflag:s19] =	ssyncadd.s32 $0xFFFFC000  }
0x64: {  	[tilespmem:s2], [sflag:$0x2] =	stream.linear.gather [hbm4b:s28+s2], $0x80, $0x38;
	[tilespmem:$0x1AE00] =	vst v63  }
0x65: {  	s29 =	sadd.s32 s6, s26  }
0x66: {  	[tilespmem:s20], [sflag:$0x3] =	stream.linear.gather [hbm4b:s29+s2], $0x80, $0x38;
	[tilespmem:$0x1AE00] =	vst v63  }
0x67: {  	_ =	swait.ge [sflag:s21], $0x80  }
0x68: {  	[sflag:s21] =	ssyncset.done $0x0  }
0x69: {  	[sflag:s21] =	ssyncadd.s32 $0xFFFFFF80  }
0x6a: {  	_ =	swait.ge [sflag:s22], $0x80  }
0x6b: {  	[sflag:s22] =	ssyncset.done $0x0  }
0x6c: {  	[sflag:s22] =	ssyncadd.s32 $0xFFFFFF80  }
0x6d: {  	[tilespmem:s23], [sflag:$0x1] =	stream.indirect.gather [hbm4b:s4+s20], $0x80, s2, s20, $0xb8;
	[tilespmem:$0x1AE00] =	vst v63  }
0x6e: {  	_ =	swait.ge [sflag:s24], $0x4000  }
0x6f: {  	[sflag:s24] =	ssyncset.done $0x0  }
0x70: {  	[sflag:s24] =	ssyncadd.s32 $0xFFFFC000  }
0x71: {  	[spmem:s1] =	stream.indirect.scatter.add.f32 [tilespmem:s23], [sflag:$0x4], $0x80, s20, s20, $0xb8;
	[tilespmem:$0x1AE00] =	vst v63  }
0x72: {  	_ =	swait.ge [sflag:s19], $0x4000  }
0x73: {  	[sflag:s19] =	ssyncset.done $0x0  }
0x74: {  	s30 =	sshll.u32 s3, $0x6;
	[sflag:s19] =	ssyncadd.s32 $0xFFFFC000  }
0x75: {  	s31 =	sshrl.u32 s7, $0x3;
	s26 =	sor.u32 $0x1C04, s30;
	[bflag:$0x0] =	sbarrier.arrive $0xFFFF  }
0x76: {  	[hbm:s14], [sflag:s26] =	dma.local [spmem:s31], $0x2700  }
0x77: {  	_ =	swait.ge [sflag:s19], $0x2700  }
0x78: {  	s25 =	sadd.s32 $0x1, s25;
	[sflag:s19] =	ssyncset.done $0x0  }
0x79: {  	s28 =	sshrl.u32 @!p0 s13, $0x3;
	p1 =	sne.s32 s25, s16;
	[sflag:s19] =	ssyncadd.s32 $0xFFFFD900  }
0x7a: {  	[hbm:s15], [sflag:s26] =	dma.local @!p0 [spmem:s28], $0x100  }
.Ltmp2:
0x7b: {  	_ = 	snop;
	(pc) =	sbr.rel @p1 .LBB2_1-.Ltmp2, $4  }
0x7c: {  	s26 =	simm.s32 @!p0 $0x4  }
0x7d: {  	_ =	swait.ge @!p0 [sflag:s26], $0x100  }
0x7e: {  	[sflag:s26] =	ssyncset.done @!p0 $0x0  }
0x7f: {  	[sflag:s26] =	ssyncadd.s32 @!p0 $0xFFFFFF00  }
0x80: {  	_ =	sfence.sel $0x180000  }
0x81: {  	[bflag:$0x0] =	sbarrier.arrive $0xFFFF  }
0x82: {  	_ =	strace $0x9000004A  }
0x83: {  	s0 =	sadd.s32 @!p0 $0x100000, s0;
	[bflag:$0x2] =	sbarrier.arrive $0xFFFF  }
0x84: {  	[sflag:s0] =	ssyncadd.tile.s32 @!p0 $0x1;
	_ =	shalt  }
.Lfunc_end2:
_tile_overlayer_lowered:
.L_overlay_start_2:
0x85: {  	(tag) =	ssettag $0x2  }
0x86: {  	s0 =	rddreg [dreg:$0x0];
	s2 =	stileid.u32  }
0x87: {  	s1 =	rddreg [dreg:$0x1];
	p0 =	sne.s32 s2, $0x0  }
0x88: {  	s3 =	rddreg [dreg:$0x2];
	[bflag:$0x3] =	sbarrier.arrive $0xFFFF;
	s2 =	simm.s32 @!p0 $0x1C04  }
0x89: {  	[timem:s3], [sflag:s2] =	dma.local @!p0 [hbm:s0], s1  }
0x8a: {  	s0 =	simm.s32 @!p0 $0x4  }
0x8b: {  	_ =	swait.ge @!p0 [sflag:s0], s1  }
0x8c: {  	s1 =	ssub.s32 @!p0 $0x0, s1;
	[sflag:s0] =	ssyncset.done @!p0 $0x0  }
0x8d: {  	[sflag:s0] =	ssyncadd.s32 @!p0 s1  }
0x8e: {  	[bflag:$0x3] =	sbarrier.arrive $0xFFFF  }
0x8f: {  	_ =	shalt  }

// kernel: kernel.20.cloned.1.call-start
scs
__scs_entry_jumppad:
0x0: {  	(pc) =	sbr.rel $0x88, $3  }
0x1: {  	(tag) =	ssettag $0x0;
	lr =	simm.s32 $0x1  }
0x2: {  	[smem:$0x3F9A] =	sst lr;
	_ =	strace $0xD0000000  }
0x3: {  	_ = 	snop  }
0x4: {  	_ = 	snop  }
0x5: {  	_ = 	snop  }
0x6: {  	_ = 	snop  }
0x7: {  	_ = 	snop  }
__scs_overlays_trampoline_lowered:
0x8: {  	[smem:$0x3FA9] =	sst s0  }
0x9: {  	[smem:$0x3FAA] =	sst s1  }
0xa: {  	[smem:$0x3FAB] =	sst s2  }
0xb: {  	[smem:$0x3FAC] =	sst s3  }
0xc: {  	[smem:$0x3FAD] =	sst s4  }
0xd: {  	[smem:$0x3FAE] =	sst s5  }
0xe: {  	[smem:$0x3FAF] =	sst s6  }
0xf: {  	[smem:$0x3FB0] =	sst s7  }
0x10: {  	[smem:$0x3FB1] =	sst s8  }
0x11: {  	[smem:$0x3FB2] =	sst s9;
	s0 =	simm.s32 @!p0 $0x0  }
0x12: {  	s1 =	sld [smem:$0x3F98];
	s0 =	simm.s32 @p0 $0x1  }
0x13: {  	[smem:$0x3FB3] =	sst s0;
	s0 =	simm.s32 @!p1 $0x0  }
0x14: {  	s2 =	sld [smem:$0x3F97];
	s0 =	simm.s32 @p1 $0x1  }
0x15: {  	[smem:$0x3FB4] =	sst s0;
	s0 =	simm.s32 @!p2 $0x0  }
0x16: {  	s3 =	sld [smem:$0x3FDB];
	s0 =	simm.s32 @p2 $0x1  }
0x17: {  	s4 =	simm.s32 $0x1BF5;
	[smem:$0x3FB6] =	sst s0  }
0x18: {  	s0 =	sld [smem:$0x3F99];
	_ =	swait.ge [sflag:s4], $0x0  }
0x19: {  	s7 =	sld [smem:$0x3F9A]  }
0x1a: {  	s8 =	sadd.s32 $0xFFFFE003, lr  }
0x1b: {  	s9 =	sadd.s32 $0xFFFFFEF7, lr;
	s5 =	simm.s32 $0xFFFFFFFF;
	p2 =	slt.u32 s8, $0xFFFFF086  }
0x1c: {  	p1 =	slt.u32 s9, $0xF7A;
	s5 =	simm.s32 @!p2 $0x0  }
0x1d: {  	s5 =	simm.s32 @p1 $0x1;
	p0 =	seq.s32 s7, s2  }
0x1e: {  	s7 =	smul.u32 @!p0 $0xF7A, s2;
	p2 =	seq.s32 @!p0 s5, $0x0  }
0x1f: {  	s9 =	smul.u32 $0xF7A, s1;
	s8 =	simm.s32 @!p0 $0x1BF5;
	p2 =	por !p2, p0  }
0x20: {  	[sflag:s8] =	ssyncset.s32 @!p0 $0xFFFFF086;
	s6 =	sadd.s32 @!p0 s3, s7;
	s7 =	simm.s32 @!p0 $0x108  }
0x21: {  	s3 =	sadd.s32 s3, s9;
	s6 =	sadd.s32 @!p0 $0x88, s6;
	s7 =	simm.s32 @p2 $0x1082  }
0x22: {  	[simem:s7], [sflag:s8] =	dma.local @!p0 [hbm:s6], $0xF7A  }
0x23: {  	s9 =	sor.u32 $0xD0000000, s2;
	s6 =	simm.s32 $0x108;
	_ =	swait.ge @!p0 [sflag:s8], $0x0  }
0x24: {  	s3 =	sadd.s32 $0x88, s3;
	s6 =	simm.s32 @!p1 $0x1082;
	[sflag:s4] =	ssyncset.s32 $0xFFFFF086  }
0x25: {  	[simem:s6], [sflag:s4] =	dma.local [hbm:s3], $0xF7A  }
0x26: {  	[smem:$0x3F9A] =	sst s1;
	(tag) =	ssettag s2;
	_ =	strace s9  }
0x27: {  	s1 =	sld [smem:$0x3FAA]  }
0x28: {  	s2 =	sld [smem:$0x3FAB]  }
0x29: {  	s4 =	sld [smem:$0x3FAD]  }
0x2a: {  	p0 =	seq.s32 s5, $0x0;
	s5 =	sld [smem:$0x3FAE]  }
0x2b: {  	s6 =	sld [smem:$0x3FAF]  }
0x2c: {  	s7 =	sld [smem:$0x3FB0]  }
0x2d: {  	s3 =	simm.s32 $0x108;
	s8 =	sld [smem:$0x3FB1]  }
0x2e: {  	s3 =	simm.s32 @!p0 $0x1082;
	s9 =	sld [smem:$0x3FB2]  }
0x2f: {  	lr =	sadd.s32 s0, s3;
	s0 =	sld [smem:$0x3FA9]  }
0x30: {  	s3 =	sld [smem:$0x3FAC]  }
0x31: {  	[smem:$0x3FB5] =	sst s10  }
0x32: {  	s10 =	sld [smem:$0x3FB3];
	_ =	sdelay $0x3  }
0x33: {  	p0 =	seq.s32 s10, $0x1;
	s10 =	sld [smem:$0x3FB5];
	_ =	sdelay $0x3  }
0x34: {  	[smem:$0x3FB5] =	sst s10  }
0x35: {  	s10 =	sld [smem:$0x3FB4];
	_ =	sdelay $0x3  }
0x36: {  	p1 =	seq.s32 s10, $0x1;
	s10 =	sld [smem:$0x3FB5];
	_ =	sdelay $0x3  }
0x37: {  	[smem:$0x3FB5] =	sst s10  }
0x38: {  	s10 =	sld [smem:$0x3FB6]  }
0x39: {  	_ = 	snop;
	(pc) =	sbr.ind lr, $3  }
0x3a: {  	_ = 	snop  }
0x3b: {  	_ = 	snop  }
0x3c: {  	p2 =	seq.s32 s10, $0x1;
	s10 =	sld [smem:$0x3FB5]  }
0x3d: {  	_ =	shalt  }
0x3e: {  	_ =	shalt  }
0x3f: {  	_ =	shalt  }
0x40: {  	_ =	shalt  }
0x41: {  	_ =	shalt  }
0x42: {  	_ =	shalt  }
0x43: {  	_ =	shalt  }
0x44: {  	_ =	shalt  }
0x45: {  	_ =	shalt  }
0x46: {  	_ =	shalt  }
0x47: {  	_ =	shalt  }
0x48: {  	_ =	shalt  }
0x49: {  	_ =	shalt  }
0x4a: {  	_ =	shalt  }
0x4b: {  	_ =	shalt  }
0x4c: {  	_ =	shalt  }
0x4d: {  	_ =	shalt  }
0x4e: {  	_ =	shalt  }
0x4f: {  	_ =	shalt  }
0x50: {  	_ =	shalt  }
0x51: {  	_ =	shalt  }
0x52: {  	_ =	shalt  }
0x53: {  	_ =	shalt  }
0x54: {  	_ =	shalt  }
0x55: {  	_ =	shalt  }
0x56: {  	_ =	shalt  }
0x57: {  	_ =	shalt  }
0x58: {  	_ =	shalt  }
0x59: {  	_ =	shalt  }
0x5a: {  	_ =	shalt  }
0x5b: {  	_ =	shalt  }
0x5c: {  	_ =	shalt  }
0x5d: {  	_ =	shalt  }
0x5e: {  	_ =	shalt  }
0x5f: {  	_ =	shalt  }
0x60: {  	_ =	shalt  }
0x61: {  	_ =	shalt  }
0x62: {  	_ =	shalt  }
0x63: {  	_ =	shalt  }
0x64: {  	_ =	shalt  }
0x65: {  	_ =	shalt  }
0x66: {  	_ =	shalt  }
0x67: {  	_ =	shalt  }
0x68: {  	_ =	shalt  }
0x69: {  	_ =	shalt  }
0x6a: {  	_ =	shalt  }
0x6b: {  	_ =	shalt  }
0x6c: {  	_ =	shalt  }
0x6d: {  	_ =	shalt  }
0x6e: {  	_ =	shalt  }
0x6f: {  	_ =	shalt  }
0x70: {  	_ =	shalt  }
0x71: {  	_ =	shalt  }
0x72: {  	_ =	shalt  }
0x73: {  	_ =	shalt  }
0x74: {  	_ =	shalt  }
0x75: {  	_ =	shalt  }
0x76: {  	_ =	shalt  }
0x77: {  	_ =	shalt  }
0x78: {  	_ =	shalt  }
0x79: {  	_ =	shalt  }
0x7a: {  	_ =	shalt  }
0x7b: {  	_ =	shalt  }
0x7c: {  	_ =	shalt  }
0x7d: {  	_ =	shalt  }
0x7e: {  	_ =	shalt  }
0x7f: {  	_ =	shalt  }
0x80: {  	_ =	shalt  }
0x81: {  	_ =	shalt  }
0x82: {  	_ =	shalt  }
0x83: {  	_ =	shalt  }
0x84: {  	_ =	shalt  }
0x85: {  	_ =	shalt  }
0x86: {  	_ =	shalt  }
0x87: {  	_ =	shalt  }
.Lfunc_end0:
.L_simem_size_0:
called_computation.2_lowered:
.L_overlay_start_0:
0x88: {  	s2 =	sld [smem:$0x3FD9]  }
0x89: {  	s3 =	sld [smem:$0x3FFE];
	_ =	sdelay $0x1  }
0x8a: {  	s1 =	srdreg.scid  }
0x8b: {  	s0 =	sand.u32 $0x1, s1  }
0x8c: {  	s16 =	sshll.u32 s0, $0xA;
	s2 =	sadd.s32 s3, s2  }
0x8d: {  	s2 =	sadd.s32 s2, s16  }
0x8e: {  	[smem:$0x3FC1] =	sst s2  }
0x8f: {  	_ = 	snop  }
0x90: {  	(tm) =	ssettm $0x1  }
0x91: {  	s17 =	sld [smem:$0x3FFB];
	_ =	sdelay $0x3  }
0x92: {  	_ =	strace s17  }
0x93: {  	s2 =	sld [smem:$0x3FFC];
	_ =	sdelay $0x3  }
0x94: {  	_ =	strace s2  }
0x95: {  	s2 =	sld [smem:$0x3FFD];
	_ =	sdelay $0x3  }
0x96: {  	_ =	strace s2  }
0x97: {  	_ =	strace $0x8FFFFFFF  }
0x98: {  	s18 =	sld [smem:$0x3FDB];
	_ =	sdelay $0x1  }
0x99: {  	s19 =	simm.s32 $_scs_section_size  }
0x9a: {  	s4 =	simm.s32 $_size__tile_overlayer_lowered;
	s5 =	simm.s32 $_tile_overlayer_lowered  }
0x9b: {  	s22 =	simm.s32 $0x1BFF;
	s21 =	sshll.u32 s5, $0x1;
	s2 =	sadd.s32 s19, s18  }
0x9c: {  	s6 =	simm.s32 $0x0;
	s20 =	sshll.u32 s4, $0x1;
	s4 =	sadd.s32 s21, s2  }
0x9d: {  	[timem:s6], [sflag:s22] =	dma.local [hbm:s4], s20  }
0x9e: {  	_ =	swait.ge [sflag:s22], s20  }
0x9f: {  	s3 =	ssub.s32 $0x0, s20;
	[sflag:s22] =	ssyncset.done $0x0  }
0xa0: {  	[sflag:s22] =	ssyncadd.s32 s3;
	_ =	sdelay $0x1  }
0xa1: {  	s23 =	simm.s32 $0x1B8B  }
0xa2: {  	_ =	swait.ge [sflag:s23], $0x1  }
0xa3: {  	[sflag:s23] =	ssyncset.done $0x0  }
0xa4: {  	s25 =	simm.s32 $0x1B8E;
	s24 =	sld [smem:$0x3FFE];
	[sflag:s23] =	ssyncadd.s32 $0xFFFFFFFF  }
0xa5: {  	s26 =	simm.s32 $execute0_lowered;
	[smem:$0x3FD2] =	sst s25  }
0xa6: {  	s4 =	sshll.u32 s26, $0x1;
	_ =	strace $0x8000004C;
	[dreg:$0x1] =	wrdreg $0xFFFFFFFF  }
0xa7: {  	s28 =	simm.s32 $_size_execute0_lowered;
	s2 =	sadd.s32 s2, s4;
	[dreg:$0x0] =	wrdreg $0x0  }
0xa8: {  	s4 =	sshll.u32 s28, $0x1;
	[dreg:$0x2] =	wrdreg s2  }
0xa9: {  	[dreg:$0x3] =	wrdreg s4  }
0xaa: {  	[dreg:$0x4] =	wrdreg $0xC0  }
0xab: {  	_ =	task [dreg:s6], $0x5FFFF  }
0xac: {  	[dreg:$0x1] =	wrdreg $0xFFFFFFFF  }
0xad: {  	[dreg:$0x0] =	wrdreg $0x60  }
0xae: {  	[dreg:$0x2] =	wrdreg s24  }
0xaf: {  	[dreg:$0x3] =	wrdreg $0x75000  }
0xb0: {  	[dreg:$0x4] =	wrdreg $0x9  }
0xb1: {  	_ =	task.clear_ibuf [dreg:s6], $0x5FFFF;
	_ =	strace $0x9000004C  }
0xb2: {  	s29 =	simm.s32 $0x9;
	_ =	strace $0x8000004E  }
0xb3: {  	_ =	swait.ge [sflag:s29], $0x1  }
0xb4: {  	[sflag:s29] =	ssyncadd.s32 $0xFFFFFFFF  }
0xb5: {  	_ =	strace $0x9000004E  }
0xb6: {  	_ =	sfence  }
0xb7: {  	s30 =	sld [smem:$0x0];
	_ =	sdelay $0x2  }
0xb8: {  	s31 =	sshll.u32 s1, $0xD;
	s1 =	sshrl.u32 s1, $0x2  }
0xb9: {  	s3 =	sand.u32 $0x4000, s31;
	s1 =	sadd.s32 s1, s30  }
0xba: {  	s0 =	sor.u32 s3, s0;
	s1 =	sshll.u32 s1, $0x11  }
0xbb: {  	s0 =	sor.u32 s1, s0  }
0xbc: {  	s0 =	sadd.s32 $0x8F2B, s0  }
0xbd: {  	[sflag:s0] =	ssyncadd.remote.s32 $0x1  }
0xbe: {  	_ =	sfence.sel $0xFFFF  }
0xbf: {  	[dreg:$0x0] =	wrdreg $0xFFFFFFFF;
	(pc) =	sbr.abs _section_cstart, $3  }
0xc0: {  	[dreg:$0x1] =	wrdreg $0xFFFFFFFF  }
0xc1: {  	_ =	task.clear_ibuf [dreg:s6], $0x2FFFF;
	_ =	strace $0x9FFFFFFF  }
0xc2: {  	(tm) =	ssettm $0x7FFFFFFF  }
0xc3: {  	_ =	shalt  }
tec
execute0_lowered:
.L_overlay_start_1:
0x0: {  	(tag) =	ssettag $0x1  }
0x1: {  	s7 =	rddreg [dreg:$0x0]  }
0x2: {  	s1 =	rddreg [dreg:$0x1]  }
0x3: {  	s0 =	rddreg [dreg:$0x2];
	s2 =	simm.s32 $0x0  }
0x4: {  	s3 =	stileid.u32;
	s8 =	srdreg.scid;
	s21 =	simm.s32 $0x2  }
0x5: {  	s22 =	simm.s32 $0x3;
	s23 =	simm.s32 $0x100;
	s24 =	simm.s32 $0x1  }
0x6: {  	s25 =	simm.s32 $0x0;
	[smem:$0x7FF] =	sst s2;
	s9 =	smul.u32 $0x4E000, s3  }
0x7: {  	s4 =	sadd.s32 $0x10A00, s7;
	s5 =	sadd.s32 $0x5EC00, s7;
	s17 =	smul.u32 $0x13800, s3  }
0x8: {  	s6 =	sadd.s32 $0x6A00, s7;
	s13 =	sand.u32 $0x1, s8;
	s20 =	smul.u32 $0x500, s3  }
0x9: {  	s15 =	sadd.s32 $0x8FE00, s7;
	p0 =	sne.s32 s3, $0x0;
	s14 =	smul.u32 $0x138800, s13  }
0xa: {  	_ =	strace $0x8000004D;
	s8 =	ssub.s32 $0x2, s13;
	s18 =	smul.u32 $0x5000, s13  }
0xb: {  	s13 =	sadd.s32 $0x138000, s1;
	s30 =	sshrl.u32 s9, $0x2;
	s31 =	sshrl.u32 s8, $0x1  }
0xc: {  	s7 =	sadd.s32 s30, s1;
	s16 =	ssub.s32 s8, s31;
	s17 =	sadd.s32 s17, s14  }
0xd: {  	s19 =	sshrl.u32 s14, $0x3;
	s8 =	sadd.s32 $0x3400, s7;
	s9 =	sadd.s32 $0x6800, s7  }
0xe: {  	s10 =	sadd.s32 $0x9C00, s7;
	s11 =	sadd.s32 $0xD000, s7;
	s17 =	sshrl.u32 s17, $0x3  }
0xf: {  	s12 =	sadd.s32 $0x10400, s7;
	s16 =	smax.u32 s16, $0x1;
	s14 =	sadd.s32 s15, s17  }
0x10: {  	s15 =	sadd.s32 s15, s19;
	s17 =	sadd.s32 s20, s18;
	s18 =	simm.s32 $0x4100  }
0x11: {  	v0 =	vimm.f32 $0.0e+00;
	s19 =	simm.s32 $0x4;
	s20 =	simm.s32 $0x80;
	s15 =	sadd.s32 $0x27000, s15  }
.LBB2_1:
0x12: {  	s26 =	simm.s32 $0x70;
	s28 =	simm.s32 $0x3C0  }
.LBB2_2:
0x13: {  	p1 =	sne.s32 s28, $0xCFC0;
	[tilespmem:s26+$0x4100] =	vst v0  }
0x14: {  	[tilespmem:s26+$0x4090] =	vst v0  }
0x15: {  	[tilespmem:s26+$0x40A0] =	vst v0  }
.Ltmp0:
0x16: {  	[tilespmem:s26+$0x40B0] =	vst v0;
	(pc) =	sbr.rel @p1 .LBB2_2-.Ltmp0, $4  }
0x17: {  	[tilespmem:s26+$0x40C0] =	vst v0  }
0x18: {  	[tilespmem:s26+$0x40D0] =	vst v0  }
0x19: {  	[tilespmem:s26+$0x40E0] =	vst v0  }
0x1a: {  	[tilespmem:s26+$0x40F0] =	vst v0;
	s26 =	sshra.s32 s28, $0x2;
	s28 =	sadd.s32 $0x200, s28  }
0x1b: {  	[tilespmem:s26+$0x4100] =	vst v0  }
0x1c: {  	[tilespmem:s26+$0x4090] =	vst v0  }
0x1d: {  	[tilespmem:s26+$0x40A0] =	vst v0  }
0x1e: {  	[tilespmem:s26+$0x40B0] =	vst v0  }
0x1f: {  	[tilespmem:s26+$0x40C0] =	vst v0  }
0x20: {  	[tilespmem:s26+$0x40D0] =	vst v0  }
0x21: {  	[tilespmem:s26+$0x40E0] =	vst v0  }
0x22: {  	[tilespmem:s26+$0x40F0] =	vst v0  }
0x23: {  	[spmem:s7] =	stream.linear.scatter [tilespmem:s18], [sflag:$0x4], $0x3400, $0x38;
	[tilespmem:$0x1AE00] =	vst v63  }
0x24: {  	_ =	swait.ge [sflag:s19], $0x3400  }
0x25: {  	[sflag:s19] =	ssyncset.done $0x0  }
0x26: {  	[sflag:s19] =	ssyncadd.s32 $0xFFFFCC00  }
0x27: {  	[spmem:s8] =	stream.linear.scatter [tilespmem:s18], [sflag:$0x4], $0x3400, $0x38;
	[tilespmem:$0x1AE00] =	vst v63  }
0x28: {  	_ =	swait.ge [sflag:s19], $0x3400  }
0x29: {  	[sflag:s19] =	ssyncset.done $0x0  }
0x2a: {  	[sflag:s19] =	ssyncadd.s32 $0xFFFFCC00  }
0x2b: {  	[spmem:s9] =	stream.linear.scatter [tilespmem:s18], [sflag:$0x4], $0x3400, $0x38;
	[tilespmem:$0x1AE00] =	vst v63  }
0x2c: {  	_ =	swait.ge [sflag:s19], $0x3400  }
0x2d: {  	[sflag:s19] =	ssyncset.done $0x0  }
0x2e: {  	[sflag:s19] =	ssyncadd.s32 $0xFFFFCC00  }
0x2f: {  	[spmem:s10] =	stream.linear.scatter [tilespmem:s18], [sflag:$0x4], $0x3400, $0x38;
	[tilespmem:$0x1AE00] =	vst v63  }
0x30: {  	_ =	swait.ge [sflag:s19], $0x3400  }
0x31: {  	[sflag:s19] =	ssyncset.done $0x0  }
0x32: {  	[sflag:s19] =	ssyncadd.s32 $0xFFFFCC00  }
0x33: {  	[spmem:s11] =	stream.linear.scatter [tilespmem:s18], [sflag:$0x4], $0x3400, $0x38;
	[tilespmem:$0x1AE00] =	vst v63  }
0x34: {  	_ =	swait.ge [sflag:s19], $0x3400  }
0x35: {  	[sflag:s19] =	ssyncset.done $0x0  }
0x36: {  	[sflag:s19] =	ssyncadd.s32 $0xFFFFCC00  }
0x37: {  	[spmem:s12] =	stream.linear.scatter [tilespmem:s18], [sflag:$0x4], $0x3400, $0x38;
	[tilespmem:$0x1AE00] =	vst v63  }
0x38: {  	_ =	swait.ge [sflag:s19], $0x3400  }
0x39: {  	[sflag:s19] =	ssyncset.done $0x0  }
0x3a: {  	s26 =	simm.s32 @!p0 $0x4100;
	[sflag:s19] =	ssyncadd.s32 $0xFFFFCC00  }
0x3b: {  	[spmem:s13] =	stream.linear.scatter @!p0 [tilespmem:s26], [sflag:$0x4], $0x1000, $0x38;
	[tilespmem:$0x1AE00] =	vst v63  }
0x3c: {  	s26 =	simm.s32 @!p0 $0x4  }
0x3d: {  	s28 =	simm.s32 $0x0;
	s29 =	sadd.s32 $0x0, s17;
	_ =	swait.ge @!p0 [sflag:s26], $0x1000  }
0x3e: {  	s29 =	sand.u32 $0xFFFFF80, s29;
	s28 =	sand.u32 $0x70, s28;
	[sflag:s26] =	ssyncset.done @!p0 $0x0  }
0x3f: {  	s29 =	sor.u32 s28, s29;
	[sflag:s26] =	ssyncadd.s32 @!p0 $0xFFFFF000  }
0x40: {  	s28 =	sadd.s32 s5, s29;
	[bflag:$0x0] =	sbarrier.arrive $0xFFFF  }
0x41: {  	[tilespmem:s2], [sflag:$0x2] =	stream.linear.gather [hbm4b:s28+s2], $0x80, $0x38;
	[tilespmem:$0x1AE00] =	vst v63  }
0x42: {  	s26 =	sadd.s32 s6, s29  }
0x43: {  	[tilespmem:s20], [sflag:$0x3] =	stream.linear.gather [hbm4b:s26+s2], $0x80, $0x38;
	[tilespmem:$0x1AE00] =	vst v63  }
0x44: {  	_ =	swait.ge [sflag:s21], $0x80  }
0x45: {  	[sflag:s21] =	ssyncset.done $0x0  }
0x46: {  	[sflag:s21] =	ssyncadd.s32 $0xFFFFFF80  }
0x47: {  	_ =	swait.ge [sflag:s22], $0x80  }
0x48: {  	[sflag:s22] =	ssyncset.done $0x0  }
0x49: {  	[sflag:s22] =	ssyncadd.s32 $0xFFFFFF80  }
0x4a: {  	[tilespmem:s23], [sflag:$0x1] =	stream.indirect.gather [hbm4b:s4+s20], $0x80, s2, s20, $0xb8;
	[tilespmem:$0x1AE00] =	vst v63  }
0x4b: {  	_ =	swait.ge [sflag:s24], $0x4000  }
0x4c: {  	[sflag:s24] =	ssyncset.done $0x0  }
0x4d: {  	s30 =	simm.s32 $0x10;
	s28 =	sadd.s32 $0x10, s17;
	[sflag:s24] =	ssyncadd.s32 $0xFFFFC000  }
0x4e: {  	[spmem:s1] =	stream.indirect.scatter.add.f32 [tilespmem:s23], [sflag:$0x4], $0x80, s20, s20, $0xb8;
	[tilespmem:$0x1AE00] =	vst v63  }
0x4f: {  	s31 =	sand.u32 $0xFFFFF80, s28;
	s26 =	sand.u32 $0x70, s30;
	_ =	swait.ge [sflag:s19], $0x4000  }
0x50: {  	s28 =	simm.s32 $0x20;
	s26 =	sor.u32 s26, s31;
	[sflag:s19] =	ssyncset.done $0x0  }
.LBB2_4:
0x51: {  	s29 =	sadd.s32 s5, s26  }
0x52: {  	[sflag:s19] =	ssyncadd.s32 $0xFFFFC000;
	s30 =	smov.u32 s28;
	s31 =	sadd.s32 $0x10, s28  }
0x53: {  	[tilespmem:s2], [sflag:$0x2] =	stream.linear.gather [hbm4b:s29+s2], $0x80, $0x38;
	[tilespmem:$0x1AE00] =	vst v63  }
0x54: {  	p1 =	sne.s32 s28, $0x4F0;
	s26 =	sadd.s32 s6, s26  }
0x55: {  	[tilespmem:s20], [sflag:$0x3] =	stream.linear.gather [hbm4b:s26+s2], $0x80, $0x38;
	[tilespmem:$0x1AE00] =	vst v63  }
0x56: {  	_ =	swait.ge [sflag:s21], $0x80  }
0x57: {  	[sflag:s21] =	ssyncset.done $0x0  }
0x58: {  	[sflag:s21] =	ssyncadd.s32 $0xFFFFFF80  }
0x59: {  	_ =	swait.ge [sflag:s22], $0x80  }
0x5a: {  	[sflag:s22] =	ssyncset.done $0x0  }
0x5b: {  	[sflag:s22] =	ssyncadd.s32 $0xFFFFFF80  }
0x5c: {  	[tilespmem:s23], [sflag:$0x1] =	stream.indirect.gather [hbm4b:s4+s20], $0x80, s2, s20, $0xb8;
	[tilespmem:$0x1AE00] =	vst v63  }
0x5d: {  	_ =	swait.ge [sflag:s24], $0x4000  }
.Ltmp1:
0x5e: {  	[sflag:s24] =	ssyncset.done $0x0;
	(pc) =	sbr.rel @p1 .LBB2_4-.Ltmp1, $4  }
0x5f: {  	s26 =	sadd.s32 s30, s17;
	[sflag:s24] =	ssyncadd.s32 $0xFFFFC000  }
0x60: {  	[spmem:s1] =	stream.indirect.scatter.add.f32 [tilespmem:s23], [sflag:$0x4], $0x80, s20, s20, $0xb8;
	[tilespmem:$0x1AE00] =	vst v63  }
0x61: {  	s28 =	sand.u32 $0x70, s30;
	s26 =	sand.u32 $0xFFFFF80, s26;
	_ =	swait.ge [sflag:s19], $0x4000  }
0x62: {  	s26 =	sor.u32 s28, s26;
	s28 =	smov.u32 s31;
	[sflag:s19] =	ssyncset.done $0x0  }
0x63: {  	s28 =	sadd.s32 s5, s26;
	[sflag:s19] =	ssyncadd.s32 $0xFFFFC000  }
0x64: {  	[tilespmem:s2], [sflag:$0x2] =	stream.linear.gather [hbm4b:s28+s2], $0x80, $0x38;
	[tilespmem:$0x1AE00] =	vst v63  }
0x65: {  	s29 =	sadd.s32 s6, s26  }
0x66: {  	[tilespmem:s20], [sflag:$0x3] =	stream.linear.gather [hbm4b:s29+s2], $0x80, $0x38;
	[tilespmem:$0x1AE00] =	vst v63  }
0x67: {  	_ =	swait.ge [sflag:s21], $0x80  }
0x68: {  	[sflag:s21] =	ssyncset.done $0x0  }
0x69: {  	[sflag:s21] =	ssyncadd.s32 $0xFFFFFF80  }
0x6a: {  	_ =	swait.ge [sflag:s22], $0x80  }
0x6b: {  	[sflag:s22] =	ssyncset.done $0x0  }
0x6c: {  	[sflag:s22] =	ssyncadd.s32 $0xFFFFFF80  }
0x6d: {  	[tilespmem:s23], [sflag:$0x1] =	stream.indirect.gather [hbm4b:s4+s20], $0x80, s2, s20, $0xb8;
	[tilespmem:$0x1AE00] =	vst v63  }
0x6e: {  	_ =	swait.ge [sflag:s24], $0x4000  }
0x6f: {  	[sflag:s24] =	ssyncset.done $0x0  }
0x70: {  	[sflag:s24] =	ssyncadd.s32 $0xFFFFC000  }
0x71: {  	[spmem:s1] =	stream.indirect.scatter.add.f32 [tilespmem:s23], [sflag:$0x4], $0x80, s20, s20, $0xb8;
	[tilespmem:$0x1AE00] =	vst v63  }
0x72: {  	_ =	swait.ge [sflag:s19], $0x4000  }
0x73: {  	[sflag:s19] =	ssyncset.done $0x0  }
0x74: {  	s30 =	sshll.u32 s3, $0x6;
	[sflag:s19] =	ssyncadd.s32 $0xFFFFC000  }
0x75: {  	s31 =	sshrl.u32 s7, $0x3;
	s26 =	sor.u32 $0x1C04, s30;
	[bflag:$0x0] =	sbarrier.arrive $0xFFFF  }
0x76: {  	[hbm:s14], [sflag:s26] =	dma.local [spmem:s31], $0x2700  }
0x77: {  	_ =	swait.ge [sflag:s19], $0x2700  }
0x78: {  	s25 =	sadd.s32 $0x1, s25;
	[sflag:s19] =	ssyncset.done $0x0  }
0x79: {  	s28 =	sshrl.u32 @!p0 s13, $0x3;
	p1 =	sne.s32 s25, s16;
	[sflag:s19] =	ssyncadd.s32 $0xFFFFD900  }
0x7a: {  	[hbm:s15], [sflag:s26] =	dma.local @!p0 [spmem:s28], $0x100  }
.Ltmp2:
0x7b: {  	_ = 	snop;
	(pc) =	sbr.rel @p1 .LBB2_1-.Ltmp2, $4  }
0x7c: {  	s26 =	simm.s32 @!p0 $0x4  }
0x7d: {  	_ =	swait.ge @!p0 [sflag:s26], $0x100  }
0x7e: {  	[sflag:s26] =	ssyncset.done @!p0 $0x0  }
0x7f: {  	[sflag:s26] =	ssyncadd.s32 @!p0 $0xFFFFFF00  }
0x80: {  	_ =	sfence.sel $0x180000  }
0x81: {  	[bflag:$0x0] =	sbarrier.arrive $0xFFFF  }
0x82: {  	_ =	strace $0x9000004D  }
0x83: {  	s0 =	sadd.s32 @!p0 $0x100000, s0;
	[bflag:$0x2] =	sbarrier.arrive $0xFFFF  }
0x84: {  	[sflag:s0] =	ssyncadd.tile.s32 @!p0 $0x1;
	_ =	shalt  }
.Lfunc_end2:
_tile_overlayer_lowered:
.L_overlay_start_2:
0x85: {  	(tag) =	ssettag $0x2  }
0x86: {  	s0 =	rddreg [dreg:$0x0];
	s2 =	stileid.u32  }
0x87: {  	s1 =	rddreg [dreg:$0x1];
	p0 =	sne.s32 s2, $0x0  }
0x88: {  	s3 =	rddreg [dreg:$0x2];
	[bflag:$0x3] =	sbarrier.arrive $0xFFFF;
	s2 =	simm.s32 @!p0 $0x1C04  }
0x89: {  	[timem:s3], [sflag:s2] =	dma.local @!p0 [hbm:s0], s1  }
0x8a: {  	s0 =	simm.s32 @!p0 $0x4  }
0x8b: {  	_ =	swait.ge @!p0 [sflag:s0], s1  }
0x8c: {  	s1 =	ssub.s32 @!p0 $0x0, s1;
	[sflag:s0] =	ssyncset.done @!p0 $0x0  }
0x8d: {  	[sflag:s0] =	ssyncadd.s32 @!p0 s1  }
0x8e: {  	[bflag:$0x3] =	sbarrier.arrive $0xFFFF  }
0x8f: {  	_ =	shalt  }

// kernel: kernel.23.cloned.1.call-start
scs
__scs_entry_jumppad:
0x0: {  	(pc) =	sbr.rel $0x88, $3  }
0x1: {  	(tag) =	ssettag $0x0;
	lr =	simm.s32 $0x1  }
0x2: {  	[smem:$0x3F9A] =	sst lr;
	_ =	strace $0xD0000000  }
0x3: {  	_ = 	snop  }
0x4: {  	_ = 	snop  }
0x5: {  	_ = 	snop  }
0x6: {  	_ = 	snop  }
0x7: {  	_ = 	snop  }
__scs_overlays_trampoline_lowered:
0x8: {  	[smem:$0x3FA9] =	sst s0  }
0x9: {  	[smem:$0x3FAA] =	sst s1  }
0xa: {  	[smem:$0x3FAB] =	sst s2  }
0xb: {  	[smem:$0x3FAC] =	sst s3  }
0xc: {  	[smem:$0x3FAD] =	sst s4  }
0xd: {  	[smem:$0x3FAE] =	sst s5  }
0xe: {  	[smem:$0x3FAF] =	sst s6  }
0xf: {  	[smem:$0x3FB0] =	sst s7  }
0x10: {  	[smem:$0x3FB1] =	sst s8  }
0x11: {  	[smem:$0x3FB2] =	sst s9;
	s0 =	simm.s32 @!p0 $0x0  }
0x12: {  	s1 =	sld [smem:$0x3F98];
	s0 =	simm.s32 @p0 $0x1  }
0x13: {  	[smem:$0x3FB3] =	sst s0;
	s0 =	simm.s32 @!p1 $0x0  }
0x14: {  	s2 =	sld [smem:$0x3F97];
	s0 =	simm.s32 @p1 $0x1  }
0x15: {  	[smem:$0x3FB4] =	sst s0;
	s0 =	simm.s32 @!p2 $0x0  }
0x16: {  	s3 =	sld [smem:$0x3FDB];
	s0 =	simm.s32 @p2 $0x1  }
0x17: {  	s4 =	simm.s32 $0x1BF5;
	[smem:$0x3FB6] =	sst s0  }
0x18: {  	s0 =	sld [smem:$0x3F99];
	_ =	swait.ge [sflag:s4], $0x0  }
0x19: {  	s7 =	sld [smem:$0x3F9A]  }
0x1a: {  	s8 =	sadd.s32 $0xFFFFE003, lr  }
0x1b: {  	s9 =	sadd.s32 $0xFFFFFEF7, lr;
	s5 =	simm.s32 $0xFFFFFFFF;
	p2 =	slt.u32 s8, $0xFFFFF086  }
0x1c: {  	p1 =	slt.u32 s9, $0xF7A;
	s5 =	simm.s32 @!p2 $0x0  }
0x1d: {  	s5 =	simm.s32 @p1 $0x1;
	p0 =	seq.s32 s7, s2  }
0x1e: {  	s7 =	smul.u32 @!p0 $0xF7A, s2;
	p2 =	seq.s32 @!p0 s5, $0x0  }
0x1f: {  	s9 =	smul.u32 $0xF7A, s1;
	s8 =	simm.s32 @!p0 $0x1BF5;
	p2 =	por !p2, p0  }
0x20: {  	[sflag:s8] =	ssyncset.s32 @!p0 $0xFFFFF086;
	s6 =	sadd.s32 @!p0 s3, s7;
	s7 =	simm.s32 @!p0 $0x108  }
0x21: {  	s3 =	sadd.s32 s3, s9;
	s6 =	sadd.s32 @!p0 $0x88, s6;
	s7 =	simm.s32 @p2 $0x1082  }
0x22: {  	[simem:s7], [sflag:s8] =	dma.local @!p0 [hbm:s6], $0xF7A  }
0x23: {  	s9 =	sor.u32 $0xD0000000, s2;
	s6 =	simm.s32 $0x108;
	_ =	swait.ge @!p0 [sflag:s8], $0x0  }
0x24: {  	s3 =	sadd.s32 $0x88, s3;
	s6 =	simm.s32 @!p1 $0x1082;
	[sflag:s4] =	ssyncset.s32 $0xFFFFF086  }
0x25: {  	[simem:s6], [sflag:s4] =	dma.local [hbm:s3], $0xF7A  }
0x26: {  	[smem:$0x3F9A] =	sst s1;
	(tag) =	ssettag s2;
	_ =	strace s9  }
0x27: {  	s1 =	sld [smem:$0x3FAA]  }
0x28: {  	s2 =	sld [smem:$0x3FAB]  }
0x29: {  	s4 =	sld [smem:$0x3FAD]  }
0x2a: {  	p0 =	seq.s32 s5, $0x0;
	s5 =	sld [smem:$0x3FAE]  }
0x2b: {  	s6 =	sld [smem:$0x3FAF]  }
0x2c: {  	s7 =	sld [smem:$0x3FB0]  }
0x2d: {  	s3 =	simm.s32 $0x108;
	s8 =	sld [smem:$0x3FB1]  }
0x2e: {  	s3 =	simm.s32 @!p0 $0x1082;
	s9 =	sld [smem:$0x3FB2]  }
0x2f: {  	lr =	sadd.s32 s0, s3;
	s0 =	sld [smem:$0x3FA9]  }
0x30: {  	s3 =	sld [smem:$0x3FAC]  }
0x31: {  	[smem:$0x3FB5] =	sst s10  }
0x32: {  	s10 =	sld [smem:$0x3FB3];
	_ =	sdelay $0x3  }
0x33: {  	p0 =	seq.s32 s10, $0x1;
	s10 =	sld [smem:$0x3FB5];
	_ =	sdelay $0x3  }
0x34: {  	[smem:$0x3FB5] =	sst s10  }
0x35: {  	s10 =	sld [smem:$0x3FB4];
	_ =	sdelay $0x3  }
0x36: {  	p1 =	seq.s32 s10, $0x1;
	s10 =	sld [smem:$0x3FB5];
	_ =	sdelay $0x3  }
0x37: {  	[smem:$0x3FB5] =	sst s10  }
0x38: {  	s10 =	sld [smem:$0x3FB6]  }
0x39: {  	_ = 	snop;
	(pc) =	sbr.ind lr, $3  }
0x3a: {  	_ = 	snop  }
0x3b: {  	_ = 	snop  }
0x3c: {  	p2 =	seq.s32 s10, $0x1;
	s10 =	sld [smem:$0x3FB5]  }
0x3d: {  	_ =	shalt  }
0x3e: {  	_ =	shalt  }
0x3f: {  	_ =	shalt  }
0x40: {  	_ =	shalt  }
0x41: {  	_ =	shalt  }
0x42: {  	_ =	shalt  }
0x43: {  	_ =	shalt  }
0x44: {  	_ =	shalt  }
0x45: {  	_ =	shalt  }
0x46: {  	_ =	shalt  }
0x47: {  	_ =	shalt  }
0x48: {  	_ =	shalt  }
0x49: {  	_ =	shalt  }
0x4a: {  	_ =	shalt  }
0x4b: {  	_ =	shalt  }
0x4c: {  	_ =	shalt  }
0x4d: {  	_ =	shalt  }
0x4e: {  	_ =	shalt  }
0x4f: {  	_ =	shalt  }
0x50: {  	_ =	shalt  }
0x51: {  	_ =	shalt  }
0x52: {  	_ =	shalt  }
0x53: {  	_ =	shalt  }
0x54: {  	_ =	shalt  }
0x55: {  	_ =	shalt  }
0x56: {  	_ =	shalt  }
0x57: {  	_ =	shalt  }
0x58: {  	_ =	shalt  }
0x59: {  	_ =	shalt  }
0x5a: {  	_ =	shalt  }
0x5b: {  	_ =	shalt  }
0x5c: {  	_ =	shalt  }
0x5d: {  	_ =	shalt  }
0x5e: {  	_ =	shalt  }
0x5f: {  	_ =	shalt  }
0x60: {  	_ =	shalt  }
0x61: {  	_ =	shalt  }
0x62: {  	_ =	shalt  }
0x63: {  	_ =	shalt  }
0x64: {  	_ =	shalt  }
0x65: {  	_ =	shalt  }
0x66: {  	_ =	shalt  }
0x67: {  	_ =	shalt  }
0x68: {  	_ =	shalt  }
0x69: {  	_ =	shalt  }
0x6a: {  	_ =	shalt  }
0x6b: {  	_ =	shalt  }
0x6c: {  	_ =	shalt  }
0x6d: {  	_ =	shalt  }
0x6e: {  	_ =	shalt  }
0x6f: {  	_ =	shalt  }
0x70: {  	_ =	shalt  }
0x71: {  	_ =	shalt  }
0x72: {  	_ =	shalt  }
0x73: {  	_ =	shalt  }
0x74: {  	_ =	shalt  }
0x75: {  	_ =	shalt  }
0x76: {  	_ =	shalt  }
0x77: {  	_ =	shalt  }
0x78: {  	_ =	shalt  }
0x79: {  	_ =	shalt  }
0x7a: {  	_ =	shalt  }
0x7b: {  	_ =	shalt  }
0x7c: {  	_ =	shalt  }
0x7d: {  	_ =	shalt  }
0x7e: {  	_ =	shalt  }
0x7f: {  	_ =	shalt  }
0x80: {  	_ =	shalt  }
0x81: {  	_ =	shalt  }
0x82: {  	_ =	shalt  }
0x83: {  	_ =	shalt  }
0x84: {  	_ =	shalt  }
0x85: {  	_ =	shalt  }
0x86: {  	_ =	shalt  }
0x87: {  	_ =	shalt  }
.Lfunc_end0:
.L_simem_size_0:
called_computation.3_lowered:
.L_overlay_start_0:
0x88: {  	s2 =	sld [smem:$0x3FD9]  }
0x89: {  	s3 =	sld [smem:$0x3FFE];
	_ =	sdelay $0x1  }
0x8a: {  	s1 =	srdreg.scid  }
0x8b: {  	s0 =	sand.u32 $0x1, s1  }
0x8c: {  	s16 =	sshll.u32 s0, $0xA;
	s2 =	sadd.s32 s3, s2  }
0x8d: {  	s2 =	sadd.s32 s2, s16  }
0x8e: {  	[smem:$0x3FC1] =	sst s2  }
0x8f: {  	_ = 	snop  }
0x90: {  	(tm) =	ssettm $0x1  }
0x91: {  	s17 =	sld [smem:$0x3FFB];
	_ =	sdelay $0x3  }
0x92: {  	_ =	strace s17  }
0x93: {  	s2 =	sld [smem:$0x3FFC];
	_ =	sdelay $0x3  }
0x94: {  	_ =	strace s2  }
0x95: {  	s2 =	sld [smem:$0x3FFD];
	_ =	sdelay $0x3  }
0x96: {  	_ =	strace s2  }
0x97: {  	_ =	strace $0x8FFFFFFF  }
0x98: {  	s18 =	sld [smem:$0x3FDB];
	_ =	sdelay $0x1  }
0x99: {  	s19 =	simm.s32 $_scs_section_size  }
0x9a: {  	s4 =	simm.s32 $_size__tile_overlayer_lowered;
	s5 =	simm.s32 $_tile_overlayer_lowered  }
0x9b: {  	s22 =	simm.s32 $0x1BFF;
	s21 =	sshll.u32 s5, $0x1;
	s2 =	sadd.s32 s19, s18  }
0x9c: {  	s6 =	simm.s32 $0x0;
	s20 =	sshll.u32 s4, $0x1;
	s4 =	sadd.s32 s21, s2  }
0x9d: {  	[timem:s6], [sflag:s22] =	dma.local [hbm:s4], s20  }
0x9e: {  	_ =	swait.ge [sflag:s22], s20  }
0x9f: {  	s3 =	ssub.s32 $0x0, s20;
	[sflag:s22] =	ssyncset.done $0x0  }
0xa0: {  	[sflag:s22] =	ssyncadd.s32 s3;
	_ =	sdelay $0x1  }
0xa1: {  	s23 =	simm.s32 $0x1B8B  }
0xa2: {  	_ =	swait.ge [sflag:s23], $0x1  }
0xa3: {  	[sflag:s23] =	ssyncset.done $0x0  }
0xa4: {  	s25 =	simm.s32 $0x1B8E;
	s24 =	sld [smem:$0x3FFE];
	[sflag:s23] =	ssyncadd.s32 $0xFFFFFFFF  }
0xa5: {  	s26 =	simm.s32 $execute0_lowered;
	[smem:$0x3FD2] =	sst s25  }
0xa6: {  	s4 =	sshll.u32 s26, $0x1;
	_ =	strace $0x8000004F;
	[dreg:$0x1] =	wrdreg $0xFFFFFFFF  }
0xa7: {  	s28 =	simm.s32 $_size_execute0_lowered;
	s2 =	sadd.s32 s2, s4;
	[dreg:$0x0] =	wrdreg $0x0  }
0xa8: {  	s4 =	sshll.u32 s28, $0x1;
	[dreg:$0x2] =	wrdreg s2  }
0xa9: {  	[dreg:$0x3] =	wrdreg s4  }
0xaa: {  	[dreg:$0x4] =	wrdreg $0xC0  }
0xab: {  	_ =	task [dreg:s6], $0x5FFFF  }
0xac: {  	[dreg:$0x1] =	wrdreg $0xFFFFFFFF  }
0xad: {  	[dreg:$0x0] =	wrdreg $0x60  }
0xae: {  	[dreg:$0x2] =	wrdreg s24  }
0xaf: {  	[dreg:$0x3] =	wrdreg $0x75000  }
0xb0: {  	[dreg:$0x4] =	wrdreg $0x9  }
0xb1: {  	_ =	task.clear_ibuf [dreg:s6], $0x5FFFF;
	_ =	strace $0x9000004F  }
0xb2: {  	s29 =	simm.s32 $0x9;
	_ =	strace $0x80000051  }
0xb3: {  	_ =	swait.ge [sflag:s29], $0x1  }
0xb4: {  	[sflag:s29] =	ssyncadd.s32 $0xFFFFFFFF  }
0xb5: {  	_ =	strace $0x90000051  }
0xb6: {  	_ =	sfence  }
0xb7: {  	s30 =	sld [smem:$0x0];
	_ =	sdelay $0x2  }
0xb8: {  	s31 =	sshll.u32 s1, $0xD;
	s1 =	sshrl.u32 s1, $0x2  }
0xb9: {  	s3 =	sand.u32 $0x4000, s31;
	s1 =	sadd.s32 s1, s30  }
0xba: {  	s0 =	sor.u32 s3, s0;
	s1 =	sshll.u32 s1, $0x11  }
0xbb: {  	s0 =	sor.u32 s1, s0  }
0xbc: {  	s0 =	sadd.s32 $0x8F2B, s0  }
0xbd: {  	[sflag:s0] =	ssyncadd.remote.s32 $0x1  }
0xbe: {  	_ =	sfence.sel $0xFFFF  }
0xbf: {  	[dreg:$0x0] =	wrdreg $0xFFFFFFFF;
	(pc) =	sbr.abs _section_cstart, $3  }
0xc0: {  	[dreg:$0x1] =	wrdreg $0xFFFFFFFF  }
0xc1: {  	_ =	task.clear_ibuf [dreg:s6], $0x2FFFF;
	_ =	strace $0x9FFFFFFF  }
0xc2: {  	(tm) =	ssettm $0x7FFFFFFF  }
0xc3: {  	_ =	shalt  }
tec
execute0_lowered:
.L_overlay_start_1:
0x0: {  	(tag) =	ssettag $0x1  }
0x1: {  	s7 =	rddreg [dreg:$0x0]  }
0x2: {  	s1 =	rddreg [dreg:$0x1]  }
0x3: {  	s0 =	rddreg [dreg:$0x2];
	s2 =	simm.s32 $0x0  }
0x4: {  	s3 =	stileid.u32;
	s8 =	srdreg.scid;
	s21 =	simm.s32 $0x2  }
0x5: {  	s22 =	simm.s32 $0x3;
	s23 =	simm.s32 $0x100;
	s24 =	simm.s32 $0x1  }
0x6: {  	s25 =	simm.s32 $0x0;
	[smem:$0x7FF] =	sst s2;
	s9 =	smul.u32 $0x4E000, s3  }
0x7: {  	s4 =	sadd.s32 $0x10A00, s7;
	s5 =	sadd.s32 $0x5EC00, s7;
	s17 =	smul.u32 $0x13800, s3  }
0x8: {  	s6 =	sadd.s32 $0x6A00, s7;
	s13 =	sand.u32 $0x1, s8;
	s20 =	smul.u32 $0x500, s3  }
0x9: {  	s15 =	sadd.s32 $0x8FE00, s7;
	p0 =	sne.s32 s3, $0x0;
	s14 =	smul.u32 $0x138800, s13  }
0xa: {  	_ =	strace $0x80000050;
	s8 =	ssub.s32 $0x2, s13;
	s18 =	smul.u32 $0x5000, s13  }
0xb: {  	s13 =	sadd.s32 $0x138000, s1;
	s30 =	sshrl.u32 s9, $0x2;
	s31 =	sshrl.u32 s8, $0x1  }
0xc: {  	s7 =	sadd.s32 s30, s1;
	s16 =	ssub.s32 s8, s31;
	s17 =	sadd.s32 s17, s14  }
0xd: {  	s19 =	sshrl.u32 s14, $0x3;
	s8 =	sadd.s32 $0x3400, s7;
	s9 =	sadd.s32 $0x6800, s7  }
0xe: {  	s10 =	sadd.s32 $0x9C00, s7;
	s11 =	sadd.s32 $0xD000, s7;
	s17 =	sshrl.u32 s17, $0x3  }
0xf: {  	s12 =	sadd.s32 $0x10400, s7;
	s16 =	smax.u32 s16, $0x1;
	s14 =	sadd.s32 s15, s17  }
0x10: {  	s15 =	sadd.s32 s15, s19;
	s17 =	sadd.s32 s20, s18;
	s18 =	simm.s32 $0x4100  }
0x11: {  	v0 =	vimm.f32 $0.0e+00;
	s19 =	simm.s32 $0x4;
	s20 =	simm.s32 $0x80;
	s15 =	sadd.s32 $0x27000, s15  }
.LBB2_1:
0x12: {  	s26 =	simm.s32 $0x70;
	s28 =	simm.s32 $0x3C0  }
.LBB2_2:
0x13: {  	p1 =	sne.s32 s28, $0xCFC0;
	[tilespmem:s26+$0x4100] =	vst v0  }
0x14: {  	[tilespmem:s26+$0x4090] =	vst v0  }
0x15: {  	[tilespmem:s26+$0x40A0] =	vst v0  }
.Ltmp0:
0x16: {  	[tilespmem:s26+$0x40B0] =	vst v0;
	(pc) =	sbr.rel @p1 .LBB2_2-.Ltmp0, $4  }
0x17: {  	[tilespmem:s26+$0x40C0] =	vst v0  }
0x18: {  	[tilespmem:s26+$0x40D0] =	vst v0  }
0x19: {  	[tilespmem:s26+$0x40E0] =	vst v0  }
0x1a: {  	[tilespmem:s26+$0x40F0] =	vst v0;
	s26 =	sshra.s32 s28, $0x2;
	s28 =	sadd.s32 $0x200, s28  }
0x1b: {  	[tilespmem:s26+$0x4100] =	vst v0  }
0x1c: {  	[tilespmem:s26+$0x4090] =	vst v0  }
0x1d: {  	[tilespmem:s26+$0x40A0] =	vst v0  }
0x1e: {  	[tilespmem:s26+$0x40B0] =	vst v0  }
0x1f: {  	[tilespmem:s26+$0x40C0] =	vst v0  }
0x20: {  	[tilespmem:s26+$0x40D0] =	vst v0  }
0x21: {  	[tilespmem:s26+$0x40E0] =	vst v0  }
0x22: {  	[tilespmem:s26+$0x40F0] =	vst v0  }
0x23: {  	[spmem:s7] =	stream.linear.scatter [tilespmem:s18], [sflag:$0x4], $0x3400, $0x38;
	[tilespmem:$0x1AE00] =	vst v63  }
0x24: {  	_ =	swait.ge [sflag:s19], $0x3400  }
0x25: {  	[sflag:s19] =	ssyncset.done $0x0  }
0x26: {  	[sflag:s19] =	ssyncadd.s32 $0xFFFFCC00  }
0x27: {  	[spmem:s8] =	stream.linear.scatter [tilespmem:s18], [sflag:$0x4], $0x3400, $0x38;
	[tilespmem:$0x1AE00] =	vst v63  }
0x28: {  	_ =	swait.ge [sflag:s19], $0x3400  }
0x29: {  	[sflag:s19] =	ssyncset.done $0x0  }
0x2a: {  	[sflag:s19] =	ssyncadd.s32 $0xFFFFCC00  }
0x2b: {  	[spmem:s9] =	stream.linear.scatter [tilespmem:s18], [sflag:$0x4], $0x3400, $0x38;
	[tilespmem:$0x1AE00] =	vst v63  }
0x2c: {  	_ =	swait.ge [sflag:s19], $0x3400  }
0x2d: {  	[sflag:s19] =	ssyncset.done $0x0  }
0x2e: {  	[sflag:s19] =	ssyncadd.s32 $0xFFFFCC00  }
0x2f: {  	[spmem:s10] =	stream.linear.scatter [tilespmem:s18], [sflag:$0x4], $0x3400, $0x38;
	[tilespmem:$0x1AE00] =	vst v63  }
0x30: {  	_ =	swait.ge [sflag:s19], $0x3400  }
0x31: {  	[sflag:s19] =	ssyncset.done $0x0  }
0x32: {  	[sflag:s19] =	ssyncadd.s32 $0xFFFFCC00  }
0x33: {  	[spmem:s11] =	stream.linear.scatter [tilespmem:s18], [sflag:$0x4], $0x3400, $0x38;
	[tilespmem:$0x1AE00] =	vst v63  }
0x34: {  	_ =	swait.ge [sflag:s19], $0x3400  }
0x35: {  	[sflag:s19] =	ssyncset.done $0x0  }
0x36: {  	[sflag:s19] =	ssyncadd.s32 $0xFFFFCC00  }
0x37: {  	[spmem:s12] =	stream.linear.scatter [tilespmem:s18], [sflag:$0x4], $0x3400, $0x38;
	[tilespmem:$0x1AE00] =	vst v63  }
0x38: {  	_ =	swait.ge [sflag:s19], $0x3400  }
0x39: {  	[sflag:s19] =	ssyncset.done $0x0  }
0x3a: {  	s26 =	simm.s32 @!p0 $0x4100;
	[sflag:s19] =	ssyncadd.s32 $0xFFFFCC00  }
0x3b: {  	[spmem:s13] =	stream.linear.scatter @!p0 [tilespmem:s26], [sflag:$0x4], $0x1000, $0x38;
	[tilespmem:$0x1AE00] =	vst v63  }
0x3c: {  	s26 =	simm.s32 @!p0 $0x4  }
0x3d: {  	s28 =	simm.s32 $0x0;
	s29 =	sadd.s32 $0x0, s17;
	_ =	swait.ge @!p0 [sflag:s26], $0x1000  }
0x3e: {  	s29 =	sand.u32 $0xFFFFF80, s29;
	s28 =	sand.u32 $0x70, s28;
	[sflag:s26] =	ssyncset.done @!p0 $0x0  }
0x3f: {  	s29 =	sor.u32 s28, s29;
	[sflag:s26] =	ssyncadd.s32 @!p0 $0xFFFFF000  }
0x40: {  	s28 =	sadd.s32 s5, s29;
	[bflag:$0x0] =	sbarrier.arrive $0xFFFF  }
0x41: {  	[tilespmem:s2], [sflag:$0x2] =	stream.linear.gather [hbm4b:s28+s2], $0x80, $0x38;
	[tilespmem:$0x1AE00] =	vst v63  }
0x42: {  	s26 =	sadd.s32 s6, s29  }
0x43: {  	[tilespmem:s20], [sflag:$0x3] =	stream.linear.gather [hbm4b:s26+s2], $0x80, $0x38;
	[tilespmem:$0x1AE00] =	vst v63  }
0x44: {  	_ =	swait.ge [sflag:s21], $0x80  }
0x45: {  	[sflag:s21] =	ssyncset.done $0x0  }
0x46: {  	[sflag:s21] =	ssyncadd.s32 $0xFFFFFF80  }
0x47: {  	_ =	swait.ge [sflag:s22], $0x80  }
0x48: {  	[sflag:s22] =	ssyncset.done $0x0  }
0x49: {  	[sflag:s22] =	ssyncadd.s32 $0xFFFFFF80  }
0x4a: {  	[tilespmem:s23], [sflag:$0x1] =	stream.indirect.gather [hbm4b:s4+s20], $0x80, s2, s20, $0xb8;
	[tilespmem:$0x1AE00] =	vst v63  }
0x4b: {  	_ =	swait.ge [sflag:s24], $0x4000  }
0x4c: {  	[sflag:s24] =	ssyncset.done $0x0  }
0x4d: {  	s30 =	simm.s32 $0x10;
	s28 =	sadd.s32 $0x10, s17;
	[sflag:s24] =	ssyncadd.s32 $0xFFFFC000  }
0x4e: {  	[spmem:s1] =	stream.indirect.scatter.add.f32 [tilespmem:s23], [sflag:$0x4], $0x80, s20, s20, $0xb8;
	[tilespmem:$0x1AE00] =	vst v63  }
0x4f: {  	s31 =	sand.u32 $0xFFFFF80, s28;
	s26 =	sand.u32 $0x70, s30;
	_ =	swait.ge [sflag:s19], $0x4000  }
0x50: {  	s28 =	simm.s32 $0x20;
	s26 =	sor.u32 s26, s31;
	[sflag:s19] =	ssyncset.done $0x0  }
.LBB2_4:
0x51: {  	s29 =	sadd.s32 s5, s26  }
0x52: {  	[sflag:s19] =	ssyncadd.s32 $0xFFFFC000;
	s30 =	smov.u32 s28;
	s31 =	sadd.s32 $0x10, s28  }
0x53: {  	[tilespmem:s2], [sflag:$0x2] =	stream.linear.gather [hbm4b:s29+s2], $0x80, $0x38;
	[tilespmem:$0x1AE00] =	vst v63  }
0x54: {  	p1 =	sne.s32 s28, $0x4F0;
	s26 =	sadd.s32 s6, s26  }
0x55: {  	[tilespmem:s20], [sflag:$0x3] =	stream.linear.gather [hbm4b:s26+s2], $0x80, $0x38;
	[tilespmem:$0x1AE00] =	vst v63  }
0x56: {  	_ =	swait.ge [sflag:s21], $0x80  }
0x57: {  	[sflag:s21] =	ssyncset.done $0x0  }
0x58: {  	[sflag:s21] =	ssyncadd.s32 $0xFFFFFF80  }
0x59: {  	_ =	swait.ge [sflag:s22], $0x80  }
0x5a: {  	[sflag:s22] =	ssyncset.done $0x0  }
0x5b: {  	[sflag:s22] =	ssyncadd.s32 $0xFFFFFF80  }
0x5c: {  	[tilespmem:s23], [sflag:$0x1] =	stream.indirect.gather [hbm4b:s4+s20], $0x80, s2, s20, $0xb8;
	[tilespmem:$0x1AE00] =	vst v63  }
0x5d: {  	_ =	swait.ge [sflag:s24], $0x4000  }
.Ltmp1:
0x5e: {  	[sflag:s24] =	ssyncset.done $0x0;
	(pc) =	sbr.rel @p1 .LBB2_4-.Ltmp1, $4  }
0x5f: {  	s26 =	sadd.s32 s30, s17;
	[sflag:s24] =	ssyncadd.s32 $0xFFFFC000  }
0x60: {  	[spmem:s1] =	stream.indirect.scatter.add.f32 [tilespmem:s23], [sflag:$0x4], $0x80, s20, s20, $0xb8;
	[tilespmem:$0x1AE00] =	vst v63  }
0x61: {  	s28 =	sand.u32 $0x70, s30;
	s26 =	sand.u32 $0xFFFFF80, s26;
	_ =	swait.ge [sflag:s19], $0x4000  }
0x62: {  	s26 =	sor.u32 s28, s26;
	s28 =	smov.u32 s31;
	[sflag:s19] =	ssyncset.done $0x0  }
0x63: {  	s28 =	sadd.s32 s5, s26;
	[sflag:s19] =	ssyncadd.s32 $0xFFFFC000  }
0x64: {  	[tilespmem:s2], [sflag:$0x2] =	stream.linear.gather [hbm4b:s28+s2], $0x80, $0x38;
	[tilespmem:$0x1AE00] =	vst v63  }
0x65: {  	s29 =	sadd.s32 s6, s26  }
0x66: {  	[tilespmem:s20], [sflag:$0x3] =	stream.linear.gather [hbm4b:s29+s2], $0x80, $0x38;
	[tilespmem:$0x1AE00] =	vst v63  }
0x67: {  	_ =	swait.ge [sflag:s21], $0x80  }
0x68: {  	[sflag:s21] =	ssyncset.done $0x0  }
0x69: {  	[sflag:s21] =	ssyncadd.s32 $0xFFFFFF80  }
0x6a: {  	_ =	swait.ge [sflag:s22], $0x80  }
0x6b: {  	[sflag:s22] =	ssyncset.done $0x0  }
0x6c: {  	[sflag:s22] =	ssyncadd.s32 $0xFFFFFF80  }
0x6d: {  	[tilespmem:s23], [sflag:$0x1] =	stream.indirect.gather [hbm4b:s4+s20], $0x80, s2, s20, $0xb8;
	[tilespmem:$0x1AE00] =	vst v63  }
0x6e: {  	_ =	swait.ge [sflag:s24], $0x4000  }
0x6f: {  	[sflag:s24] =	ssyncset.done $0x0  }
0x70: {  	[sflag:s24] =	ssyncadd.s32 $0xFFFFC000  }
0x71: {  	[spmem:s1] =	stream.indirect.scatter.add.f32 [tilespmem:s23], [sflag:$0x4], $0x80, s20, s20, $0xb8;
	[tilespmem:$0x1AE00] =	vst v63  }
0x72: {  	_ =	swait.ge [sflag:s19], $0x4000  }
0x73: {  	[sflag:s19] =	ssyncset.done $0x0  }
0x74: {  	s30 =	sshll.u32 s3, $0x6;
	[sflag:s19] =	ssyncadd.s32 $0xFFFFC000  }
0x75: {  	s31 =	sshrl.u32 s7, $0x3;
	s26 =	sor.u32 $0x1C04, s30;
	[bflag:$0x0] =	sbarrier.arrive $0xFFFF  }
0x76: {  	[hbm:s14], [sflag:s26] =	dma.local [spmem:s31], $0x2700  }
0x77: {  	_ =	swait.ge [sflag:s19], $0x2700  }
0x78: {  	s25 =	sadd.s32 $0x1, s25;
	[sflag:s19] =	ssyncset.done $0x0  }
0x79: {  	s28 =	sshrl.u32 @!p0 s13, $0x3;
	p1 =	sne.s32 s25, s16;
	[sflag:s19] =	ssyncadd.s32 $0xFFFFD900  }
0x7a: {  	[hbm:s15], [sflag:s26] =	dma.local @!p0 [spmem:s28], $0x100  }
.Ltmp2:
0x7b: {  	_ = 	snop;
	(pc) =	sbr.rel @p1 .LBB2_1-.Ltmp2, $4  }
0x7c: {  	s26 =	simm.s32 @!p0 $0x4  }
0x7d: {  	_ =	swait.ge @!p0 [sflag:s26], $0x100  }
0x7e: {  	[sflag:s26] =	ssyncset.done @!p0 $0x0  }
0x7f: {  	[sflag:s26] =	ssyncadd.s32 @!p0 $0xFFFFFF00  }
0x80: {  	_ =	sfence.sel $0x180000  }
0x81: {  	[bflag:$0x0] =	sbarrier.arrive $0xFFFF  }
0x82: {  	_ =	strace $0x90000050  }
0x83: {  	s0 =	sadd.s32 @!p0 $0x100000, s0;
	[bflag:$0x2] =	sbarrier.arrive $0xFFFF  }
0x84: {  	[sflag:s0] =	ssyncadd.tile.s32 @!p0 $0x1;
	_ =	shalt  }
.Lfunc_end2:
_tile_overlayer_lowered:
.L_overlay_start_2:
0x85: {  	(tag) =	ssettag $0x2  }
0x86: {  	s0 =	rddreg [dreg:$0x0];
	s2 =	stileid.u32  }
0x87: {  	s1 =	rddreg [dreg:$0x1];
	p0 =	sne.s32 s2, $0x0  }
0x88: {  	s3 =	rddreg [dreg:$0x2];
	[bflag:$0x3] =	sbarrier.arrive $0xFFFF;
	s2 =	simm.s32 @!p0 $0x1C04  }
0x89: {  	[timem:s3], [sflag:s2] =	dma.local @!p0 [hbm:s0], s1  }
0x8a: {  	s0 =	simm.s32 @!p0 $0x4  }
0x8b: {  	_ =	swait.ge @!p0 [sflag:s0], s1  }
0x8c: {  	s1 =	ssub.s32 @!p0 $0x0, s1;
	[sflag:s0] =	ssyncset.done @!p0 $0x0  }
0x8d: {  	[sflag:s0] =	ssyncadd.s32 @!p0 s1  }
0x8e: {  	[bflag:$0x3] =	sbarrier.arrive $0xFFFF  }
0x8f: {  	_ =	shalt  }

// kernel: kernel.26.cloned.1.call-start
scs
__scs_entry_jumppad:
0x0: {  	(pc) =	sbr.rel $0x88, $3  }
0x1: {  	(tag) =	ssettag $0x0;
	lr =	simm.s32 $0x1  }
0x2: {  	[smem:$0x3F9A] =	sst lr;
	_ =	strace $0xD0000000  }
0x3: {  	_ = 	snop  }
0x4: {  	_ = 	snop  }
0x5: {  	_ = 	snop  }
0x6: {  	_ = 	snop  }
0x7: {  	_ = 	snop  }
__scs_overlays_trampoline_lowered:
0x8: {  	[smem:$0x3FA9] =	sst s0  }
0x9: {  	[smem:$0x3FAA] =	sst s1  }
0xa: {  	[smem:$0x3FAB] =	sst s2  }
0xb: {  	[smem:$0x3FAC] =	sst s3  }
0xc: {  	[smem:$0x3FAD] =	sst s4  }
0xd: {  	[smem:$0x3FAE] =	sst s5  }
0xe: {  	[smem:$0x3FAF] =	sst s6  }
0xf: {  	[smem:$0x3FB0] =	sst s7  }
0x10: {  	[smem:$0x3FB1] =	sst s8  }
0x11: {  	[smem:$0x3FB2] =	sst s9;
	s0 =	simm.s32 @!p0 $0x0  }
0x12: {  	s1 =	sld [smem:$0x3F98];
	s0 =	simm.s32 @p0 $0x1  }
0x13: {  	[smem:$0x3FB3] =	sst s0;
	s0 =	simm.s32 @!p1 $0x0  }
0x14: {  	s2 =	sld [smem:$0x3F97];
	s0 =	simm.s32 @p1 $0x1  }
0x15: {  	[smem:$0x3FB4] =	sst s0;
	s0 =	simm.s32 @!p2 $0x0  }
0x16: {  	s3 =	sld [smem:$0x3FDB];
	s0 =	simm.s32 @p2 $0x1  }
0x17: {  	s4 =	simm.s32 $0x1BF5;
	[smem:$0x3FB6] =	sst s0  }
0x18: {  	s0 =	sld [smem:$0x3F99];
	_ =	swait.ge [sflag:s4], $0x0  }
0x19: {  	s7 =	sld [smem:$0x3F9A]  }
0x1a: {  	s8 =	sadd.s32 $0xFFFFE003, lr  }
0x1b: {  	s9 =	sadd.s32 $0xFFFFFEF7, lr;
	s5 =	simm.s32 $0xFFFFFFFF;
	p2 =	slt.u32 s8, $0xFFFFF086  }
0x1c: {  	p1 =	slt.u32 s9, $0xF7A;
	s5 =	simm.s32 @!p2 $0x0  }
0x1d: {  	s5 =	simm.s32 @p1 $0x1;
	p0 =	seq.s32 s7, s2  }
0x1e: {  	s7 =	smul.u32 @!p0 $0xF7A, s2;
	p2 =	seq.s32 @!p0 s5, $0x0  }
0x1f: {  	s9 =	smul.u32 $0xF7A, s1;
	s8 =	simm.s32 @!p0 $0x1BF5;
	p2 =	por !p2, p0  }
0x20: {  	[sflag:s8] =	ssyncset.s32 @!p0 $0xFFFFF086;
	s6 =	sadd.s32 @!p0 s3, s7;
	s7 =	simm.s32 @!p0 $0x108  }
0x21: {  	s3 =	sadd.s32 s3, s9;
	s6 =	sadd.s32 @!p0 $0x88, s6;
	s7 =	simm.s32 @p2 $0x1082  }
0x22: {  	[simem:s7], [sflag:s8] =	dma.local @!p0 [hbm:s6], $0xF7A  }
0x23: {  	s9 =	sor.u32 $0xD0000000, s2;
	s6 =	simm.s32 $0x108;
	_ =	swait.ge @!p0 [sflag:s8], $0x0  }
0x24: {  	s3 =	sadd.s32 $0x88, s3;
	s6 =	simm.s32 @!p1 $0x1082;
	[sflag:s4] =	ssyncset.s32 $0xFFFFF086  }
0x25: {  	[simem:s6], [sflag:s4] =	dma.local [hbm:s3], $0xF7A  }
0x26: {  	[smem:$0x3F9A] =	sst s1;
	(tag) =	ssettag s2;
	_ =	strace s9  }
0x27: {  	s1 =	sld [smem:$0x3FAA]  }
0x28: {  	s2 =	sld [smem:$0x3FAB]  }
0x29: {  	s4 =	sld [smem:$0x3FAD]  }
0x2a: {  	p0 =	seq.s32 s5, $0x0;
	s5 =	sld [smem:$0x3FAE]  }
0x2b: {  	s6 =	sld [smem:$0x3FAF]  }
0x2c: {  	s7 =	sld [smem:$0x3FB0]  }
0x2d: {  	s3 =	simm.s32 $0x108;
	s8 =	sld [smem:$0x3FB1]  }
0x2e: {  	s3 =	simm.s32 @!p0 $0x1082;
	s9 =	sld [smem:$0x3FB2]  }
0x2f: {  	lr =	sadd.s32 s0, s3;
	s0 =	sld [smem:$0x3FA9]  }
0x30: {  	s3 =	sld [smem:$0x3FAC]  }
0x31: {  	[smem:$0x3FB5] =	sst s10  }
0x32: {  	s10 =	sld [smem:$0x3FB3];
	_ =	sdelay $0x3  }
0x33: {  	p0 =	seq.s32 s10, $0x1;
	s10 =	sld [smem:$0x3FB5];
	_ =	sdelay $0x3  }
0x34: {  	[smem:$0x3FB5] =	sst s10  }
0x35: {  	s10 =	sld [smem:$0x3FB4];
	_ =	sdelay $0x3  }
0x36: {  	p1 =	seq.s32 s10, $0x1;
	s10 =	sld [smem:$0x3FB5];
	_ =	sdelay $0x3  }
0x37: {  	[smem:$0x3FB5] =	sst s10  }
0x38: {  	s10 =	sld [smem:$0x3FB6]  }
0x39: {  	_ = 	snop;
	(pc) =	sbr.ind lr, $3  }
0x3a: {  	_ = 	snop  }
0x3b: {  	_ = 	snop  }
0x3c: {  	p2 =	seq.s32 s10, $0x1;
	s10 =	sld [smem:$0x3FB5]  }
0x3d: {  	_ =	shalt  }
0x3e: {  	_ =	shalt  }
0x3f: {  	_ =	shalt  }
0x40: {  	_ =	shalt  }
0x41: {  	_ =	shalt  }
0x42: {  	_ =	shalt  }
0x43: {  	_ =	shalt  }
0x44: {  	_ =	shalt  }
0x45: {  	_ =	shalt  }
0x46: {  	_ =	shalt  }
0x47: {  	_ =	shalt  }
0x48: {  	_ =	shalt  }
0x49: {  	_ =	shalt  }
0x4a: {  	_ =	shalt  }
0x4b: {  	_ =	shalt  }
0x4c: {  	_ =	shalt  }
0x4d: {  	_ =	shalt  }
0x4e: {  	_ =	shalt  }
0x4f: {  	_ =	shalt  }
0x50: {  	_ =	shalt  }
0x51: {  	_ =	shalt  }
0x52: {  	_ =	shalt  }
0x53: {  	_ =	shalt  }
0x54: {  	_ =	shalt  }
0x55: {  	_ =	shalt  }
0x56: {  	_ =	shalt  }
0x57: {  	_ =	shalt  }
0x58: {  	_ =	shalt  }
0x59: {  	_ =	shalt  }
0x5a: {  	_ =	shalt  }
0x5b: {  	_ =	shalt  }
0x5c: {  	_ =	shalt  }
0x5d: {  	_ =	shalt  }
0x5e: {  	_ =	shalt  }
0x5f: {  	_ =	shalt  }
0x60: {  	_ =	shalt  }
0x61: {  	_ =	shalt  }
0x62: {  	_ =	shalt  }
0x63: {  	_ =	shalt  }
0x64: {  	_ =	shalt  }
0x65: {  	_ =	shalt  }
0x66: {  	_ =	shalt  }
0x67: {  	_ =	shalt  }
0x68: {  	_ =	shalt  }
0x69: {  	_ =	shalt  }
0x6a: {  	_ =	shalt  }
0x6b: {  	_ =	shalt  }
0x6c: {  	_ =	shalt  }
0x6d: {  	_ =	shalt  }
0x6e: {  	_ =	shalt  }
0x6f: {  	_ =	shalt  }
0x70: {  	_ =	shalt  }
0x71: {  	_ =	shalt  }
0x72: {  	_ =	shalt  }
0x73: {  	_ =	shalt  }
0x74: {  	_ =	shalt  }
0x75: {  	_ =	shalt  }
0x76: {  	_ =	shalt  }
0x77: {  	_ =	shalt  }
0x78: {  	_ =	shalt  }
0x79: {  	_ =	shalt  }
0x7a: {  	_ =	shalt  }
0x7b: {  	_ =	shalt  }
0x7c: {  	_ =	shalt  }
0x7d: {  	_ =	shalt  }
0x7e: {  	_ =	shalt  }
0x7f: {  	_ =	shalt  }
0x80: {  	_ =	shalt  }
0x81: {  	_ =	shalt  }
0x82: {  	_ =	shalt  }
0x83: {  	_ =	shalt  }
0x84: {  	_ =	shalt  }
0x85: {  	_ =	shalt  }
0x86: {  	_ =	shalt  }
0x87: {  	_ =	shalt  }
.Lfunc_end0:
.L_simem_size_0:
called_computation.4_lowered:
.L_overlay_start_0:
0x88: {  	s2 =	sld [smem:$0x3FD9]  }
0x89: {  	s3 =	sld [smem:$0x3FFE];
	_ =	sdelay $0x1  }
0x8a: {  	s1 =	srdreg.scid  }
0x8b: {  	s0 =	sand.u32 $0x1, s1  }
0x8c: {  	s16 =	sshll.u32 s0, $0xA;
	s2 =	sadd.s32 s3, s2  }
0x8d: {  	s2 =	sadd.s32 s2, s16  }
0x8e: {  	[smem:$0x3FC1] =	sst s2  }
0x8f: {  	_ = 	snop  }
0x90: {  	(tm) =	ssettm $0x1  }
0x91: {  	s17 =	sld [smem:$0x3FFB];
	_ =	sdelay $0x3  }
0x92: {  	_ =	strace s17  }
0x93: {  	s2 =	sld [smem:$0x3FFC];
	_ =	sdelay $0x3  }
0x94: {  	_ =	strace s2  }
0x95: {  	s2 =	sld [smem:$0x3FFD];
	_ =	sdelay $0x3  }
0x96: {  	_ =	strace s2  }
0x97: {  	_ =	strace $0x8FFFFFFF  }
0x98: {  	s18 =	sld [smem:$0x3FDB];
	_ =	sdelay $0x1  }
0x99: {  	s19 =	simm.s32 $_scs_section_size  }
0x9a: {  	s4 =	simm.s32 $_size__tile_overlayer_lowered;
	s5 =	simm.s32 $_tile_overlayer_lowered  }
0x9b: {  	s22 =	simm.s32 $0x1BFF;
	s21 =	sshll.u32 s5, $0x1;
	s2 =	sadd.s32 s19, s18  }
0x9c: {  	s6 =	simm.s32 $0x0;
	s20 =	sshll.u32 s4, $0x1;
	s4 =	sadd.s32 s21, s2  }
0x9d: {  	[timem:s6], [sflag:s22] =	dma.local [hbm:s4], s20  }
0x9e: {  	_ =	swait.ge [sflag:s22], s20  }
0x9f: {  	s3 =	ssub.s32 $0x0, s20;
	[sflag:s22] =	ssyncset.done $0x0  }
0xa0: {  	[sflag:s22] =	ssyncadd.s32 s3;
	_ =	sdelay $0x1  }
0xa1: {  	s23 =	simm.s32 $0x1B8B  }
0xa2: {  	_ =	swait.ge [sflag:s23], $0x1  }
0xa3: {  	[sflag:s23] =	ssyncset.done $0x0  }
0xa4: {  	s25 =	simm.s32 $0x1B8E;
	s24 =	sld [smem:$0x3FFE];
	[sflag:s23] =	ssyncadd.s32 $0xFFFFFFFF  }
0xa5: {  	s26 =	simm.s32 $execute0_lowered;
	[smem:$0x3FD2] =	sst s25  }
0xa6: {  	s4 =	sshll.u32 s26, $0x1;
	_ =	strace $0x80000052;
	[dreg:$0x1] =	wrdreg $0xFFFFFFFF  }
0xa7: {  	s28 =	simm.s32 $_size_execute0_lowered;
	s2 =	sadd.s32 s2, s4;
	[dreg:$0x0] =	wrdreg $0x0  }
0xa8: {  	s4 =	sshll.u32 s28, $0x1;
	[dreg:$0x2] =	wrdreg s2  }
0xa9: {  	[dreg:$0x3] =	wrdreg s4  }
0xaa: {  	[dreg:$0x4] =	wrdreg $0xC0  }
0xab: {  	_ =	task [dreg:s6], $0x5FFFF  }
0xac: {  	[dreg:$0x1] =	wrdreg $0xFFFFFFFF  }
0xad: {  	[dreg:$0x0] =	wrdreg $0x60  }
0xae: {  	[dreg:$0x2] =	wrdreg s24  }
0xaf: {  	[dreg:$0x3] =	wrdreg $0x75000  }
0xb0: {  	[dreg:$0x4] =	wrdreg $0x9  }
0xb1: {  	_ =	task.clear_ibuf [dreg:s6], $0x5FFFF;
	_ =	strace $0x90000052  }
0xb2: {  	s29 =	simm.s32 $0x9;
	_ =	strace $0x80000054  }
0xb3: {  	_ =	swait.ge [sflag:s29], $0x1  }
0xb4: {  	[sflag:s29] =	ssyncadd.s32 $0xFFFFFFFF  }
0xb5: {  	_ =	strace $0x90000054  }
0xb6: {  	_ =	sfence  }
0xb7: {  	s30 =	sld [smem:$0x0];
	_ =	sdelay $0x2  }
0xb8: {  	s31 =	sshll.u32 s1, $0xD;
	s1 =	sshrl.u32 s1, $0x2  }
0xb9: {  	s3 =	sand.u32 $0x4000, s31;
	s1 =	sadd.s32 s1, s30  }
0xba: {  	s0 =	sor.u32 s3, s0;
	s1 =	sshll.u32 s1, $0x11  }
0xbb: {  	s0 =	sor.u32 s1, s0  }
0xbc: {  	s0 =	sadd.s32 $0x8F2B, s0  }
0xbd: {  	[sflag:s0] =	ssyncadd.remote.s32 $0x1  }
0xbe: {  	_ =	sfence.sel $0xFFFF  }
0xbf: {  	[dreg:$0x0] =	wrdreg $0xFFFFFFFF;
	(pc) =	sbr.abs _section_cstart, $3  }
0xc0: {  	[dreg:$0x1] =	wrdreg $0xFFFFFFFF  }
0xc1: {  	_ =	task.clear_ibuf [dreg:s6], $0x2FFFF;
	_ =	strace $0x9FFFFFFF  }
0xc2: {  	(tm) =	ssettm $0x7FFFFFFF  }
0xc3: {  	_ =	shalt  }
tec
execute0_lowered:
.L_overlay_start_1:
0x0: {  	(tag) =	ssettag $0x1  }
0x1: {  	s7 =	rddreg [dreg:$0x0]  }
0x2: {  	s1 =	rddreg [dreg:$0x1]  }
0x3: {  	s0 =	rddreg [dreg:$0x2];
	s2 =	simm.s32 $0x0  }
0x4: {  	s3 =	stileid.u32;
	s8 =	srdreg.scid;
	s21 =	simm.s32 $0x2  }
0x5: {  	s22 =	simm.s32 $0x3;
	s23 =	simm.s32 $0x100;
	s24 =	simm.s32 $0x1  }
0x6: {  	s25 =	simm.s32 $0x0;
	[smem:$0x7FF] =	sst s2;
	s9 =	smul.u32 $0x4E000, s3  }
0x7: {  	s4 =	sadd.s32 $0x10A00, s7;
	s5 =	sadd.s32 $0x5EC00, s7;
	s17 =	smul.u32 $0x13800, s3  }
0x8: {  	s6 =	sadd.s32 $0x6A00, s7;
	s13 =	sand.u32 $0x1, s8;
	s20 =	smul.u32 $0x500, s3  }
0x9: {  	s15 =	sadd.s32 $0x8FE00, s7;
	p0 =	sne.s32 s3, $0x0;
	s14 =	smul.u32 $0x138800, s13  }
0xa: {  	_ =	strace $0x80000053;
	s8 =	ssub.s32 $0x2, s13;
	s18 =	smul.u32 $0x5000, s13  }
0xb: {  	s13 =	sadd.s32 $0x138000, s1;
	s30 =	sshrl.u32 s9, $0x2;
	s31 =	sshrl.u32 s8, $0x1  }
0xc: {  	s7 =	sadd.s32 s30, s1;
	s16 =	ssub.s32 s8, s31;
	s17 =	sadd.s32 s17, s14  }
0xd: {  	s19 =	sshrl.u32 s14, $0x3;
	s8 =	sadd.s32 $0x3400, s7;
	s9 =	sadd.s32 $0x6800, s7  }
0xe: {  	s10 =	sadd.s32 $0x9C00, s7;
	s11 =	sadd.s32 $0xD000, s7;
	s17 =	sshrl.u32 s17, $0x3  }
0xf: {  	s12 =	sadd.s32 $0x10400, s7;
	s16 =	smax.u32 s16, $0x1;
	s14 =	sadd.s32 s15, s17  }
0x10: {  	s15 =	sadd.s32 s15, s19;
	s17 =	sadd.s32 s20, s18;
	s18 =	simm.s32 $0x4100  }
0x11: {  	v0 =	vimm.f32 $0.0e+00;
	s19 =	simm.s32 $0x4;
	s20 =	simm.s32 $0x80;
	s15 =	sadd.s32 $0x27000, s15  }
.LBB2_1:
0x12: {  	s26 =	simm.s32 $0x70;
	s28 =	simm.s32 $0x3C0  }
.LBB2_2:
0x13: {  	p1 =	sne.s32 s28, $0xCFC0;
	[tilespmem:s26+$0x4100] =	vst v0  }
0x14: {  	[tilespmem:s26+$0x4090] =	vst v0  }
0x15: {  	[tilespmem:s26+$0x40A0] =	vst v0  }
.Ltmp0:
0x16: {  	[tilespmem:s26+$0x40B0] =	vst v0;
	(pc) =	sbr.rel @p1 .LBB2_2-.Ltmp0, $4  }
0x17: {  	[tilespmem:s26+$0x40C0] =	vst v0  }
0x18: {  	[tilespmem:s26+$0x40D0] =	vst v0  }
0x19: {  	[tilespmem:s26+$0x40E0] =	vst v0  }
0x1a: {  	[tilespmem:s26+$0x40F0] =	vst v0;
	s26 =	sshra.s32 s28, $0x2;
	s28 =	sadd.s32 $0x200, s28  }
0x1b: {  	[tilespmem:s26+$0x4100] =	vst v0  }
0x1c: {  	[tilespmem:s26+$0x4090] =	vst v0  }
0x1d: {  	[tilespmem:s26+$0x40A0] =	vst v0  }
0x1e: {  	[tilespmem:s26+$0x40B0] =	vst v0  }
0x1f: {  	[tilespmem:s26+$0x40C0] =	vst v0  }
0x20: {  	[tilespmem:s26+$0x40D0] =	vst v0  }
0x21: {  	[tilespmem:s26+$0x40E0] =	vst v0  }
0x22: {  	[tilespmem:s26+$0x40F0] =	vst v0  }
0x23: {  	[spmem:s7] =	stream.linear.scatter [tilespmem:s18], [sflag:$0x4], $0x3400, $0x38;
	[tilespmem:$0x1AE00] =	vst v63  }
0x24: {  	_ =	swait.ge [sflag:s19], $0x3400  }
0x25: {  	[sflag:s19] =	ssyncset.done $0x0  }
0x26: {  	[sflag:s19] =	ssyncadd.s32 $0xFFFFCC00  }
0x27: {  	[spmem:s8] =	stream.linear.scatter [tilespmem:s18], [sflag:$0x4], $0x3400, $0x38;
	[tilespmem:$0x1AE00] =	vst v63  }
0x28: {  	_ =	swait.ge [sflag:s19], $0x3400  }
0x29: {  	[sflag:s19] =	ssyncset.done $0x0  }
0x2a: {  	[sflag:s19] =	ssyncadd.s32 $0xFFFFCC00  }
0x2b: {  	[spmem:s9] =	stream.linear.scatter [tilespmem:s18], [sflag:$0x4], $0x3400, $0x38;
	[tilespmem:$0x1AE00] =	vst v63  }
0x2c: {  	_ =	swait.ge [sflag:s19], $0x3400  }
0x2d: {  	[sflag:s19] =	ssyncset.done $0x0  }
0x2e: {  	[sflag:s19] =	ssyncadd.s32 $0xFFFFCC00  }
0x2f: {  	[spmem:s10] =	stream.linear.scatter [tilespmem:s18], [sflag:$0x4], $0x3400, $0x38;
	[tilespmem:$0x1AE00] =	vst v63  }
0x30: {  	_ =	swait.ge [sflag:s19], $0x3400  }
0x31: {  	[sflag:s19] =	ssyncset.done $0x0  }
0x32: {  	[sflag:s19] =	ssyncadd.s32 $0xFFFFCC00  }
0x33: {  	[spmem:s11] =	stream.linear.scatter [tilespmem:s18], [sflag:$0x4], $0x3400, $0x38;
	[tilespmem:$0x1AE00] =	vst v63  }
0x34: {  	_ =	swait.ge [sflag:s19], $0x3400  }
0x35: {  	[sflag:s19] =	ssyncset.done $0x0  }
0x36: {  	[sflag:s19] =	ssyncadd.s32 $0xFFFFCC00  }
0x37: {  	[spmem:s12] =	stream.linear.scatter [tilespmem:s18], [sflag:$0x4], $0x3400, $0x38;
	[tilespmem:$0x1AE00] =	vst v63  }
0x38: {  	_ =	swait.ge [sflag:s19], $0x3400  }
0x39: {  	[sflag:s19] =	ssyncset.done $0x0  }
0x3a: {  	s26 =	simm.s32 @!p0 $0x4100;
	[sflag:s19] =	ssyncadd.s32 $0xFFFFCC00  }
0x3b: {  	[spmem:s13] =	stream.linear.scatter @!p0 [tilespmem:s26], [sflag:$0x4], $0x1000, $0x38;
	[tilespmem:$0x1AE00] =	vst v63  }
0x3c: {  	s26 =	simm.s32 @!p0 $0x4  }
0x3d: {  	s28 =	simm.s32 $0x0;
	s29 =	sadd.s32 $0x0, s17;
	_ =	swait.ge @!p0 [sflag:s26], $0x1000  }
0x3e: {  	s29 =	sand.u32 $0xFFFFF80, s29;
	s28 =	sand.u32 $0x70, s28;
	[sflag:s26] =	ssyncset.done @!p0 $0x0  }
0x3f: {  	s29 =	sor.u32 s28, s29;
	[sflag:s26] =	ssyncadd.s32 @!p0 $0xFFFFF000  }
0x40: {  	s28 =	sadd.s32 s5, s29;
	[bflag:$0x0] =	sbarrier.arrive $0xFFFF  }
0x41: {  	[tilespmem:s2], [sflag:$0x2] =	stream.linear.gather [hbm4b:s28+s2], $0x80, $0x38;
	[tilespmem:$0x1AE00] =	vst v63  }
0x42: {  	s26 =	sadd.s32 s6, s29  }
0x43: {  	[tilespmem:s20], [sflag:$0x3] =	stream.linear.gather [hbm4b:s26+s2], $0x80, $0x38;
	[tilespmem:$0x1AE00] =	vst v63  }
0x44: {  	_ =	swait.ge [sflag:s21], $0x80  }
0x45: {  	[sflag:s21] =	ssyncset.done $0x0  }
0x46: {  	[sflag:s21] =	ssyncadd.s32 $0xFFFFFF80  }
0x47: {  	_ =	swait.ge [sflag:s22], $0x80  }
0x48: {  	[sflag:s22] =	ssyncset.done $0x0  }
0x49: {  	[sflag:s22] =	ssyncadd.s32 $0xFFFFFF80  }
0x4a: {  	[tilespmem:s23], [sflag:$0x1] =	stream.indirect.gather [hbm4b:s4+s20], $0x80, s2, s20, $0xb8;
	[tilespmem:$0x1AE00] =	vst v63  }
0x4b: {  	_ =	swait.ge [sflag:s24], $0x4000  }
0x4c: {  	[sflag:s24] =	ssyncset.done $0x0  }
0x4d: {  	s30 =	simm.s32 $0x10;
	s28 =	sadd.s32 $0x10, s17;
	[sflag:s24] =	ssyncadd.s32 $0xFFFFC000  }
0x4e: {  	[spmem:s1] =	stream.indirect.scatter.add.f32 [tilespmem:s23], [sflag:$0x4], $0x80, s20, s20, $0xb8;
	[tilespmem:$0x1AE00] =	vst v63  }
0x4f: {  	s31 =	sand.u32 $0xFFFFF80, s28;
	s26 =	sand.u32 $0x70, s30;
	_ =	swait.ge [sflag:s19], $0x4000  }
0x50: {  	s28 =	simm.s32 $0x20;
	s26 =	sor.u32 s26, s31;
	[sflag:s19] =	ssyncset.done $0x0  }
.LBB2_4:
0x51: {  	s29 =	sadd.s32 s5, s26  }
0x52: {  	[sflag:s19] =	ssyncadd.s32 $0xFFFFC000;
	s30 =	smov.u32 s28;
	s31 =	sadd.s32 $0x10, s28  }
0x53: {  	[tilespmem:s2], [sflag:$0x2] =	stream.linear.gather [hbm4b:s29+s2], $0x80, $0x38;
	[tilespmem:$0x1AE00] =	vst v63  }
0x54: {  	p1 =	sne.s32 s28, $0x4F0;
	s26 =	sadd.s32 s6, s26  }
0x55: {  	[tilespmem:s20], [sflag:$0x3] =	stream.linear.gather [hbm4b:s26+s2], $0x80, $0x38;
	[tilespmem:$0x1AE00] =	vst v63  }
0x56: {  	_ =	swait.ge [sflag:s21], $0x80  }
0x57: {  	[sflag:s21] =	ssyncset.done $0x0  }
0x58: {  	[sflag:s21] =	ssyncadd.s32 $0xFFFFFF80  }
0x59: {  	_ =	swait.ge [sflag:s22], $0x80  }
0x5a: {  	[sflag:s22] =	ssyncset.done $0x0  }
0x5b: {  	[sflag:s22] =	ssyncadd.s32 $0xFFFFFF80  }
0x5c: {  	[tilespmem:s23], [sflag:$0x1] =	stream.indirect.gather [hbm4b:s4+s20], $0x80, s2, s20, $0xb8;
	[tilespmem:$0x1AE00] =	vst v63  }
0x5d: {  	_ =	swait.ge [sflag:s24], $0x4000  }
.Ltmp1:
0x5e: {  	[sflag:s24] =	ssyncset.done $0x0;
	(pc) =	sbr.rel @p1 .LBB2_4-.Ltmp1, $4  }
0x5f: {  	s26 =	sadd.s32 s30, s17;
	[sflag:s24] =	ssyncadd.s32 $0xFFFFC000  }
0x60: {  	[spmem:s1] =	stream.indirect.scatter.add.f32 [tilespmem:s23], [sflag:$0x4], $0x80, s20, s20, $0xb8;
	[tilespmem:$0x1AE00] =	vst v63  }
0x61: {  	s28 =	sand.u32 $0x70, s30;
	s26 =	sand.u32 $0xFFFFF80, s26;
	_ =	swait.ge [sflag:s19], $0x4000  }
0x62: {  	s26 =	sor.u32 s28, s26;
	s28 =	smov.u32 s31;
	[sflag:s19] =	ssyncset.done $0x0  }
0x63: {  	s28 =	sadd.s32 s5, s26;
	[sflag:s19] =	ssyncadd.s32 $0xFFFFC000  }
0x64: {  	[tilespmem:s2], [sflag:$0x2] =	stream.linear.gather [hbm4b:s28+s2], $0x80, $0x38;
	[tilespmem:$0x1AE00] =	vst v63  }
0x65: {  	s29 =	sadd.s32 s6, s26  }
0x66: {  	[tilespmem:s20], [sflag:$0x3] =	stream.linear.gather [hbm4b:s29+s2], $0x80, $0x38;
	[tilespmem:$0x1AE00] =	vst v63  }
0x67: {  	_ =	swait.ge [sflag:s21], $0x80  }
0x68: {  	[sflag:s21] =	ssyncset.done $0x0  }
0x69: {  	[sflag:s21] =	ssyncadd.s32 $0xFFFFFF80  }
0x6a: {  	_ =	swait.ge [sflag:s22], $0x80  }
0x6b: {  	[sflag:s22] =	ssyncset.done $0x0  }
0x6c: {  	[sflag:s22] =	ssyncadd.s32 $0xFFFFFF80  }
0x6d: {  	[tilespmem:s23], [sflag:$0x1] =	stream.indirect.gather [hbm4b:s4+s20], $0x80, s2, s20, $0xb8;
	[tilespmem:$0x1AE00] =	vst v63  }
0x6e: {  	_ =	swait.ge [sflag:s24], $0x4000  }
0x6f: {  	[sflag:s24] =	ssyncset.done $0x0  }
0x70: {  	[sflag:s24] =	ssyncadd.s32 $0xFFFFC000  }
0x71: {  	[spmem:s1] =	stream.indirect.scatter.add.f32 [tilespmem:s23], [sflag:$0x4], $0x80, s20, s20, $0xb8;
	[tilespmem:$0x1AE00] =	vst v63  }
0x72: {  	_ =	swait.ge [sflag:s19], $0x4000  }
0x73: {  	[sflag:s19] =	ssyncset.done $0x0  }
0x74: {  	s30 =	sshll.u32 s3, $0x6;
	[sflag:s19] =	ssyncadd.s32 $0xFFFFC000  }
0x75: {  	s31 =	sshrl.u32 s7, $0x3;
	s26 =	sor.u32 $0x1C04, s30;
	[bflag:$0x0] =	sbarrier.arrive $0xFFFF  }
0x76: {  	[hbm:s14], [sflag:s26] =	dma.local [spmem:s31], $0x2700  }
0x77: {  	_ =	swait.ge [sflag:s19], $0x2700  }
0x78: {  	s25 =	sadd.s32 $0x1, s25;
	[sflag:s19] =	ssyncset.done $0x0  }
0x79: {  	s28 =	sshrl.u32 @!p0 s13, $0x3;
	p1 =	sne.s32 s25, s16;
	[sflag:s19] =	ssyncadd.s32 $0xFFFFD900  }
0x7a: {  	[hbm:s15], [sflag:s26] =	dma.local @!p0 [spmem:s28], $0x100  }
.Ltmp2:
0x7b: {  	_ = 	snop;
	(pc) =	sbr.rel @p1 .LBB2_1-.Ltmp2, $4  }
0x7c: {  	s26 =	simm.s32 @!p0 $0x4  }
0x7d: {  	_ =	swait.ge @!p0 [sflag:s26], $0x100  }
0x7e: {  	[sflag:s26] =	ssyncset.done @!p0 $0x0  }
0x7f: {  	[sflag:s26] =	ssyncadd.s32 @!p0 $0xFFFFFF00  }
0x80: {  	_ =	sfence.sel $0x180000  }
0x81: {  	[bflag:$0x0] =	sbarrier.arrive $0xFFFF  }
0x82: {  	_ =	strace $0x90000053  }
0x83: {  	s0 =	sadd.s32 @!p0 $0x100000, s0;
	[bflag:$0x2] =	sbarrier.arrive $0xFFFF  }
0x84: {  	[sflag:s0] =	ssyncadd.tile.s32 @!p0 $0x1;
	_ =	shalt  }
.Lfunc_end2:
_tile_overlayer_lowered:
.L_overlay_start_2:
0x85: {  	(tag) =	ssettag $0x2  }
0x86: {  	s0 =	rddreg [dreg:$0x0];
	s2 =	stileid.u32  }
0x87: {  	s1 =	rddreg [dreg:$0x1];
	p0 =	sne.s32 s2, $0x0  }
0x88: {  	s3 =	rddreg [dreg:$0x2];
	[bflag:$0x3] =	sbarrier.arrive $0xFFFF;
	s2 =	simm.s32 @!p0 $0x1C04  }
0x89: {  	[timem:s3], [sflag:s2] =	dma.local @!p0 [hbm:s0], s1  }
0x8a: {  	s0 =	simm.s32 @!p0 $0x4  }
0x8b: {  	_ =	swait.ge @!p0 [sflag:s0], s1  }
0x8c: {  	s1 =	ssub.s32 @!p0 $0x0, s1;
	[sflag:s0] =	ssyncset.done @!p0 $0x0  }
0x8d: {  	[sflag:s0] =	ssyncadd.s32 @!p0 s1  }
0x8e: {  	[bflag:$0x3] =	sbarrier.arrive $0xFFFF  }
0x8f: {  	_ =	shalt  }

// kernel: kernel.29.cloned.1.call-start
scs
__scs_entry_jumppad:
0x0: {  	(pc) =	sbr.rel $0x88, $3  }
0x1: {  	(tag) =	ssettag $0x0;
	lr =	simm.s32 $0x1  }
0x2: {  	[smem:$0x3F9A] =	sst lr;
	_ =	strace $0xD0000000  }
0x3: {  	_ = 	snop  }
0x4: {  	_ = 	snop  }
0x5: {  	_ = 	snop  }
0x6: {  	_ = 	snop  }
0x7: {  	_ = 	snop  }
__scs_overlays_trampoline_lowered:
0x8: {  	[smem:$0x3FA9] =	sst s0  }
0x9: {  	[smem:$0x3FAA] =	sst s1  }
0xa: {  	[smem:$0x3FAB] =	sst s2  }
0xb: {  	[smem:$0x3FAC] =	sst s3  }
0xc: {  	[smem:$0x3FAD] =	sst s4  }
0xd: {  	[smem:$0x3FAE] =	sst s5  }
0xe: {  	[smem:$0x3FAF] =	sst s6  }
0xf: {  	[smem:$0x3FB0] =	sst s7  }
0x10: {  	[smem:$0x3FB1] =	sst s8  }
0x11: {  	[smem:$0x3FB2] =	sst s9;
	s0 =	simm.s32 @!p0 $0x0  }
0x12: {  	s1 =	sld [smem:$0x3F98];
	s0 =	simm.s32 @p0 $0x1  }
0x13: {  	[smem:$0x3FB3] =	sst s0;
	s0 =	simm.s32 @!p1 $0x0  }
0x14: {  	s2 =	sld [smem:$0x3F97];
	s0 =	simm.s32 @p1 $0x1  }
0x15: {  	[smem:$0x3FB4] =	sst s0;
	s0 =	simm.s32 @!p2 $0x0  }
0x16: {  	s3 =	sld [smem:$0x3FDB];
	s0 =	simm.s32 @p2 $0x1  }
0x17: {  	s4 =	simm.s32 $0x1BF5;
	[smem:$0x3FB6] =	sst s0  }
0x18: {  	s0 =	sld [smem:$0x3F99];
	_ =	swait.ge [sflag:s4], $0x0  }
0x19: {  	s7 =	sld [smem:$0x3F9A]  }
0x1a: {  	s8 =	sadd.s32 $0xFFFFE003, lr  }
0x1b: {  	s9 =	sadd.s32 $0xFFFFFEF7, lr;
	s5 =	simm.s32 $0xFFFFFFFF;
	p2 =	slt.u32 s8, $0xFFFFF086  }
0x1c: {  	p1 =	slt.u32 s9, $0xF7A;
	s5 =	simm.s32 @!p2 $0x0  }
0x1d: {  	s5 =	simm.s32 @p1 $0x1;
	p0 =	seq.s32 s7, s2  }
0x1e: {  	s7 =	smul.u32 @!p0 $0xF7A, s2;
	p2 =	seq.s32 @!p0 s5, $0x0  }
0x1f: {  	s9 =	smul.u32 $0xF7A, s1;
	s8 =	simm.s32 @!p0 $0x1BF5;
	p2 =	por !p2, p0  }
0x20: {  	[sflag:s8] =	ssyncset.s32 @!p0 $0xFFFFF086;
	s6 =	sadd.s32 @!p0 s3, s7;
	s7 =	simm.s32 @!p0 $0x108  }
0x21: {  	s3 =	sadd.s32 s3, s9;
	s6 =	sadd.s32 @!p0 $0x88, s6;
	s7 =	simm.s32 @p2 $0x1082  }
0x22: {  	[simem:s7], [sflag:s8] =	dma.local @!p0 [hbm:s6], $0xF7A  }
0x23: {  	s9 =	sor.u32 $0xD0000000, s2;
	s6 =	simm.s32 $0x108;
	_ =	swait.ge @!p0 [sflag:s8], $0x0  }
0x24: {  	s3 =	sadd.s32 $0x88, s3;
	s6 =	simm.s32 @!p1 $0x1082;
	[sflag:s4] =	ssyncset.s32 $0xFFFFF086  }
0x25: {  	[simem:s6], [sflag:s4] =	dma.local [hbm:s3], $0xF7A  }
0x26: {  	[smem:$0x3F9A] =	sst s1;
	(tag) =	ssettag s2;
	_ =	strace s9  }
0x27: {  	s1 =	sld [smem:$0x3FAA]  }
0x28: {  	s2 =	sld [smem:$0x3FAB]  }
0x29: {  	s4 =	sld [smem:$0x3FAD]  }
0x2a: {  	p0 =	seq.s32 s5, $0x0;
	s5 =	sld [smem:$0x3FAE]  }
0x2b: {  	s6 =	sld [smem:$0x3FAF]  }
0x2c: {  	s7 =	sld [smem:$0x3FB0]  }
0x2d: {  	s3 =	simm.s32 $0x108;
	s8 =	sld [smem:$0x3FB1]  }
0x2e: {  	s3 =	simm.s32 @!p0 $0x1082;
	s9 =	sld [smem:$0x3FB2]  }
0x2f: {  	lr =	sadd.s32 s0, s3;
	s0 =	sld [smem:$0x3FA9]  }
0x30: {  	s3 =	sld [smem:$0x3FAC]  }
0x31: {  	[smem:$0x3FB5] =	sst s10  }
0x32: {  	s10 =	sld [smem:$0x3FB3];
	_ =	sdelay $0x3  }
0x33: {  	p0 =	seq.s32 s10, $0x1;
	s10 =	sld [smem:$0x3FB5];
	_ =	sdelay $0x3  }
0x34: {  	[smem:$0x3FB5] =	sst s10  }
0x35: {  	s10 =	sld [smem:$0x3FB4];
	_ =	sdelay $0x3  }
0x36: {  	p1 =	seq.s32 s10, $0x1;
	s10 =	sld [smem:$0x3FB5];
	_ =	sdelay $0x3  }
0x37: {  	[smem:$0x3FB5] =	sst s10  }
0x38: {  	s10 =	sld [smem:$0x3FB6]  }
0x39: {  	_ = 	snop;
	(pc) =	sbr.ind lr, $3  }
0x3a: {  	_ = 	snop  }
0x3b: {  	_ = 	snop  }
0x3c: {  	p2 =	seq.s32 s10, $0x1;
	s10 =	sld [smem:$0x3FB5]  }
0x3d: {  	_ =	shalt  }
0x3e: {  	_ =	shalt  }
0x3f: {  	_ =	shalt  }
0x40: {  	_ =	shalt  }
0x41: {  	_ =	shalt  }
0x42: {  	_ =	shalt  }
0x43: {  	_ =	shalt  }
0x44: {  	_ =	shalt  }
0x45: {  	_ =	shalt  }
0x46: {  	_ =	shalt  }
0x47: {  	_ =	shalt  }
0x48: {  	_ =	shalt  }
0x49: {  	_ =	shalt  }
0x4a: {  	_ =	shalt  }
0x4b: {  	_ =	shalt  }
0x4c: {  	_ =	shalt  }
0x4d: {  	_ =	shalt  }
0x4e: {  	_ =	shalt  }
0x4f: {  	_ =	shalt  }
0x50: {  	_ =	shalt  }
0x51: {  	_ =	shalt  }
0x52: {  	_ =	shalt  }
0x53: {  	_ =	shalt  }
0x54: {  	_ =	shalt  }
0x55: {  	_ =	shalt  }
0x56: {  	_ =	shalt  }
0x57: {  	_ =	shalt  }
0x58: {  	_ =	shalt  }
0x59: {  	_ =	shalt  }
0x5a: {  	_ =	shalt  }
0x5b: {  	_ =	shalt  }
0x5c: {  	_ =	shalt  }
0x5d: {  	_ =	shalt  }
0x5e: {  	_ =	shalt  }
0x5f: {  	_ =	shalt  }
0x60: {  	_ =	shalt  }
0x61: {  	_ =	shalt  }
0x62: {  	_ =	shalt  }
0x63: {  	_ =	shalt  }
0x64: {  	_ =	shalt  }
0x65: {  	_ =	shalt  }
0x66: {  	_ =	shalt  }
0x67: {  	_ =	shalt  }
0x68: {  	_ =	shalt  }
0x69: {  	_ =	shalt  }
0x6a: {  	_ =	shalt  }
0x6b: {  	_ =	shalt  }
0x6c: {  	_ =	shalt  }
0x6d: {  	_ =	shalt  }
0x6e: {  	_ =	shalt  }
0x6f: {  	_ =	shalt  }
0x70: {  	_ =	shalt  }
0x71: {  	_ =	shalt  }
0x72: {  	_ =	shalt  }
0x73: {  	_ =	shalt  }
0x74: {  	_ =	shalt  }
0x75: {  	_ =	shalt  }
0x76: {  	_ =	shalt  }
0x77: {  	_ =	shalt  }
0x78: {  	_ =	shalt  }
0x79: {  	_ =	shalt  }
0x7a: {  	_ =	shalt  }
0x7b: {  	_ =	shalt  }
0x7c: {  	_ =	shalt  }
0x7d: {  	_ =	shalt  }
0x7e: {  	_ =	shalt  }
0x7f: {  	_ =	shalt  }
0x80: {  	_ =	shalt  }
0x81: {  	_ =	shalt  }
0x82: {  	_ =	shalt  }
0x83: {  	_ =	shalt  }
0x84: {  	_ =	shalt  }
0x85: {  	_ =	shalt  }
0x86: {  	_ =	shalt  }
0x87: {  	_ =	shalt  }
.Lfunc_end0:
.L_simem_size_0:
called_computation.5_lowered:
.L_overlay_start_0:
0x88: {  	s2 =	sld [smem:$0x3FD9]  }
0x89: {  	s3 =	sld [smem:$0x3FFE];
	_ =	sdelay $0x1  }
0x8a: {  	s1 =	srdreg.scid  }
0x8b: {  	s0 =	sand.u32 $0x1, s1  }
0x8c: {  	s16 =	sshll.u32 s0, $0xA;
	s2 =	sadd.s32 s3, s2  }
0x8d: {  	s2 =	sadd.s32 s2, s16  }
0x8e: {  	[smem:$0x3FC1] =	sst s2  }
0x8f: {  	_ = 	snop  }
0x90: {  	(tm) =	ssettm $0x1  }
0x91: {  	s17 =	sld [smem:$0x3FFB];
	_ =	sdelay $0x3  }
0x92: {  	_ =	strace s17  }
0x93: {  	s2 =	sld [smem:$0x3FFC];
	_ =	sdelay $0x3  }
0x94: {  	_ =	strace s2  }
0x95: {  	s2 =	sld [smem:$0x3FFD];
	_ =	sdelay $0x3  }
0x96: {  	_ =	strace s2  }
0x97: {  	_ =	strace $0x8FFFFFFF  }
0x98: {  	s18 =	sld [smem:$0x3FDB];
	_ =	sdelay $0x1  }
0x99: {  	s19 =	simm.s32 $_scs_section_size  }
0x9a: {  	s4 =	simm.s32 $_size__tile_overlayer_lowered;
	s5 =	simm.s32 $_tile_overlayer_lowered  }
0x9b: {  	s22 =	simm.s32 $0x1BFF;
	s21 =	sshll.u32 s5, $0x1;
	s2 =	sadd.s32 s19, s18  }
0x9c: {  	s6 =	simm.s32 $0x0;
	s20 =	sshll.u32 s4, $0x1;
	s4 =	sadd.s32 s21, s2  }
0x9d: {  	[timem:s6], [sflag:s22] =	dma.local [hbm:s4], s20  }
0x9e: {  	_ =	swait.ge [sflag:s22], s20  }
0x9f: {  	s3 =	ssub.s32 $0x0, s20;
	[sflag:s22] =	ssyncset.done $0x0  }
0xa0: {  	[sflag:s22] =	ssyncadd.s32 s3;
	_ =	sdelay $0x1  }
0xa1: {  	s23 =	simm.s32 $0x1B8B  }
0xa2: {  	_ =	swait.ge [sflag:s23], $0x1  }
0xa3: {  	[sflag:s23] =	ssyncset.done $0x0  }
0xa4: {  	s25 =	simm.s32 $0x1B8E;
	s24 =	sld [smem:$0x3FFE];
	[sflag:s23] =	ssyncadd.s32 $0xFFFFFFFF  }
0xa5: {  	s26 =	simm.s32 $execute0_lowered;
	[smem:$0x3FD2] =	sst s25  }
0xa6: {  	s4 =	sshll.u32 s26, $0x1;
	_ =	strace $0x80000055;
	[dreg:$0x1] =	wrdreg $0xFFFFFFFF  }
0xa7: {  	s28 =	simm.s32 $_size_execute0_lowered;
	s2 =	sadd.s32 s2, s4;
	[dreg:$0x0] =	wrdreg $0x0  }
0xa8: {  	s4 =	sshll.u32 s28, $0x1;
	[dreg:$0x2] =	wrdreg s2  }
0xa9: {  	[dreg:$0x3] =	wrdreg s4  }
0xaa: {  	[dreg:$0x4] =	wrdreg $0xC0  }
0xab: {  	_ =	task [dreg:s6], $0x5FFFF  }
0xac: {  	[dreg:$0x1] =	wrdreg $0xFFFFFFFF  }
0xad: {  	[dreg:$0x0] =	wrdreg $0x60  }
0xae: {  	[dreg:$0x2] =	wrdreg s24  }
0xaf: {  	[dreg:$0x3] =	wrdreg $0x75000  }
0xb0: {  	[dreg:$0x4] =	wrdreg $0x9  }
0xb1: {  	_ =	task.clear_ibuf [dreg:s6], $0x5FFFF;
	_ =	strace $0x90000055  }
0xb2: {  	s29 =	simm.s32 $0x9;
	_ =	strace $0x80000057  }
0xb3: {  	_ =	swait.ge [sflag:s29], $0x1  }
0xb4: {  	[sflag:s29] =	ssyncadd.s32 $0xFFFFFFFF  }
0xb5: {  	_ =	strace $0x90000057  }
0xb6: {  	_ =	sfence  }
0xb7: {  	s30 =	sld [smem:$0x0];
	_ =	sdelay $0x2  }
0xb8: {  	s31 =	sshll.u32 s1, $0xD;
	s1 =	sshrl.u32 s1, $0x2  }
0xb9: {  	s3 =	sand.u32 $0x4000, s31;
	s1 =	sadd.s32 s1, s30  }
0xba: {  	s0 =	sor.u32 s3, s0;
	s1 =	sshll.u32 s1, $0x11  }
0xbb: {  	s0 =	sor.u32 s1, s0  }
0xbc: {  	s0 =	sadd.s32 $0x8F2B, s0  }
0xbd: {  	[sflag:s0] =	ssyncadd.remote.s32 $0x1  }
0xbe: {  	_ =	sfence.sel $0xFFFF  }
0xbf: {  	[dreg:$0x0] =	wrdreg $0xFFFFFFFF;
	(pc) =	sbr.abs _section_cstart, $3  }
0xc0: {  	[dreg:$0x1] =	wrdreg $0xFFFFFFFF  }
0xc1: {  	_ =	task.clear_ibuf [dreg:s6], $0x2FFFF;
	_ =	strace $0x9FFFFFFF  }
0xc2: {  	(tm) =	ssettm $0x7FFFFFFF  }
0xc3: {  	_ =	shalt  }
tec
execute0_lowered:
.L_overlay_start_1:
0x0: {  	(tag) =	ssettag $0x1  }
0x1: {  	s7 =	rddreg [dreg:$0x0]  }
0x2: {  	s1 =	rddreg [dreg:$0x1]  }
0x3: {  	s0 =	rddreg [dreg:$0x2];
	s2 =	simm.s32 $0x0  }
0x4: {  	s3 =	stileid.u32;
	s8 =	srdreg.scid;
	s21 =	simm.s32 $0x2  }
0x5: {  	s22 =	simm.s32 $0x3;
	s23 =	simm.s32 $0x100;
	s24 =	simm.s32 $0x1  }
0x6: {  	s25 =	simm.s32 $0x0;
	[smem:$0x7FF] =	sst s2;
	s9 =	smul.u32 $0x4E000, s3  }
0x7: {  	s4 =	sadd.s32 $0x10A00, s7;
	s5 =	sadd.s32 $0x5EC00, s7;
	s17 =	smul.u32 $0x13800, s3  }
0x8: {  	s6 =	sadd.s32 $0x6A00, s7;
	s13 =	sand.u32 $0x1, s8;
	s20 =	smul.u32 $0x500, s3  }
0x9: {  	s15 =	sadd.s32 $0x8FE00, s7;
	p0 =	sne.s32 s3, $0x0;
	s14 =	smul.u32 $0x138800, s13  }
0xa: {  	_ =	strace $0x80000056;
	s8 =	ssub.s32 $0x2, s13;
	s18 =	smul.u32 $0x5000, s13  }
0xb: {  	s13 =	sadd.s32 $0x138000, s1;
	s30 =	sshrl.u32 s9, $0x2;
	s31 =	sshrl.u32 s8, $0x1  }
0xc: {  	s7 =	sadd.s32 s30, s1;
	s16 =	ssub.s32 s8, s31;
	s17 =	sadd.s32 s17, s14  }
0xd: {  	s19 =	sshrl.u32 s14, $0x3;
	s8 =	sadd.s32 $0x3400, s7;
	s9 =	sadd.s32 $0x6800, s7  }
0xe: {  	s10 =	sadd.s32 $0x9C00, s7;
	s11 =	sadd.s32 $0xD000, s7;
	s17 =	sshrl.u32 s17, $0x3  }
0xf: {  	s12 =	sadd.s32 $0x10400, s7;
	s16 =	smax.u32 s16, $0x1;
	s14 =	sadd.s32 s15, s17  }
0x10: {  	s15 =	sadd.s32 s15, s19;
	s17 =	sadd.s32 s20, s18;
	s18 =	simm.s32 $0x4100  }
0x11: {  	v0 =	vimm.f32 $0.0e+00;
	s19 =	simm.s32 $0x4;
	s20 =	simm.s32 $0x80;
	s15 =	sadd.s32 $0x27000, s15  }
.LBB2_1:
0x12: {  	s26 =	simm.s32 $0x70;
	s28 =	simm.s32 $0x3C0  }
.LBB2_2:
0x13: {  	p1 =	sne.s32 s28, $0xCFC0;
	[tilespmem:s26+$0x4100] =	vst v0  }
0x14: {  	[tilespmem:s26+$0x4090] =	vst v0  }
0x15: {  	[tilespmem:s26+$0x40A0] =	vst v0  }
.Ltmp0:
0x16: {  	[tilespmem:s26+$0x40B0] =	vst v0;
	(pc) =	sbr.rel @p1 .LBB2_2-.Ltmp0, $4  }
0x17: {  	[tilespmem:s26+$0x40C0] =	vst v0  }
0x18: {  	[tilespmem:s26+$0x40D0] =	vst v0  }
0x19: {  	[tilespmem:s26+$0x40E0] =	vst v0  }
0x1a: {  	[tilespmem:s26+$0x40F0] =	vst v0;
	s26 =	sshra.s32 s28, $0x2;
	s28 =	sadd.s32 $0x200, s28  }
0x1b: {  	[tilespmem:s26+$0x4100] =	vst v0  }
0x1c: {  	[tilespmem:s26+$0x4090] =	vst v0  }
0x1d: {  	[tilespmem:s26+$0x40A0] =	vst v0  }
0x1e: {  	[tilespmem:s26+$0x40B0] =	vst v0  }
0x1f: {  	[tilespmem:s26+$0x40C0] =	vst v0  }
0x20: {  	[tilespmem:s26+$0x40D0] =	vst v0  }
0x21: {  	[tilespmem:s26+$0x40E0] =	vst v0  }
0x22: {  	[tilespmem:s26+$0x40F0] =	vst v0  }
0x23: {  	[spmem:s7] =	stream.linear.scatter [tilespmem:s18], [sflag:$0x4], $0x3400, $0x38;
	[tilespmem:$0x1AE00] =	vst v63  }
0x24: {  	_ =	swait.ge [sflag:s19], $0x3400  }
0x25: {  	[sflag:s19] =	ssyncset.done $0x0  }
0x26: {  	[sflag:s19] =	ssyncadd.s32 $0xFFFFCC00  }
0x27: {  	[spmem:s8] =	stream.linear.scatter [tilespmem:s18], [sflag:$0x4], $0x3400, $0x38;
	[tilespmem:$0x1AE00] =	vst v63  }
0x28: {  	_ =	swait.ge [sflag:s19], $0x3400  }
0x29: {  	[sflag:s19] =	ssyncset.done $0x0  }
0x2a: {  	[sflag:s19] =	ssyncadd.s32 $0xFFFFCC00  }
0x2b: {  	[spmem:s9] =	stream.linear.scatter [tilespmem:s18], [sflag:$0x4], $0x3400, $0x38;
	[tilespmem:$0x1AE00] =	vst v63  }
0x2c: {  	_ =	swait.ge [sflag:s19], $0x3400  }
0x2d: {  	[sflag:s19] =	ssyncset.done $0x0  }
0x2e: {  	[sflag:s19] =	ssyncadd.s32 $0xFFFFCC00  }
0x2f: {  	[spmem:s10] =	stream.linear.scatter [tilespmem:s18], [sflag:$0x4], $0x3400, $0x38;
	[tilespmem:$0x1AE00] =	vst v63  }
0x30: {  	_ =	swait.ge [sflag:s19], $0x3400  }
0x31: {  	[sflag:s19] =	ssyncset.done $0x0  }
0x32: {  	[sflag:s19] =	ssyncadd.s32 $0xFFFFCC00  }
0x33: {  	[spmem:s11] =	stream.linear.scatter [tilespmem:s18], [sflag:$0x4], $0x3400, $0x38;
	[tilespmem:$0x1AE00] =	vst v63  }
0x34: {  	_ =	swait.ge [sflag:s19], $0x3400  }
0x35: {  	[sflag:s19] =	ssyncset.done $0x0  }
0x36: {  	[sflag:s19] =	ssyncadd.s32 $0xFFFFCC00  }
0x37: {  	[spmem:s12] =	stream.linear.scatter [tilespmem:s18], [sflag:$0x4], $0x3400, $0x38;
	[tilespmem:$0x1AE00] =	vst v63  }
0x38: {  	_ =	swait.ge [sflag:s19], $0x3400  }
0x39: {  	[sflag:s19] =	ssyncset.done $0x0  }
0x3a: {  	s26 =	simm.s32 @!p0 $0x4100;
	[sflag:s19] =	ssyncadd.s32 $0xFFFFCC00  }
0x3b: {  	[spmem:s13] =	stream.linear.scatter @!p0 [tilespmem:s26], [sflag:$0x4], $0x1000, $0x38;
	[tilespmem:$0x1AE00] =	vst v63  }
0x3c: {  	s26 =	simm.s32 @!p0 $0x4  }
0x3d: {  	s28 =	simm.s32 $0x0;
	s29 =	sadd.s32 $0x0, s17;
	_ =	swait.ge @!p0 [sflag:s26], $0x1000  }
0x3e: {  	s29 =	sand.u32 $0xFFFFF80, s29;
	s28 =	sand.u32 $0x70, s28;
	[sflag:s26] =	ssyncset.done @!p0 $0x0  }
0x3f: {  	s29 =	sor.u32 s28, s29;
	[sflag:s26] =	ssyncadd.s32 @!p0 $0xFFFFF000  }
0x40: {  	s28 =	sadd.s32 s5, s29;
	[bflag:$0x0] =	sbarrier.arrive $0xFFFF  }
0x41: {  	[tilespmem:s2], [sflag:$0x2] =	stream.linear.gather [hbm4b:s28+s2], $0x80, $0x38;
	[tilespmem:$0x1AE00] =	vst v63  }
0x42: {  	s26 =	sadd.s32 s6, s29  }
0x43: {  	[tilespmem:s20], [sflag:$0x3] =	stream.linear.gather [hbm4b:s26+s2], $0x80, $0x38;
	[tilespmem:$0x1AE00] =	vst v63  }
0x44: {  	_ =	swait.ge [sflag:s21], $0x80  }
0x45: {  	[sflag:s21] =	ssyncset.done $0x0  }
0x46: {  	[sflag:s21] =	ssyncadd.s32 $0xFFFFFF80  }
0x47: {  	_ =	swait.ge [sflag:s22], $0x80  }
0x48: {  	[sflag:s22] =	ssyncset.done $0x0  }
0x49: {  	[sflag:s22] =	ssyncadd.s32 $0xFFFFFF80  }
0x4a: {  	[tilespmem:s23], [sflag:$0x1] =	stream.indirect.gather [hbm4b:s4+s20], $0x80, s2, s20, $0xb8;
	[tilespmem:$0x1AE00] =	vst v63  }
0x4b: {  	_ =	swait.ge [sflag:s24], $0x4000  }
0x4c: {  	[sflag:s24] =	ssyncset.done $0x0  }
0x4d: {  	s30 =	simm.s32 $0x10;
	s28 =	sadd.s32 $0x10, s17;
	[sflag:s24] =	ssyncadd.s32 $0xFFFFC000  }
0x4e: {  	[spmem:s1] =	stream.indirect.scatter.add.f32 [tilespmem:s23], [sflag:$0x4], $0x80, s20, s20, $0xb8;
	[tilespmem:$0x1AE00] =	vst v63  }
0x4f: {  	s31 =	sand.u32 $0xFFFFF80, s28;
	s26 =	sand.u32 $0x70, s30;
	_ =	swait.ge [sflag:s19], $0x4000  }
0x50: {  	s28 =	simm.s32 $0x20;
	s26 =	sor.u32 s26, s31;
	[sflag:s19] =	ssyncset.done $0x0  }
.LBB2_4:
0x51: {  	s29 =	sadd.s32 s5, s26  }
0x52: {  	[sflag:s19] =	ssyncadd.s32 $0xFFFFC000;
	s30 =	smov.u32 s28;
	s31 =	sadd.s32 $0x10, s28  }
0x53: {  	[tilespmem:s2], [sflag:$0x2] =	stream.linear.gather [hbm4b:s29+s2], $0x80, $0x38;
	[tilespmem:$0x1AE00] =	vst v63  }
0x54: {  	p1 =	sne.s32 s28, $0x4F0;
	s26 =	sadd.s32 s6, s26  }
0x55: {  	[tilespmem:s20], [sflag:$0x3] =	stream.linear.gather [hbm4b:s26+s2], $0x80, $0x38;
	[tilespmem:$0x1AE00] =	vst v63  }
0x56: {  	_ =	swait.ge [sflag:s21], $0x80  }
0x57: {  	[sflag:s21] =	ssyncset.done $0x0  }
0x58: {  	[sflag:s21] =	ssyncadd.s32 $0xFFFFFF80  }
0x59: {  	_ =	swait.ge [sflag:s22], $0x80  }
0x5a: {  	[sflag:s22] =	ssyncset.done $0x0  }
0x5b: {  	[sflag:s22] =	ssyncadd.s32 $0xFFFFFF80  }
0x5c: {  	[tilespmem:s23], [sflag:$0x1] =	stream.indirect.gather [hbm4b:s4+s20], $0x80, s2, s20, $0xb8;
	[tilespmem:$0x1AE00] =	vst v63  }
0x5d: {  	_ =	swait.ge [sflag:s24], $0x4000  }
.Ltmp1:
0x5e: {  	[sflag:s24] =	ssyncset.done $0x0;
	(pc) =	sbr.rel @p1 .LBB2_4-.Ltmp1, $4  }
0x5f: {  	s26 =	sadd.s32 s30, s17;
	[sflag:s24] =	ssyncadd.s32 $0xFFFFC000  }
0x60: {  	[spmem:s1] =	stream.indirect.scatter.add.f32 [tilespmem:s23], [sflag:$0x4], $0x80, s20, s20, $0xb8;
	[tilespmem:$0x1AE00] =	vst v63  }
0x61: {  	s28 =	sand.u32 $0x70, s30;
	s26 =	sand.u32 $0xFFFFF80, s26;
	_ =	swait.ge [sflag:s19], $0x4000  }
0x62: {  	s26 =	sor.u32 s28, s26;
	s28 =	smov.u32 s31;
	[sflag:s19] =	ssyncset.done $0x0  }
0x63: {  	s28 =	sadd.s32 s5, s26;
	[sflag:s19] =	ssyncadd.s32 $0xFFFFC000  }
0x64: {  	[tilespmem:s2], [sflag:$0x2] =	stream.linear.gather [hbm4b:s28+s2], $0x80, $0x38;
	[tilespmem:$0x1AE00] =	vst v63  }
0x65: {  	s29 =	sadd.s32 s6, s26  }
0x66: {  	[tilespmem:s20], [sflag:$0x3] =	stream.linear.gather [hbm4b:s29+s2], $0x80, $0x38;
	[tilespmem:$0x1AE00] =	vst v63  }
0x67: {  	_ =	swait.ge [sflag:s21], $0x80  }
0x68: {  	[sflag:s21] =	ssyncset.done $0x0  }
0x69: {  	[sflag:s21] =	ssyncadd.s32 $0xFFFFFF80  }
0x6a: {  	_ =	swait.ge [sflag:s22], $0x80  }
0x6b: {  	[sflag:s22] =	ssyncset.done $0x0  }
0x6c: {  	[sflag:s22] =	ssyncadd.s32 $0xFFFFFF80  }
0x6d: {  	[tilespmem:s23], [sflag:$0x1] =	stream.indirect.gather [hbm4b:s4+s20], $0x80, s2, s20, $0xb8;
	[tilespmem:$0x1AE00] =	vst v63  }
0x6e: {  	_ =	swait.ge [sflag:s24], $0x4000  }
0x6f: {  	[sflag:s24] =	ssyncset.done $0x0  }
0x70: {  	[sflag:s24] =	ssyncadd.s32 $0xFFFFC000  }
0x71: {  	[spmem:s1] =	stream.indirect.scatter.add.f32 [tilespmem:s23], [sflag:$0x4], $0x80, s20, s20, $0xb8;
	[tilespmem:$0x1AE00] =	vst v63  }
0x72: {  	_ =	swait.ge [sflag:s19], $0x4000  }
0x73: {  	[sflag:s19] =	ssyncset.done $0x0  }
0x74: {  	s30 =	sshll.u32 s3, $0x6;
	[sflag:s19] =	ssyncadd.s32 $0xFFFFC000  }
0x75: {  	s31 =	sshrl.u32 s7, $0x3;
	s26 =	sor.u32 $0x1C04, s30;
	[bflag:$0x0] =	sbarrier.arrive $0xFFFF  }
0x76: {  	[hbm:s14], [sflag:s26] =	dma.local [spmem:s31], $0x2700  }
0x77: {  	_ =	swait.ge [sflag:s19], $0x2700  }
0x78: {  	s25 =	sadd.s32 $0x1, s25;
	[sflag:s19] =	ssyncset.done $0x0  }
0x79: {  	s28 =	sshrl.u32 @!p0 s13, $0x3;
	p1 =	sne.s32 s25, s16;
	[sflag:s19] =	ssyncadd.s32 $0xFFFFD900  }
0x7a: {  	[hbm:s15], [sflag:s26] =	dma.local @!p0 [spmem:s28], $0x100  }
.Ltmp2:
0x7b: {  	_ = 	snop;
	(pc) =	sbr.rel @p1 .LBB2_1-.Ltmp2, $4  }
0x7c: {  	s26 =	simm.s32 @!p0 $0x4  }
0x7d: {  	_ =	swait.ge @!p0 [sflag:s26], $0x100  }
0x7e: {  	[sflag:s26] =	ssyncset.done @!p0 $0x0  }
0x7f: {  	[sflag:s26] =	ssyncadd.s32 @!p0 $0xFFFFFF00  }
0x80: {  	_ =	sfence.sel $0x180000  }
0x81: {  	[bflag:$0x0] =	sbarrier.arrive $0xFFFF  }
0x82: {  	_ =	strace $0x90000056  }
0x83: {  	s0 =	sadd.s32 @!p0 $0x100000, s0;
	[bflag:$0x2] =	sbarrier.arrive $0xFFFF  }
0x84: {  	[sflag:s0] =	ssyncadd.tile.s32 @!p0 $0x1;
	_ =	shalt  }
.Lfunc_end2:
_tile_overlayer_lowered:
.L_overlay_start_2:
0x85: {  	(tag) =	ssettag $0x2  }
0x86: {  	s0 =	rddreg [dreg:$0x0];
	s2 =	stileid.u32  }
0x87: {  	s1 =	rddreg [dreg:$0x1];
	p0 =	sne.s32 s2, $0x0  }
0x88: {  	s3 =	rddreg [dreg:$0x2];
	[bflag:$0x3] =	sbarrier.arrive $0xFFFF;
	s2 =	simm.s32 @!p0 $0x1C04  }
0x89: {  	[timem:s3], [sflag:s2] =	dma.local @!p0 [hbm:s0], s1  }
0x8a: {  	s0 =	simm.s32 @!p0 $0x4  }
0x8b: {  	_ =	swait.ge @!p0 [sflag:s0], s1  }
0x8c: {  	s1 =	ssub.s32 @!p0 $0x0, s1;
	[sflag:s0] =	ssyncset.done @!p0 $0x0  }
0x8d: {  	[sflag:s0] =	ssyncadd.s32 @!p0 s1  }
0x8e: {  	[bflag:$0x3] =	sbarrier.arrive $0xFFFF  }
0x8f: {  	_ =	shalt  }

</sc_bundles>
